<compile_context>
chip_gen: v7x
topology: tpu7x:2x2x1
jax: 0.10.2.dev20260603
libtpu: 0.0.44.dev20260713+nightly
codegen_flags: <defaults>
</compile_context>

<pallas_src>
import jax
import jax.numpy as jnp
from jax import lax
from jax.experimental import pallas as pl
from jax.experimental.pallas import tpu as pltpu
from jax.experimental.pallas import tpu_sc as plsc

D = 128
N = 2 * 512 * 512
NC, NS = 2, 16
NW = NC * NS
N_SC = 18 * 16384
N_TC = N - N_SC
ROWS_PER_W = N_SC // NW
CHUNK = 256
PAIRS = ROWS_PER_W // (2 * CHUNK)
GROUP = 16
B_TC = 8192


def _compute_chunk(buf, outv, ms, is_, out_base):
    lane = jnp.arange(16, dtype=jnp.int32)

    @plsc.parallel_loop(0, CHUNK // GROUP, unroll=2, carry=jnp.int32(0))
    def group_body(g, c):
        gv = jnp.zeros((16,), jnp.int32) + g
        base = g * GROUP
        for rr in range(GROUP):
            r = base + rr
            m = buf[r, pl.ds(0, 16)]
            idx = lane
            for k in range(1, D // 16):
                v = buf[r, pl.ds(k * 16, 16)]
                gt = v > m
                m = jnp.where(gt, v, m)
                idx = jnp.where(gt, lane + (16 * k), idx)
            addr = rr * 16 + ((lane + rr) & 15)
            plsc.store_scatter(ms, [gv, addr], m)
            plsc.store_scatter(is_, [gv, addr], idx)
        mv = None
        for j in range(GROUP):
            addr = lane * 16 + ((lane + j) & 15)
            tm = plsc.load_gather(ms, [gv, addr])
            ti = plsc.load_gather(is_, [gv, addr])
            if mv is None:
                mv, iv = tm, ti
            else:
                gt = tm > mv
                eq = tm == mv
                lt = ti < iv
                take = gt | (eq & lt)
                mv = jnp.where(take, tm, mv)
                iv = jnp.where(take, ti, iv)
        outv[pl.ds(out_base + base, GROUP)] = iv
        return c


def _sc_argmax_body(x_hbm, out_hbm, buf_a, buf_b, outv, ms, is_, sem_a, sem_b):
    wid = lax.axis_index("s") * NC + lax.axis_index("c")
    row0 = wid * ROWS_PER_W

    def start(base, buf, sem):
        pltpu.make_async_copy(x_hbm.at[pl.ds(base, CHUNK)], buf, sem).start()

    def wait(base, buf, sem):
        pltpu.make_async_copy(x_hbm.at[pl.ds(base, CHUNK)], buf, sem).wait()

    start(row0, buf_a, sem_a)

    def ring_body(g, carry):
        base_a = row0 + (2 * g) * CHUNK
        base_b = base_a + CHUNK
        start(base_b, buf_b, sem_b)
        wait(base_a, buf_a, sem_a)
        _compute_chunk(buf_a, outv, ms, is_, (2 * g) * CHUNK)

        @pl.when(g < PAIRS - 1)
        def _():
            start(base_b + CHUNK, buf_a, sem_a)

        wait(base_b, buf_b, sem_b)
        _compute_chunk(buf_b, outv, ms, is_, (2 * g + 1) * CHUNK)
        return carry

    lax.fori_loop(0, PAIRS, ring_body, 0, unroll=False)
    pltpu.sync_copy(outv, out_hbm.at[pl.ds(row0, ROWS_PER_W)])


def _tc_body(x_ref, o_ref):
    x = x_ref[...]
    o_ref[...] = jnp.argmax(x, axis=1).astype(jnp.int32)


def _sc_call(x):
    mesh = plsc.VectorSubcoreMesh(
        core_axis_name="c", subcore_axis_name="s",
        num_cores=NC, num_subcores=NS)
    return pl.kernel(
        _sc_argmax_body,
        out_type=jax.ShapeDtypeStruct((N_SC,), jnp.int32),
        mesh=mesh,
        compiler_params=pltpu.CompilerParams(needs_layout_passes=False),
        scratch_types=[
            pltpu.VMEM((CHUNK, D), jnp.float32),
            pltpu.VMEM((CHUNK, D), jnp.float32),
            pltpu.VMEM((ROWS_PER_W,), jnp.int32),
            pltpu.VMEM((CHUNK // GROUP, GROUP * GROUP), jnp.float32),
            pltpu.VMEM((CHUNK // GROUP, GROUP * GROUP), jnp.int32),
            pltpu.SemaphoreType.DMA,
            pltpu.SemaphoreType.DMA,
        ],
    )(x)


def _tc_call(x):
    blk0 = N_SC // B_TC
    return pl.pallas_call(
        _tc_body,
        grid=(N_TC // B_TC,),
        in_specs=[pl.BlockSpec((B_TC, D), lambda i: (i + blk0, 0))],
        out_specs=pl.BlockSpec((B_TC,), lambda i: (i,)),
        out_shape=jax.ShapeDtypeStruct((N_TC,), jnp.int32),
    )(x)


@jax.jit
def kernel(beliefs):
    x = beliefs.reshape(N, D)
    out = jnp.concatenate([_sc_call(x), _tc_call(x)])
    return out.reshape(2, 512, 512, 1)

# --- scband reference (transcript-rebuilt; emitter-appended) ---
"""Pipeline reference for scband-inference-15015205667415 (READ-ONLY COPY).

The authoritative reference and input builder live on the scoring server;
editing this copy changes nothing except your own understanding.
"""

import jax, jax.numpy as jnp
import numpy as np


def setup_inputs(seed: int = 0) -> dict:
    key = jax.random.key(seed)
    beliefs = jax.random.normal(key, (2, 512, 512, 128), dtype=jnp.float32)
    return {"beliefs": beliefs}


def reference(beliefs):
    # mode == 'wta' and mode_passing == 'min-sum':
    #   first branch assigns argmax(...).float(), but the second `if mode == 'wta'`
    #   immediately overwrites it with the integer argmax (keepdim=True).
    res = jnp.argmax(beliefs, axis=3, keepdims=True)
    return res

if __name__ == "__main__":
    import jax
    _d = setup_inputs()
    print(jax.jit(kernel)(*tuple(_d.values())))

</pallas_src>

<mosaic_0001>
#map = affine_map<(d0, d1) -> (0, 0)>
#map1 = affine_map<(d0, d1) -> (0)>
module attributes {stable_mosaic.version = 14 : i64} {
  func.func @_sc_argmax_body(%arg0: i32, %arg1: i32, %arg2: memref<524288x128xf32, #tpu.memory_space<hbm>>, %arg3: memref<294912xi32, #tpu.memory_space<hbm>>, %arg4: memref<256x128xf32, #tpu.memory_space<vmem>>, %arg5: memref<256x128xf32, #tpu.memory_space<vmem>>, %arg6: memref<9216xi32, #tpu.memory_space<vmem>>, %arg7: memref<16x256xf32, #tpu.memory_space<vmem>>, %arg8: memref<16x256xi32, #tpu.memory_space<vmem>>, %arg9: memref<!tpu.dma_semaphore, #tpu.memory_space<semaphore_mem>>, %arg10: memref<!tpu.dma_semaphore, #tpu.memory_space<semaphore_mem>>) attributes {dimension_semantics = [#tpu.dimension_semantics<core_parallel>, #tpu.dimension_semantics<subcore_parallel>], iteration_bounds = array<i64: 2, 16>, scalar_prefetch = 0 : i64, scratch_operands = 7 : i64, tpu.core_type = #tpu.core_type<sc_vector_subcore>, window_params = [{transform_indices = #map}, {transform_indices = #map1}]} {
    %mul3A = arith.constant 2 : i32
    %mul3A_0 = arith.muli %arg1, %mul3A : i32
    %add3A = arith.addi %mul3A_0, %arg0 : i32
    %mul3A_1 = arith.constant 9216 : i32
    %mul3A_2 = arith.muli %add3A, %mul3A_1 : i32
    %dma_start3A = arith.constant 0 : i32
    %dma_start3A_3 = tpu.memref_slice %arg2[%mul3A_2, %dma_start3A] : memref<524288x128xf32, #tpu.memory_space<hbm>> -> memref<256x128xf32, #tpu.memory_space<hbm>>
    %dma_start3A_4 = arith.constant 0 : i32
    %dma_start3A_5 = tpu.memref_slice %arg2[%mul3A_2, %dma_start3A_4] : memref<524288x128xf32, #tpu.memory_space<hbm>> -> memref<256x128xf32, #tpu.memory_space<hbm>>
    tpu.enqueue_dma source(%dma_start3A_5 : memref<256x128xf32, #tpu.memory_space<hbm>>) target(%arg4 : memref<256x128xf32, #tpu.memory_space<vmem>>) target_semaphore(%arg9 : memref<!tpu.dma_semaphore, #tpu.memory_space<semaphore_mem>>)
    %scan3A = arith.constant 0 : i32
    %scan3A_6 = arith.constant 0 : i32
    %scan3A_7 = arith.constant 18 : i32
    %scan3A_8 = arith.addi %scan3A_6, %scan3A_7 : i32
    %scan3A_9 = arith.constant 1 : i32
    scf.for %scan3A_11 = %scan3A_6 to %scan3A_8 step %scan3A_9  : i32 {
      %mul3A_12 = arith.constant 2 : i32
      %mul3A_13 = arith.muli %mul3A_12, %scan3A_11 : i32
      %mul3A_14 = arith.constant 256 : i32
      %mul3A_15 = arith.muli %mul3A_13, %mul3A_14 : i32
      %add3A_16 = arith.addi %mul3A_2, %mul3A_15 : i32
      %add3A_17 = arith.constant 256 : i32
      %add3A_18 = arith.addi %add3A_16, %add3A_17 : i32
      %dma_start3A_19 = arith.constant 0 : i32
      %dma_start3A_20 = tpu.memref_slice %arg2[%add3A_18, %dma_start3A_19] : memref<524288x128xf32, #tpu.memory_space<hbm>> -> memref<256x128xf32, #tpu.memory_space<hbm>>
      %dma_start3A_21 = arith.constant 0 : i32
      %dma_start3A_22 = tpu.memref_slice %arg2[%add3A_18, %dma_start3A_21] : memref<524288x128xf32, #tpu.memory_space<hbm>> -> memref<256x128xf32, #tpu.memory_space<hbm>>
      tpu.enqueue_dma source(%dma_start3A_22 : memref<256x128xf32, #tpu.memory_space<hbm>>) target(%arg5 : memref<256x128xf32, #tpu.memory_space<vmem>>) target_semaphore(%arg10 : memref<!tpu.dma_semaphore, #tpu.memory_space<semaphore_mem>>)
      %dma_wait3A = arith.constant 0 : i32
      %dma_wait3A_23 = tpu.memref_slice %arg2[%add3A_16, %dma_wait3A] : memref<524288x128xf32, #tpu.memory_space<hbm>> -> memref<256x128xf32, #tpu.memory_space<hbm>>
      %dma_wait3A_24 = arith.constant 0 : i32
      %dma_wait3A_25 = tpu.memref_slice %arg2[%add3A_16, %dma_wait3A_24] : memref<524288x128xf32, #tpu.memory_space<hbm>> -> memref<256x128xf32, #tpu.memory_space<hbm>>
      tpu.wait_dma2 semaphore(%arg9 : memref<!tpu.dma_semaphore, #tpu.memory_space<semaphore_mem>>) src(%dma_wait3A_25 : memref<256x128xf32, #tpu.memory_space<hbm>>) dst(%arg4 : memref<256x128xf32, #tpu.memory_space<vmem>>)
      %mul3A_26 = arith.constant 2 : i32
      %mul3A_27 = arith.muli %mul3A_26, %scan3A_11 : i32
      %mul3A_28 = arith.constant 256 : i32
      %mul3A_29 = arith.muli %mul3A_27, %mul3A_28 : i32
      %iota3A = tpu.iota {dimensions = array<i32: 0>} : vector<16xi32>
      %parallel_loop3A = arith.constant 0 : i32
      %parallel_loop3A_30 = arith.constant 16 : i32
      %parallel_loop3A_31 = arith.constant 1 : i32
      %parallel_loop3A_32 = arith.constant 0 : i32
      %parallel_loop3A_33 = scf.for %parallel_loop3A_52 = %parallel_loop3A to %parallel_loop3A_30 step %parallel_loop3A_31 iter_args(%parallel_loop3A_53 = %parallel_loop3A_32) -> (i32)  : i32 {
        %parallel_loop3A_54 = arith.constant 0 : i32
        %parallel_loop3A_55 = vector.broadcast %parallel_loop3A_54 : i32 to vector<16xi32>
        %parallel_loop3A_56 = vector.broadcast %parallel_loop3A_52 : i32 to vector<16xi32>
        %parallel_loop3A_57 = arith.addi %parallel_loop3A_55, %parallel_loop3A_56 : vector<16xi32>
        %parallel_loop3A_58 = arith.constant 16 : i32
        %parallel_loop3A_59 = arith.muli %parallel_loop3A_52, %parallel_loop3A_58 : i32
        %parallel_loop3A_60 = arith.constant 0 : i32
        %parallel_loop3A_61 = arith.addi %parallel_loop3A_59, %parallel_loop3A_60 : i32
        %parallel_loop3A_62 = arith.index_cast %parallel_loop3A_61 : i32 to index
        %parallel_loop3A_63 = arith.constant 0 : index
        %parallel_loop3A_64 = tpu.vector_load %arg4[%parallel_loop3A_62, %parallel_loop3A_63] {strides = array<i32>} : memref<256x128xf32, #tpu.memory_space<vmem>>, vector<16xf32>,
        %parallel_loop3A_65 = arith.index_cast %parallel_loop3A_61 : i32 to index
        %parallel_loop3A_66 = arith.constant 16 : index
        %parallel_loop3A_67 = tpu.vector_load %arg4[%parallel_loop3A_65, %parallel_loop3A_66] {strides = array<i32>} : memref<256x128xf32, #tpu.memory_space<vmem>>, vector<16xf32>,
        %parallel_loop3A_68 = arith.cmpf ogt, %parallel_loop3A_67, %parallel_loop3A_64 : vector<16xf32>
        %parallel_loop3A_69 = arith.select %parallel_loop3A_68, %parallel_loop3A_67, %parallel_loop3A_64 : vector<16xi1>, vector<16xf32>
        %parallel_loop3A_70 = arith.constant 16 : i32
        %parallel_loop3A_71 = vector.broadcast %parallel_loop3A_70 : i32 to vector<16xi32>
        %parallel_loop3A_72 = arith.addi %iota3A, %parallel_loop3A_71 : vector<16xi32>
        %parallel_loop3A_73 = arith.select %parallel_loop3A_68, %parallel_loop3A_72, %iota3A : vector<16xi1>, vector<16xi32>
        %parallel_loop3A_74 = arith.index_cast %parallel_loop3A_61 : i32 to index
        %parallel_loop3A_75 = arith.constant 32 : index
        %parallel_loop3A_76 = tpu.vector_load %arg4[%parallel_loop3A_74, %parallel_loop3A_75] {strides = array<i32>} : memref<256x128xf32, #tpu.memory_space<vmem>>, vector<16xf32>,
        %parallel_loop3A_77 = arith.cmpf ogt, %parallel_loop3A_76, %parallel_loop3A_69 : vector<16xf32>
        %parallel_loop3A_78 = arith.select %parallel_loop3A_77, %parallel_loop3A_76, %parallel_loop3A_69 : vector<16xi1>, vector<16xf32>
        %parallel_loop3A_79 = arith.constant 32 : i32
        %parallel_loop3A_80 = vector.broadcast %parallel_loop3A_79 : i32 to vector<16xi32>
        %parallel_loop3A_81 = arith.addi %iota3A, %parallel_loop3A_80 : vector<16xi32>
        %parallel_loop3A_82 = arith.select %parallel_loop3A_77, %parallel_loop3A_81, %parallel_loop3A_73 : vector<16xi1>, vector<16xi32>
        %parallel_loop3A_83 = arith.index_cast %parallel_loop3A_61 : i32 to index
        %parallel_loop3A_84 = arith.constant 48 : index
        %parallel_loop3A_85 = tpu.vector_load %arg4[%parallel_loop3A_83, %parallel_loop3A_84] {strides = array<i32>} : memref<256x128xf32, #tpu.memory_space<vmem>>, vector<16xf32>,
        %parallel_loop3A_86 = arith.cmpf ogt, %parallel_loop3A_85, %parallel_loop3A_78 : vector<16xf32>
        %parallel_loop3A_87 = arith.select %parallel_loop3A_86, %parallel_loop3A_85, %parallel_loop3A_78 : vector<16xi1>, vector<16xf32>
        %parallel_loop3A_88 = arith.constant 48 : i32
        %parallel_loop3A_89 = vector.broadcast %parallel_loop3A_88 : i32 to vector<16xi32>
        %parallel_loop3A_90 = arith.addi %iota3A, %parallel_loop3A_89 : vector<16xi32>
        %parallel_loop3A_91 = arith.select %parallel_loop3A_86, %parallel_loop3A_90, %parallel_loop3A_82 : vector<16xi1>, vector<16xi32>
        %parallel_loop3A_92 = arith.index_cast %parallel_loop3A_61 : i32 to index
        %parallel_loop3A_93 = arith.constant 64 : index
        %parallel_loop3A_94 = tpu.vector_load %arg4[%parallel_loop3A_92, %parallel_loop3A_93] {strides = array<i32>} : memref<256x128xf32, #tpu.memory_space<vmem>>, vector<16xf32>,
        %parallel_loop3A_95 = arith.cmpf ogt, %parallel_loop3A_94, %parallel_loop3A_87 : vector<16xf32>
        %parallel_loop3A_96 = arith.select %parallel_loop3A_95, %parallel_loop3A_94, %parallel_loop3A_87 : vector<16xi1>, vector<16xf32>
        %parallel_loop3A_97 = arith.constant 64 : i32
        %parallel_loop3A_98 = vector.broadcast %parallel_loop3A_97 : i32 to vector<16xi32>
        %parallel_loop3A_99 = arith.addi %iota3A, %parallel_loop3A_98 : vector<16xi32>
        %parallel_loop3A_100 = arith.select %parallel_loop3A_95, %parallel_loop3A_99, %parallel_loop3A_91 : vector<16xi1>, vector<16xi32>
        %parallel_loop3A_101 = arith.index_cast %parallel_loop3A_61 : i32 to index
        %parallel_loop3A_102 = arith.constant 80 : index
        %parallel_loop3A_103 = tpu.vector_load %arg4[%parallel_loop3A_101, %parallel_loop3A_102] {strides = array<i32>} : memref<256x128xf32, #tpu.memory_space<vmem>>, vector<16xf32>,
        %parallel_loop3A_104 = arith.cmpf ogt, %parallel_loop3A_103, %parallel_loop3A_96 : vector<16xf32>
        %parallel_loop3A_105 = arith.select %parallel_loop3A_104, %parallel_loop3A_103, %parallel_loop3A_96 : vector<16xi1>, vector<16xf32>
        %parallel_loop3A_106 = arith.constant 80 : i32
        %parallel_loop3A_107 = vector.broadcast %parallel_loop3A_106 : i32 to vector<16xi32>
        %parallel_loop3A_108 = arith.addi %iota3A, %parallel_loop3A_107 : vector<16xi32>
        %parallel_loop3A_109 = arith.select %parallel_loop3A_104, %parallel_loop3A_108, %parallel_loop3A_100 : vector<16xi1>, vector<16xi32>
        %parallel_loop3A_110 = arith.index_cast %parallel_loop3A_61 : i32 to index
        %parallel_loop3A_111 = arith.constant 96 : index
        %parallel_loop3A_112 = tpu.vector_load %arg4[%parallel_loop3A_110, %parallel_loop3A_111] {strides = array<i32>} : memref<256x128xf32, #tpu.memory_space<vmem>>, vector<16xf32>,
        %parallel_loop3A_113 = arith.cmpf ogt, %parallel_loop3A_112, %parallel_loop3A_105 : vector<16xf32>
        %parallel_loop3A_114 = arith.select %parallel_loop3A_113, %parallel_loop3A_112, %parallel_loop3A_105 : vector<16xi1>, vector<16xf32>
        %parallel_loop3A_115 = arith.constant 96 : i32
        %parallel_loop3A_116 = vector.broadcast %parallel_loop3A_115 : i32 to vector<16xi32>
        %parallel_loop3A_117 = arith.addi %iota3A, %parallel_loop3A_116 : vector<16xi32>
        %parallel_loop3A_118 = arith.select %parallel_loop3A_113, %parallel_loop3A_117, %parallel_loop3A_109 : vector<16xi1>, vector<16xi32>
        %parallel_loop3A_119 = arith.index_cast %parallel_loop3A_61 : i32 to index
        %parallel_loop3A_120 = arith.constant 112 : index
        %parallel_loop3A_121 = tpu.vector_load %arg4[%parallel_loop3A_119, %parallel_loop3A_120] {strides = array<i32>} : memref<256x128xf32, #tpu.memory_space<vmem>>, vector<16xf32>,
        %parallel_loop3A_122 = arith.cmpf ogt, %parallel_loop3A_121, %parallel_loop3A_114 : vector<16xf32>
        %parallel_loop3A_123 = arith.select %parallel_loop3A_122, %parallel_loop3A_121, %parallel_loop3A_114 : vector<16xi1>, vector<16xf32>
        %parallel_loop3A_124 = arith.constant 112 : i32
        %parallel_loop3A_125 = vector.broadcast %parallel_loop3A_124 : i32 to vector<16xi32>
        %parallel_loop3A_126 = arith.addi %iota3A, %parallel_loop3A_125 : vector<16xi32>
        %parallel_loop3A_127 = arith.select %parallel_loop3A_122, %parallel_loop3A_126, %parallel_loop3A_118 : vector<16xi1>, vector<16xi32>
        %parallel_loop3A_128 = arith.constant 0 : i32
        %parallel_loop3A_129 = vector.broadcast %parallel_loop3A_128 : i32 to vector<16xi32>
        %parallel_loop3A_130 = arith.addi %iota3A, %parallel_loop3A_129 : vector<16xi32>
        %parallel_loop3A_131 = arith.constant 15 : i32
        %parallel_loop3A_132 = vector.broadcast %parallel_loop3A_131 : i32 to vector<16xi32>
        %parallel_loop3A_133 = arith.andi %parallel_loop3A_130, %parallel_loop3A_132 : vector<16xi32>
        %parallel_loop3A_134 = arith.constant 0 : i32
        %parallel_loop3A_135 = vector.broadcast %parallel_loop3A_134 : i32 to vector<16xi32>
        %parallel_loop3A_136 = arith.addi %parallel_loop3A_135, %parallel_loop3A_133 : vector<16xi32>
        tpu.vector_store_idx %arg7[%parallel_loop3A_57, %parallel_loop3A_136], %parallel_loop3A_123 : memref<16x256xf32, #tpu.memory_space<vmem>>[vector<16xi32>, vector<16xi32>], vector<16xf32>,
        tpu.vector_store_idx %arg8[%parallel_loop3A_57, %parallel_loop3A_136], %parallel_loop3A_127 : memref<16x256xi32, #tpu.memory_space<vmem>>[vector<16xi32>, vector<16xi32>], vector<16xi32>,
        %parallel_loop3A_137 = arith.constant 1 : i32
        %parallel_loop3A_138 = arith.addi %parallel_loop3A_59, %parallel_loop3A_137 : i32
        %parallel_loop3A_139 = arith.index_cast %parallel_loop3A_138 : i32 to index
        %parallel_loop3A_140 = arith.constant 0 : index
        %parallel_loop3A_141 = tpu.vector_load %arg4[%parallel_loop3A_139, %parallel_loop3A_140] {strides = array<i32>} : memref<256x128xf32, #tpu.memory_space<vmem>>, vector<16xf32>,
        %parallel_loop3A_142 = arith.index_cast %parallel_loop3A_138 : i32 to index
        %parallel_loop3A_143 = arith.constant 16 : index
        %parallel_loop3A_144 = tpu.vector_load %arg4[%parallel_loop3A_142, %parallel_loop3A_143] {strides = array<i32>} : memref<256x128xf32, #tpu.memory_space<vmem>>, vector<16xf32>,
        %parallel_loop3A_145 = arith.cmpf ogt, %parallel_loop3A_144, %parallel_loop3A_141 : vector<16xf32>
        %parallel_loop3A_146 = arith.select %parallel_loop3A_145, %parallel_loop3A_144, %parallel_loop3A_141 : vector<16xi1>, vector<16xf32>
        %parallel_loop3A_147 = arith.constant 16 : i32
        %parallel_loop3A_148 = vector.broadcast %parallel_loop3A_147 : i32 to vector<16xi32>
        %parallel_loop3A_149 = arith.addi %iota3A, %parallel_loop3A_148 : vector<16xi32>
        %parallel_loop3A_150 = arith.select %parallel_loop3A_145, %parallel_loop3A_149, %iota3A : vector<16xi1>, vector<16xi32>
        %parallel_loop3A_151 = arith.index_cast %parallel_loop3A_138 : i32 to index
        %parallel_loop3A_152 = arith.constant 32 : index
        %parallel_loop3A_153 = tpu.vector_load %arg4[%parallel_loop3A_151, %parallel_loop3A_152] {strides = array<i32>} : memref<256x128xf32, #tpu.memory_space<vmem>>, vector<16xf32>,
        %parallel_loop3A_154 = arith.cmpf ogt, %parallel_loop3A_153, %parallel_loop3A_146 : vector<16xf32>
        %parallel_loop3A_155 = arith.select %parallel_loop3A_154, %parallel_loop3A_153, %parallel_loop3A_146 : vector<16xi1>, vector<16xf32>
        %parallel_loop3A_156 = arith.constant 32 : i32
        %parallel_loop3A_157 = vector.broadcast %parallel_loop3A_156 : i32 to vector<16xi32>
        %parallel_loop3A_158 = arith.addi %iota3A, %parallel_loop3A_157 : vector<16xi32>
        %parallel_loop3A_159 = arith.select %parallel_loop3A_154, %parallel_loop3A_158, %parallel_loop3A_150 : vector<16xi1>, vector<16xi32>
        %parallel_loop3A_160 = arith.index_cast %parallel_loop3A_138 : i32 to index
        %parallel_loop3A_161 = arith.constant 48 : index
        %parallel_loop3A_162 = tpu.vector_load %arg4[%parallel_loop3A_160, %parallel_loop3A_161] {strides = array<i32>} : memref<256x128xf32, #tpu.memory_space<vmem>>, vector<16xf32>,
        %parallel_loop3A_163 = arith.cmpf ogt, %parallel_loop3A_162, %parallel_loop3A_155 : vector<16xf32>
        %parallel_loop3A_164 = arith.select %parallel_loop3A_163, %parallel_loop3A_162, %parallel_loop3A_155 : vector<16xi1>, vector<16xf32>
        %parallel_loop3A_165 = arith.constant 48 : i32
        %parallel_loop3A_166 = vector.broadcast %parallel_loop3A_165 : i32 to vector<16xi32>
        %parallel_loop3A_167 = arith.addi %iota3A, %parallel_loop3A_166 : vector<16xi32>
        %parallel_loop3A_168 = arith.select %parallel_loop3A_163, %parallel_loop3A_167, %parallel_loop3A_159 : vector<16xi1>, vector<16xi32>
        %parallel_loop3A_169 = arith.index_cast %parallel_loop3A_138 : i32 to index
        %parallel_loop3A_170 = arith.constant 64 : index
        %parallel_loop3A_171 = tpu.vector_load %arg4[%parallel_loop3A_169, %parallel_loop3A_170] {strides = array<i32>} : memref<256x128xf32, #tpu.memory_space<vmem>>, vector<16xf32>,
        %parallel_loop3A_172 = arith.cmpf ogt, %parallel_loop3A_171, %parallel_loop3A_164 : vector<16xf32>
        %parallel_loop3A_173 = arith.select %parallel_loop3A_172, %parallel_loop3A_171, %parallel_loop3A_164 : vector<16xi1>, vector<16xf32>
        %parallel_loop3A_174 = arith.constant 64 : i32
        %parallel_loop3A_175 = vector.broadcast %parallel_loop3A_174 : i32 to vector<16xi32>
        %parallel_loop3A_176 = arith.addi %iota3A, %parallel_loop3A_175 : vector<16xi32>
        %parallel_loop3A_177 = arith.select %parallel_loop3A_172, %parallel_loop3A_176, %parallel_loop3A_168 : vector<16xi1>, vector<16xi32>
        %parallel_loop3A_178 = arith.index_cast %parallel_loop3A_138 : i32 to index
        %parallel_loop3A_179 = arith.constant 80 : index
        %parallel_loop3A_180 = tpu.vector_load %arg4[%parallel_loop3A_178, %parallel_loop3A_179] {strides = array<i32>} : memref<256x128xf32, #tpu.memory_space<vmem>>, vector<16xf32>,
        %parallel_loop3A_181 = arith.cmpf ogt, %parallel_loop3A_180, %parallel_loop3A_173 : vector<16xf32>
        %parallel_loop3A_182 = arith.select %parallel_loop3A_181, %parallel_loop3A_180, %parallel_loop3A_173 : vector<16xi1>, vector<16xf32>
        %parallel_loop3A_183 = arith.constant 80 : i32
        %parallel_loop3A_184 = vector.broadcast %parallel_loop3A_183 : i32 to vector<16xi32>
        %parallel_loop3A_185 = arith.addi %iota3A, %parallel_loop3A_184 : vector<16xi32>
        %parallel_loop3A_186 = arith.select %parallel_loop3A_181, %parallel_loop3A_185, %parallel_loop3A_177 : vector<16xi1>, vector<16xi32>
        %parallel_loop3A_187 = arith.index_cast %parallel_loop3A_138 : i32 to index
        %parallel_loop3A_188 = arith.constant 96 : index
        %parallel_loop3A_189 = tpu.vector_load %arg4[%parallel_loop3A_187, %parallel_loop3A_188] {strides = array<i32>} : memref<256x128xf32, #tpu.memory_space<vmem>>, vector<16xf32>,
        %parallel_loop3A_190 = arith.cmpf ogt, %parallel_loop3A_189, %parallel_loop3A_182 : vector<16xf32>
        %parallel_loop3A_191 = arith.select %parallel_loop3A_190, %parallel_loop3A_189, %parallel_loop3A_182 : vector<16xi1>, vector<16xf32>
        %parallel_loop3A_192 = arith.constant 96 : i32
        %parallel_loop3A_193 = vector.broadcast %parallel_loop3A_192 : i32 to vector<16xi32>
        %parallel_loop3A_194 = arith.addi %iota3A, %parallel_loop3A_193 : vector<16xi32>
        %parallel_loop3A_195 = arith.select %parallel_loop3A_190, %parallel_loop3A_194, %parallel_loop3A_186 : vector<16xi1>, vector<16xi32>
        %parallel_loop3A_196 = arith.index_cast %parallel_loop3A_138 : i32 to index
        %parallel_loop3A_197 = arith.constant 112 : index
        %parallel_loop3A_198 = tpu.vector_load %arg4[%parallel_loop3A_196, %parallel_loop3A_197] {strides = array<i32>} : memref<256x128xf32, #tpu.memory_space<vmem>>, vector<16xf32>,
        %parallel_loop3A_199 = arith.cmpf ogt, %parallel_loop3A_198, %parallel_loop3A_191 : vector<16xf32>
        %parallel_loop3A_200 = arith.select %parallel_loop3A_199, %parallel_loop3A_198, %parallel_loop3A_191 : vector<16xi1>, vector<16xf32>
        %parallel_loop3A_201 = arith.constant 112 : i32
        %parallel_loop3A_202 = vector.broadcast %parallel_loop3A_201 : i32 to vector<16xi32>
        %parallel_loop3A_203 = arith.addi %iota3A, %parallel_loop3A_202 : vector<16xi32>
        %parallel_loop3A_204 = arith.select %parallel_loop3A_199, %parallel_loop3A_203, %parallel_loop3A_195 : vector<16xi1>, vector<16xi32>
        %parallel_loop3A_205 = arith.constant 1 : i32
        %parallel_loop3A_206 = vector.broadcast %parallel_loop3A_205 : i32 to vector<16xi32>
        %parallel_loop3A_207 = arith.addi %iota3A, %parallel_loop3A_206 : vector<16xi32>
        %parallel_loop3A_208 = arith.constant 15 : i32
        %parallel_loop3A_209 = vector.broadcast %parallel_loop3A_208 : i32 to vector<16xi32>
        %parallel_loop3A_210 = arith.andi %parallel_loop3A_207, %parallel_loop3A_209 : vector<16xi32>
        %parallel_loop3A_211 = arith.constant 16 : i32
        %parallel_loop3A_212 = vector.broadcast %parallel_loop3A_211 : i32 to vector<16xi32>
        %parallel_loop3A_213 = arith.addi %parallel_loop3A_212, %parallel_loop3A_210 : vector<16xi32>
        tpu.vector_store_idx %arg7[%parallel_loop3A_57, %parallel_loop3A_213], %parallel_loop3A_200 : memref<16x256xf32, #tpu.memory_space<vmem>>[vector<16xi32>, vector<16xi32>], vector<16xf32>,
        tpu.vector_store_idx %arg8[%parallel_loop3A_57, %parallel_loop3A_213], %parallel_loop3A_204 : memref<16x256xi32, #tpu.memory_space<vmem>>[vector<16xi32>, vector<16xi32>], vector<16xi32>,
        %parallel_loop3A_214 = arith.constant 2 : i32
        %parallel_loop3A_215 = arith.addi %parallel_loop3A_59, %parallel_loop3A_214 : i32
        %parallel_loop3A_216 = arith.index_cast %parallel_loop3A_215 : i32 to index
        %parallel_loop3A_217 = arith.constant 0 : index
        %parallel_loop3A_218 = tpu.vector_load %arg4[%parallel_loop3A_216, %parallel_loop3A_217] {strides = array<i32>} : memref<256x128xf32, #tpu.memory_space<vmem>>, vector<16xf32>,
        %parallel_loop3A_219 = arith.index_cast %parallel_loop3A_215 : i32 to index
        %parallel_loop3A_220 = arith.constant 16 : index
        %parallel_loop3A_221 = tpu.vector_load %arg4[%parallel_loop3A_219, %parallel_loop3A_220] {strides = array<i32>} : memref<256x128xf32, #tpu.memory_space<vmem>>, vector<16xf32>,
        %parallel_loop3A_222 = arith.cmpf ogt, %parallel_loop3A_221, %parallel_loop3A_218 : vector<16xf32>
        %parallel_loop3A_223 = arith.select %parallel_loop3A_222, %parallel_loop3A_221, %parallel_loop3A_218 : vector<16xi1>, vector<16xf32>
        %parallel_loop3A_224 = arith.constant 16 : i32
        %parallel_loop3A_225 = vector.broadcast %parallel_loop3A_224 : i32 to vector<16xi32>
        %parallel_loop3A_226 = arith.addi %iota3A, %parallel_loop3A_225 : vector<16xi32>
        %parallel_loop3A_227 = arith.select %parallel_loop3A_222, %parallel_loop3A_226, %iota3A : vector<16xi1>, vector<16xi32>
        %parallel_loop3A_228 = arith.index_cast %parallel_loop3A_215 : i32 to index
        %parallel_loop3A_229 = arith.constant 32 : index
        %parallel_loop3A_230 = tpu.vector_load %arg4[%parallel_loop3A_228, %parallel_loop3A_229] {strides = array<i32>} : memref<256x128xf32, #tpu.memory_space<vmem>>, vector<16xf32>,
        %parallel_loop3A_231 = arith.cmpf ogt, %parallel_loop3A_230, %parallel_loop3A_223 : vector<16xf32>
        %parallel_loop3A_232 = arith.select %parallel_loop3A_231, %parallel_loop3A_230, %parallel_loop3A_223 : vector<16xi1>, vector<16xf32>
        %parallel_loop3A_233 = arith.constant 32 : i32
        %parallel_loop3A_234 = vector.broadcast %parallel_loop3A_233 : i32 to vector<16xi32>
        %parallel_loop3A_235 = arith.addi %iota3A, %parallel_loop3A_234 : vector<16xi32>
        %parallel_loop3A_236 = arith.select %parallel_loop3A_231, %parallel_loop3A_235, %parallel_loop3A_227 : vector<16xi1>, vector<16xi32>
        %parallel_loop3A_237 = arith.index_cast %parallel_loop3A_215 : i32 to index
        %parallel_loop3A_238 = arith.constant 48 : index
        %parallel_loop3A_239 = tpu.vector_load %arg4[%parallel_loop3A_237, %parallel_loop3A_238] {strides = array<i32>} : memref<256x128xf32, #tpu.memory_space<vmem>>, vector<16xf32>,
        %parallel_loop3A_240 = arith.cmpf ogt, %parallel_loop3A_239, %parallel_loop3A_232 : vector<16xf32>
        %parallel_loop3A_241 = arith.select %parallel_loop3A_240, %parallel_loop3A_239, %parallel_loop3A_232 : vector<16xi1>, vector<16xf32>
        %parallel_loop3A_242 = arith.constant 48 : i32
        %parallel_loop3A_243 = vector.broadcast %parallel_loop3A_242 : i32 to vector<16xi32>
        %parallel_loop3A_244 = arith.addi %iota3A, %parallel_loop3A_243 : vector<16xi32>
        %parallel_loop3A_245 = arith.select %parallel_loop3A_240, %parallel_loop3A_244, %parallel_loop3A_236 : vector<16xi1>, vector<16xi32>
        %parallel_loop3A_246 = arith.index_cast %parallel_loop3A_215 : i32 to index
        %parallel_loop3A_247 = arith.constant 64 : index
        %parallel_loop3A_248 = tpu.vector_load %arg4[%parallel_loop3A_246, %parallel_loop3A_247] {strides = array<i32>} : memref<256x128xf32, #tpu.memory_space<vmem>>, vector<16xf32>,
        %parallel_loop3A_249 = arith.cmpf ogt, %parallel_loop3A_248, %parallel_loop3A_241 : vector<16xf32>
        %parallel_loop3A_250 = arith.select %parallel_loop3A_249, %parallel_loop3A_248, %parallel_loop3A_241 : vector<16xi1>, vector<16xf32>
        %parallel_loop3A_251 = arith.constant 64 : i32
        %parallel_loop3A_252 = vector.broadcast %parallel_loop3A_251 : i32 to vector<16xi32>
        %parallel_loop3A_253 = arith.addi %iota3A, %parallel_loop3A_252 : vector<16xi32>
        %parallel_loop3A_254 = arith.select %parallel_loop3A_249, %parallel_loop3A_253, %parallel_loop3A_245 : vector<16xi1>, vector<16xi32>
        %parallel_loop3A_255 = arith.index_cast %parallel_loop3A_215 : i32 to index
        %parallel_loop3A_256 = arith.constant 80 : index
        %parallel_loop3A_257 = tpu.vector_load %arg4[%parallel_loop3A_255, %parallel_loop3A_256] {strides = array<i32>} : memref<256x128xf32, #tpu.memory_space<vmem>>, vector<16xf32>,
        %parallel_loop3A_258 = arith.cmpf ogt, %parallel_loop3A_257, %parallel_loop3A_250 : vector<16xf32>
        %parallel_loop3A_259 = arith.select %parallel_loop3A_258, %parallel_loop3A_257, %parallel_loop3A_250 : vector<16xi1>, vector<16xf32>
        %parallel_loop3A_260 = arith.constant 80 : i32
        %parallel_loop3A_261 = vector.broadcast %parallel_loop3A_260 : i32 to vector<16xi32>
        %parallel_loop3A_262 = arith.addi %iota3A, %parallel_loop3A_261 : vector<16xi32>
        %parallel_loop3A_263 = arith.select %parallel_loop3A_258, %parallel_loop3A_262, %parallel_loop3A_254 : vector<16xi1>, vector<16xi32>
        %parallel_loop3A_264 = arith.index_cast %parallel_loop3A_215 : i32 to index
        %parallel_loop3A_265 = arith.constant 96 : index
        %parallel_loop3A_266 = tpu.vector_load %arg4[%parallel_loop3A_264, %parallel_loop3A_265] {strides = array<i32>} : memref<256x128xf32, #tpu.memory_space<vmem>>, vector<16xf32>,
        %parallel_loop3A_267 = arith.cmpf ogt, %parallel_loop3A_266, %parallel_loop3A_259 : vector<16xf32>
        %parallel_loop3A_268 = arith.select %parallel_loop3A_267, %parallel_loop3A_266, %parallel_loop3A_259 : vector<16xi1>, vector<16xf32>
        %parallel_loop3A_269 = arith.constant 96 : i32
        %parallel_loop3A_270 = vector.broadcast %parallel_loop3A_269 : i32 to vector<16xi32>
        %parallel_loop3A_271 = arith.addi %iota3A, %parallel_loop3A_270 : vector<16xi32>
        %parallel_loop3A_272 = arith.select %parallel_loop3A_267, %parallel_loop3A_271, %parallel_loop3A_263 : vector<16xi1>, vector<16xi32>
        %parallel_loop3A_273 = arith.index_cast %parallel_loop3A_215 : i32 to index
        %parallel_loop3A_274 = arith.constant 112 : index
        %parallel_loop3A_275 = tpu.vector_load %arg4[%parallel_loop3A_273, %parallel_loop3A_274] {strides = array<i32>} : memref<256x128xf32, #tpu.memory_space<vmem>>, vector<16xf32>,
        %parallel_loop3A_276 = arith.cmpf ogt, %parallel_loop3A_275, %parallel_loop3A_268 : vector<16xf32>
        %parallel_loop3A_277 = arith.select %parallel_loop3A_276, %parallel_loop3A_275, %parallel_loop3A_268 : vector<16xi1>, vector<16xf32>
        %parallel_loop3A_278 = arith.constant 112 : i32
        %parallel_loop3A_279 = vector.broadcast %parallel_loop3A_278 : i32 to vector<16xi32>
        %parallel_loop3A_280 = arith.addi %iota3A, %parallel_loop3A_279 : vector<16xi32>
        %parallel_loop3A_281 = arith.select %parallel_loop3A_276, %parallel_loop3A_280, %parallel_loop3A_272 : vector<16xi1>, vector<16xi32>
        %parallel_loop3A_282 = arith.constant 2 : i32
        %parallel_loop3A_283 = vector.broadcast %parallel_loop3A_282 : i32 to vector<16xi32>
        %parallel_loop3A_284 = arith.addi %iota3A, %parallel_loop3A_283 : vector<16xi32>
        %parallel_loop3A_285 = arith.constant 15 : i32
        %parallel_loop3A_286 = vector.broadcast %parallel_loop3A_285 : i32 to vector<16xi32>
        %parallel_loop3A_287 = arith.andi %parallel_loop3A_284, %parallel_loop3A_286 : vector<16xi32>
        %parallel_loop3A_288 = arith.constant 32 : i32
        %parallel_loop3A_289 = vector.broadcast %parallel_loop3A_288 : i32 to vector<16xi32>
        %parallel_loop3A_290 = arith.addi %parallel_loop3A_289, %parallel_loop3A_287 : vector<16xi32>
        tpu.vector_store_idx %arg7[%parallel_loop3A_57, %parallel_loop3A_290], %parallel_loop3A_277 : memref<16x256xf32, #tpu.memory_space<vmem>>[vector<16xi32>, vector<16xi32>], vector<16xf32>,
        tpu.vector_store_idx %arg8[%parallel_loop3A_57, %parallel_loop3A_290], %parallel_loop3A_281 : memref<16x256xi32, #tpu.memory_space<vmem>>[vector<16xi32>, vector<16xi32>], vector<16xi32>,
        %parallel_loop3A_291 = arith.constant 3 : i32
        %parallel_loop3A_292 = arith.addi %parallel_loop3A_59, %parallel_loop3A_291 : i32
        %parallel_loop3A_293 = arith.index_cast %parallel_loop3A_292 : i32 to index
        %parallel_loop3A_294 = arith.constant 0 : index
        %parallel_loop3A_295 = tpu.vector_load %arg4[%parallel_loop3A_293, %parallel_loop3A_294] {strides = array<i32>} : memref<256x128xf32, #tpu.memory_space<vmem>>, vector<16xf32>,
        %parallel_loop3A_296 = arith.index_cast %parallel_loop3A_292 : i32 to index
        %parallel_loop3A_297 = arith.constant 16 : index
        %parallel_loop3A_298 = tpu.vector_load %arg4[%parallel_loop3A_296, %parallel_loop3A_297] {strides = array<i32>} : memref<256x128xf32, #tpu.memory_space<vmem>>, vector<16xf32>,
        %parallel_loop3A_299 = arith.cmpf ogt, %parallel_loop3A_298, %parallel_loop3A_295 : vector<16xf32>
        %parallel_loop3A_300 = arith.select %parallel_loop3A_299, %parallel_loop3A_298, %parallel_loop3A_295 : vector<16xi1>, vector<16xf32>
        %parallel_loop3A_301 = arith.constant 16 : i32
        %parallel_loop3A_302 = vector.broadcast %parallel_loop3A_301 : i32 to vector<16xi32>
        %parallel_loop3A_303 = arith.addi %iota3A, %parallel_loop3A_302 : vector<16xi32>
        %parallel_loop3A_304 = arith.select %parallel_loop3A_299, %parallel_loop3A_303, %iota3A : vector<16xi1>, vector<16xi32>
        %parallel_loop3A_305 = arith.index_cast %parallel_loop3A_292 : i32 to index
        %parallel_loop3A_306 = arith.constant 32 : index
        %parallel_loop3A_307 = tpu.vector_load %arg4[%parallel_loop3A_305, %parallel_loop3A_306] {strides = array<i32>} : memref<256x128xf32, #tpu.memory_space<vmem>>, vector<16xf32>,
        %parallel_loop3A_308 = arith.cmpf ogt, %parallel_loop3A_307, %parallel_loop3A_300 : vector<16xf32>
        %parallel_loop3A_309 = arith.select %parallel_loop3A_308, %parallel_loop3A_307, %parallel_loop3A_300 : vector<16xi1>, vector<16xf32>
        %parallel_loop3A_310 = arith.constant 32 : i32
        %parallel_loop3A_311 = vector.broadcast %parallel_loop3A_310 : i32 to vector<16xi32>
        %parallel_loop3A_312 = arith.addi %iota3A, %parallel_loop3A_311 : vector<16xi32>
        %parallel_loop3A_313 = arith.select %parallel_loop3A_308, %parallel_loop3A_312, %parallel_loop3A_304 : vector<16xi1>, vector<16xi32>
        %parallel_loop3A_314 = arith.index_cast %parallel_loop3A_292 : i32 to index
        %parallel_loop3A_315 = arith.constant 48 : index
        %parallel_loop3A_316 = tpu.vector_load %arg4[%parallel_loop3A_314, %parallel_loop3A_315] {strides = array<i32>} : memref<256x128xf32, #tpu.memory_space<vmem>>, vector<16xf32>,
        %parallel_loop3A_317 = arith.cmpf ogt, %parallel_loop3A_316, %parallel_loop3A_309 : vector<16xf32>
        %parallel_loop3A_318 = arith.select %parallel_loop3A_317, %parallel_loop3A_316, %parallel_loop3A_309 : vector<16xi1>, vector<16xf32>
        %parallel_loop3A_319 = arith.constant 48 : i32
        %parallel_loop3A_320 = vector.broadcast %parallel_loop3A_319 : i32 to vector<16xi32>
        %parallel_loop3A_321 = arith.addi %iota3A, %parallel_loop3A_320 : vector<16xi32>
        %parallel_loop3A_322 = arith.select %parallel_loop3A_317, %parallel_loop3A_321, %parallel_loop3A_313 : vector<16xi1>, vector<16xi32>
        %parallel_loop3A_323 = arith.index_cast %parallel_loop3A_292 : i32 to index
        %parallel_loop3A_324 = arith.constant 64 : index
        %parallel_loop3A_325 = tpu.vector_load %arg4[%parallel_loop3A_323, %parallel_loop3A_324] {strides = array<i32>} : memref<256x128xf32, #tpu.memory_space<vmem>>, vector<16xf32>,
        %parallel_loop3A_326 = arith.cmpf ogt, %parallel_loop3A_325, %parallel_loop3A_318 : vector<16xf32>
        %parallel_loop3A_327 = arith.select %parallel_loop3A_326, %parallel_loop3A_325, %parallel_loop3A_318 : vector<16xi1>, vector<16xf32>
        %parallel_loop3A_328 = arith.constant 64 : i32
        %parallel_loop3A_329 = vector.broadcast %parallel_loop3A_328 : i32 to vector<16xi32>
        %parallel_loop3A_330 = arith.addi %iota3A, %parallel_loop3A_329 : vector<16xi32>
        %parallel_loop3A_331 = arith.select %parallel_loop3A_326, %parallel_loop3A_330, %parallel_loop3A_322 : vector<16xi1>, vector<16xi32>
        %parallel_loop3A_332 = arith.index_cast %parallel_loop3A_292 : i32 to index
        %parallel_loop3A_333 = arith.constant 80 : index
        %parallel_loop3A_334 = tpu.vector_load %arg4[%parallel_loop3A_332, %parallel_loop3A_333] {strides = array<i32>} : memref<256x128xf32, #tpu.memory_space<vmem>>, vector<16xf32>,
        %parallel_loop3A_335 = arith.cmpf ogt, %parallel_loop3A_334, %parallel_loop3A_327 : vector<16xf32>
        %parallel_loop3A_336 = arith.select %parallel_loop3A_335, %parallel_loop3A_334, %parallel_loop3A_327 : vector<16xi1>, vector<16xf32>
        %parallel_loop3A_337 = arith.constant 80 : i32
        %parallel_loop3A_338 = vector.broadcast %parallel_loop3A_337 : i32 to vector<16xi32>
        %parallel_loop3A_339 = arith.addi %iota3A, %parallel_loop3A_338 : vector<16xi32>
        %parallel_loop3A_340 = arith.select %parallel_loop3A_335, %parallel_loop3A_339, %parallel_loop3A_331 : vector<16xi1>, vector<16xi32>
        %parallel_loop3A_341 = arith.index_cast %parallel_loop3A_292 : i32 to index
        %parallel_loop3A_342 = arith.constant 96 : index
        %parallel_loop3A_343 = tpu.vector_load %arg4[%parallel_loop3A_341, %parallel_loop3A_342] {strides = array<i32>} : memref<256x128xf32, #tpu.memory_space<vmem>>, vector<16xf32>,
        %parallel_loop3A_344 = arith.cmpf ogt, %parallel_loop3A_343, %parallel_loop3A_336 : vector<16xf32>
        %parallel_loop3A_345 = arith.select %parallel_loop3A_344, %parallel_loop3A_343, %parallel_loop3A_336 : vector<16xi1>, vector<16xf32>
        %parallel_loop3A_346 = arith.constant 96 : i32
        %parallel_loop3A_347 = vector.broadcast %parallel_loop3A_346 : i32 to vector<16xi32>
        %parallel_loop3A_348 = arith.addi %iota3A, %parallel_loop3A_347 : vector<16xi32>
        %parallel_loop3A_349 = arith.select %parallel_loop3A_344, %parallel_loop3A_348, %parallel_loop3A_340 : vector<16xi1>, vector<16xi32>
        %parallel_loop3A_350 = arith.index_cast %parallel_loop3A_292 : i32 to index
        %parallel_loop3A_351 = arith.constant 112 : index
        %parallel_loop3A_352 = tpu.vector_load %arg4[%parallel_loop3A_350, %parallel_loop3A_351] {strides = array<i32>} : memref<256x128xf32, #tpu.memory_space<vmem>>, vector<16xf32>,
        %parallel_loop3A_353 = arith.cmpf ogt, %parallel_loop3A_352, %parallel_loop3A_345 : vector<16xf32>
        %parallel_loop3A_354 = arith.select %parallel_loop3A_353, %parallel_loop3A_352, %parallel_loop3A_345 : vector<16xi1>, vector<16xf32>
        %parallel_loop3A_355 = arith.constant 112 : i32
        %parallel_loop3A_356 = vector.broadcast %parallel_loop3A_355 : i32 to vector<16xi32>
        %parallel_loop3A_357 = arith.addi %iota3A, %parallel_loop3A_356 : vector<16xi32>
        %parallel_loop3A_358 = arith.select %parallel_loop3A_353, %parallel_loop3A_357, %parallel_loop3A_349 : vector<16xi1>, vector<16xi32>
        %parallel_loop3A_359 = arith.constant 3 : i32
        %parallel_loop3A_360 = vector.broadcast %parallel_loop3A_359 : i32 to vector<16xi32>
        %parallel_loop3A_361 = arith.addi %iota3A, %parallel_loop3A_360 : vector<16xi32>
        %parallel_loop3A_362 = arith.constant 15 : i32
        %parallel_loop3A_363 = vector.broadcast %parallel_loop3A_362 : i32 to vector<16xi32>
        %parallel_loop3A_364 = arith.andi %parallel_loop3A_361, %parallel_loop3A_363 : vector<16xi32>
        %parallel_loop3A_365 = arith.constant 48 : i32
        %parallel_loop3A_366 = vector.broadcast %parallel_loop3A_365 : i32 to vector<16xi32>
        %parallel_loop3A_367 = arith.addi %parallel_loop3A_366, %parallel_loop3A_364 : vector<16xi32>
        tpu.vector_store_idx %arg7[%parallel_loop3A_57, %parallel_loop3A_367], %parallel_loop3A_354 : memref<16x256xf32, #tpu.memory_space<vmem>>[vector<16xi32>, vector<16xi32>], vector<16xf32>,
        tpu.vector_store_idx %arg8[%parallel_loop3A_57, %parallel_loop3A_367], %parallel_loop3A_358 : memref<16x256xi32, #tpu.memory_space<vmem>>[vector<16xi32>, vector<16xi32>], vector<16xi32>,
        %parallel_loop3A_368 = arith.constant 4 : i32
        %parallel_loop3A_369 = arith.addi %parallel_loop3A_59, %parallel_loop3A_368 : i32
        %parallel_loop3A_370 = arith.index_cast %parallel_loop3A_369 : i32 to index
        %parallel_loop3A_371 = arith.constant 0 : index
        %parallel_loop3A_372 = tpu.vector_load %arg4[%parallel_loop3A_370, %parallel_loop3A_371] {strides = array<i32>} : memref<256x128xf32, #tpu.memory_space<vmem>>, vector<16xf32>,
        %parallel_loop3A_373 = arith.index_cast %parallel_loop3A_369 : i32 to index
        %parallel_loop3A_374 = arith.constant 16 : index
        %parallel_loop3A_375 = tpu.vector_load %arg4[%parallel_loop3A_373, %parallel_loop3A_374] {strides = array<i32>} : memref<256x128xf32, #tpu.memory_space<vmem>>, vector<16xf32>,
        %parallel_loop3A_376 = arith.cmpf ogt, %parallel_loop3A_375, %parallel_loop3A_372 : vector<16xf32>
        %parallel_loop3A_377 = arith.select %parallel_loop3A_376, %parallel_loop3A_375, %parallel_loop3A_372 : vector<16xi1>, vector<16xf32>
        %parallel_loop3A_378 = arith.constant 16 : i32
        %parallel_loop3A_379 = vector.broadcast %parallel_loop3A_378 : i32 to vector<16xi32>
        %parallel_loop3A_380 = arith.addi %iota3A, %parallel_loop3A_379 : vector<16xi32>
        %parallel_loop3A_381 = arith.select %parallel_loop3A_376, %parallel_loop3A_380, %iota3A : vector<16xi1>, vector<16xi32>
        %parallel_loop3A_382 = arith.index_cast %parallel_loop3A_369 : i32 to index
        %parallel_loop3A_383 = arith.constant 32 : index
        %parallel_loop3A_384 = tpu.vector_load %arg4[%parallel_loop3A_382, %parallel_loop3A_383] {strides = array<i32>} : memref<256x128xf32, #tpu.memory_space<vmem>>, vector<16xf32>,
        %parallel_loop3A_385 = arith.cmpf ogt, %parallel_loop3A_384, %parallel_loop3A_377 : vector<16xf32>
        %parallel_loop3A_386 = arith.select %parallel_loop3A_385, %parallel_loop3A_384, %parallel_loop3A_377 : vector<16xi1>, vector<16xf32>
        %parallel_loop3A_387 = arith.constant 32 : i32
        %parallel_loop3A_388 = vector.broadcast %parallel_loop3A_387 : i32 to vector<16xi32>
        %parallel_loop3A_389 = arith.addi %iota3A, %parallel_loop3A_388 : vector<16xi32>
        %parallel_loop3A_390 = arith.select %parallel_loop3A_385, %parallel_loop3A_389, %parallel_loop3A_381 : vector<16xi1>, vector<16xi32>
        %parallel_loop3A_391 = arith.index_cast %parallel_loop3A_369 : i32 to index
        %parallel_loop3A_392 = arith.constant 48 : index
        %parallel_loop3A_393 = tpu.vector_load %arg4[%parallel_loop3A_391, %parallel_loop3A_392] {strides = array<i32>} : memref<256x128xf32, #tpu.memory_space<vmem>>, vector<16xf32>,
        %parallel_loop3A_394 = arith.cmpf ogt, %parallel_loop3A_393, %parallel_loop3A_386 : vector<16xf32>
        %parallel_loop3A_395 = arith.select %parallel_loop3A_394, %parallel_loop3A_393, %parallel_loop3A_386 : vector<16xi1>, vector<16xf32>
        %parallel_loop3A_396 = arith.constant 48 : i32
        %parallel_loop3A_397 = vector.broadcast %parallel_loop3A_396 : i32 to vector<16xi32>
        %parallel_loop3A_398 = arith.addi %iota3A, %parallel_loop3A_397 : vector<16xi32>
        %parallel_loop3A_399 = arith.select %parallel_loop3A_394, %parallel_loop3A_398, %parallel_loop3A_390 : vector<16xi1>, vector<16xi32>
        %parallel_loop3A_400 = arith.index_cast %parallel_loop3A_369 : i32 to index
        %parallel_loop3A_401 = arith.constant 64 : index
        %parallel_loop3A_402 = tpu.vector_load %arg4[%parallel_loop3A_400, %parallel_loop3A_401] {strides = array<i32>} : memref<256x128xf32, #tpu.memory_space<vmem>>, vector<16xf32>,
        %parallel_loop3A_403 = arith.cmpf ogt, %parallel_loop3A_402, %parallel_loop3A_395 : vector<16xf32>
        %parallel_loop3A_404 = arith.select %parallel_loop3A_403, %parallel_loop3A_402, %parallel_loop3A_395 : vector<16xi1>, vector<16xf32>
        %parallel_loop3A_405 = arith.constant 64 : i32
        %parallel_loop3A_406 = vector.broadcast %parallel_loop3A_405 : i32 to vector<16xi32>
        %parallel_loop3A_407 = arith.addi %iota3A, %parallel_loop3A_406 : vector<16xi32>
        %parallel_loop3A_408 = arith.select %parallel_loop3A_403, %parallel_loop3A_407, %parallel_loop3A_399 : vector<16xi1>, vector<16xi32>
        %parallel_loop3A_409 = arith.index_cast %parallel_loop3A_369 : i32 to index
        %parallel_loop3A_410 = arith.constant 80 : index
        %parallel_loop3A_411 = tpu.vector_load %arg4[%parallel_loop3A_409, %parallel_loop3A_410] {strides = array<i32>} : memref<256x128xf32, #tpu.memory_space<vmem>>, vector<16xf32>,
        %parallel_loop3A_412 = arith.cmpf ogt, %parallel_loop3A_411, %parallel_loop3A_404 : vector<16xf32>
        %parallel_loop3A_413 = arith.select %parallel_loop3A_412, %parallel_loop3A_411, %parallel_loop3A_404 : vector<16xi1>, vector<16xf32>
        %parallel_loop3A_414 = arith.constant 80 : i32
        %parallel_loop3A_415 = vector.broadcast %parallel_loop3A_414 : i32 to vector<16xi32>
        %parallel_loop3A_416 = arith.addi %iota3A, %parallel_loop3A_415 : vector<16xi32>
        %parallel_loop3A_417 = arith.select %parallel_loop3A_412, %parallel_loop3A_416, %parallel_loop3A_408 : vector<16xi1>, vector<16xi32>
        %parallel_loop3A_418 = arith.index_cast %parallel_loop3A_369 : i32 to index
        %parallel_loop3A_419 = arith.constant 96 : index
        %parallel_loop3A_420 = tpu.vector_load %arg4[%parallel_loop3A_418, %parallel_loop3A_419] {strides = array<i32>} : memref<256x128xf32, #tpu.memory_space<vmem>>, vector<16xf32>,
        %parallel_loop3A_421 = arith.cmpf ogt, %parallel_loop3A_420, %parallel_loop3A_413 : vector<16xf32>
        %parallel_loop3A_422 = arith.select %parallel_loop3A_421, %parallel_loop3A_420, %parallel_loop3A_413 : vector<16xi1>, vector<16xf32>
        %parallel_loop3A_423 = arith.constant 96 : i32
        %parallel_loop3A_424 = vector.broadcast %parallel_loop3A_423 : i32 to vector<16xi32>
        %parallel_loop3A_425 = arith.addi %iota3A, %parallel_loop3A_424 : vector<16xi32>
        %parallel_loop3A_426 = arith.select %parallel_loop3A_421, %parallel_loop3A_425, %parallel_loop3A_417 : vector<16xi1>, vector<16xi32>
        %parallel_loop3A_427 = arith.index_cast %parallel_loop3A_369 : i32 to index
        %parallel_loop3A_428 = arith.constant 112 : index
        %parallel_loop3A_429 = tpu.vector_load %arg4[%parallel_loop3A_427, %parallel_loop3A_428] {strides = array<i32>} : memref<256x128xf32, #tpu.memory_space<vmem>>, vector<16xf32>,
        %parallel_loop3A_430 = arith.cmpf ogt, %parallel_loop3A_429, %parallel_loop3A_422 : vector<16xf32>
        %parallel_loop3A_431 = arith.select %parallel_loop3A_430, %parallel_loop3A_429, %parallel_loop3A_422 : vector<16xi1>, vector<16xf32>
        %parallel_loop3A_432 = arith.constant 112 : i32
        %parallel_loop3A_433 = vector.broadcast %parallel_loop3A_432 : i32 to vector<16xi32>
        %parallel_loop3A_434 = arith.addi %iota3A, %parallel_loop3A_433 : vector<16xi32>
        %parallel_loop3A_435 = arith.select %parallel_loop3A_430, %parallel_loop3A_434, %parallel_loop3A_426 : vector<16xi1>, vector<16xi32>
        %parallel_loop3A_436 = arith.constant 4 : i32
        %parallel_loop3A_437 = vector.broadcast %parallel_loop3A_436 : i32 to vector<16xi32>
        %parallel_loop3A_438 = arith.addi %iota3A, %parallel_loop3A_437 : vector<16xi32>
        %parallel_loop3A_439 = arith.constant 15 : i32
        %parallel_loop3A_440 = vector.broadcast %parallel_loop3A_439 : i32 to vector<16xi32>
        %parallel_loop3A_441 = arith.andi %parallel_loop3A_438, %parallel_loop3A_440 : vector<16xi32>
        %parallel_loop3A_442 = arith.constant 64 : i32
        %parallel_loop3A_443 = vector.broadcast %parallel_loop3A_442 : i32 to vector<16xi32>
        %parallel_loop3A_444 = arith.addi %parallel_loop3A_443, %parallel_loop3A_441 : vector<16xi32>
        tpu.vector_store_idx %arg7[%parallel_loop3A_57, %parallel_loop3A_444], %parallel_loop3A_431 : memref<16x256xf32, #tpu.memory_space<vmem>>[vector<16xi32>, vector<16xi32>], vector<16xf32>,
        tpu.vector_store_idx %arg8[%parallel_loop3A_57, %parallel_loop3A_444], %parallel_loop3A_435 : memref<16x256xi32, #tpu.memory_space<vmem>>[vector<16xi32>, vector<16xi32>], vector<16xi32>,
        %parallel_loop3A_445 = arith.constant 5 : i32
        %parallel_loop3A_446 = arith.addi %parallel_loop3A_59, %parallel_loop3A_445 : i32
        %parallel_loop3A_447 = arith.index_cast %parallel_loop3A_446 : i32 to index
        %parallel_loop3A_448 = arith.constant 0 : index
        %parallel_loop3A_449 = tpu.vector_load %arg4[%parallel_loop3A_447, %parallel_loop3A_448] {strides = array<i32>} : memref<256x128xf32, #tpu.memory_space<vmem>>, vector<16xf32>,
        %parallel_loop3A_450 = arith.index_cast %parallel_loop3A_446 : i32 to index
        %parallel_loop3A_451 = arith.constant 16 : index
        %parallel_loop3A_452 = tpu.vector_load %arg4[%parallel_loop3A_450, %parallel_loop3A_451] {strides = array<i32>} : memref<256x128xf32, #tpu.memory_space<vmem>>, vector<16xf32>,
        %parallel_loop3A_453 = arith.cmpf ogt, %parallel_loop3A_452, %parallel_loop3A_449 : vector<16xf32>
        %parallel_loop3A_454 = arith.select %parallel_loop3A_453, %parallel_loop3A_452, %parallel_loop3A_449 : vector<16xi1>, vector<16xf32>
        %parallel_loop3A_455 = arith.constant 16 : i32
        %parallel_loop3A_456 = vector.broadcast %parallel_loop3A_455 : i32 to vector<16xi32>
        %parallel_loop3A_457 = arith.addi %iota3A, %parallel_loop3A_456 : vector<16xi32>
        %parallel_loop3A_458 = arith.select %parallel_loop3A_453, %parallel_loop3A_457, %iota3A : vector<16xi1>, vector<16xi32>
        %parallel_loop3A_459 = arith.index_cast %parallel_loop3A_446 : i32 to index
        %parallel_loop3A_460 = arith.constant 32 : index
        %parallel_loop3A_461 = tpu.vector_load %arg4[%parallel_loop3A_459, %parallel_loop3A_460] {strides = array<i32>} : memref<256x128xf32, #tpu.memory_space<vmem>>, vector<16xf32>,
        %parallel_loop3A_462 = arith.cmpf ogt, %parallel_loop3A_461, %parallel_loop3A_454 : vector<16xf32>
        %parallel_loop3A_463 = arith.select %parallel_loop3A_462, %parallel_loop3A_461, %parallel_loop3A_454 : vector<16xi1>, vector<16xf32>
        %parallel_loop3A_464 = arith.constant 32 : i32
        %parallel_loop3A_465 = vector.broadcast %parallel_loop3A_464 : i32 to vector<16xi32>
        %parallel_loop3A_466 = arith.addi %iota3A, %parallel_loop3A_465 : vector<16xi32>
        %parallel_loop3A_467 = arith.select %parallel_loop3A_462, %parallel_loop3A_466, %parallel_loop3A_458 : vector<16xi1>, vector<16xi32>
        %parallel_loop3A_468 = arith.index_cast %parallel_loop3A_446 : i32 to index
        %parallel_loop3A_469 = arith.constant 48 : index
        %parallel_loop3A_470 = tpu.vector_load %arg4[%parallel_loop3A_468, %parallel_loop3A_469] {strides = array<i32>} : memref<256x128xf32, #tpu.memory_space<vmem>>, vector<16xf32>,
        %parallel_loop3A_471 = arith.cmpf ogt, %parallel_loop3A_470, %parallel_loop3A_463 : vector<16xf32>
        %parallel_loop3A_472 = arith.select %parallel_loop3A_471, %parallel_loop3A_470, %parallel_loop3A_463 : vector<16xi1>, vector<16xf32>
        %parallel_loop3A_473 = arith.constant 48 : i32
        %parallel_loop3A_474 = vector.broadcast %parallel_loop3A_473 : i32 to vector<16xi32>
        %parallel_loop3A_475 = arith.addi %iota3A, %parallel_loop3A_474 : vector<16xi32>
        %parallel_loop3A_476 = arith.select %parallel_loop3A_471, %parallel_loop3A_475, %parallel_loop3A_467 : vector<16xi1>, vector<16xi32>
        %parallel_loop3A_477 = arith.index_cast %parallel_loop3A_446 : i32 to index
        %parallel_loop3A_478 = arith.constant 64 : index
        %parallel_loop3A_479 = tpu.vector_load %arg4[%parallel_loop3A_477, %parallel_loop3A_478] {strides = array<i32>} : memref<256x128xf32, #tpu.memory_space<vmem>>, vector<16xf32>,
        %parallel_loop3A_480 = arith.cmpf ogt, %parallel_loop3A_479, %parallel_loop3A_472 : vector<16xf32>
        %parallel_loop3A_481 = arith.select %parallel_loop3A_480, %parallel_loop3A_479, %parallel_loop3A_472 : vector<16xi1>, vector<16xf32>
        %parallel_loop3A_482 = arith.constant 64 : i32
        %parallel_loop3A_483 = vector.broadcast %parallel_loop3A_482 : i32 to vector<16xi32>
        %parallel_loop3A_484 = arith.addi %iota3A, %parallel_loop3A_483 : vector<16xi32>
        %parallel_loop3A_485 = arith.select %parallel_loop3A_480, %parallel_loop3A_484, %parallel_loop3A_476 : vector<16xi1>, vector<16xi32>
        %parallel_loop3A_486 = arith.index_cast %parallel_loop3A_446 : i32 to index
        %parallel_loop3A_487 = arith.constant 80 : index
        %parallel_loop3A_488 = tpu.vector_load %arg4[%parallel_loop3A_486, %parallel_loop3A_487] {strides = array<i32>} : memref<256x128xf32, #tpu.memory_space<vmem>>, vector<16xf32>,
        %parallel_loop3A_489 = arith.cmpf ogt, %parallel_loop3A_488, %parallel_loop3A_481 : vector<16xf32>
        %parallel_loop3A_490 = arith.select %parallel_loop3A_489, %parallel_loop3A_488, %parallel_loop3A_481 : vector<16xi1>, vector<16xf32>
        %parallel_loop3A_491 = arith.constant 80 : i32
        %parallel_loop3A_492 = vector.broadcast %parallel_loop3A_491 : i32 to vector<16xi32>
        %parallel_loop3A_493 = arith.addi %iota3A, %parallel_loop3A_492 : vector<16xi32>
        %parallel_loop3A_494 = arith.select %parallel_loop3A_489, %parallel_loop3A_493, %parallel_loop3A_485 : vector<16xi1>, vector<16xi32>
        %parallel_loop3A_495 = arith.index_cast %parallel_loop3A_446 : i32 to index
        %parallel_loop3A_496 = arith.constant 96 : index
        %parallel_loop3A_497 = tpu.vector_load %arg4[%parallel_loop3A_495, %parallel_loop3A_496] {strides = array<i32>} : memref<256x128xf32, #tpu.memory_space<vmem>>, vector<16xf32>,
        %parallel_loop3A_498 = arith.cmpf ogt, %parallel_loop3A_497, %parallel_loop3A_490 : vector<16xf32>
        %parallel_loop3A_499 = arith.select %parallel_loop3A_498, %parallel_loop3A_497, %parallel_loop3A_490 : vector<16xi1>, vector<16xf32>
        %parallel_loop3A_500 = arith.constant 96 : i32
        %parallel_loop3A_501 = vector.broadcast %parallel_loop3A_500 : i32 to vector<16xi32>
        %parallel_loop3A_502 = arith.addi %iota3A, %parallel_loop3A_501 : vector<16xi32>
        %parallel_loop3A_503 = arith.select %parallel_loop3A_498, %parallel_loop3A_502, %parallel_loop3A_494 : vector<16xi1>, vector<16xi32>
        %parallel_loop3A_504 = arith.index_cast %parallel_loop3A_446 : i32 to index
        %parallel_loop3A_505 = arith.constant 112 : index
        %parallel_loop3A_506 = tpu.vector_load %arg4[%parallel_loop3A_504, %parallel_loop3A_505] {strides = array<i32>} : memref<256x128xf32, #tpu.memory_space<vmem>>, vector<16xf32>,
        %parallel_loop3A_507 = arith.cmpf ogt, %parallel_loop3A_506, %parallel_loop3A_499 : vector<16xf32>
        %parallel_loop3A_508 = arith.select %parallel_loop3A_507, %parallel_loop3A_506, %parallel_loop3A_499 : vector<16xi1>, vector<16xf32>
        %parallel_loop3A_509 = arith.constant 112 : i32
        %parallel_loop3A_510 = vector.broadcast %parallel_loop3A_509 : i32 to vector<16xi32>
        %parallel_loop3A_511 = arith.addi %iota3A, %parallel_loop3A_510 : vector<16xi32>
        %parallel_loop3A_512 = arith.select %parallel_loop3A_507, %parallel_loop3A_511, %parallel_loop3A_503 : vector<16xi1>, vector<16xi32>
        %parallel_loop3A_513 = arith.constant 5 : i32
        %parallel_loop3A_514 = vector.broadcast %parallel_loop3A_513 : i32 to vector<16xi32>
        %parallel_loop3A_515 = arith.addi %iota3A, %parallel_loop3A_514 : vector<16xi32>
        %parallel_loop3A_516 = arith.constant 15 : i32
        %parallel_loop3A_517 = vector.broadcast %parallel_loop3A_516 : i32 to vector<16xi32>
        %parallel_loop3A_518 = arith.andi %parallel_loop3A_515, %parallel_loop3A_517 : vector<16xi32>
        %parallel_loop3A_519 = arith.constant 80 : i32
        %parallel_loop3A_520 = vector.broadcast %parallel_loop3A_519 : i32 to vector<16xi32>
        %parallel_loop3A_521 = arith.addi %parallel_loop3A_520, %parallel_loop3A_518 : vector<16xi32>
        tpu.vector_store_idx %arg7[%parallel_loop3A_57, %parallel_loop3A_521], %parallel_loop3A_508 : memref<16x256xf32, #tpu.memory_space<vmem>>[vector<16xi32>, vector<16xi32>], vector<16xf32>,
        tpu.vector_store_idx %arg8[%parallel_loop3A_57, %parallel_loop3A_521], %parallel_loop3A_512 : memref<16x256xi32, #tpu.memory_space<vmem>>[vector<16xi32>, vector<16xi32>], vector<16xi32>,
        %parallel_loop3A_522 = arith.constant 6 : i32
        %parallel_loop3A_523 = arith.addi %parallel_loop3A_59, %parallel_loop3A_522 : i32
        %parallel_loop3A_524 = arith.index_cast %parallel_loop3A_523 : i32 to index
        %parallel_loop3A_525 = arith.constant 0 : index
        %parallel_loop3A_526 = tpu.vector_load %arg4[%parallel_loop3A_524, %parallel_loop3A_525] {strides = array<i32>} : memref<256x128xf32, #tpu.memory_space<vmem>>, vector<16xf32>,
        %parallel_loop3A_527 = arith.index_cast %parallel_loop3A_523 : i32 to index
        %parallel_loop3A_528 = arith.constant 16 : index
        %parallel_loop3A_529 = tpu.vector_load %arg4[%parallel_loop3A_527, %parallel_loop3A_528] {strides = array<i32>} : memref<256x128xf32, #tpu.memory_space<vmem>>, vector<16xf32>,
        %parallel_loop3A_530 = arith.cmpf ogt, %parallel_loop3A_529, %parallel_loop3A_526 : vector<16xf32>
        %parallel_loop3A_531 = arith.select %parallel_loop3A_530, %parallel_loop3A_529, %parallel_loop3A_526 : vector<16xi1>, vector<16xf32>
        %parallel_loop3A_532 = arith.constant 16 : i32
        %parallel_loop3A_533 = vector.broadcast %parallel_loop3A_532 : i32 to vector<16xi32>
        %parallel_loop3A_534 = arith.addi %iota3A, %parallel_loop3A_533 : vector<16xi32>
        %parallel_loop3A_535 = arith.select %parallel_loop3A_530, %parallel_loop3A_534, %iota3A : vector<16xi1>, vector<16xi32>
        %parallel_loop3A_536 = arith.index_cast %parallel_loop3A_523 : i32 to index
        %parallel_loop3A_537 = arith.constant 32 : index
        %parallel_loop3A_538 = tpu.vector_load %arg4[%parallel_loop3A_536, %parallel_loop3A_537] {strides = array<i32>} : memref<256x128xf32, #tpu.memory_space<vmem>>, vector<16xf32>,
        %parallel_loop3A_539 = arith.cmpf ogt, %parallel_loop3A_538, %parallel_loop3A_531 : vector<16xf32>
        %parallel_loop3A_540 = arith.select %parallel_loop3A_539, %parallel_loop3A_538, %parallel_loop3A_531 : vector<16xi1>, vector<16xf32>
        %parallel_loop3A_541 = arith.constant 32 : i32
        %parallel_loop3A_542 = vector.broadcast %parallel_loop3A_541 : i32 to vector<16xi32>
        %parallel_loop3A_543 = arith.addi %iota3A, %parallel_loop3A_542 : vector<16xi32>
        %parallel_loop3A_544 = arith.select %parallel_loop3A_539, %parallel_loop3A_543, %parallel_loop3A_535 : vector<16xi1>, vector<16xi32>
        %parallel_loop3A_545 = arith.index_cast %parallel_loop3A_523 : i32 to index
        %parallel_loop3A_546 = arith.constant 48 : index
        %parallel_loop3A_547 = tpu.vector_load %arg4[%parallel_loop3A_545, %parallel_loop3A_546] {strides = array<i32>} : memref<256x128xf32, #tpu.memory_space<vmem>>, vector<16xf32>,
        %parallel_loop3A_548 = arith.cmpf ogt, %parallel_loop3A_547, %parallel_loop3A_540 : vector<16xf32>
        %parallel_loop3A_549 = arith.select %parallel_loop3A_548, %parallel_loop3A_547, %parallel_loop3A_540 : vector<16xi1>, vector<16xf32>
        %parallel_loop3A_550 = arith.constant 48 : i32
        %parallel_loop3A_551 = vector.broadcast %parallel_loop3A_550 : i32 to vector<16xi32>
        %parallel_loop3A_552 = arith.addi %iota3A, %parallel_loop3A_551 : vector<16xi32>
        %parallel_loop3A_553 = arith.select %parallel_loop3A_548, %parallel_loop3A_552, %parallel_loop3A_544 : vector<16xi1>, vector<16xi32>
        %parallel_loop3A_554 = arith.index_cast %parallel_loop3A_523 : i32 to index
        %parallel_loop3A_555 = arith.constant 64 : index
        %parallel_loop3A_556 = tpu.vector_load %arg4[%parallel_loop3A_554, %parallel_loop3A_555] {strides = array<i32>} : memref<256x128xf32, #tpu.memory_space<vmem>>, vector<16xf32>,
        %parallel_loop3A_557 = arith.cmpf ogt, %parallel_loop3A_556, %parallel_loop3A_549 : vector<16xf32>
        %parallel_loop3A_558 = arith.select %parallel_loop3A_557, %parallel_loop3A_556, %parallel_loop3A_549 : vector<16xi1>, vector<16xf32>
        %parallel_loop3A_559 = arith.constant 64 : i32
        %parallel_loop3A_560 = vector.broadcast %parallel_loop3A_559 : i32 to vector<16xi32>
        %parallel_loop3A_561 = arith.addi %iota3A, %parallel_loop3A_560 : vector<16xi32>
        %parallel_loop3A_562 = arith.select %parallel_loop3A_557, %parallel_loop3A_561, %parallel_loop3A_553 : vector<16xi1>, vector<16xi32>
        %parallel_loop3A_563 = arith.index_cast %parallel_loop3A_523 : i32 to index
        %parallel_loop3A_564 = arith.constant 80 : index
        %parallel_loop3A_565 = tpu.vector_load %arg4[%parallel_loop3A_563, %parallel_loop3A_564] {strides = array<i32>} : memref<256x128xf32, #tpu.memory_space<vmem>>, vector<16xf32>,
        %parallel_loop3A_566 = arith.cmpf ogt, %parallel_loop3A_565, %parallel_loop3A_558 : vector<16xf32>
        %parallel_loop3A_567 = arith.select %parallel_loop3A_566, %parallel_loop3A_565, %parallel_loop3A_558 : vector<16xi1>, vector<16xf32>
        %parallel_loop3A_568 = arith.constant 80 : i32
        %parallel_loop3A_569 = vector.broadcast %parallel_loop3A_568 : i32 to vector<16xi32>
        %parallel_loop3A_570 = arith.addi %iota3A, %parallel_loop3A_569 : vector<16xi32>
        %parallel_loop3A_571 = arith.select %parallel_loop3A_566, %parallel_loop3A_570, %parallel_loop3A_562 : vector<16xi1>, vector<16xi32>
        %parallel_loop3A_572 = arith.index_cast %parallel_loop3A_523 : i32 to index
        %parallel_loop3A_573 = arith.constant 96 : index
        %parallel_loop3A_574 = tpu.vector_load %arg4[%parallel_loop3A_572, %parallel_loop3A_573] {strides = array<i32>} : memref<256x128xf32, #tpu.memory_space<vmem>>, vector<16xf32>,
        %parallel_loop3A_575 = arith.cmpf ogt, %parallel_loop3A_574, %parallel_loop3A_567 : vector<16xf32>
        %parallel_loop3A_576 = arith.select %parallel_loop3A_575, %parallel_loop3A_574, %parallel_loop3A_567 : vector<16xi1>, vector<16xf32>
        %parallel_loop3A_577 = arith.constant 96 : i32
        %parallel_loop3A_578 = vector.broadcast %parallel_loop3A_577 : i32 to vector<16xi32>
        %parallel_loop3A_579 = arith.addi %iota3A, %parallel_loop3A_578 : vector<16xi32>
        %parallel_loop3A_580 = arith.select %parallel_loop3A_575, %parallel_loop3A_579, %parallel_loop3A_571 : vector<16xi1>, vector<16xi32>
        %parallel_loop3A_581 = arith.index_cast %parallel_loop3A_523 : i32 to index
        %parallel_loop3A_582 = arith.constant 112 : index
        %parallel_loop3A_583 = tpu.vector_load %arg4[%parallel_loop3A_581, %parallel_loop3A_582] {strides = array<i32>} : memref<256x128xf32, #tpu.memory_space<vmem>>, vector<16xf32>,
        %parallel_loop3A_584 = arith.cmpf ogt, %parallel_loop3A_583, %parallel_loop3A_576 : vector<16xf32>
        %parallel_loop3A_585 = arith.select %parallel_loop3A_584, %parallel_loop3A_583, %parallel_loop3A_576 : vector<16xi1>, vector<16xf32>
        %parallel_loop3A_586 = arith.constant 112 : i32
        %parallel_loop3A_587 = vector.broadcast %parallel_loop3A_586 : i32 to vector<16xi32>
        %parallel_loop3A_588 = arith.addi %iota3A, %parallel_loop3A_587 : vector<16xi32>
        %parallel_loop3A_589 = arith.select %parallel_loop3A_584, %parallel_loop3A_588, %parallel_loop3A_580 : vector<16xi1>, vector<16xi32>
        %parallel_loop3A_590 = arith.constant 6 : i32
        %parallel_loop3A_591 = vector.broadcast %parallel_loop3A_590 : i32 to vector<16xi32>
        %parallel_loop3A_592 = arith.addi %iota3A, %parallel_loop3A_591 : vector<16xi32>
        %parallel_loop3A_593 = arith.constant 15 : i32
        %parallel_loop3A_594 = vector.broadcast %parallel_loop3A_593 : i32 to vector<16xi32>
        %parallel_loop3A_595 = arith.andi %parallel_loop3A_592, %parallel_loop3A_594 : vector<16xi32>
        %parallel_loop3A_596 = arith.constant 96 : i32
        %parallel_loop3A_597 = vector.broadcast %parallel_loop3A_596 : i32 to vector<16xi32>
        %parallel_loop3A_598 = arith.addi %parallel_loop3A_597, %parallel_loop3A_595 : vector<16xi32>
        tpu.vector_store_idx %arg7[%parallel_loop3A_57, %parallel_loop3A_598], %parallel_loop3A_585 : memref<16x256xf32, #tpu.memory_space<vmem>>[vector<16xi32>, vector<16xi32>], vector<16xf32>,
        tpu.vector_store_idx %arg8[%parallel_loop3A_57, %parallel_loop3A_598], %parallel_loop3A_589 : memref<16x256xi32, #tpu.memory_space<vmem>>[vector<16xi32>, vector<16xi32>], vector<16xi32>,
        %parallel_loop3A_599 = arith.constant 7 : i32
        %parallel_loop3A_600 = arith.addi %parallel_loop3A_59, %parallel_loop3A_599 : i32
        %parallel_loop3A_601 = arith.index_cast %parallel_loop3A_600 : i32 to index
        %parallel_loop3A_602 = arith.constant 0 : index
        %parallel_loop3A_603 = tpu.vector_load %arg4[%parallel_loop3A_601, %parallel_loop3A_602] {strides = array<i32>} : memref<256x128xf32, #tpu.memory_space<vmem>>, vector<16xf32>,
        %parallel_loop3A_604 = arith.index_cast %parallel_loop3A_600 : i32 to index
        %parallel_loop3A_605 = arith.constant 16 : index
        %parallel_loop3A_606 = tpu.vector_load %arg4[%parallel_loop3A_604, %parallel_loop3A_605] {strides = array<i32>} : memref<256x128xf32, #tpu.memory_space<vmem>>, vector<16xf32>,
        %parallel_loop3A_607 = arith.cmpf ogt, %parallel_loop3A_606, %parallel_loop3A_603 : vector<16xf32>
        %parallel_loop3A_608 = arith.select %parallel_loop3A_607, %parallel_loop3A_606, %parallel_loop3A_603 : vector<16xi1>, vector<16xf32>
        %parallel_loop3A_609 = arith.constant 16 : i32
        %parallel_loop3A_610 = vector.broadcast %parallel_loop3A_609 : i32 to vector<16xi32>
        %parallel_loop3A_611 = arith.addi %iota3A, %parallel_loop3A_610 : vector<16xi32>
        %parallel_loop3A_612 = arith.select %parallel_loop3A_607, %parallel_loop3A_611, %iota3A : vector<16xi1>, vector<16xi32>
        %parallel_loop3A_613 = arith.index_cast %parallel_loop3A_600 : i32 to index
        %parallel_loop3A_614 = arith.constant 32 : index
        %parallel_loop3A_615 = tpu.vector_load %arg4[%parallel_loop3A_613, %parallel_loop3A_614] {strides = array<i32>} : memref<256x128xf32, #tpu.memory_space<vmem>>, vector<16xf32>,
        %parallel_loop3A_616 = arith.cmpf ogt, %parallel_loop3A_615, %parallel_loop3A_608 : vector<16xf32>
        %parallel_loop3A_617 = arith.select %parallel_loop3A_616, %parallel_loop3A_615, %parallel_loop3A_608 : vector<16xi1>, vector<16xf32>
        %parallel_loop3A_618 = arith.constant 32 : i32
        %parallel_loop3A_619 = vector.broadcast %parallel_loop3A_618 : i32 to vector<16xi32>
        %parallel_loop3A_620 = arith.addi %iota3A, %parallel_loop3A_619 : vector<16xi32>
        %parallel_loop3A_621 = arith.select %parallel_loop3A_616, %parallel_loop3A_620, %parallel_loop3A_612 : vector<16xi1>, vector<16xi32>
        %parallel_loop3A_622 = arith.index_cast %parallel_loop3A_600 : i32 to index
        %parallel_loop3A_623 = arith.constant 48 : index
        %parallel_loop3A_624 = tpu.vector_load %arg4[%parallel_loop3A_622, %parallel_loop3A_623] {strides = array<i32>} : memref<256x128xf32, #tpu.memory_space<vmem>>, vector<16xf32>,
        %parallel_loop3A_625 = arith.cmpf ogt, %parallel_loop3A_624, %parallel_loop3A_617 : vector<16xf32>
        %parallel_loop3A_626 = arith.select %parallel_loop3A_625, %parallel_loop3A_624, %parallel_loop3A_617 : vector<16xi1>, vector<16xf32>
        %parallel_loop3A_627 = arith.constant 48 : i32
        %parallel_loop3A_628 = vector.broadcast %parallel_loop3A_627 : i32 to vector<16xi32>
        %parallel_loop3A_629 = arith.addi %iota3A, %parallel_loop3A_628 : vector<16xi32>
        %parallel_loop3A_630 = arith.select %parallel_loop3A_625, %parallel_loop3A_629, %parallel_loop3A_621 : vector<16xi1>, vector<16xi32>
        %parallel_loop3A_631 = arith.index_cast %parallel_loop3A_600 : i32 to index
        %parallel_loop3A_632 = arith.constant 64 : index
        %parallel_loop3A_633 = tpu.vector_load %arg4[%parallel_loop3A_631, %parallel_loop3A_632] {strides = array<i32>} : memref<256x128xf32, #tpu.memory_space<vmem>>, vector<16xf32>,
        %parallel_loop3A_634 = arith.cmpf ogt, %parallel_loop3A_633, %parallel_loop3A_626 : vector<16xf32>
        %parallel_loop3A_635 = arith.select %parallel_loop3A_634, %parallel_loop3A_633, %parallel_loop3A_626 : vector<16xi1>, vector<16xf32>
        %parallel_loop3A_636 = arith.constant 64 : i32
        %parallel_loop3A_637 = vector.broadcast %parallel_loop3A_636 : i32 to vector<16xi32>
        %parallel_loop3A_638 = arith.addi %iota3A, %parallel_loop3A_637 : vector<16xi32>
        %parallel_loop3A_639 = arith.select %parallel_loop3A_634, %parallel_loop3A_638, %parallel_loop3A_630 : vector<16xi1>, vector<16xi32>
        %parallel_loop3A_640 = arith.index_cast %parallel_loop3A_600 : i32 to index
        %parallel_loop3A_641 = arith.constant 80 : index
        %parallel_loop3A_642 = tpu.vector_load %arg4[%parallel_loop3A_640, %parallel_loop3A_641] {strides = array<i32>} : memref<256x128xf32, #tpu.memory_space<vmem>>, vector<16xf32>,
        %parallel_loop3A_643 = arith.cmpf ogt, %parallel_loop3A_642, %parallel_loop3A_635 : vector<16xf32>
        %parallel_loop3A_644 = arith.select %parallel_loop3A_643, %parallel_loop3A_642, %parallel_loop3A_635 : vector<16xi1>, vector<16xf32>
        %parallel_loop3A_645 = arith.constant 80 : i32
        %parallel_loop3A_646 = vector.broadcast %parallel_loop3A_645 : i32 to vector<16xi32>
        %parallel_loop3A_647 = arith.addi %iota3A, %parallel_loop3A_646 : vector<16xi32>
        %parallel_loop3A_648 = arith.select %parallel_loop3A_643, %parallel_loop3A_647, %parallel_loop3A_639 : vector<16xi1>, vector<16xi32>
        %parallel_loop3A_649 = arith.index_cast %parallel_loop3A_600 : i32 to index
        %parallel_loop3A_650 = arith.constant 96 : index
        %parallel_loop3A_651 = tpu.vector_load %arg4[%parallel_loop3A_649, %parallel_loop3A_650] {strides = array<i32>} : memref<256x128xf32, #tpu.memory_space<vmem>>, vector<16xf32>,
        %parallel_loop3A_652 = arith.cmpf ogt, %parallel_loop3A_651, %parallel_loop3A_644 : vector<16xf32>
        %parallel_loop3A_653 = arith.select %parallel_loop3A_652, %parallel_loop3A_651, %parallel_loop3A_644 : vector<16xi1>, vector<16xf32>
        %parallel_loop3A_654 = arith.constant 96 : i32
        %parallel_loop3A_655 = vector.broadcast %parallel_loop3A_654 : i32 to vector<16xi32>
        %parallel_loop3A_656 = arith.addi %iota3A, %parallel_loop3A_655 : vector<16xi32>
        %parallel_loop3A_657 = arith.select %parallel_loop3A_652, %parallel_loop3A_656, %parallel_loop3A_648 : vector<16xi1>, vector<16xi32>
        %parallel_loop3A_658 = arith.index_cast %parallel_loop3A_600 : i32 to index
        %parallel_loop3A_659 = arith.constant 112 : index
        %parallel_loop3A_660 = tpu.vector_load %arg4[%parallel_loop3A_658, %parallel_loop3A_659] {strides = array<i32>} : memref<256x128xf32, #tpu.memory_space<vmem>>, vector<16xf32>,
        %parallel_loop3A_661 = arith.cmpf ogt, %parallel_loop3A_660, %parallel_loop3A_653 : vector<16xf32>
        %parallel_loop3A_662 = arith.select %parallel_loop3A_661, %parallel_loop3A_660, %parallel_loop3A_653 : vector<16xi1>, vector<16xf32>
        %parallel_loop3A_663 = arith.constant 112 : i32
        %parallel_loop3A_664 = vector.broadcast %parallel_loop3A_663 : i32 to vector<16xi32>
        %parallel_loop3A_665 = arith.addi %iota3A, %parallel_loop3A_664 : vector<16xi32>
        %parallel_loop3A_666 = arith.select %parallel_loop3A_661, %parallel_loop3A_665, %parallel_loop3A_657 : vector<16xi1>, vector<16xi32>
        %parallel_loop3A_667 = arith.constant 7 : i32
        %parallel_loop3A_668 = vector.broadcast %parallel_loop3A_667 : i32 to vector<16xi32>
        %parallel_loop3A_669 = arith.addi %iota3A, %parallel_loop3A_668 : vector<16xi32>
        %parallel_loop3A_670 = arith.constant 15 : i32
        %parallel_loop3A_671 = vector.broadcast %parallel_loop3A_670 : i32 to vector<16xi32>
        %parallel_loop3A_672 = arith.andi %parallel_loop3A_669, %parallel_loop3A_671 : vector<16xi32>
        %parallel_loop3A_673 = arith.constant 112 : i32
        %parallel_loop3A_674 = vector.broadcast %parallel_loop3A_673 : i32 to vector<16xi32>
        %parallel_loop3A_675 = arith.addi %parallel_loop3A_674, %parallel_loop3A_672 : vector<16xi32>
        tpu.vector_store_idx %arg7[%parallel_loop3A_57, %parallel_loop3A_675], %parallel_loop3A_662 : memref<16x256xf32, #tpu.memory_space<vmem>>[vector<16xi32>, vector<16xi32>], vector<16xf32>,
        tpu.vector_store_idx %arg8[%parallel_loop3A_57, %parallel_loop3A_675], %parallel_loop3A_666 : memref<16x256xi32, #tpu.memory_space<vmem>>[vector<16xi32>, vector<16xi32>], vector<16xi32>,
        %parallel_loop3A_676 = arith.constant 8 : i32
        %parallel_loop3A_677 = arith.addi %parallel_loop3A_59, %parallel_loop3A_676 : i32
        %parallel_loop3A_678 = arith.index_cast %parallel_loop3A_677 : i32 to index
        %parallel_loop3A_679 = arith.constant 0 : index
        %parallel_loop3A_680 = tpu.vector_load %arg4[%parallel_loop3A_678, %parallel_loop3A_679] {strides = array<i32>} : memref<256x128xf32, #tpu.memory_space<vmem>>, vector<16xf32>,
        %parallel_loop3A_681 = arith.index_cast %parallel_loop3A_677 : i32 to index
        %parallel_loop3A_682 = arith.constant 16 : index
        %parallel_loop3A_683 = tpu.vector_load %arg4[%parallel_loop3A_681, %parallel_loop3A_682] {strides = array<i32>} : memref<256x128xf32, #tpu.memory_space<vmem>>, vector<16xf32>,
        %parallel_loop3A_684 = arith.cmpf ogt, %parallel_loop3A_683, %parallel_loop3A_680 : vector<16xf32>
        %parallel_loop3A_685 = arith.select %parallel_loop3A_684, %parallel_loop3A_683, %parallel_loop3A_680 : vector<16xi1>, vector<16xf32>
        %parallel_loop3A_686 = arith.constant 16 : i32
        %parallel_loop3A_687 = vector.broadcast %parallel_loop3A_686 : i32 to vector<16xi32>
        %parallel_loop3A_688 = arith.addi %iota3A, %parallel_loop3A_687 : vector<16xi32>
        %parallel_loop3A_689 = arith.select %parallel_loop3A_684, %parallel_loop3A_688, %iota3A : vector<16xi1>, vector<16xi32>
        %parallel_loop3A_690 = arith.index_cast %parallel_loop3A_677 : i32 to index
        %parallel_loop3A_691 = arith.constant 32 : index
        %parallel_loop3A_692 = tpu.vector_load %arg4[%parallel_loop3A_690, %parallel_loop3A_691] {strides = array<i32>} : memref<256x128xf32, #tpu.memory_space<vmem>>, vector<16xf32>,
        %parallel_loop3A_693 = arith.cmpf ogt, %parallel_loop3A_692, %parallel_loop3A_685 : vector<16xf32>
        %parallel_loop3A_694 = arith.select %parallel_loop3A_693, %parallel_loop3A_692, %parallel_loop3A_685 : vector<16xi1>, vector<16xf32>
        %parallel_loop3A_695 = arith.constant 32 : i32
        %parallel_loop3A_696 = vector.broadcast %parallel_loop3A_695 : i32 to vector<16xi32>
        %parallel_loop3A_697 = arith.addi %iota3A, %parallel_loop3A_696 : vector<16xi32>
        %parallel_loop3A_698 = arith.select %parallel_loop3A_693, %parallel_loop3A_697, %parallel_loop3A_689 : vector<16xi1>, vector<16xi32>
        %parallel_loop3A_699 = arith.index_cast %parallel_loop3A_677 : i32 to index
        %parallel_loop3A_700 = arith.constant 48 : index
        %parallel_loop3A_701 = tpu.vector_load %arg4[%parallel_loop3A_699, %parallel_loop3A_700] {strides = array<i32>} : memref<256x128xf32, #tpu.memory_space<vmem>>, vector<16xf32>,
        %parallel_loop3A_702 = arith.cmpf ogt, %parallel_loop3A_701, %parallel_loop3A_694 : vector<16xf32>
        %parallel_loop3A_703 = arith.select %parallel_loop3A_702, %parallel_loop3A_701, %parallel_loop3A_694 : vector<16xi1>, vector<16xf32>
        %parallel_loop3A_704 = arith.constant 48 : i32
        %parallel_loop3A_705 = vector.broadcast %parallel_loop3A_704 : i32 to vector<16xi32>
        %parallel_loop3A_706 = arith.addi %iota3A, %parallel_loop3A_705 : vector<16xi32>
        %parallel_loop3A_707 = arith.select %parallel_loop3A_702, %parallel_loop3A_706, %parallel_loop3A_698 : vector<16xi1>, vector<16xi32>
        %parallel_loop3A_708 = arith.index_cast %parallel_loop3A_677 : i32 to index
        %parallel_loop3A_709 = arith.constant 64 : index
        %parallel_loop3A_710 = tpu.vector_load %arg4[%parallel_loop3A_708, %parallel_loop3A_709] {strides = array<i32>} : memref<256x128xf32, #tpu.memory_space<vmem>>, vector<16xf32>,
        %parallel_loop3A_711 = arith.cmpf ogt, %parallel_loop3A_710, %parallel_loop3A_703 : vector<16xf32>
        %parallel_loop3A_712 = arith.select %parallel_loop3A_711, %parallel_loop3A_710, %parallel_loop3A_703 : vector<16xi1>, vector<16xf32>
        %parallel_loop3A_713 = arith.constant 64 : i32
        %parallel_loop3A_714 = vector.broadcast %parallel_loop3A_713 : i32 to vector<16xi32>
        %parallel_loop3A_715 = arith.addi %iota3A, %parallel_loop3A_714 : vector<16xi32>
        %parallel_loop3A_716 = arith.select %parallel_loop3A_711, %parallel_loop3A_715, %parallel_loop3A_707 : vector<16xi1>, vector<16xi32>
        %parallel_loop3A_717 = arith.index_cast %parallel_loop3A_677 : i32 to index
        %parallel_loop3A_718 = arith.constant 80 : index
        %parallel_loop3A_719 = tpu.vector_load %arg4[%parallel_loop3A_717, %parallel_loop3A_718] {strides = array<i32>} : memref<256x128xf32, #tpu.memory_space<vmem>>, vector<16xf32>,
        %parallel_loop3A_720 = arith.cmpf ogt, %parallel_loop3A_719, %parallel_loop3A_712 : vector<16xf32>
        %parallel_loop3A_721 = arith.select %parallel_loop3A_720, %parallel_loop3A_719, %parallel_loop3A_712 : vector<16xi1>, vector<16xf32>
        %parallel_loop3A_722 = arith.constant 80 : i32
        %parallel_loop3A_723 = vector.broadcast %parallel_loop3A_722 : i32 to vector<16xi32>
        %parallel_loop3A_724 = arith.addi %iota3A, %parallel_loop3A_723 : vector<16xi32>
        %parallel_loop3A_725 = arith.select %parallel_loop3A_720, %parallel_loop3A_724, %parallel_loop3A_716 : vector<16xi1>, vector<16xi32>
        %parallel_loop3A_726 = arith.index_cast %parallel_loop3A_677 : i32 to index
        %parallel_loop3A_727 = arith.constant 96 : index
        %parallel_loop3A_728 = tpu.vector_load %arg4[%parallel_loop3A_726, %parallel_loop3A_727] {strides = array<i32>} : memref<256x128xf32, #tpu.memory_space<vmem>>, vector<16xf32>,
        %parallel_loop3A_729 = arith.cmpf ogt, %parallel_loop3A_728, %parallel_loop3A_721 : vector<16xf32>
        %parallel_loop3A_730 = arith.select %parallel_loop3A_729, %parallel_loop3A_728, %parallel_loop3A_721 : vector<16xi1>, vector<16xf32>
        %parallel_loop3A_731 = arith.constant 96 : i32
        %parallel_loop3A_732 = vector.broadcast %parallel_loop3A_731 : i32 to vector<16xi32>
        %parallel_loop3A_733 = arith.addi %iota3A, %parallel_loop3A_732 : vector<16xi32>
        %parallel_loop3A_734 = arith.select %parallel_loop3A_729, %parallel_loop3A_733, %parallel_loop3A_725 : vector<16xi1>, vector<16xi32>
        %parallel_loop3A_735 = arith.index_cast %parallel_loop3A_677 : i32 to index
        %parallel_loop3A_736 = arith.constant 112 : index
        %parallel_loop3A_737 = tpu.vector_load %arg4[%parallel_loop3A_735, %parallel_loop3A_736] {strides = array<i32>} : memref<256x128xf32, #tpu.memory_space<vmem>>, vector<16xf32>,
        %parallel_loop3A_738 = arith.cmpf ogt, %parallel_loop3A_737, %parallel_loop3A_730 : vector<16xf32>
        %parallel_loop3A_739 = arith.select %parallel_loop3A_738, %parallel_loop3A_737, %parallel_loop3A_730 : vector<16xi1>, vector<16xf32>
        %parallel_loop3A_740 = arith.constant 112 : i32
        %parallel_loop3A_741 = vector.broadcast %parallel_loop3A_740 : i32 to vector<16xi32>
        %parallel_loop3A_742 = arith.addi %iota3A, %parallel_loop3A_741 : vector<16xi32>
        %parallel_loop3A_743 = arith.select %parallel_loop3A_738, %parallel_loop3A_742, %parallel_loop3A_734 : vector<16xi1>, vector<16xi32>
        %parallel_loop3A_744 = arith.constant 8 : i32
        %parallel_loop3A_745 = vector.broadcast %parallel_loop3A_744 : i32 to vector<16xi32>
        %parallel_loop3A_746 = arith.addi %iota3A, %parallel_loop3A_745 : vector<16xi32>
        %parallel_loop3A_747 = arith.constant 15 : i32
        %parallel_loop3A_748 = vector.broadcast %parallel_loop3A_747 : i32 to vector<16xi32>
        %parallel_loop3A_749 = arith.andi %parallel_loop3A_746, %parallel_loop3A_748 : vector<16xi32>
        %parallel_loop3A_750 = arith.constant 128 : i32
        %parallel_loop3A_751 = vector.broadcast %parallel_loop3A_750 : i32 to vector<16xi32>
        %parallel_loop3A_752 = arith.addi %parallel_loop3A_751, %parallel_loop3A_749 : vector<16xi32>
        tpu.vector_store_idx %arg7[%parallel_loop3A_57, %parallel_loop3A_752], %parallel_loop3A_739 : memref<16x256xf32, #tpu.memory_space<vmem>>[vector<16xi32>, vector<16xi32>], vector<16xf32>,
        tpu.vector_store_idx %arg8[%parallel_loop3A_57, %parallel_loop3A_752], %parallel_loop3A_743 : memref<16x256xi32, #tpu.memory_space<vmem>>[vector<16xi32>, vector<16xi32>], vector<16xi32>,
        %parallel_loop3A_753 = arith.constant 9 : i32
        %parallel_loop3A_754 = arith.addi %parallel_loop3A_59, %parallel_loop3A_753 : i32
        %parallel_loop3A_755 = arith.index_cast %parallel_loop3A_754 : i32 to index
        %parallel_loop3A_756 = arith.constant 0 : index
        %parallel_loop3A_757 = tpu.vector_load %arg4[%parallel_loop3A_755, %parallel_loop3A_756] {strides = array<i32>} : memref<256x128xf32, #tpu.memory_space<vmem>>, vector<16xf32>,
        %parallel_loop3A_758 = arith.index_cast %parallel_loop3A_754 : i32 to index
        %parallel_loop3A_759 = arith.constant 16 : index
        %parallel_loop3A_760 = tpu.vector_load %arg4[%parallel_loop3A_758, %parallel_loop3A_759] {strides = array<i32>} : memref<256x128xf32, #tpu.memory_space<vmem>>, vector<16xf32>,
        %parallel_loop3A_761 = arith.cmpf ogt, %parallel_loop3A_760, %parallel_loop3A_757 : vector<16xf32>
        %parallel_loop3A_762 = arith.select %parallel_loop3A_761, %parallel_loop3A_760, %parallel_loop3A_757 : vector<16xi1>, vector<16xf32>
        %parallel_loop3A_763 = arith.constant 16 : i32
        %parallel_loop3A_764 = vector.broadcast %parallel_loop3A_763 : i32 to vector<16xi32>
        %parallel_loop3A_765 = arith.addi %iota3A, %parallel_loop3A_764 : vector<16xi32>
        %parallel_loop3A_766 = arith.select %parallel_loop3A_761, %parallel_loop3A_765, %iota3A : vector<16xi1>, vector<16xi32>
        %parallel_loop3A_767 = arith.index_cast %parallel_loop3A_754 : i32 to index
        %parallel_loop3A_768 = arith.constant 32 : index
        %parallel_loop3A_769 = tpu.vector_load %arg4[%parallel_loop3A_767, %parallel_loop3A_768] {strides = array<i32>} : memref<256x128xf32, #tpu.memory_space<vmem>>, vector<16xf32>,
        %parallel_loop3A_770 = arith.cmpf ogt, %parallel_loop3A_769, %parallel_loop3A_762 : vector<16xf32>
        %parallel_loop3A_771 = arith.select %parallel_loop3A_770, %parallel_loop3A_769, %parallel_loop3A_762 : vector<16xi1>, vector<16xf32>
        %parallel_loop3A_772 = arith.constant 32 : i32
        %parallel_loop3A_773 = vector.broadcast %parallel_loop3A_772 : i32 to vector<16xi32>
        %parallel_loop3A_774 = arith.addi %iota3A, %parallel_loop3A_773 : vector<16xi32>
        %parallel_loop3A_775 = arith.select %parallel_loop3A_770, %parallel_loop3A_774, %parallel_loop3A_766 : vector<16xi1>, vector<16xi32>
        %parallel_loop3A_776 = arith.index_cast %parallel_loop3A_754 : i32 to index
        %parallel_loop3A_777 = arith.constant 48 : index
        %parallel_loop3A_778 = tpu.vector_load %arg4[%parallel_loop3A_776, %parallel_loop3A_777] {strides = array<i32>} : memref<256x128xf32, #tpu.memory_space<vmem>>, vector<16xf32>,
        %parallel_loop3A_779 = arith.cmpf ogt, %parallel_loop3A_778, %parallel_loop3A_771 : vector<16xf32>
        %parallel_loop3A_780 = arith.select %parallel_loop3A_779, %parallel_loop3A_778, %parallel_loop3A_771 : vector<16xi1>, vector<16xf32>
        %parallel_loop3A_781 = arith.constant 48 : i32
        %parallel_loop3A_782 = vector.broadcast %parallel_loop3A_781 : i32 to vector<16xi32>
        %parallel_loop3A_783 = arith.addi %iota3A, %parallel_loop3A_782 : vector<16xi32>
        %parallel_loop3A_784 = arith.select %parallel_loop3A_779, %parallel_loop3A_783, %parallel_loop3A_775 : vector<16xi1>, vector<16xi32>
        %parallel_loop3A_785 = arith.index_cast %parallel_loop3A_754 : i32 to index
        %parallel_loop3A_786 = arith.constant 64 : index
        %parallel_loop3A_787 = tpu.vector_load %arg4[%parallel_loop3A_785, %parallel_loop3A_786] {strides = array<i32>} : memref<256x128xf32, #tpu.memory_space<vmem>>, vector<16xf32>,
        %parallel_loop3A_788 = arith.cmpf ogt, %parallel_loop3A_787, %parallel_loop3A_780 : vector<16xf32>
        %parallel_loop3A_789 = arith.select %parallel_loop3A_788, %parallel_loop3A_787, %parallel_loop3A_780 : vector<16xi1>, vector<16xf32>
        %parallel_loop3A_790 = arith.constant 64 : i32
        %parallel_loop3A_791 = vector.broadcast %parallel_loop3A_790 : i32 to vector<16xi32>
        %parallel_loop3A_792 = arith.addi %iota3A, %parallel_loop3A_791 : vector<16xi32>
        %parallel_loop3A_793 = arith.select %parallel_loop3A_788, %parallel_loop3A_792, %parallel_loop3A_784 : vector<16xi1>, vector<16xi32>
        %parallel_loop3A_794 = arith.index_cast %parallel_loop3A_754 : i32 to index
        %parallel_loop3A_795 = arith.constant 80 : index
        %parallel_loop3A_796 = tpu.vector_load %arg4[%parallel_loop3A_794, %parallel_loop3A_795] {strides = array<i32>} : memref<256x128xf32, #tpu.memory_space<vmem>>, vector<16xf32>,
        %parallel_loop3A_797 = arith.cmpf ogt, %parallel_loop3A_796, %parallel_loop3A_789 : vector<16xf32>
        %parallel_loop3A_798 = arith.select %parallel_loop3A_797, %parallel_loop3A_796, %parallel_loop3A_789 : vector<16xi1>, vector<16xf32>
        %parallel_loop3A_799 = arith.constant 80 : i32
        %parallel_loop3A_800 = vector.broadcast %parallel_loop3A_799 : i32 to vector<16xi32>
        %parallel_loop3A_801 = arith.addi %iota3A, %parallel_loop3A_800 : vector<16xi32>
        %parallel_loop3A_802 = arith.select %parallel_loop3A_797, %parallel_loop3A_801, %parallel_loop3A_793 : vector<16xi1>, vector<16xi32>
        %parallel_loop3A_803 = arith.index_cast %parallel_loop3A_754 : i32 to index
        %parallel_loop3A_804 = arith.constant 96 : index
        %parallel_loop3A_805 = tpu.vector_load %arg4[%parallel_loop3A_803, %parallel_loop3A_804] {strides = array<i32>} : memref<256x128xf32, #tpu.memory_space<vmem>>, vector<16xf32>,
        %parallel_loop3A_806 = arith.cmpf ogt, %parallel_loop3A_805, %parallel_loop3A_798 : vector<16xf32>
        %parallel_loop3A_807 = arith.select %parallel_loop3A_806, %parallel_loop3A_805, %parallel_loop3A_798 : vector<16xi1>, vector<16xf32>
        %parallel_loop3A_808 = arith.constant 96 : i32
        %parallel_loop3A_809 = vector.broadcast %parallel_loop3A_808 : i32 to vector<16xi32>
        %parallel_loop3A_810 = arith.addi %iota3A, %parallel_loop3A_809 : vector<16xi32>
        %parallel_loop3A_811 = arith.select %parallel_loop3A_806, %parallel_loop3A_810, %parallel_loop3A_802 : vector<16xi1>, vector<16xi32>
        %parallel_loop3A_812 = arith.index_cast %parallel_loop3A_754 : i32 to index
        %parallel_loop3A_813 = arith.constant 112 : index
        %parallel_loop3A_814 = tpu.vector_load %arg4[%parallel_loop3A_812, %parallel_loop3A_813] {strides = array<i32>} : memref<256x128xf32, #tpu.memory_space<vmem>>, vector<16xf32>,
        %parallel_loop3A_815 = arith.cmpf ogt, %parallel_loop3A_814, %parallel_loop3A_807 : vector<16xf32>
        %parallel_loop3A_816 = arith.select %parallel_loop3A_815, %parallel_loop3A_814, %parallel_loop3A_807 : vector<16xi1>, vector<16xf32>
        %parallel_loop3A_817 = arith.constant 112 : i32
        %parallel_loop3A_818 = vector.broadcast %parallel_loop3A_817 : i32 to vector<16xi32>
        %parallel_loop3A_819 = arith.addi %iota3A, %parallel_loop3A_818 : vector<16xi32>
        %parallel_loop3A_820 = arith.select %parallel_loop3A_815, %parallel_loop3A_819, %parallel_loop3A_811 : vector<16xi1>, vector<16xi32>
        %parallel_loop3A_821 = arith.constant 9 : i32
        %parallel_loop3A_822 = vector.broadcast %parallel_loop3A_821 : i32 to vector<16xi32>
        %parallel_loop3A_823 = arith.addi %iota3A, %parallel_loop3A_822 : vector<16xi32>
        %parallel_loop3A_824 = arith.constant 15 : i32
        %parallel_loop3A_825 = vector.broadcast %parallel_loop3A_824 : i32 to vector<16xi32>
        %parallel_loop3A_826 = arith.andi %parallel_loop3A_823, %parallel_loop3A_825 : vector<16xi32>
        %parallel_loop3A_827 = arith.constant 144 : i32
        %parallel_loop3A_828 = vector.broadcast %parallel_loop3A_827 : i32 to vector<16xi32>
        %parallel_loop3A_829 = arith.addi %parallel_loop3A_828, %parallel_loop3A_826 : vector<16xi32>
        tpu.vector_store_idx %arg7[%parallel_loop3A_57, %parallel_loop3A_829], %parallel_loop3A_816 : memref<16x256xf32, #tpu.memory_space<vmem>>[vector<16xi32>, vector<16xi32>], vector<16xf32>,
        tpu.vector_store_idx %arg8[%parallel_loop3A_57, %parallel_loop3A_829], %parallel_loop3A_820 : memref<16x256xi32, #tpu.memory_space<vmem>>[vector<16xi32>, vector<16xi32>], vector<16xi32>,
        %parallel_loop3A_830 = arith.constant 10 : i32
        %parallel_loop3A_831 = arith.addi %parallel_loop3A_59, %parallel_loop3A_830 : i32
        %parallel_loop3A_832 = arith.index_cast %parallel_loop3A_831 : i32 to index
        %parallel_loop3A_833 = arith.constant 0 : index
        %parallel_loop3A_834 = tpu.vector_load %arg4[%parallel_loop3A_832, %parallel_loop3A_833] {strides = array<i32>} : memref<256x128xf32, #tpu.memory_space<vmem>>, vector<16xf32>,
        %parallel_loop3A_835 = arith.index_cast %parallel_loop3A_831 : i32 to index
        %parallel_loop3A_836 = arith.constant 16 : index
        %parallel_loop3A_837 = tpu.vector_load %arg4[%parallel_loop3A_835, %parallel_loop3A_836] {strides = array<i32>} : memref<256x128xf32, #tpu.memory_space<vmem>>, vector<16xf32>,
        %parallel_loop3A_838 = arith.cmpf ogt, %parallel_loop3A_837, %parallel_loop3A_834 : vector<16xf32>
        %parallel_loop3A_839 = arith.select %parallel_loop3A_838, %parallel_loop3A_837, %parallel_loop3A_834 : vector<16xi1>, vector<16xf32>
        %parallel_loop3A_840 = arith.constant 16 : i32
        %parallel_loop3A_841 = vector.broadcast %parallel_loop3A_840 : i32 to vector<16xi32>
        %parallel_loop3A_842 = arith.addi %iota3A, %parallel_loop3A_841 : vector<16xi32>
        %parallel_loop3A_843 = arith.select %parallel_loop3A_838, %parallel_loop3A_842, %iota3A : vector<16xi1>, vector<16xi32>
        %parallel_loop3A_844 = arith.index_cast %parallel_loop3A_831 : i32 to index
        %parallel_loop3A_845 = arith.constant 32 : index
        %parallel_loop3A_846 = tpu.vector_load %arg4[%parallel_loop3A_844, %parallel_loop3A_845] {strides = array<i32>} : memref<256x128xf32, #tpu.memory_space<vmem>>, vector<16xf32>,
        %parallel_loop3A_847 = arith.cmpf ogt, %parallel_loop3A_846, %parallel_loop3A_839 : vector<16xf32>
        %parallel_loop3A_848 = arith.select %parallel_loop3A_847, %parallel_loop3A_846, %parallel_loop3A_839 : vector<16xi1>, vector<16xf32>
        %parallel_loop3A_849 = arith.constant 32 : i32
        %parallel_loop3A_850 = vector.broadcast %parallel_loop3A_849 : i32 to vector<16xi32>
        %parallel_loop3A_851 = arith.addi %iota3A, %parallel_loop3A_850 : vector<16xi32>
        %parallel_loop3A_852 = arith.select %parallel_loop3A_847, %parallel_loop3A_851, %parallel_loop3A_843 : vector<16xi1>, vector<16xi32>
        %parallel_loop3A_853 = arith.index_cast %parallel_loop3A_831 : i32 to index
        %parallel_loop3A_854 = arith.constant 48 : index
        %parallel_loop3A_855 = tpu.vector_load %arg4[%parallel_loop3A_853, %parallel_loop3A_854] {strides = array<i32>} : memref<256x128xf32, #tpu.memory_space<vmem>>, vector<16xf32>,
        %parallel_loop3A_856 = arith.cmpf ogt, %parallel_loop3A_855, %parallel_loop3A_848 : vector<16xf32>
        %parallel_loop3A_857 = arith.select %parallel_loop3A_856, %parallel_loop3A_855, %parallel_loop3A_848 : vector<16xi1>, vector<16xf32>
        %parallel_loop3A_858 = arith.constant 48 : i32
        %parallel_loop3A_859 = vector.broadcast %parallel_loop3A_858 : i32 to vector<16xi32>
        %parallel_loop3A_860 = arith.addi %iota3A, %parallel_loop3A_859 : vector<16xi32>
        %parallel_loop3A_861 = arith.select %parallel_loop3A_856, %parallel_loop3A_860, %parallel_loop3A_852 : vector<16xi1>, vector<16xi32>
        %parallel_loop3A_862 = arith.index_cast %parallel_loop3A_831 : i32 to index
        %parallel_loop3A_863 = arith.constant 64 : index
        %parallel_loop3A_864 = tpu.vector_load %arg4[%parallel_loop3A_862, %parallel_loop3A_863] {strides = array<i32>} : memref<256x128xf32, #tpu.memory_space<vmem>>, vector<16xf32>,
        %parallel_loop3A_865 = arith.cmpf ogt, %parallel_loop3A_864, %parallel_loop3A_857 : vector<16xf32>
        %parallel_loop3A_866 = arith.select %parallel_loop3A_865, %parallel_loop3A_864, %parallel_loop3A_857 : vector<16xi1>, vector<16xf32>
        %parallel_loop3A_867 = arith.constant 64 : i32
        %parallel_loop3A_868 = vector.broadcast %parallel_loop3A_867 : i32 to vector<16xi32>
        %parallel_loop3A_869 = arith.addi %iota3A, %parallel_loop3A_868 : vector<16xi32>
        %parallel_loop3A_870 = arith.select %parallel_loop3A_865, %parallel_loop3A_869, %parallel_loop3A_861 : vector<16xi1>, vector<16xi32>
        %parallel_loop3A_871 = arith.index_cast %parallel_loop3A_831 : i32 to index
        %parallel_loop3A_872 = arith.constant 80 : index
        %parallel_loop3A_873 = tpu.vector_load %arg4[%parallel_loop3A_871, %parallel_loop3A_872] {strides = array<i32>} : memref<256x128xf32, #tpu.memory_space<vmem>>, vector<16xf32>,
        %parallel_loop3A_874 = arith.cmpf ogt, %parallel_loop3A_873, %parallel_loop3A_866 : vector<16xf32>
        %parallel_loop3A_875 = arith.select %parallel_loop3A_874, %parallel_loop3A_873, %parallel_loop3A_866 : vector<16xi1>, vector<16xf32>
        %parallel_loop3A_876 = arith.constant 80 : i32
        %parallel_loop3A_877 = vector.broadcast %parallel_loop3A_876 : i32 to vector<16xi32>
        %parallel_loop3A_878 = arith.addi %iota3A, %parallel_loop3A_877 : vector<16xi32>
        %parallel_loop3A_879 = arith.select %parallel_loop3A_874, %parallel_loop3A_878, %parallel_loop3A_870 : vector<16xi1>, vector<16xi32>
        %parallel_loop3A_880 = arith.index_cast %parallel_loop3A_831 : i32 to index
        %parallel_loop3A_881 = arith.constant 96 : index
        %parallel_loop3A_882 = tpu.vector_load %arg4[%parallel_loop3A_880, %parallel_loop3A_881] {strides = array<i32>} : memref<256x128xf32, #tpu.memory_space<vmem>>, vector<16xf32>,
        %parallel_loop3A_883 = arith.cmpf ogt, %parallel_loop3A_882, %parallel_loop3A_875 : vector<16xf32>
        %parallel_loop3A_884 = arith.select %parallel_loop3A_883, %parallel_loop3A_882, %parallel_loop3A_875 : vector<16xi1>, vector<16xf32>
        %parallel_loop3A_885 = arith.constant 96 : i32
        %parallel_loop3A_886 = vector.broadcast %parallel_loop3A_885 : i32 to vector<16xi32>
        %parallel_loop3A_887 = arith.addi %iota3A, %parallel_loop3A_886 : vector<16xi32>
        %parallel_loop3A_888 = arith.select %parallel_loop3A_883, %parallel_loop3A_887, %parallel_loop3A_879 : vector<16xi1>, vector<16xi32>
        %parallel_loop3A_889 = arith.index_cast %parallel_loop3A_831 : i32 to index
        %parallel_loop3A_890 = arith.constant 112 : index
        %parallel_loop3A_891 = tpu.vector_load %arg4[%parallel_loop3A_889, %parallel_loop3A_890] {strides = array<i32>} : memref<256x128xf32, #tpu.memory_space<vmem>>, vector<16xf32>,
        %parallel_loop3A_892 = arith.cmpf ogt, %parallel_loop3A_891, %parallel_loop3A_884 : vector<16xf32>
        %parallel_loop3A_893 = arith.select %parallel_loop3A_892, %parallel_loop3A_891, %parallel_loop3A_884 : vector<16xi1>, vector<16xf32>
        %parallel_loop3A_894 = arith.constant 112 : i32
        %parallel_loop3A_895 = vector.broadcast %parallel_loop3A_894 : i32 to vector<16xi32>
        %parallel_loop3A_896 = arith.addi %iota3A, %parallel_loop3A_895 : vector<16xi32>
        %parallel_loop3A_897 = arith.select %parallel_loop3A_892, %parallel_loop3A_896, %parallel_loop3A_888 : vector<16xi1>, vector<16xi32>
        %parallel_loop3A_898 = arith.constant 10 : i32
        %parallel_loop3A_899 = vector.broadcast %parallel_loop3A_898 : i32 to vector<16xi32>
        %parallel_loop3A_900 = arith.addi %iota3A, %parallel_loop3A_899 : vector<16xi32>
        %parallel_loop3A_901 = arith.constant 15 : i32
        %parallel_loop3A_902 = vector.broadcast %parallel_loop3A_901 : i32 to vector<16xi32>
        %parallel_loop3A_903 = arith.andi %parallel_loop3A_900, %parallel_loop3A_902 : vector<16xi32>
        %parallel_loop3A_904 = arith.constant 160 : i32
        %parallel_loop3A_905 = vector.broadcast %parallel_loop3A_904 : i32 to vector<16xi32>
        %parallel_loop3A_906 = arith.addi %parallel_loop3A_905, %parallel_loop3A_903 : vector<16xi32>
        tpu.vector_store_idx %arg7[%parallel_loop3A_57, %parallel_loop3A_906], %parallel_loop3A_893 : memref<16x256xf32, #tpu.memory_space<vmem>>[vector<16xi32>, vector<16xi32>], vector<16xf32>,
        tpu.vector_store_idx %arg8[%parallel_loop3A_57, %parallel_loop3A_906], %parallel_loop3A_897 : memref<16x256xi32, #tpu.memory_space<vmem>>[vector<16xi32>, vector<16xi32>], vector<16xi32>,
        %parallel_loop3A_907 = arith.constant 11 : i32
        %parallel_loop3A_908 = arith.addi %parallel_loop3A_59, %parallel_loop3A_907 : i32
        %parallel_loop3A_909 = arith.index_cast %parallel_loop3A_908 : i32 to index
        %parallel_loop3A_910 = arith.constant 0 : index
        %parallel_loop3A_911 = tpu.vector_load %arg4[%parallel_loop3A_909, %parallel_loop3A_910] {strides = array<i32>} : memref<256x128xf32, #tpu.memory_space<vmem>>, vector<16xf32>,
        %parallel_loop3A_912 = arith.index_cast %parallel_loop3A_908 : i32 to index
        %parallel_loop3A_913 = arith.constant 16 : index
        %parallel_loop3A_914 = tpu.vector_load %arg4[%parallel_loop3A_912, %parallel_loop3A_913] {strides = array<i32>} : memref<256x128xf32, #tpu.memory_space<vmem>>, vector<16xf32>,
        %parallel_loop3A_915 = arith.cmpf ogt, %parallel_loop3A_914, %parallel_loop3A_911 : vector<16xf32>
        %parallel_loop3A_916 = arith.select %parallel_loop3A_915, %parallel_loop3A_914, %parallel_loop3A_911 : vector<16xi1>, vector<16xf32>
        %parallel_loop3A_917 = arith.constant 16 : i32
        %parallel_loop3A_918 = vector.broadcast %parallel_loop3A_917 : i32 to vector<16xi32>
        %parallel_loop3A_919 = arith.addi %iota3A, %parallel_loop3A_918 : vector<16xi32>
        %parallel_loop3A_920 = arith.select %parallel_loop3A_915, %parallel_loop3A_919, %iota3A : vector<16xi1>, vector<16xi32>
        %parallel_loop3A_921 = arith.index_cast %parallel_loop3A_908 : i32 to index
        %parallel_loop3A_922 = arith.constant 32 : index
        %parallel_loop3A_923 = tpu.vector_load %arg4[%parallel_loop3A_921, %parallel_loop3A_922] {strides = array<i32>} : memref<256x128xf32, #tpu.memory_space<vmem>>, vector<16xf32>,
        %parallel_loop3A_924 = arith.cmpf ogt, %parallel_loop3A_923, %parallel_loop3A_916 : vector<16xf32>
        %parallel_loop3A_925 = arith.select %parallel_loop3A_924, %parallel_loop3A_923, %parallel_loop3A_916 : vector<16xi1>, vector<16xf32>
        %parallel_loop3A_926 = arith.constant 32 : i32
        %parallel_loop3A_927 = vector.broadcast %parallel_loop3A_926 : i32 to vector<16xi32>
        %parallel_loop3A_928 = arith.addi %iota3A, %parallel_loop3A_927 : vector<16xi32>
        %parallel_loop3A_929 = arith.select %parallel_loop3A_924, %parallel_loop3A_928, %parallel_loop3A_920 : vector<16xi1>, vector<16xi32>
        %parallel_loop3A_930 = arith.index_cast %parallel_loop3A_908 : i32 to index
        %parallel_loop3A_931 = arith.constant 48 : index
        %parallel_loop3A_932 = tpu.vector_load %arg4[%parallel_loop3A_930, %parallel_loop3A_931] {strides = array<i32>} : memref<256x128xf32, #tpu.memory_space<vmem>>, vector<16xf32>,
        %parallel_loop3A_933 = arith.cmpf ogt, %parallel_loop3A_932, %parallel_loop3A_925 : vector<16xf32>
        %parallel_loop3A_934 = arith.select %parallel_loop3A_933, %parallel_loop3A_932, %parallel_loop3A_925 : vector<16xi1>, vector<16xf32>
        %parallel_loop3A_935 = arith.constant 48 : i32
        %parallel_loop3A_936 = vector.broadcast %parallel_loop3A_935 : i32 to vector<16xi32>
        %parallel_loop3A_937 = arith.addi %iota3A, %parallel_loop3A_936 : vector<16xi32>
        %parallel_loop3A_938 = arith.select %parallel_loop3A_933, %parallel_loop3A_937, %parallel_loop3A_929 : vector<16xi1>, vector<16xi32>
        %parallel_loop3A_939 = arith.index_cast %parallel_loop3A_908 : i32 to index
        %parallel_loop3A_940 = arith.constant 64 : index
        %parallel_loop3A_941 = tpu.vector_load %arg4[%parallel_loop3A_939, %parallel_loop3A_940] {strides = array<i32>} : memref<256x128xf32, #tpu.memory_space<vmem>>, vector<16xf32>,
        %parallel_loop3A_942 = arith.cmpf ogt, %parallel_loop3A_941, %parallel_loop3A_934 : vector<16xf32>
        %parallel_loop3A_943 = arith.select %parallel_loop3A_942, %parallel_loop3A_941, %parallel_loop3A_934 : vector<16xi1>, vector<16xf32>
        %parallel_loop3A_944 = arith.constant 64 : i32
        %parallel_loop3A_945 = vector.broadcast %parallel_loop3A_944 : i32 to vector<16xi32>
        %parallel_loop3A_946 = arith.addi %iota3A, %parallel_loop3A_945 : vector<16xi32>
        %parallel_loop3A_947 = arith.select %parallel_loop3A_942, %parallel_loop3A_946, %parallel_loop3A_938 : vector<16xi1>, vector<16xi32>
        %parallel_loop3A_948 = arith.index_cast %parallel_loop3A_908 : i32 to index
        %parallel_loop3A_949 = arith.constant 80 : index
        %parallel_loop3A_950 = tpu.vector_load %arg4[%parallel_loop3A_948, %parallel_loop3A_949] {strides = array<i32>} : memref<256x128xf32, #tpu.memory_space<vmem>>, vector<16xf32>,
        %parallel_loop3A_951 = arith.cmpf ogt, %parallel_loop3A_950, %parallel_loop3A_943 : vector<16xf32>
        %parallel_loop3A_952 = arith.select %parallel_loop3A_951, %parallel_loop3A_950, %parallel_loop3A_943 : vector<16xi1>, vector<16xf32>
        %parallel_loop3A_953 = arith.constant 80 : i32
        %parallel_loop3A_954 = vector.broadcast %parallel_loop3A_953 : i32 to vector<16xi32>
        %parallel_loop3A_955 = arith.addi %iota3A, %parallel_loop3A_954 : vector<16xi32>
        %parallel_loop3A_956 = arith.select %parallel_loop3A_951, %parallel_loop3A_955, %parallel_loop3A_947 : vector<16xi1>, vector<16xi32>
        %parallel_loop3A_957 = arith.index_cast %parallel_loop3A_908 : i32 to index
        %parallel_loop3A_958 = arith.constant 96 : index
        %parallel_loop3A_959 = tpu.vector_load %arg4[%parallel_loop3A_957, %parallel_loop3A_958] {strides = array<i32>} : memref<256x128xf32, #tpu.memory_space<vmem>>, vector<16xf32>,
        %parallel_loop3A_960 = arith.cmpf ogt, %parallel_loop3A_959, %parallel_loop3A_952 : vector<16xf32>
        %parallel_loop3A_961 = arith.select %parallel_loop3A_960, %parallel_loop3A_959, %parallel_loop3A_952 : vector<16xi1>, vector<16xf32>
        %parallel_loop3A_962 = arith.constant 96 : i32
        %parallel_loop3A_963 = vector.broadcast %parallel_loop3A_962 : i32 to vector<16xi32>
        %parallel_loop3A_964 = arith.addi %iota3A, %parallel_loop3A_963 : vector<16xi32>
        %parallel_loop3A_965 = arith.select %parallel_loop3A_960, %parallel_loop3A_964, %parallel_loop3A_956 : vector<16xi1>, vector<16xi32>
        %parallel_loop3A_966 = arith.index_cast %parallel_loop3A_908 : i32 to index
        %parallel_loop3A_967 = arith.constant 112 : index
        %parallel_loop3A_968 = tpu.vector_load %arg4[%parallel_loop3A_966, %parallel_loop3A_967] {strides = array<i32>} : memref<256x128xf32, #tpu.memory_space<vmem>>, vector<16xf32>,
        %parallel_loop3A_969 = arith.cmpf ogt, %parallel_loop3A_968, %parallel_loop3A_961 : vector<16xf32>
        %parallel_loop3A_970 = arith.select %parallel_loop3A_969, %parallel_loop3A_968, %parallel_loop3A_961 : vector<16xi1>, vector<16xf32>
        %parallel_loop3A_971 = arith.constant 112 : i32
        %parallel_loop3A_972 = vector.broadcast %parallel_loop3A_971 : i32 to vector<16xi32>
        %parallel_loop3A_973 = arith.addi %iota3A, %parallel_loop3A_972 : vector<16xi32>
        %parallel_loop3A_974 = arith.select %parallel_loop3A_969, %parallel_loop3A_973, %parallel_loop3A_965 : vector<16xi1>, vector<16xi32>
        %parallel_loop3A_975 = arith.constant 11 : i32
        %parallel_loop3A_976 = vector.broadcast %parallel_loop3A_975 : i32 to vector<16xi32>
        %parallel_loop3A_977 = arith.addi %iota3A, %parallel_loop3A_976 : vector<16xi32>
        %parallel_loop3A_978 = arith.constant 15 : i32
        %parallel_loop3A_979 = vector.broadcast %parallel_loop3A_978 : i32 to vector<16xi32>
        %parallel_loop3A_980 = arith.andi %parallel_loop3A_977, %parallel_loop3A_979 : vector<16xi32>
        %parallel_loop3A_981 = arith.constant 176 : i32
        %parallel_loop3A_982 = vector.broadcast %parallel_loop3A_981 : i32 to vector<16xi32>
        %parallel_loop3A_983 = arith.addi %parallel_loop3A_982, %parallel_loop3A_980 : vector<16xi32>
        tpu.vector_store_idx %arg7[%parallel_loop3A_57, %parallel_loop3A_983], %parallel_loop3A_970 : memref<16x256xf32, #tpu.memory_space<vmem>>[vector<16xi32>, vector<16xi32>], vector<16xf32>,
        tpu.vector_store_idx %arg8[%parallel_loop3A_57, %parallel_loop3A_983], %parallel_loop3A_974 : memref<16x256xi32, #tpu.memory_space<vmem>>[vector<16xi32>, vector<16xi32>], vector<16xi32>,
        %parallel_loop3A_984 = arith.constant 12 : i32
        %parallel_loop3A_985 = arith.addi %parallel_loop3A_59, %parallel_loop3A_984 : i32
        %parallel_loop3A_986 = arith.index_cast %parallel_loop3A_985 : i32 to index
        %parallel_loop3A_987 = arith.constant 0 : index
        %parallel_loop3A_988 = tpu.vector_load %arg4[%parallel_loop3A_986, %parallel_loop3A_987] {strides = array<i32>} : memref<256x128xf32, #tpu.memory_space<vmem>>, vector<16xf32>,
        %parallel_loop3A_989 = arith.index_cast %parallel_loop3A_985 : i32 to index
        %parallel_loop3A_990 = arith.constant 16 : index
        %parallel_loop3A_991 = tpu.vector_load %arg4[%parallel_loop3A_989, %parallel_loop3A_990] {strides = array<i32>} : memref<256x128xf32, #tpu.memory_space<vmem>>, vector<16xf32>,
        %parallel_loop3A_992 = arith.cmpf ogt, %parallel_loop3A_991, %parallel_loop3A_988 : vector<16xf32>
        %parallel_loop3A_993 = arith.select %parallel_loop3A_992, %parallel_loop3A_991, %parallel_loop3A_988 : vector<16xi1>, vector<16xf32>
        %parallel_loop3A_994 = arith.constant 16 : i32
        %parallel_loop3A_995 = vector.broadcast %parallel_loop3A_994 : i32 to vector<16xi32>
        %parallel_loop3A_996 = arith.addi %iota3A, %parallel_loop3A_995 : vector<16xi32>
        %parallel_loop3A_997 = arith.select %parallel_loop3A_992, %parallel_loop3A_996, %iota3A : vector<16xi1>, vector<16xi32>
        %parallel_loop3A_998 = arith.index_cast %parallel_loop3A_985 : i32 to index
        %parallel_loop3A_999 = arith.constant 32 : index
        %parallel_loop3A_1000 = tpu.vector_load %arg4[%parallel_loop3A_998, %parallel_loop3A_999] {strides = array<i32>} : memref<256x128xf32, #tpu.memory_space<vmem>>, vector<16xf32>,
        %parallel_loop3A_1001 = arith.cmpf ogt, %parallel_loop3A_1000, %parallel_loop3A_993 : vector<16xf32>
        %parallel_loop3A_1002 = arith.select %parallel_loop3A_1001, %parallel_loop3A_1000, %parallel_loop3A_993 : vector<16xi1>, vector<16xf32>
        %parallel_loop3A_1003 = arith.constant 32 : i32
        %parallel_loop3A_1004 = vector.broadcast %parallel_loop3A_1003 : i32 to vector<16xi32>
        %parallel_loop3A_1005 = arith.addi %iota3A, %parallel_loop3A_1004 : vector<16xi32>
        %parallel_loop3A_1006 = arith.select %parallel_loop3A_1001, %parallel_loop3A_1005, %parallel_loop3A_997 : vector<16xi1>, vector<16xi32>
        %parallel_loop3A_1007 = arith.index_cast %parallel_loop3A_985 : i32 to index
        %parallel_loop3A_1008 = arith.constant 48 : index
        %parallel_loop3A_1009 = tpu.vector_load %arg4[%parallel_loop3A_1007, %parallel_loop3A_1008] {strides = array<i32>} : memref<256x128xf32, #tpu.memory_space<vmem>>, vector<16xf32>,
        %parallel_loop3A_1010 = arith.cmpf ogt, %parallel_loop3A_1009, %parallel_loop3A_1002 : vector<16xf32>
        %parallel_loop3A_1011 = arith.select %parallel_loop3A_1010, %parallel_loop3A_1009, %parallel_loop3A_1002 : vector<16xi1>, vector<16xf32>
        %parallel_loop3A_1012 = arith.constant 48 : i32
        %parallel_loop3A_1013 = vector.broadcast %parallel_loop3A_1012 : i32 to vector<16xi32>
        %parallel_loop3A_1014 = arith.addi %iota3A, %parallel_loop3A_1013 : vector<16xi32>
        %parallel_loop3A_1015 = arith.select %parallel_loop3A_1010, %parallel_loop3A_1014, %parallel_loop3A_1006 : vector<16xi1>, vector<16xi32>
        %parallel_loop3A_1016 = arith.index_cast %parallel_loop3A_985 : i32 to index
        %parallel_loop3A_1017 = arith.constant 64 : index
        %parallel_loop3A_1018 = tpu.vector_load %arg4[%parallel_loop3A_1016, %parallel_loop3A_1017] {strides = array<i32>} : memref<256x128xf32, #tpu.memory_space<vmem>>, vector<16xf32>,
        %parallel_loop3A_1019 = arith.cmpf ogt, %parallel_loop3A_1018, %parallel_loop3A_1011 : vector<16xf32>
        %parallel_loop3A_1020 = arith.select %parallel_loop3A_1019, %parallel_loop3A_1018, %parallel_loop3A_1011 : vector<16xi1>, vector<16xf32>
        %parallel_loop3A_1021 = arith.constant 64 : i32
        %parallel_loop3A_1022 = vector.broadcast %parallel_loop3A_1021 : i32 to vector<16xi32>
        %parallel_loop3A_1023 = arith.addi %iota3A, %parallel_loop3A_1022 : vector<16xi32>
        %parallel_loop3A_1024 = arith.select %parallel_loop3A_1019, %parallel_loop3A_1023, %parallel_loop3A_1015 : vector<16xi1>, vector<16xi32>
        %parallel_loop3A_1025 = arith.index_cast %parallel_loop3A_985 : i32 to index
        %parallel_loop3A_1026 = arith.constant 80 : index
        %parallel_loop3A_1027 = tpu.vector_load %arg4[%parallel_loop3A_1025, %parallel_loop3A_1026] {strides = array<i32>} : memref<256x128xf32, #tpu.memory_space<vmem>>, vector<16xf32>,
        %parallel_loop3A_1028 = arith.cmpf ogt, %parallel_loop3A_1027, %parallel_loop3A_1020 : vector<16xf32>
        %parallel_loop3A_1029 = arith.select %parallel_loop3A_1028, %parallel_loop3A_1027, %parallel_loop3A_1020 : vector<16xi1>, vector<16xf32>
        %parallel_loop3A_1030 = arith.constant 80 : i32
        %parallel_loop3A_1031 = vector.broadcast %parallel_loop3A_1030 : i32 to vector<16xi32>
        %parallel_loop3A_1032 = arith.addi %iota3A, %parallel_loop3A_1031 : vector<16xi32>
        %parallel_loop3A_1033 = arith.select %parallel_loop3A_1028, %parallel_loop3A_1032, %parallel_loop3A_1024 : vector<16xi1>, vector<16xi32>
        %parallel_loop3A_1034 = arith.index_cast %parallel_loop3A_985 : i32 to index
        %parallel_loop3A_1035 = arith.constant 96 : index
        %parallel_loop3A_1036 = tpu.vector_load %arg4[%parallel_loop3A_1034, %parallel_loop3A_1035] {strides = array<i32>} : memref<256x128xf32, #tpu.memory_space<vmem>>, vector<16xf32>,
        %parallel_loop3A_1037 = arith.cmpf ogt, %parallel_loop3A_1036, %parallel_loop3A_1029 : vector<16xf32>
        %parallel_loop3A_1038 = arith.select %parallel_loop3A_1037, %parallel_loop3A_1036, %parallel_loop3A_1029 : vector<16xi1>, vector<16xf32>
        %parallel_loop3A_1039 = arith.constant 96 : i32
        %parallel_loop3A_1040 = vector.broadcast %parallel_loop3A_1039 : i32 to vector<16xi32>
        %parallel_loop3A_1041 = arith.addi %iota3A, %parallel_loop3A_1040 : vector<16xi32>
        %parallel_loop3A_1042 = arith.select %parallel_loop3A_1037, %parallel_loop3A_1041, %parallel_loop3A_1033 : vector<16xi1>, vector<16xi32>
        %parallel_loop3A_1043 = arith.index_cast %parallel_loop3A_985 : i32 to index
        %parallel_loop3A_1044 = arith.constant 112 : index
        %parallel_loop3A_1045 = tpu.vector_load %arg4[%parallel_loop3A_1043, %parallel_loop3A_1044] {strides = array<i32>} : memref<256x128xf32, #tpu.memory_space<vmem>>, vector<16xf32>,
        %parallel_loop3A_1046 = arith.cmpf ogt, %parallel_loop3A_1045, %parallel_loop3A_1038 : vector<16xf32>
        %parallel_loop3A_1047 = arith.select %parallel_loop3A_1046, %parallel_loop3A_1045, %parallel_loop3A_1038 : vector<16xi1>, vector<16xf32>
        %parallel_loop3A_1048 = arith.constant 112 : i32
        %parallel_loop3A_1049 = vector.broadcast %parallel_loop3A_1048 : i32 to vector<16xi32>
        %parallel_loop3A_1050 = arith.addi %iota3A, %parallel_loop3A_1049 : vector<16xi32>
        %parallel_loop3A_1051 = arith.select %parallel_loop3A_1046, %parallel_loop3A_1050, %parallel_loop3A_1042 : vector<16xi1>, vector<16xi32>
        %parallel_loop3A_1052 = arith.constant 12 : i32
        %parallel_loop3A_1053 = vector.broadcast %parallel_loop3A_1052 : i32 to vector<16xi32>
        %parallel_loop3A_1054 = arith.addi %iota3A, %parallel_loop3A_1053 : vector<16xi32>
        %parallel_loop3A_1055 = arith.constant 15 : i32
        %parallel_loop3A_1056 = vector.broadcast %parallel_loop3A_1055 : i32 to vector<16xi32>
        %parallel_loop3A_1057 = arith.andi %parallel_loop3A_1054, %parallel_loop3A_1056 : vector<16xi32>
        %parallel_loop3A_1058 = arith.constant 192 : i32
        %parallel_loop3A_1059 = vector.broadcast %parallel_loop3A_1058 : i32 to vector<16xi32>
        %parallel_loop3A_1060 = arith.addi %parallel_loop3A_1059, %parallel_loop3A_1057 : vector<16xi32>
        tpu.vector_store_idx %arg7[%parallel_loop3A_57, %parallel_loop3A_1060], %parallel_loop3A_1047 : memref<16x256xf32, #tpu.memory_space<vmem>>[vector<16xi32>, vector<16xi32>], vector<16xf32>,
        tpu.vector_store_idx %arg8[%parallel_loop3A_57, %parallel_loop3A_1060], %parallel_loop3A_1051 : memref<16x256xi32, #tpu.memory_space<vmem>>[vector<16xi32>, vector<16xi32>], vector<16xi32>,
        %parallel_loop3A_1061 = arith.constant 13 : i32
        %parallel_loop3A_1062 = arith.addi %parallel_loop3A_59, %parallel_loop3A_1061 : i32
        %parallel_loop3A_1063 = arith.index_cast %parallel_loop3A_1062 : i32 to index
        %parallel_loop3A_1064 = arith.constant 0 : index
        %parallel_loop3A_1065 = tpu.vector_load %arg4[%parallel_loop3A_1063, %parallel_loop3A_1064] {strides = array<i32>} : memref<256x128xf32, #tpu.memory_space<vmem>>, vector<16xf32>,
        %parallel_loop3A_1066 = arith.index_cast %parallel_loop3A_1062 : i32 to index
        %parallel_loop3A_1067 = arith.constant 16 : index
        %parallel_loop3A_1068 = tpu.vector_load %arg4[%parallel_loop3A_1066, %parallel_loop3A_1067] {strides = array<i32>} : memref<256x128xf32, #tpu.memory_space<vmem>>, vector<16xf32>,
        %parallel_loop3A_1069 = arith.cmpf ogt, %parallel_loop3A_1068, %parallel_loop3A_1065 : vector<16xf32>
        %parallel_loop3A_1070 = arith.select %parallel_loop3A_1069, %parallel_loop3A_1068, %parallel_loop3A_1065 : vector<16xi1>, vector<16xf32>
        %parallel_loop3A_1071 = arith.constant 16 : i32
        %parallel_loop3A_1072 = vector.broadcast %parallel_loop3A_1071 : i32 to vector<16xi32>
        %parallel_loop3A_1073 = arith.addi %iota3A, %parallel_loop3A_1072 : vector<16xi32>
        %parallel_loop3A_1074 = arith.select %parallel_loop3A_1069, %parallel_loop3A_1073, %iota3A : vector<16xi1>, vector<16xi32>
        %parallel_loop3A_1075 = arith.index_cast %parallel_loop3A_1062 : i32 to index
        %parallel_loop3A_1076 = arith.constant 32 : index
        %parallel_loop3A_1077 = tpu.vector_load %arg4[%parallel_loop3A_1075, %parallel_loop3A_1076] {strides = array<i32>} : memref<256x128xf32, #tpu.memory_space<vmem>>, vector<16xf32>,
        %parallel_loop3A_1078 = arith.cmpf ogt, %parallel_loop3A_1077, %parallel_loop3A_1070 : vector<16xf32>
        %parallel_loop3A_1079 = arith.select %parallel_loop3A_1078, %parallel_loop3A_1077, %parallel_loop3A_1070 : vector<16xi1>, vector<16xf32>
        %parallel_loop3A_1080 = arith.constant 32 : i32
        %parallel_loop3A_1081 = vector.broadcast %parallel_loop3A_1080 : i32 to vector<16xi32>
        %parallel_loop3A_1082 = arith.addi %iota3A, %parallel_loop3A_1081 : vector<16xi32>
        %parallel_loop3A_1083 = arith.select %parallel_loop3A_1078, %parallel_loop3A_1082, %parallel_loop3A_1074 : vector<16xi1>, vector<16xi32>
        %parallel_loop3A_1084 = arith.index_cast %parallel_loop3A_1062 : i32 to index
        %parallel_loop3A_1085 = arith.constant 48 : index
        %parallel_loop3A_1086 = tpu.vector_load %arg4[%parallel_loop3A_1084, %parallel_loop3A_1085] {strides = array<i32>} : memref<256x128xf32, #tpu.memory_space<vmem>>, vector<16xf32>,
        %parallel_loop3A_1087 = arith.cmpf ogt, %parallel_loop3A_1086, %parallel_loop3A_1079 : vector<16xf32>
        %parallel_loop3A_1088 = arith.select %parallel_loop3A_1087, %parallel_loop3A_1086, %parallel_loop3A_1079 : vector<16xi1>, vector<16xf32>
        %parallel_loop3A_1089 = arith.constant 48 : i32
        %parallel_loop3A_1090 = vector.broadcast %parallel_loop3A_1089 : i32 to vector<16xi32>
        %parallel_loop3A_1091 = arith.addi %iota3A, %parallel_loop3A_1090 : vector<16xi32>
        %parallel_loop3A_1092 = arith.select %parallel_loop3A_1087, %parallel_loop3A_1091, %parallel_loop3A_1083 : vector<16xi1>, vector<16xi32>
        %parallel_loop3A_1093 = arith.index_cast %parallel_loop3A_1062 : i32 to index
        %parallel_loop3A_1094 = arith.constant 64 : index
        %parallel_loop3A_1095 = tpu.vector_load %arg4[%parallel_loop3A_1093, %parallel_loop3A_1094] {strides = array<i32>} : memref<256x128xf32, #tpu.memory_space<vmem>>, vector<16xf32>,
        %parallel_loop3A_1096 = arith.cmpf ogt, %parallel_loop3A_1095, %parallel_loop3A_1088 : vector<16xf32>
        %parallel_loop3A_1097 = arith.select %parallel_loop3A_1096, %parallel_loop3A_1095, %parallel_loop3A_1088 : vector<16xi1>, vector<16xf32>
        %parallel_loop3A_1098 = arith.constant 64 : i32
        %parallel_loop3A_1099 = vector.broadcast %parallel_loop3A_1098 : i32 to vector<16xi32>
        %parallel_loop3A_1100 = arith.addi %iota3A, %parallel_loop3A_1099 : vector<16xi32>
        %parallel_loop3A_1101 = arith.select %parallel_loop3A_1096, %parallel_loop3A_1100, %parallel_loop3A_1092 : vector<16xi1>, vector<16xi32>
        %parallel_loop3A_1102 = arith.index_cast %parallel_loop3A_1062 : i32 to index
        %parallel_loop3A_1103 = arith.constant 80 : index
        %parallel_loop3A_1104 = tpu.vector_load %arg4[%parallel_loop3A_1102, %parallel_loop3A_1103] {strides = array<i32>} : memref<256x128xf32, #tpu.memory_space<vmem>>, vector<16xf32>,
        %parallel_loop3A_1105 = arith.cmpf ogt, %parallel_loop3A_1104, %parallel_loop3A_1097 : vector<16xf32>
        %parallel_loop3A_1106 = arith.select %parallel_loop3A_1105, %parallel_loop3A_1104, %parallel_loop3A_1097 : vector<16xi1>, vector<16xf32>
        %parallel_loop3A_1107 = arith.constant 80 : i32
        %parallel_loop3A_1108 = vector.broadcast %parallel_loop3A_1107 : i32 to vector<16xi32>
        %parallel_loop3A_1109 = arith.addi %iota3A, %parallel_loop3A_1108 : vector<16xi32>
        %parallel_loop3A_1110 = arith.select %parallel_loop3A_1105, %parallel_loop3A_1109, %parallel_loop3A_1101 : vector<16xi1>, vector<16xi32>
        %parallel_loop3A_1111 = arith.index_cast %parallel_loop3A_1062 : i32 to index
        %parallel_loop3A_1112 = arith.constant 96 : index
        %parallel_loop3A_1113 = tpu.vector_load %arg4[%parallel_loop3A_1111, %parallel_loop3A_1112] {strides = array<i32>} : memref<256x128xf32, #tpu.memory_space<vmem>>, vector<16xf32>,
        %parallel_loop3A_1114 = arith.cmpf ogt, %parallel_loop3A_1113, %parallel_loop3A_1106 : vector<16xf32>
        %parallel_loop3A_1115 = arith.select %parallel_loop3A_1114, %parallel_loop3A_1113, %parallel_loop3A_1106 : vector<16xi1>, vector<16xf32>
        %parallel_loop3A_1116 = arith.constant 96 : i32
        %parallel_loop3A_1117 = vector.broadcast %parallel_loop3A_1116 : i32 to vector<16xi32>
        %parallel_loop3A_1118 = arith.addi %iota3A, %parallel_loop3A_1117 : vector<16xi32>
        %parallel_loop3A_1119 = arith.select %parallel_loop3A_1114, %parallel_loop3A_1118, %parallel_loop3A_1110 : vector<16xi1>, vector<16xi32>
        %parallel_loop3A_1120 = arith.index_cast %parallel_loop3A_1062 : i32 to index
        %parallel_loop3A_1121 = arith.constant 112 : index
        %parallel_loop3A_1122 = tpu.vector_load %arg4[%parallel_loop3A_1120, %parallel_loop3A_1121] {strides = array<i32>} : memref<256x128xf32, #tpu.memory_space<vmem>>, vector<16xf32>,
        %parallel_loop3A_1123 = arith.cmpf ogt, %parallel_loop3A_1122, %parallel_loop3A_1115 : vector<16xf32>
        %parallel_loop3A_1124 = arith.select %parallel_loop3A_1123, %parallel_loop3A_1122, %parallel_loop3A_1115 : vector<16xi1>, vector<16xf32>
        %parallel_loop3A_1125 = arith.constant 112 : i32
        %parallel_loop3A_1126 = vector.broadcast %parallel_loop3A_1125 : i32 to vector<16xi32>
        %parallel_loop3A_1127 = arith.addi %iota3A, %parallel_loop3A_1126 : vector<16xi32>
        %parallel_loop3A_1128 = arith.select %parallel_loop3A_1123, %parallel_loop3A_1127, %parallel_loop3A_1119 : vector<16xi1>, vector<16xi32>
        %parallel_loop3A_1129 = arith.constant 13 : i32
        %parallel_loop3A_1130 = vector.broadcast %parallel_loop3A_1129 : i32 to vector<16xi32>
        %parallel_loop3A_1131 = arith.addi %iota3A, %parallel_loop3A_1130 : vector<16xi32>
        %parallel_loop3A_1132 = arith.constant 15 : i32
        %parallel_loop3A_1133 = vector.broadcast %parallel_loop3A_1132 : i32 to vector<16xi32>
        %parallel_loop3A_1134 = arith.andi %parallel_loop3A_1131, %parallel_loop3A_1133 : vector<16xi32>
        %parallel_loop3A_1135 = arith.constant 208 : i32
        %parallel_loop3A_1136 = vector.broadcast %parallel_loop3A_1135 : i32 to vector<16xi32>
        %parallel_loop3A_1137 = arith.addi %parallel_loop3A_1136, %parallel_loop3A_1134 : vector<16xi32>
        tpu.vector_store_idx %arg7[%parallel_loop3A_57, %parallel_loop3A_1137], %parallel_loop3A_1124 : memref<16x256xf32, #tpu.memory_space<vmem>>[vector<16xi32>, vector<16xi32>], vector<16xf32>,
        tpu.vector_store_idx %arg8[%parallel_loop3A_57, %parallel_loop3A_1137], %parallel_loop3A_1128 : memref<16x256xi32, #tpu.memory_space<vmem>>[vector<16xi32>, vector<16xi32>], vector<16xi32>,
        %parallel_loop3A_1138 = arith.constant 14 : i32
        %parallel_loop3A_1139 = arith.addi %parallel_loop3A_59, %parallel_loop3A_1138 : i32
        %parallel_loop3A_1140 = arith.index_cast %parallel_loop3A_1139 : i32 to index
        %parallel_loop3A_1141 = arith.constant 0 : index
        %parallel_loop3A_1142 = tpu.vector_load %arg4[%parallel_loop3A_1140, %parallel_loop3A_1141] {strides = array<i32>} : memref<256x128xf32, #tpu.memory_space<vmem>>, vector<16xf32>,
        %parallel_loop3A_1143 = arith.index_cast %parallel_loop3A_1139 : i32 to index
        %parallel_loop3A_1144 = arith.constant 16 : index
        %parallel_loop3A_1145 = tpu.vector_load %arg4[%parallel_loop3A_1143, %parallel_loop3A_1144] {strides = array<i32>} : memref<256x128xf32, #tpu.memory_space<vmem>>, vector<16xf32>,
        %parallel_loop3A_1146 = arith.cmpf ogt, %parallel_loop3A_1145, %parallel_loop3A_1142 : vector<16xf32>
        %parallel_loop3A_1147 = arith.select %parallel_loop3A_1146, %parallel_loop3A_1145, %parallel_loop3A_1142 : vector<16xi1>, vector<16xf32>
        %parallel_loop3A_1148 = arith.constant 16 : i32
        %parallel_loop3A_1149 = vector.broadcast %parallel_loop3A_1148 : i32 to vector<16xi32>
        %parallel_loop3A_1150 = arith.addi %iota3A, %parallel_loop3A_1149 : vector<16xi32>
        %parallel_loop3A_1151 = arith.select %parallel_loop3A_1146, %parallel_loop3A_1150, %iota3A : vector<16xi1>, vector<16xi32>
        %parallel_loop3A_1152 = arith.index_cast %parallel_loop3A_1139 : i32 to index
        %parallel_loop3A_1153 = arith.constant 32 : index
        %parallel_loop3A_1154 = tpu.vector_load %arg4[%parallel_loop3A_1152, %parallel_loop3A_1153] {strides = array<i32>} : memref<256x128xf32, #tpu.memory_space<vmem>>, vector<16xf32>,
        %parallel_loop3A_1155 = arith.cmpf ogt, %parallel_loop3A_1154, %parallel_loop3A_1147 : vector<16xf32>
        %parallel_loop3A_1156 = arith.select %parallel_loop3A_1155, %parallel_loop3A_1154, %parallel_loop3A_1147 : vector<16xi1>, vector<16xf32>
        %parallel_loop3A_1157 = arith.constant 32 : i32
        %parallel_loop3A_1158 = vector.broadcast %parallel_loop3A_1157 : i32 to vector<16xi32>
        %parallel_loop3A_1159 = arith.addi %iota3A, %parallel_loop3A_1158 : vector<16xi32>
        %parallel_loop3A_1160 = arith.select %parallel_loop3A_1155, %parallel_loop3A_1159, %parallel_loop3A_1151 : vector<16xi1>, vector<16xi32>
        %parallel_loop3A_1161 = arith.index_cast %parallel_loop3A_1139 : i32 to index
        %parallel_loop3A_1162 = arith.constant 48 : index
        %parallel_loop3A_1163 = tpu.vector_load %arg4[%parallel_loop3A_1161, %parallel_loop3A_1162] {strides = array<i32>} : memref<256x128xf32, #tpu.memory_space<vmem>>, vector<16xf32>,
        %parallel_loop3A_1164 = arith.cmpf ogt, %parallel_loop3A_1163, %parallel_loop3A_1156 : vector<16xf32>
        %parallel_loop3A_1165 = arith.select %parallel_loop3A_1164, %parallel_loop3A_1163, %parallel_loop3A_1156 : vector<16xi1>, vector<16xf32>
        %parallel_loop3A_1166 = arith.constant 48 : i32
        %parallel_loop3A_1167 = vector.broadcast %parallel_loop3A_1166 : i32 to vector<16xi32>
        %parallel_loop3A_1168 = arith.addi %iota3A, %parallel_loop3A_1167 : vector<16xi32>
        %parallel_loop3A_1169 = arith.select %parallel_loop3A_1164, %parallel_loop3A_1168, %parallel_loop3A_1160 : vector<16xi1>, vector<16xi32>
        %parallel_loop3A_1170 = arith.index_cast %parallel_loop3A_1139 : i32 to index
        %parallel_loop3A_1171 = arith.constant 64 : index
        %parallel_loop3A_1172 = tpu.vector_load %arg4[%parallel_loop3A_1170, %parallel_loop3A_1171] {strides = array<i32>} : memref<256x128xf32, #tpu.memory_space<vmem>>, vector<16xf32>,
        %parallel_loop3A_1173 = arith.cmpf ogt, %parallel_loop3A_1172, %parallel_loop3A_1165 : vector<16xf32>
        %parallel_loop3A_1174 = arith.select %parallel_loop3A_1173, %parallel_loop3A_1172, %parallel_loop3A_1165 : vector<16xi1>, vector<16xf32>
        %parallel_loop3A_1175 = arith.constant 64 : i32
        %parallel_loop3A_1176 = vector.broadcast %parallel_loop3A_1175 : i32 to vector<16xi32>
        %parallel_loop3A_1177 = arith.addi %iota3A, %parallel_loop3A_1176 : vector<16xi32>
        %parallel_loop3A_1178 = arith.select %parallel_loop3A_1173, %parallel_loop3A_1177, %parallel_loop3A_1169 : vector<16xi1>, vector<16xi32>
        %parallel_loop3A_1179 = arith.index_cast %parallel_loop3A_1139 : i32 to index
        %parallel_loop3A_1180 = arith.constant 80 : index
        %parallel_loop3A_1181 = tpu.vector_load %arg4[%parallel_loop3A_1179, %parallel_loop3A_1180] {strides = array<i32>} : memref<256x128xf32, #tpu.memory_space<vmem>>, vector<16xf32>,
        %parallel_loop3A_1182 = arith.cmpf ogt, %parallel_loop3A_1181, %parallel_loop3A_1174 : vector<16xf32>
        %parallel_loop3A_1183 = arith.select %parallel_loop3A_1182, %parallel_loop3A_1181, %parallel_loop3A_1174 : vector<16xi1>, vector<16xf32>
        %parallel_loop3A_1184 = arith.constant 80 : i32
        %parallel_loop3A_1185 = vector.broadcast %parallel_loop3A_1184 : i32 to vector<16xi32>
        %parallel_loop3A_1186 = arith.addi %iota3A, %parallel_loop3A_1185 : vector<16xi32>
        %parallel_loop3A_1187 = arith.select %parallel_loop3A_1182, %parallel_loop3A_1186, %parallel_loop3A_1178 : vector<16xi1>, vector<16xi32>
        %parallel_loop3A_1188 = arith.index_cast %parallel_loop3A_1139 : i32 to index
        %parallel_loop3A_1189 = arith.constant 96 : index
        %parallel_loop3A_1190 = tpu.vector_load %arg4[%parallel_loop3A_1188, %parallel_loop3A_1189] {strides = array<i32>} : memref<256x128xf32, #tpu.memory_space<vmem>>, vector<16xf32>,
        %parallel_loop3A_1191 = arith.cmpf ogt, %parallel_loop3A_1190, %parallel_loop3A_1183 : vector<16xf32>
        %parallel_loop3A_1192 = arith.select %parallel_loop3A_1191, %parallel_loop3A_1190, %parallel_loop3A_1183 : vector<16xi1>, vector<16xf32>
        %parallel_loop3A_1193 = arith.constant 96 : i32
        %parallel_loop3A_1194 = vector.broadcast %parallel_loop3A_1193 : i32 to vector<16xi32>
        %parallel_loop3A_1195 = arith.addi %iota3A, %parallel_loop3A_1194 : vector<16xi32>
        %parallel_loop3A_1196 = arith.select %parallel_loop3A_1191, %parallel_loop3A_1195, %parallel_loop3A_1187 : vector<16xi1>, vector<16xi32>
        %parallel_loop3A_1197 = arith.index_cast %parallel_loop3A_1139 : i32 to index
        %parallel_loop3A_1198 = arith.constant 112 : index
        %parallel_loop3A_1199 = tpu.vector_load %arg4[%parallel_loop3A_1197, %parallel_loop3A_1198] {strides = array<i32>} : memref<256x128xf32, #tpu.memory_space<vmem>>, vector<16xf32>,
        %parallel_loop3A_1200 = arith.cmpf ogt, %parallel_loop3A_1199, %parallel_loop3A_1192 : vector<16xf32>
        %parallel_loop3A_1201 = arith.select %parallel_loop3A_1200, %parallel_loop3A_1199, %parallel_loop3A_1192 : vector<16xi1>, vector<16xf32>
        %parallel_loop3A_1202 = arith.constant 112 : i32
        %parallel_loop3A_1203 = vector.broadcast %parallel_loop3A_1202 : i32 to vector<16xi32>
        %parallel_loop3A_1204 = arith.addi %iota3A, %parallel_loop3A_1203 : vector<16xi32>
        %parallel_loop3A_1205 = arith.select %parallel_loop3A_1200, %parallel_loop3A_1204, %parallel_loop3A_1196 : vector<16xi1>, vector<16xi32>
        %parallel_loop3A_1206 = arith.constant 14 : i32
        %parallel_loop3A_1207 = vector.broadcast %parallel_loop3A_1206 : i32 to vector<16xi32>
        %parallel_loop3A_1208 = arith.addi %iota3A, %parallel_loop3A_1207 : vector<16xi32>
        %parallel_loop3A_1209 = arith.constant 15 : i32
        %parallel_loop3A_1210 = vector.broadcast %parallel_loop3A_1209 : i32 to vector<16xi32>
        %parallel_loop3A_1211 = arith.andi %parallel_loop3A_1208, %parallel_loop3A_1210 : vector<16xi32>
        %parallel_loop3A_1212 = arith.constant 224 : i32
        %parallel_loop3A_1213 = vector.broadcast %parallel_loop3A_1212 : i32 to vector<16xi32>
        %parallel_loop3A_1214 = arith.addi %parallel_loop3A_1213, %parallel_loop3A_1211 : vector<16xi32>
        tpu.vector_store_idx %arg7[%parallel_loop3A_57, %parallel_loop3A_1214], %parallel_loop3A_1201 : memref<16x256xf32, #tpu.memory_space<vmem>>[vector<16xi32>, vector<16xi32>], vector<16xf32>,
        tpu.vector_store_idx %arg8[%parallel_loop3A_57, %parallel_loop3A_1214], %parallel_loop3A_1205 : memref<16x256xi32, #tpu.memory_space<vmem>>[vector<16xi32>, vector<16xi32>], vector<16xi32>,
        %parallel_loop3A_1215 = arith.constant 15 : i32
        %parallel_loop3A_1216 = arith.addi %parallel_loop3A_59, %parallel_loop3A_1215 : i32
        %parallel_loop3A_1217 = arith.index_cast %parallel_loop3A_1216 : i32 to index
        %parallel_loop3A_1218 = arith.constant 0 : index
        %parallel_loop3A_1219 = tpu.vector_load %arg4[%parallel_loop3A_1217, %parallel_loop3A_1218] {strides = array<i32>} : memref<256x128xf32, #tpu.memory_space<vmem>>, vector<16xf32>,
        %parallel_loop3A_1220 = arith.index_cast %parallel_loop3A_1216 : i32 to index
        %parallel_loop3A_1221 = arith.constant 16 : index
        %parallel_loop3A_1222 = tpu.vector_load %arg4[%parallel_loop3A_1220, %parallel_loop3A_1221] {strides = array<i32>} : memref<256x128xf32, #tpu.memory_space<vmem>>, vector<16xf32>,
        %parallel_loop3A_1223 = arith.cmpf ogt, %parallel_loop3A_1222, %parallel_loop3A_1219 : vector<16xf32>
        %parallel_loop3A_1224 = arith.select %parallel_loop3A_1223, %parallel_loop3A_1222, %parallel_loop3A_1219 : vector<16xi1>, vector<16xf32>
        %parallel_loop3A_1225 = arith.constant 16 : i32
        %parallel_loop3A_1226 = vector.broadcast %parallel_loop3A_1225 : i32 to vector<16xi32>
        %parallel_loop3A_1227 = arith.addi %iota3A, %parallel_loop3A_1226 : vector<16xi32>
        %parallel_loop3A_1228 = arith.select %parallel_loop3A_1223, %parallel_loop3A_1227, %iota3A : vector<16xi1>, vector<16xi32>
        %parallel_loop3A_1229 = arith.index_cast %parallel_loop3A_1216 : i32 to index
        %parallel_loop3A_1230 = arith.constant 32 : index
        %parallel_loop3A_1231 = tpu.vector_load %arg4[%parallel_loop3A_1229, %parallel_loop3A_1230] {strides = array<i32>} : memref<256x128xf32, #tpu.memory_space<vmem>>, vector<16xf32>,
        %parallel_loop3A_1232 = arith.cmpf ogt, %parallel_loop3A_1231, %parallel_loop3A_1224 : vector<16xf32>
        %parallel_loop3A_1233 = arith.select %parallel_loop3A_1232, %parallel_loop3A_1231, %parallel_loop3A_1224 : vector<16xi1>, vector<16xf32>
        %parallel_loop3A_1234 = arith.constant 32 : i32
        %parallel_loop3A_1235 = vector.broadcast %parallel_loop3A_1234 : i32 to vector<16xi32>
        %parallel_loop3A_1236 = arith.addi %iota3A, %parallel_loop3A_1235 : vector<16xi32>
        %parallel_loop3A_1237 = arith.select %parallel_loop3A_1232, %parallel_loop3A_1236, %parallel_loop3A_1228 : vector<16xi1>, vector<16xi32>
        %parallel_loop3A_1238 = arith.index_cast %parallel_loop3A_1216 : i32 to index
        %parallel_loop3A_1239 = arith.constant 48 : index
        %parallel_loop3A_1240 = tpu.vector_load %arg4[%parallel_loop3A_1238, %parallel_loop3A_1239] {strides = array<i32>} : memref<256x128xf32, #tpu.memory_space<vmem>>, vector<16xf32>,
        %parallel_loop3A_1241 = arith.cmpf ogt, %parallel_loop3A_1240, %parallel_loop3A_1233 : vector<16xf32>
        %parallel_loop3A_1242 = arith.select %parallel_loop3A_1241, %parallel_loop3A_1240, %parallel_loop3A_1233 : vector<16xi1>, vector<16xf32>
        %parallel_loop3A_1243 = arith.constant 48 : i32
        %parallel_loop3A_1244 = vector.broadcast %parallel_loop3A_1243 : i32 to vector<16xi32>
        %parallel_loop3A_1245 = arith.addi %iota3A, %parallel_loop3A_1244 : vector<16xi32>
        %parallel_loop3A_1246 = arith.select %parallel_loop3A_1241, %parallel_loop3A_1245, %parallel_loop3A_1237 : vector<16xi1>, vector<16xi32>
        %parallel_loop3A_1247 = arith.index_cast %parallel_loop3A_1216 : i32 to index
        %parallel_loop3A_1248 = arith.constant 64 : index
        %parallel_loop3A_1249 = tpu.vector_load %arg4[%parallel_loop3A_1247, %parallel_loop3A_1248] {strides = array<i32>} : memref<256x128xf32, #tpu.memory_space<vmem>>, vector<16xf32>,
        %parallel_loop3A_1250 = arith.cmpf ogt, %parallel_loop3A_1249, %parallel_loop3A_1242 : vector<16xf32>
        %parallel_loop3A_1251 = arith.select %parallel_loop3A_1250, %parallel_loop3A_1249, %parallel_loop3A_1242 : vector<16xi1>, vector<16xf32>
        %parallel_loop3A_1252 = arith.constant 64 : i32
        %parallel_loop3A_1253 = vector.broadcast %parallel_loop3A_1252 : i32 to vector<16xi32>
        %parallel_loop3A_1254 = arith.addi %iota3A, %parallel_loop3A_1253 : vector<16xi32>
        %parallel_loop3A_1255 = arith.select %parallel_loop3A_1250, %parallel_loop3A_1254, %parallel_loop3A_1246 : vector<16xi1>, vector<16xi32>
        %parallel_loop3A_1256 = arith.index_cast %parallel_loop3A_1216 : i32 to index
        %parallel_loop3A_1257 = arith.constant 80 : index
        %parallel_loop3A_1258 = tpu.vector_load %arg4[%parallel_loop3A_1256, %parallel_loop3A_1257] {strides = array<i32>} : memref<256x128xf32, #tpu.memory_space<vmem>>, vector<16xf32>,
        %parallel_loop3A_1259 = arith.cmpf ogt, %parallel_loop3A_1258, %parallel_loop3A_1251 : vector<16xf32>
        %parallel_loop3A_1260 = arith.select %parallel_loop3A_1259, %parallel_loop3A_1258, %parallel_loop3A_1251 : vector<16xi1>, vector<16xf32>
        %parallel_loop3A_1261 = arith.constant 80 : i32
        %parallel_loop3A_1262 = vector.broadcast %parallel_loop3A_1261 : i32 to vector<16xi32>
        %parallel_loop3A_1263 = arith.addi %iota3A, %parallel_loop3A_1262 : vector<16xi32>
        %parallel_loop3A_1264 = arith.select %parallel_loop3A_1259, %parallel_loop3A_1263, %parallel_loop3A_1255 : vector<16xi1>, vector<16xi32>
        %parallel_loop3A_1265 = arith.index_cast %parallel_loop3A_1216 : i32 to index
        %parallel_loop3A_1266 = arith.constant 96 : index
        %parallel_loop3A_1267 = tpu.vector_load %arg4[%parallel_loop3A_1265, %parallel_loop3A_1266] {strides = array<i32>} : memref<256x128xf32, #tpu.memory_space<vmem>>, vector<16xf32>,
        %parallel_loop3A_1268 = arith.cmpf ogt, %parallel_loop3A_1267, %parallel_loop3A_1260 : vector<16xf32>
        %parallel_loop3A_1269 = arith.select %parallel_loop3A_1268, %parallel_loop3A_1267, %parallel_loop3A_1260 : vector<16xi1>, vector<16xf32>
        %parallel_loop3A_1270 = arith.constant 96 : i32
        %parallel_loop3A_1271 = vector.broadcast %parallel_loop3A_1270 : i32 to vector<16xi32>
        %parallel_loop3A_1272 = arith.addi %iota3A, %parallel_loop3A_1271 : vector<16xi32>
        %parallel_loop3A_1273 = arith.select %parallel_loop3A_1268, %parallel_loop3A_1272, %parallel_loop3A_1264 : vector<16xi1>, vector<16xi32>
        %parallel_loop3A_1274 = arith.index_cast %parallel_loop3A_1216 : i32 to index
        %parallel_loop3A_1275 = arith.constant 112 : index
        %parallel_loop3A_1276 = tpu.vector_load %arg4[%parallel_loop3A_1274, %parallel_loop3A_1275] {strides = array<i32>} : memref<256x128xf32, #tpu.memory_space<vmem>>, vector<16xf32>,
        %parallel_loop3A_1277 = arith.cmpf ogt, %parallel_loop3A_1276, %parallel_loop3A_1269 : vector<16xf32>
        %parallel_loop3A_1278 = arith.select %parallel_loop3A_1277, %parallel_loop3A_1276, %parallel_loop3A_1269 : vector<16xi1>, vector<16xf32>
        %parallel_loop3A_1279 = arith.constant 112 : i32
        %parallel_loop3A_1280 = vector.broadcast %parallel_loop3A_1279 : i32 to vector<16xi32>
        %parallel_loop3A_1281 = arith.addi %iota3A, %parallel_loop3A_1280 : vector<16xi32>
        %parallel_loop3A_1282 = arith.select %parallel_loop3A_1277, %parallel_loop3A_1281, %parallel_loop3A_1273 : vector<16xi1>, vector<16xi32>
        %parallel_loop3A_1283 = arith.constant 15 : i32
        %parallel_loop3A_1284 = vector.broadcast %parallel_loop3A_1283 : i32 to vector<16xi32>
        %parallel_loop3A_1285 = arith.addi %iota3A, %parallel_loop3A_1284 : vector<16xi32>
        %parallel_loop3A_1286 = arith.constant 15 : i32
        %parallel_loop3A_1287 = vector.broadcast %parallel_loop3A_1286 : i32 to vector<16xi32>
        %parallel_loop3A_1288 = arith.andi %parallel_loop3A_1285, %parallel_loop3A_1287 : vector<16xi32>
        %parallel_loop3A_1289 = arith.constant 240 : i32
        %parallel_loop3A_1290 = vector.broadcast %parallel_loop3A_1289 : i32 to vector<16xi32>
        %parallel_loop3A_1291 = arith.addi %parallel_loop3A_1290, %parallel_loop3A_1288 : vector<16xi32>
        tpu.vector_store_idx %arg7[%parallel_loop3A_57, %parallel_loop3A_1291], %parallel_loop3A_1278 : memref<16x256xf32, #tpu.memory_space<vmem>>[vector<16xi32>, vector<16xi32>], vector<16xf32>,
        tpu.vector_store_idx %arg8[%parallel_loop3A_57, %parallel_loop3A_1291], %parallel_loop3A_1282 : memref<16x256xi32, #tpu.memory_space<vmem>>[vector<16xi32>, vector<16xi32>], vector<16xi32>,
        %parallel_loop3A_1292 = arith.constant 16 : i32
        %parallel_loop3A_1293 = vector.broadcast %parallel_loop3A_1292 : i32 to vector<16xi32>
        %parallel_loop3A_1294 = arith.muli %iota3A, %parallel_loop3A_1293 : vector<16xi32>
        %parallel_loop3A_1295 = arith.constant 0 : i32
        %parallel_loop3A_1296 = vector.broadcast %parallel_loop3A_1295 : i32 to vector<16xi32>
        %parallel_loop3A_1297 = arith.addi %iota3A, %parallel_loop3A_1296 : vector<16xi32>
        %parallel_loop3A_1298 = arith.constant 15 : i32
        %parallel_loop3A_1299 = vector.broadcast %parallel_loop3A_1298 : i32 to vector<16xi32>
        %parallel_loop3A_1300 = arith.andi %parallel_loop3A_1297, %parallel_loop3A_1299 : vector<16xi32>
        %parallel_loop3A_1301 = arith.addi %parallel_loop3A_1294, %parallel_loop3A_1300 : vector<16xi32>
        %parallel_loop3A_1302 = tpu.vector_load_idx %arg7[%parallel_loop3A_57, %parallel_loop3A_1301] : memref<16x256xf32, #tpu.memory_space<vmem>>[vector<16xi32>, vector<16xi32>], vector<16xf32>,
        %parallel_loop3A_1303 = tpu.vector_load_idx %arg8[%parallel_loop3A_57, %parallel_loop3A_1301] : memref<16x256xi32, #tpu.memory_space<vmem>>[vector<16xi32>, vector<16xi32>], vector<16xi32>,
        %parallel_loop3A_1304 = arith.constant 16 : i32
        %parallel_loop3A_1305 = vector.broadcast %parallel_loop3A_1304 : i32 to vector<16xi32>
        %parallel_loop3A_1306 = arith.muli %iota3A, %parallel_loop3A_1305 : vector<16xi32>
        %parallel_loop3A_1307 = arith.constant 1 : i32
        %parallel_loop3A_1308 = vector.broadcast %parallel_loop3A_1307 : i32 to vector<16xi32>
        %parallel_loop3A_1309 = arith.addi %iota3A, %parallel_loop3A_1308 : vector<16xi32>
        %parallel_loop3A_1310 = arith.constant 15 : i32
        %parallel_loop3A_1311 = vector.broadcast %parallel_loop3A_1310 : i32 to vector<16xi32>
        %parallel_loop3A_1312 = arith.andi %parallel_loop3A_1309, %parallel_loop3A_1311 : vector<16xi32>
        %parallel_loop3A_1313 = arith.addi %parallel_loop3A_1306, %parallel_loop3A_1312 : vector<16xi32>
        %parallel_loop3A_1314 = tpu.vector_load_idx %arg7[%parallel_loop3A_57, %parallel_loop3A_1313] : memref<16x256xf32, #tpu.memory_space<vmem>>[vector<16xi32>, vector<16xi32>], vector<16xf32>,
        %parallel_loop3A_1315 = tpu.vector_load_idx %arg8[%parallel_loop3A_57, %parallel_loop3A_1313] : memref<16x256xi32, #tpu.memory_space<vmem>>[vector<16xi32>, vector<16xi32>], vector<16xi32>,
        %parallel_loop3A_1316 = arith.cmpf ogt, %parallel_loop3A_1314, %parallel_loop3A_1302 : vector<16xf32>
        %parallel_loop3A_1317 = arith.cmpf oeq, %parallel_loop3A_1314, %parallel_loop3A_1302 : vector<16xf32>
        %parallel_loop3A_1318 = arith.cmpi slt, %parallel_loop3A_1315, %parallel_loop3A_1303 : vector<16xi32>
        %parallel_loop3A_1319 = arith.andi %parallel_loop3A_1317, %parallel_loop3A_1318 : vector<16xi1>
        %parallel_loop3A_1320 = arith.ori %parallel_loop3A_1316, %parallel_loop3A_1319 : vector<16xi1>
        %parallel_loop3A_1321 = arith.select %parallel_loop3A_1320, %parallel_loop3A_1314, %parallel_loop3A_1302 : vector<16xi1>, vector<16xf32>
        %parallel_loop3A_1322 = arith.select %parallel_loop3A_1320, %parallel_loop3A_1315, %parallel_loop3A_1303 : vector<16xi1>, vector<16xi32>
        %parallel_loop3A_1323 = arith.constant 16 : i32
        %parallel_loop3A_1324 = vector.broadcast %parallel_loop3A_1323 : i32 to vector<16xi32>
        %parallel_loop3A_1325 = arith.muli %iota3A, %parallel_loop3A_1324 : vector<16xi32>
        %parallel_loop3A_1326 = arith.constant 2 : i32
        %parallel_loop3A_1327 = vector.broadcast %parallel_loop3A_1326 : i32 to vector<16xi32>
        %parallel_loop3A_1328 = arith.addi %iota3A, %parallel_loop3A_1327 : vector<16xi32>
        %parallel_loop3A_1329 = arith.constant 15 : i32
        %parallel_loop3A_1330 = vector.broadcast %parallel_loop3A_1329 : i32 to vector<16xi32>
        %parallel_loop3A_1331 = arith.andi %parallel_loop3A_1328, %parallel_loop3A_1330 : vector<16xi32>
        %parallel_loop3A_1332 = arith.addi %parallel_loop3A_1325, %parallel_loop3A_1331 : vector<16xi32>
        %parallel_loop3A_1333 = tpu.vector_load_idx %arg7[%parallel_loop3A_57, %parallel_loop3A_1332] : memref<16x256xf32, #tpu.memory_space<vmem>>[vector<16xi32>, vector<16xi32>], vector<16xf32>,
        %parallel_loop3A_1334 = tpu.vector_load_idx %arg8[%parallel_loop3A_57, %parallel_loop3A_1332] : memref<16x256xi32, #tpu.memory_space<vmem>>[vector<16xi32>, vector<16xi32>], vector<16xi32>,
        %parallel_loop3A_1335 = arith.cmpf ogt, %parallel_loop3A_1333, %parallel_loop3A_1321 : vector<16xf32>
        %parallel_loop3A_1336 = arith.cmpf oeq, %parallel_loop3A_1333, %parallel_loop3A_1321 : vector<16xf32>
        %parallel_loop3A_1337 = arith.cmpi slt, %parallel_loop3A_1334, %parallel_loop3A_1322 : vector<16xi32>
        %parallel_loop3A_1338 = arith.andi %parallel_loop3A_1336, %parallel_loop3A_1337 : vector<16xi1>
        %parallel_loop3A_1339 = arith.ori %parallel_loop3A_1335, %parallel_loop3A_1338 : vector<16xi1>
        %parallel_loop3A_1340 = arith.select %parallel_loop3A_1339, %parallel_loop3A_1333, %parallel_loop3A_1321 : vector<16xi1>, vector<16xf32>
        %parallel_loop3A_1341 = arith.select %parallel_loop3A_1339, %parallel_loop3A_1334, %parallel_loop3A_1322 : vector<16xi1>, vector<16xi32>
        %parallel_loop3A_1342 = arith.constant 16 : i32
        %parallel_loop3A_1343 = vector.broadcast %parallel_loop3A_1342 : i32 to vector<16xi32>
        %parallel_loop3A_1344 = arith.muli %iota3A, %parallel_loop3A_1343 : vector<16xi32>
        %parallel_loop3A_1345 = arith.constant 3 : i32
        %parallel_loop3A_1346 = vector.broadcast %parallel_loop3A_1345 : i32 to vector<16xi32>
        %parallel_loop3A_1347 = arith.addi %iota3A, %parallel_loop3A_1346 : vector<16xi32>
        %parallel_loop3A_1348 = arith.constant 15 : i32
        %parallel_loop3A_1349 = vector.broadcast %parallel_loop3A_1348 : i32 to vector<16xi32>
        %parallel_loop3A_1350 = arith.andi %parallel_loop3A_1347, %parallel_loop3A_1349 : vector<16xi32>
        %parallel_loop3A_1351 = arith.addi %parallel_loop3A_1344, %parallel_loop3A_1350 : vector<16xi32>
        %parallel_loop3A_1352 = tpu.vector_load_idx %arg7[%parallel_loop3A_57, %parallel_loop3A_1351] : memref<16x256xf32, #tpu.memory_space<vmem>>[vector<16xi32>, vector<16xi32>], vector<16xf32>,
        %parallel_loop3A_1353 = tpu.vector_load_idx %arg8[%parallel_loop3A_57, %parallel_loop3A_1351] : memref<16x256xi32, #tpu.memory_space<vmem>>[vector<16xi32>, vector<16xi32>], vector<16xi32>,
        %parallel_loop3A_1354 = arith.cmpf ogt, %parallel_loop3A_1352, %parallel_loop3A_1340 : vector<16xf32>
        %parallel_loop3A_1355 = arith.cmpf oeq, %parallel_loop3A_1352, %parallel_loop3A_1340 : vector<16xf32>
        %parallel_loop3A_1356 = arith.cmpi slt, %parallel_loop3A_1353, %parallel_loop3A_1341 : vector<16xi32>
        %parallel_loop3A_1357 = arith.andi %parallel_loop3A_1355, %parallel_loop3A_1356 : vector<16xi1>
        %parallel_loop3A_1358 = arith.ori %parallel_loop3A_1354, %parallel_loop3A_1357 : vector<16xi1>
        %parallel_loop3A_1359 = arith.select %parallel_loop3A_1358, %parallel_loop3A_1352, %parallel_loop3A_1340 : vector<16xi1>, vector<16xf32>
        %parallel_loop3A_1360 = arith.select %parallel_loop3A_1358, %parallel_loop3A_1353, %parallel_loop3A_1341 : vector<16xi1>, vector<16xi32>
        %parallel_loop3A_1361 = arith.constant 16 : i32
        %parallel_loop3A_1362 = vector.broadcast %parallel_loop3A_1361 : i32 to vector<16xi32>
        %parallel_loop3A_1363 = arith.muli %iota3A, %parallel_loop3A_1362 : vector<16xi32>
        %parallel_loop3A_1364 = arith.constant 4 : i32
        %parallel_loop3A_1365 = vector.broadcast %parallel_loop3A_1364 : i32 to vector<16xi32>
        %parallel_loop3A_1366 = arith.addi %iota3A, %parallel_loop3A_1365 : vector<16xi32>
        %parallel_loop3A_1367 = arith.constant 15 : i32
        %parallel_loop3A_1368 = vector.broadcast %parallel_loop3A_1367 : i32 to vector<16xi32>
        %parallel_loop3A_1369 = arith.andi %parallel_loop3A_1366, %parallel_loop3A_1368 : vector<16xi32>
        %parallel_loop3A_1370 = arith.addi %parallel_loop3A_1363, %parallel_loop3A_1369 : vector<16xi32>
        %parallel_loop3A_1371 = tpu.vector_load_idx %arg7[%parallel_loop3A_57, %parallel_loop3A_1370] : memref<16x256xf32, #tpu.memory_space<vmem>>[vector<16xi32>, vector<16xi32>], vector<16xf32>,
        %parallel_loop3A_1372 = tpu.vector_load_idx %arg8[%parallel_loop3A_57, %parallel_loop3A_1370] : memref<16x256xi32, #tpu.memory_space<vmem>>[vector<16xi32>, vector<16xi32>], vector<16xi32>,
        %parallel_loop3A_1373 = arith.cmpf ogt, %parallel_loop3A_1371, %parallel_loop3A_1359 : vector<16xf32>
        %parallel_loop3A_1374 = arith.cmpf oeq, %parallel_loop3A_1371, %parallel_loop3A_1359 : vector<16xf32>
        %parallel_loop3A_1375 = arith.cmpi slt, %parallel_loop3A_1372, %parallel_loop3A_1360 : vector<16xi32>
        %parallel_loop3A_1376 = arith.andi %parallel_loop3A_1374, %parallel_loop3A_1375 : vector<16xi1>
        %parallel_loop3A_1377 = arith.ori %parallel_loop3A_1373, %parallel_loop3A_1376 : vector<16xi1>
        %parallel_loop3A_1378 = arith.select %parallel_loop3A_1377, %parallel_loop3A_1371, %parallel_loop3A_1359 : vector<16xi1>, vector<16xf32>
        %parallel_loop3A_1379 = arith.select %parallel_loop3A_1377, %parallel_loop3A_1372, %parallel_loop3A_1360 : vector<16xi1>, vector<16xi32>
        %parallel_loop3A_1380 = arith.constant 16 : i32
        %parallel_loop3A_1381 = vector.broadcast %parallel_loop3A_1380 : i32 to vector<16xi32>
        %parallel_loop3A_1382 = arith.muli %iota3A, %parallel_loop3A_1381 : vector<16xi32>
        %parallel_loop3A_1383 = arith.constant 5 : i32
        %parallel_loop3A_1384 = vector.broadcast %parallel_loop3A_1383 : i32 to vector<16xi32>
        %parallel_loop3A_1385 = arith.addi %iota3A, %parallel_loop3A_1384 : vector<16xi32>
        %parallel_loop3A_1386 = arith.constant 15 : i32
        %parallel_loop3A_1387 = vector.broadcast %parallel_loop3A_1386 : i32 to vector<16xi32>
        %parallel_loop3A_1388 = arith.andi %parallel_loop3A_1385, %parallel_loop3A_1387 : vector<16xi32>
        %parallel_loop3A_1389 = arith.addi %parallel_loop3A_1382, %parallel_loop3A_1388 : vector<16xi32>
        %parallel_loop3A_1390 = tpu.vector_load_idx %arg7[%parallel_loop3A_57, %parallel_loop3A_1389] : memref<16x256xf32, #tpu.memory_space<vmem>>[vector<16xi32>, vector<16xi32>], vector<16xf32>,
        %parallel_loop3A_1391 = tpu.vector_load_idx %arg8[%parallel_loop3A_57, %parallel_loop3A_1389] : memref<16x256xi32, #tpu.memory_space<vmem>>[vector<16xi32>, vector<16xi32>], vector<16xi32>,
        %parallel_loop3A_1392 = arith.cmpf ogt, %parallel_loop3A_1390, %parallel_loop3A_1378 : vector<16xf32>
        %parallel_loop3A_1393 = arith.cmpf oeq, %parallel_loop3A_1390, %parallel_loop3A_1378 : vector<16xf32>
        %parallel_loop3A_1394 = arith.cmpi slt, %parallel_loop3A_1391, %parallel_loop3A_1379 : vector<16xi32>
        %parallel_loop3A_1395 = arith.andi %parallel_loop3A_1393, %parallel_loop3A_1394 : vector<16xi1>
        %parallel_loop3A_1396 = arith.ori %parallel_loop3A_1392, %parallel_loop3A_1395 : vector<16xi1>
        %parallel_loop3A_1397 = arith.select %parallel_loop3A_1396, %parallel_loop3A_1390, %parallel_loop3A_1378 : vector<16xi1>, vector<16xf32>
        %parallel_loop3A_1398 = arith.select %parallel_loop3A_1396, %parallel_loop3A_1391, %parallel_loop3A_1379 : vector<16xi1>, vector<16xi32>
        %parallel_loop3A_1399 = arith.constant 16 : i32
        %parallel_loop3A_1400 = vector.broadcast %parallel_loop3A_1399 : i32 to vector<16xi32>
        %parallel_loop3A_1401 = arith.muli %iota3A, %parallel_loop3A_1400 : vector<16xi32>
        %parallel_loop3A_1402 = arith.constant 6 : i32
        %parallel_loop3A_1403 = vector.broadcast %parallel_loop3A_1402 : i32 to vector<16xi32>
        %parallel_loop3A_1404 = arith.addi %iota3A, %parallel_loop3A_1403 : vector<16xi32>
        %parallel_loop3A_1405 = arith.constant 15 : i32
        %parallel_loop3A_1406 = vector.broadcast %parallel_loop3A_1405 : i32 to vector<16xi32>
        %parallel_loop3A_1407 = arith.andi %parallel_loop3A_1404, %parallel_loop3A_1406 : vector<16xi32>
        %parallel_loop3A_1408 = arith.addi %parallel_loop3A_1401, %parallel_loop3A_1407 : vector<16xi32>
        %parallel_loop3A_1409 = tpu.vector_load_idx %arg7[%parallel_loop3A_57, %parallel_loop3A_1408] : memref<16x256xf32, #tpu.memory_space<vmem>>[vector<16xi32>, vector<16xi32>], vector<16xf32>,
        %parallel_loop3A_1410 = tpu.vector_load_idx %arg8[%parallel_loop3A_57, %parallel_loop3A_1408] : memref<16x256xi32, #tpu.memory_space<vmem>>[vector<16xi32>, vector<16xi32>], vector<16xi32>,
        %parallel_loop3A_1411 = arith.cmpf ogt, %parallel_loop3A_1409, %parallel_loop3A_1397 : vector<16xf32>
        %parallel_loop3A_1412 = arith.cmpf oeq, %parallel_loop3A_1409, %parallel_loop3A_1397 : vector<16xf32>
        %parallel_loop3A_1413 = arith.cmpi slt, %parallel_loop3A_1410, %parallel_loop3A_1398 : vector<16xi32>
        %parallel_loop3A_1414 = arith.andi %parallel_loop3A_1412, %parallel_loop3A_1413 : vector<16xi1>
        %parallel_loop3A_1415 = arith.ori %parallel_loop3A_1411, %parallel_loop3A_1414 : vector<16xi1>
        %parallel_loop3A_1416 = arith.select %parallel_loop3A_1415, %parallel_loop3A_1409, %parallel_loop3A_1397 : vector<16xi1>, vector<16xf32>
        %parallel_loop3A_1417 = arith.select %parallel_loop3A_1415, %parallel_loop3A_1410, %parallel_loop3A_1398 : vector<16xi1>, vector<16xi32>
        %parallel_loop3A_1418 = arith.constant 16 : i32
        %parallel_loop3A_1419 = vector.broadcast %parallel_loop3A_1418 : i32 to vector<16xi32>
        %parallel_loop3A_1420 = arith.muli %iota3A, %parallel_loop3A_1419 : vector<16xi32>
        %parallel_loop3A_1421 = arith.constant 7 : i32
        %parallel_loop3A_1422 = vector.broadcast %parallel_loop3A_1421 : i32 to vector<16xi32>
        %parallel_loop3A_1423 = arith.addi %iota3A, %parallel_loop3A_1422 : vector<16xi32>
        %parallel_loop3A_1424 = arith.constant 15 : i32
        %parallel_loop3A_1425 = vector.broadcast %parallel_loop3A_1424 : i32 to vector<16xi32>
        %parallel_loop3A_1426 = arith.andi %parallel_loop3A_1423, %parallel_loop3A_1425 : vector<16xi32>
        %parallel_loop3A_1427 = arith.addi %parallel_loop3A_1420, %parallel_loop3A_1426 : vector<16xi32>
        %parallel_loop3A_1428 = tpu.vector_load_idx %arg7[%parallel_loop3A_57, %parallel_loop3A_1427] : memref<16x256xf32, #tpu.memory_space<vmem>>[vector<16xi32>, vector<16xi32>], vector<16xf32>,
        %parallel_loop3A_1429 = tpu.vector_load_idx %arg8[%parallel_loop3A_57, %parallel_loop3A_1427] : memref<16x256xi32, #tpu.memory_space<vmem>>[vector<16xi32>, vector<16xi32>], vector<16xi32>,
        %parallel_loop3A_1430 = arith.cmpf ogt, %parallel_loop3A_1428, %parallel_loop3A_1416 : vector<16xf32>
        %parallel_loop3A_1431 = arith.cmpf oeq, %parallel_loop3A_1428, %parallel_loop3A_1416 : vector<16xf32>
        %parallel_loop3A_1432 = arith.cmpi slt, %parallel_loop3A_1429, %parallel_loop3A_1417 : vector<16xi32>
        %parallel_loop3A_1433 = arith.andi %parallel_loop3A_1431, %parallel_loop3A_1432 : vector<16xi1>
        %parallel_loop3A_1434 = arith.ori %parallel_loop3A_1430, %parallel_loop3A_1433 : vector<16xi1>
        %parallel_loop3A_1435 = arith.select %parallel_loop3A_1434, %parallel_loop3A_1428, %parallel_loop3A_1416 : vector<16xi1>, vector<16xf32>
        %parallel_loop3A_1436 = arith.select %parallel_loop3A_1434, %parallel_loop3A_1429, %parallel_loop3A_1417 : vector<16xi1>, vector<16xi32>
        %parallel_loop3A_1437 = arith.constant 16 : i32
        %parallel_loop3A_1438 = vector.broadcast %parallel_loop3A_1437 : i32 to vector<16xi32>
        %parallel_loop3A_1439 = arith.muli %iota3A, %parallel_loop3A_1438 : vector<16xi32>
        %parallel_loop3A_1440 = arith.constant 8 : i32
        %parallel_loop3A_1441 = vector.broadcast %parallel_loop3A_1440 : i32 to vector<16xi32>
        %parallel_loop3A_1442 = arith.addi %iota3A, %parallel_loop3A_1441 : vector<16xi32>
        %parallel_loop3A_1443 = arith.constant 15 : i32
        %parallel_loop3A_1444 = vector.broadcast %parallel_loop3A_1443 : i32 to vector<16xi32>
        %parallel_loop3A_1445 = arith.andi %parallel_loop3A_1442, %parallel_loop3A_1444 : vector<16xi32>
        %parallel_loop3A_1446 = arith.addi %parallel_loop3A_1439, %parallel_loop3A_1445 : vector<16xi32>
        %parallel_loop3A_1447 = tpu.vector_load_idx %arg7[%parallel_loop3A_57, %parallel_loop3A_1446] : memref<16x256xf32, #tpu.memory_space<vmem>>[vector<16xi32>, vector<16xi32>], vector<16xf32>,
        %parallel_loop3A_1448 = tpu.vector_load_idx %arg8[%parallel_loop3A_57, %parallel_loop3A_1446] : memref<16x256xi32, #tpu.memory_space<vmem>>[vector<16xi32>, vector<16xi32>], vector<16xi32>,
        %parallel_loop3A_1449 = arith.cmpf ogt, %parallel_loop3A_1447, %parallel_loop3A_1435 : vector<16xf32>
        %parallel_loop3A_1450 = arith.cmpf oeq, %parallel_loop3A_1447, %parallel_loop3A_1435 : vector<16xf32>
        %parallel_loop3A_1451 = arith.cmpi slt, %parallel_loop3A_1448, %parallel_loop3A_1436 : vector<16xi32>
        %parallel_loop3A_1452 = arith.andi %parallel_loop3A_1450, %parallel_loop3A_1451 : vector<16xi1>
        %parallel_loop3A_1453 = arith.ori %parallel_loop3A_1449, %parallel_loop3A_1452 : vector<16xi1>
        %parallel_loop3A_1454 = arith.select %parallel_loop3A_1453, %parallel_loop3A_1447, %parallel_loop3A_1435 : vector<16xi1>, vector<16xf32>
        %parallel_loop3A_1455 = arith.select %parallel_loop3A_1453, %parallel_loop3A_1448, %parallel_loop3A_1436 : vector<16xi1>, vector<16xi32>
        %parallel_loop3A_1456 = arith.constant 16 : i32
        %parallel_loop3A_1457 = vector.broadcast %parallel_loop3A_1456 : i32 to vector<16xi32>
        %parallel_loop3A_1458 = arith.muli %iota3A, %parallel_loop3A_1457 : vector<16xi32>
        %parallel_loop3A_1459 = arith.constant 9 : i32
        %parallel_loop3A_1460 = vector.broadcast %parallel_loop3A_1459 : i32 to vector<16xi32>
        %parallel_loop3A_1461 = arith.addi %iota3A, %parallel_loop3A_1460 : vector<16xi32>
        %parallel_loop3A_1462 = arith.constant 15 : i32
        %parallel_loop3A_1463 = vector.broadcast %parallel_loop3A_1462 : i32 to vector<16xi32>
        %parallel_loop3A_1464 = arith.andi %parallel_loop3A_1461, %parallel_loop3A_1463 : vector<16xi32>
        %parallel_loop3A_1465 = arith.addi %parallel_loop3A_1458, %parallel_loop3A_1464 : vector<16xi32>
        %parallel_loop3A_1466 = tpu.vector_load_idx %arg7[%parallel_loop3A_57, %parallel_loop3A_1465] : memref<16x256xf32, #tpu.memory_space<vmem>>[vector<16xi32>, vector<16xi32>], vector<16xf32>,
        %parallel_loop3A_1467 = tpu.vector_load_idx %arg8[%parallel_loop3A_57, %parallel_loop3A_1465] : memref<16x256xi32, #tpu.memory_space<vmem>>[vector<16xi32>, vector<16xi32>], vector<16xi32>,
        %parallel_loop3A_1468 = arith.cmpf ogt, %parallel_loop3A_1466, %parallel_loop3A_1454 : vector<16xf32>
        %parallel_loop3A_1469 = arith.cmpf oeq, %parallel_loop3A_1466, %parallel_loop3A_1454 : vector<16xf32>
        %parallel_loop3A_1470 = arith.cmpi slt, %parallel_loop3A_1467, %parallel_loop3A_1455 : vector<16xi32>
        %parallel_loop3A_1471 = arith.andi %parallel_loop3A_1469, %parallel_loop3A_1470 : vector<16xi1>
        %parallel_loop3A_1472 = arith.ori %parallel_loop3A_1468, %parallel_loop3A_1471 : vector<16xi1>
        %parallel_loop3A_1473 = arith.select %parallel_loop3A_1472, %parallel_loop3A_1466, %parallel_loop3A_1454 : vector<16xi1>, vector<16xf32>
        %parallel_loop3A_1474 = arith.select %parallel_loop3A_1472, %parallel_loop3A_1467, %parallel_loop3A_1455 : vector<16xi1>, vector<16xi32>
        %parallel_loop3A_1475 = arith.constant 16 : i32
        %parallel_loop3A_1476 = vector.broadcast %parallel_loop3A_1475 : i32 to vector<16xi32>
        %parallel_loop3A_1477 = arith.muli %iota3A, %parallel_loop3A_1476 : vector<16xi32>
        %parallel_loop3A_1478 = arith.constant 10 : i32
        %parallel_loop3A_1479 = vector.broadcast %parallel_loop3A_1478 : i32 to vector<16xi32>
        %parallel_loop3A_1480 = arith.addi %iota3A, %parallel_loop3A_1479 : vector<16xi32>
        %parallel_loop3A_1481 = arith.constant 15 : i32
        %parallel_loop3A_1482 = vector.broadcast %parallel_loop3A_1481 : i32 to vector<16xi32>
        %parallel_loop3A_1483 = arith.andi %parallel_loop3A_1480, %parallel_loop3A_1482 : vector<16xi32>
        %parallel_loop3A_1484 = arith.addi %parallel_loop3A_1477, %parallel_loop3A_1483 : vector<16xi32>
        %parallel_loop3A_1485 = tpu.vector_load_idx %arg7[%parallel_loop3A_57, %parallel_loop3A_1484] : memref<16x256xf32, #tpu.memory_space<vmem>>[vector<16xi32>, vector<16xi32>], vector<16xf32>,
        %parallel_loop3A_1486 = tpu.vector_load_idx %arg8[%parallel_loop3A_57, %parallel_loop3A_1484] : memref<16x256xi32, #tpu.memory_space<vmem>>[vector<16xi32>, vector<16xi32>], vector<16xi32>,
        %parallel_loop3A_1487 = arith.cmpf ogt, %parallel_loop3A_1485, %parallel_loop3A_1473 : vector<16xf32>
        %parallel_loop3A_1488 = arith.cmpf oeq, %parallel_loop3A_1485, %parallel_loop3A_1473 : vector<16xf32>
        %parallel_loop3A_1489 = arith.cmpi slt, %parallel_loop3A_1486, %parallel_loop3A_1474 : vector<16xi32>
        %parallel_loop3A_1490 = arith.andi %parallel_loop3A_1488, %parallel_loop3A_1489 : vector<16xi1>
        %parallel_loop3A_1491 = arith.ori %parallel_loop3A_1487, %parallel_loop3A_1490 : vector<16xi1>
        %parallel_loop3A_1492 = arith.select %parallel_loop3A_1491, %parallel_loop3A_1485, %parallel_loop3A_1473 : vector<16xi1>, vector<16xf32>
        %parallel_loop3A_1493 = arith.select %parallel_loop3A_1491, %parallel_loop3A_1486, %parallel_loop3A_1474 : vector<16xi1>, vector<16xi32>
        %parallel_loop3A_1494 = arith.constant 16 : i32
        %parallel_loop3A_1495 = vector.broadcast %parallel_loop3A_1494 : i32 to vector<16xi32>
        %parallel_loop3A_1496 = arith.muli %iota3A, %parallel_loop3A_1495 : vector<16xi32>
        %parallel_loop3A_1497 = arith.constant 11 : i32
        %parallel_loop3A_1498 = vector.broadcast %parallel_loop3A_1497 : i32 to vector<16xi32>
        %parallel_loop3A_1499 = arith.addi %iota3A, %parallel_loop3A_1498 : vector<16xi32>
        %parallel_loop3A_1500 = arith.constant 15 : i32
        %parallel_loop3A_1501 = vector.broadcast %parallel_loop3A_1500 : i32 to vector<16xi32>
        %parallel_loop3A_1502 = arith.andi %parallel_loop3A_1499, %parallel_loop3A_1501 : vector<16xi32>
        %parallel_loop3A_1503 = arith.addi %parallel_loop3A_1496, %parallel_loop3A_1502 : vector<16xi32>
        %parallel_loop3A_1504 = tpu.vector_load_idx %arg7[%parallel_loop3A_57, %parallel_loop3A_1503] : memref<16x256xf32, #tpu.memory_space<vmem>>[vector<16xi32>, vector<16xi32>], vector<16xf32>,
        %parallel_loop3A_1505 = tpu.vector_load_idx %arg8[%parallel_loop3A_57, %parallel_loop3A_1503] : memref<16x256xi32, #tpu.memory_space<vmem>>[vector<16xi32>, vector<16xi32>], vector<16xi32>,
        %parallel_loop3A_1506 = arith.cmpf ogt, %parallel_loop3A_1504, %parallel_loop3A_1492 : vector<16xf32>
        %parallel_loop3A_1507 = arith.cmpf oeq, %parallel_loop3A_1504, %parallel_loop3A_1492 : vector<16xf32>
        %parallel_loop3A_1508 = arith.cmpi slt, %parallel_loop3A_1505, %parallel_loop3A_1493 : vector<16xi32>
        %parallel_loop3A_1509 = arith.andi %parallel_loop3A_1507, %parallel_loop3A_1508 : vector<16xi1>
        %parallel_loop3A_1510 = arith.ori %parallel_loop3A_1506, %parallel_loop3A_1509 : vector<16xi1>
        %parallel_loop3A_1511 = arith.select %parallel_loop3A_1510, %parallel_loop3A_1504, %parallel_loop3A_1492 : vector<16xi1>, vector<16xf32>
        %parallel_loop3A_1512 = arith.select %parallel_loop3A_1510, %parallel_loop3A_1505, %parallel_loop3A_1493 : vector<16xi1>, vector<16xi32>
        %parallel_loop3A_1513 = arith.constant 16 : i32
        %parallel_loop3A_1514 = vector.broadcast %parallel_loop3A_1513 : i32 to vector<16xi32>
        %parallel_loop3A_1515 = arith.muli %iota3A, %parallel_loop3A_1514 : vector<16xi32>
        %parallel_loop3A_1516 = arith.constant 12 : i32
        %parallel_loop3A_1517 = vector.broadcast %parallel_loop3A_1516 : i32 to vector<16xi32>
        %parallel_loop3A_1518 = arith.addi %iota3A, %parallel_loop3A_1517 : vector<16xi32>
        %parallel_loop3A_1519 = arith.constant 15 : i32
        %parallel_loop3A_1520 = vector.broadcast %parallel_loop3A_1519 : i32 to vector<16xi32>
        %parallel_loop3A_1521 = arith.andi %parallel_loop3A_1518, %parallel_loop3A_1520 : vector<16xi32>
        %parallel_loop3A_1522 = arith.addi %parallel_loop3A_1515, %parallel_loop3A_1521 : vector<16xi32>
        %parallel_loop3A_1523 = tpu.vector_load_idx %arg7[%parallel_loop3A_57, %parallel_loop3A_1522] : memref<16x256xf32, #tpu.memory_space<vmem>>[vector<16xi32>, vector<16xi32>], vector<16xf32>,
        %parallel_loop3A_1524 = tpu.vector_load_idx %arg8[%parallel_loop3A_57, %parallel_loop3A_1522] : memref<16x256xi32, #tpu.memory_space<vmem>>[vector<16xi32>, vector<16xi32>], vector<16xi32>,
        %parallel_loop3A_1525 = arith.cmpf ogt, %parallel_loop3A_1523, %parallel_loop3A_1511 : vector<16xf32>
        %parallel_loop3A_1526 = arith.cmpf oeq, %parallel_loop3A_1523, %parallel_loop3A_1511 : vector<16xf32>
        %parallel_loop3A_1527 = arith.cmpi slt, %parallel_loop3A_1524, %parallel_loop3A_1512 : vector<16xi32>
        %parallel_loop3A_1528 = arith.andi %parallel_loop3A_1526, %parallel_loop3A_1527 : vector<16xi1>
        %parallel_loop3A_1529 = arith.ori %parallel_loop3A_1525, %parallel_loop3A_1528 : vector<16xi1>
        %parallel_loop3A_1530 = arith.select %parallel_loop3A_1529, %parallel_loop3A_1523, %parallel_loop3A_1511 : vector<16xi1>, vector<16xf32>
        %parallel_loop3A_1531 = arith.select %parallel_loop3A_1529, %parallel_loop3A_1524, %parallel_loop3A_1512 : vector<16xi1>, vector<16xi32>
        %parallel_loop3A_1532 = arith.constant 16 : i32
        %parallel_loop3A_1533 = vector.broadcast %parallel_loop3A_1532 : i32 to vector<16xi32>
        %parallel_loop3A_1534 = arith.muli %iota3A, %parallel_loop3A_1533 : vector<16xi32>
        %parallel_loop3A_1535 = arith.constant 13 : i32
        %parallel_loop3A_1536 = vector.broadcast %parallel_loop3A_1535 : i32 to vector<16xi32>
        %parallel_loop3A_1537 = arith.addi %iota3A, %parallel_loop3A_1536 : vector<16xi32>
        %parallel_loop3A_1538 = arith.constant 15 : i32
        %parallel_loop3A_1539 = vector.broadcast %parallel_loop3A_1538 : i32 to vector<16xi32>
        %parallel_loop3A_1540 = arith.andi %parallel_loop3A_1537, %parallel_loop3A_1539 : vector<16xi32>
        %parallel_loop3A_1541 = arith.addi %parallel_loop3A_1534, %parallel_loop3A_1540 : vector<16xi32>
        %parallel_loop3A_1542 = tpu.vector_load_idx %arg7[%parallel_loop3A_57, %parallel_loop3A_1541] : memref<16x256xf32, #tpu.memory_space<vmem>>[vector<16xi32>, vector<16xi32>], vector<16xf32>,
        %parallel_loop3A_1543 = tpu.vector_load_idx %arg8[%parallel_loop3A_57, %parallel_loop3A_1541] : memref<16x256xi32, #tpu.memory_space<vmem>>[vector<16xi32>, vector<16xi32>], vector<16xi32>,
        %parallel_loop3A_1544 = arith.cmpf ogt, %parallel_loop3A_1542, %parallel_loop3A_1530 : vector<16xf32>
        %parallel_loop3A_1545 = arith.cmpf oeq, %parallel_loop3A_1542, %parallel_loop3A_1530 : vector<16xf32>
        %parallel_loop3A_1546 = arith.cmpi slt, %parallel_loop3A_1543, %parallel_loop3A_1531 : vector<16xi32>
        %parallel_loop3A_1547 = arith.andi %parallel_loop3A_1545, %parallel_loop3A_1546 : vector<16xi1>
        %parallel_loop3A_1548 = arith.ori %parallel_loop3A_1544, %parallel_loop3A_1547 : vector<16xi1>
        %parallel_loop3A_1549 = arith.select %parallel_loop3A_1548, %parallel_loop3A_1542, %parallel_loop3A_1530 : vector<16xi1>, vector<16xf32>
        %parallel_loop3A_1550 = arith.select %parallel_loop3A_1548, %parallel_loop3A_1543, %parallel_loop3A_1531 : vector<16xi1>, vector<16xi32>
        %parallel_loop3A_1551 = arith.constant 16 : i32
        %parallel_loop3A_1552 = vector.broadcast %parallel_loop3A_1551 : i32 to vector<16xi32>
        %parallel_loop3A_1553 = arith.muli %iota3A, %parallel_loop3A_1552 : vector<16xi32>
        %parallel_loop3A_1554 = arith.constant 14 : i32
        %parallel_loop3A_1555 = vector.broadcast %parallel_loop3A_1554 : i32 to vector<16xi32>
        %parallel_loop3A_1556 = arith.addi %iota3A, %parallel_loop3A_1555 : vector<16xi32>
        %parallel_loop3A_1557 = arith.constant 15 : i32
        %parallel_loop3A_1558 = vector.broadcast %parallel_loop3A_1557 : i32 to vector<16xi32>
        %parallel_loop3A_1559 = arith.andi %parallel_loop3A_1556, %parallel_loop3A_1558 : vector<16xi32>
        %parallel_loop3A_1560 = arith.addi %parallel_loop3A_1553, %parallel_loop3A_1559 : vector<16xi32>
        %parallel_loop3A_1561 = tpu.vector_load_idx %arg7[%parallel_loop3A_57, %parallel_loop3A_1560] : memref<16x256xf32, #tpu.memory_space<vmem>>[vector<16xi32>, vector<16xi32>], vector<16xf32>,
        %parallel_loop3A_1562 = tpu.vector_load_idx %arg8[%parallel_loop3A_57, %parallel_loop3A_1560] : memref<16x256xi32, #tpu.memory_space<vmem>>[vector<16xi32>, vector<16xi32>], vector<16xi32>,
        %parallel_loop3A_1563 = arith.cmpf ogt, %parallel_loop3A_1561, %parallel_loop3A_1549 : vector<16xf32>
        %parallel_loop3A_1564 = arith.cmpf oeq, %parallel_loop3A_1561, %parallel_loop3A_1549 : vector<16xf32>
        %parallel_loop3A_1565 = arith.cmpi slt, %parallel_loop3A_1562, %parallel_loop3A_1550 : vector<16xi32>
        %parallel_loop3A_1566 = arith.andi %parallel_loop3A_1564, %parallel_loop3A_1565 : vector<16xi1>
        %parallel_loop3A_1567 = arith.ori %parallel_loop3A_1563, %parallel_loop3A_1566 : vector<16xi1>
        %parallel_loop3A_1568 = arith.select %parallel_loop3A_1567, %parallel_loop3A_1561, %parallel_loop3A_1549 : vector<16xi1>, vector<16xf32>
        %parallel_loop3A_1569 = arith.select %parallel_loop3A_1567, %parallel_loop3A_1562, %parallel_loop3A_1550 : vector<16xi1>, vector<16xi32>
        %parallel_loop3A_1570 = arith.constant 16 : i32
        %parallel_loop3A_1571 = vector.broadcast %parallel_loop3A_1570 : i32 to vector<16xi32>
        %parallel_loop3A_1572 = arith.muli %iota3A, %parallel_loop3A_1571 : vector<16xi32>
        %parallel_loop3A_1573 = arith.constant 15 : i32
        %parallel_loop3A_1574 = vector.broadcast %parallel_loop3A_1573 : i32 to vector<16xi32>
        %parallel_loop3A_1575 = arith.addi %iota3A, %parallel_loop3A_1574 : vector<16xi32>
        %parallel_loop3A_1576 = arith.constant 15 : i32
        %parallel_loop3A_1577 = vector.broadcast %parallel_loop3A_1576 : i32 to vector<16xi32>
        %parallel_loop3A_1578 = arith.andi %parallel_loop3A_1575, %parallel_loop3A_1577 : vector<16xi32>
        %parallel_loop3A_1579 = arith.addi %parallel_loop3A_1572, %parallel_loop3A_1578 : vector<16xi32>
        %parallel_loop3A_1580 = tpu.vector_load_idx %arg7[%parallel_loop3A_57, %parallel_loop3A_1579] : memref<16x256xf32, #tpu.memory_space<vmem>>[vector<16xi32>, vector<16xi32>], vector<16xf32>,
        %parallel_loop3A_1581 = tpu.vector_load_idx %arg8[%parallel_loop3A_57, %parallel_loop3A_1579] : memref<16x256xi32, #tpu.memory_space<vmem>>[vector<16xi32>, vector<16xi32>], vector<16xi32>,
        %parallel_loop3A_1582 = arith.cmpf ogt, %parallel_loop3A_1580, %parallel_loop3A_1568 : vector<16xf32>
        %parallel_loop3A_1583 = arith.cmpf oeq, %parallel_loop3A_1580, %parallel_loop3A_1568 : vector<16xf32>
        %parallel_loop3A_1584 = arith.cmpi slt, %parallel_loop3A_1581, %parallel_loop3A_1569 : vector<16xi32>
        %parallel_loop3A_1585 = arith.andi %parallel_loop3A_1583, %parallel_loop3A_1584 : vector<16xi1>
        %parallel_loop3A_1586 = arith.ori %parallel_loop3A_1582, %parallel_loop3A_1585 : vector<16xi1>
        %parallel_loop3A_1587 = arith.select %parallel_loop3A_1586, %parallel_loop3A_1580, %parallel_loop3A_1568 : vector<16xi1>, vector<16xf32>
        %parallel_loop3A_1588 = arith.select %parallel_loop3A_1586, %parallel_loop3A_1581, %parallel_loop3A_1569 : vector<16xi1>, vector<16xi32>
        %parallel_loop3A_1589 = arith.addi %mul3A_29, %parallel_loop3A_59 : i32
        %parallel_loop3A_1590 = arith.index_cast %parallel_loop3A_1589 : i32 to index
        %parallel_loop3A_1591 = tpu.vector_load %arg6[%parallel_loop3A_1590] {strides = array<i32>} : memref<9216xi32, #tpu.memory_space<vmem>>, vector<16xi32>,
        tpu.vector_store %arg6[%parallel_loop3A_1590], %parallel_loop3A_1588 {strides = array<i32>} : memref<9216xi32, #tpu.memory_space<vmem>>, vector<16xi32>,
        scf.yield %parallel_loop3A_53 : i32
      } {sc.loop_unroll_factor = 2 : i64, sc.parallel_access}
      %lt3A = arith.constant 17 : i32
      %lt3A_34 = arith.cmpi slt, %scan3A_11, %lt3A : i32
      %convert_element_type3A = arith.extui %lt3A_34 : i1 to i32
      %cond3A = arith.constant 0 : i32
      %cond3A_35 = arith.cmpi ne, %convert_element_type3A, %cond3A : i32
      scf.if %cond3A_35 {
        %add3A_52 = arith.constant 256 : i32
        %add3A_53 = arith.addi %add3A_18, %add3A_52 : i32
        %dma_start3A_54 = arith.constant 0 : i32
        %dma_start3A_55 = tpu.memref_slice %arg2[%add3A_53, %dma_start3A_54] : memref<524288x128xf32, #tpu.memory_space<hbm>> -> memref<256x128xf32, #tpu.memory_space<hbm>>
        %dma_start3A_56 = arith.constant 0 : i32
        %dma_start3A_57 = tpu.memref_slice %arg2[%add3A_53, %dma_start3A_56] : memref<524288x128xf32, #tpu.memory_space<hbm>> -> memref<256x128xf32, #tpu.memory_space<hbm>>
        tpu.enqueue_dma source(%dma_start3A_57 : memref<256x128xf32, #tpu.memory_space<hbm>>) target(%arg4 : memref<256x128xf32, #tpu.memory_space<vmem>>) target_semaphore(%arg9 : memref<!tpu.dma_semaphore, #tpu.memory_space<semaphore_mem>>)
      } else {
      }
      %dma_wait3A_36 = arith.constant 0 : i32
      %dma_wait3A_37 = tpu.memref_slice %arg2[%add3A_18, %dma_wait3A_36] : memref<524288x128xf32, #tpu.memory_space<hbm>> -> memref<256x128xf32, #tpu.memory_space<hbm>>
      %dma_wait3A_38 = arith.constant 0 : i32
      %dma_wait3A_39 = tpu.memref_slice %arg2[%add3A_18, %dma_wait3A_38] : memref<524288x128xf32, #tpu.memory_space<hbm>> -> memref<256x128xf32, #tpu.memory_space<hbm>>
      tpu.wait_dma2 semaphore(%arg10 : memref<!tpu.dma_semaphore, #tpu.memory_space<semaphore_mem>>) src(%dma_wait3A_39 : memref<256x128xf32, #tpu.memory_space<hbm>>) dst(%arg5 : memref<256x128xf32, #tpu.memory_space<vmem>>)
      %mul3A_40 = arith.constant 2 : i32
      %mul3A_41 = arith.muli %mul3A_40, %scan3A_11 : i32
      %add3A_42 = arith.constant 1 : i32
      %add3A_43 = arith.addi %mul3A_41, %add3A_42 : i32
      %mul3A_44 = arith.constant 256 : i32
      %mul3A_45 = arith.muli %add3A_43, %mul3A_44 : i32
      %iota3A_46 = tpu.iota {dimensions = array<i32: 0>} : vector<16xi32>
      %parallel_loop3A_47 = arith.constant 0 : i32
      %parallel_loop3A_48 = arith.constant 16 : i32
      %parallel_loop3A_49 = arith.constant 1 : i32
      %parallel_loop3A_50 = arith.constant 0 : i32
      %parallel_loop3A_51 = scf.for %parallel_loop3A_52 = %parallel_loop3A_47 to %parallel_loop3A_48 step %parallel_loop3A_49 iter_args(%parallel_loop3A_53 = %parallel_loop3A_50) -> (i32)  : i32 {
        %parallel_loop3A_54 = arith.constant 0 : i32
        %parallel_loop3A_55 = vector.broadcast %parallel_loop3A_54 : i32 to vector<16xi32>
        %parallel_loop3A_56 = vector.broadcast %parallel_loop3A_52 : i32 to vector<16xi32>
        %parallel_loop3A_57 = arith.addi %parallel_loop3A_55, %parallel_loop3A_56 : vector<16xi32>
        %parallel_loop3A_58 = arith.constant 16 : i32
        %parallel_loop3A_59 = arith.muli %parallel_loop3A_52, %parallel_loop3A_58 : i32
        %parallel_loop3A_60 = arith.constant 0 : i32
        %parallel_loop3A_61 = arith.addi %parallel_loop3A_59, %parallel_loop3A_60 : i32
        %parallel_loop3A_62 = arith.index_cast %parallel_loop3A_61 : i32 to index
        %parallel_loop3A_63 = arith.constant 0 : index
        %parallel_loop3A_64 = tpu.vector_load %arg5[%parallel_loop3A_62, %parallel_loop3A_63] {strides = array<i32>} : memref<256x128xf32, #tpu.memory_space<vmem>>, vector<16xf32>,
        %parallel_loop3A_65 = arith.index_cast %parallel_loop3A_61 : i32 to index
        %parallel_loop3A_66 = arith.constant 16 : index
        %parallel_loop3A_67 = tpu.vector_load %arg5[%parallel_loop3A_65, %parallel_loop3A_66] {strides = array<i32>} : memref<256x128xf32, #tpu.memory_space<vmem>>, vector<16xf32>,
        %parallel_loop3A_68 = arith.cmpf ogt, %parallel_loop3A_67, %parallel_loop3A_64 : vector<16xf32>
        %parallel_loop3A_69 = arith.select %parallel_loop3A_68, %parallel_loop3A_67, %parallel_loop3A_64 : vector<16xi1>, vector<16xf32>
        %parallel_loop3A_70 = arith.constant 16 : i32
        %parallel_loop3A_71 = vector.broadcast %parallel_loop3A_70 : i32 to vector<16xi32>
        %parallel_loop3A_72 = arith.addi %iota3A_46, %parallel_loop3A_71 : vector<16xi32>
        %parallel_loop3A_73 = arith.select %parallel_loop3A_68, %parallel_loop3A_72, %iota3A_46 : vector<16xi1>, vector<16xi32>
        %parallel_loop3A_74 = arith.index_cast %parallel_loop3A_61 : i32 to index
        %parallel_loop3A_75 = arith.constant 32 : index
        %parallel_loop3A_76 = tpu.vector_load %arg5[%parallel_loop3A_74, %parallel_loop3A_75] {strides = array<i32>} : memref<256x128xf32, #tpu.memory_space<vmem>>, vector<16xf32>,
        %parallel_loop3A_77 = arith.cmpf ogt, %parallel_loop3A_76, %parallel_loop3A_69 : vector<16xf32>
        %parallel_loop3A_78 = arith.select %parallel_loop3A_77, %parallel_loop3A_76, %parallel_loop3A_69 : vector<16xi1>, vector<16xf32>
        %parallel_loop3A_79 = arith.constant 32 : i32
        %parallel_loop3A_80 = vector.broadcast %parallel_loop3A_79 : i32 to vector<16xi32>
        %parallel_loop3A_81 = arith.addi %iota3A_46, %parallel_loop3A_80 : vector<16xi32>
        %parallel_loop3A_82 = arith.select %parallel_loop3A_77, %parallel_loop3A_81, %parallel_loop3A_73 : vector<16xi1>, vector<16xi32>
        %parallel_loop3A_83 = arith.index_cast %parallel_loop3A_61 : i32 to index
        %parallel_loop3A_84 = arith.constant 48 : index
        %parallel_loop3A_85 = tpu.vector_load %arg5[%parallel_loop3A_83, %parallel_loop3A_84] {strides = array<i32>} : memref<256x128xf32, #tpu.memory_space<vmem>>, vector<16xf32>,
        %parallel_loop3A_86 = arith.cmpf ogt, %parallel_loop3A_85, %parallel_loop3A_78 : vector<16xf32>
        %parallel_loop3A_87 = arith.select %parallel_loop3A_86, %parallel_loop3A_85, %parallel_loop3A_78 : vector<16xi1>, vector<16xf32>
        %parallel_loop3A_88 = arith.constant 48 : i32
        %parallel_loop3A_89 = vector.broadcast %parallel_loop3A_88 : i32 to vector<16xi32>
        %parallel_loop3A_90 = arith.addi %iota3A_46, %parallel_loop3A_89 : vector<16xi32>
        %parallel_loop3A_91 = arith.select %parallel_loop3A_86, %parallel_loop3A_90, %parallel_loop3A_82 : vector<16xi1>, vector<16xi32>
        %parallel_loop3A_92 = arith.index_cast %parallel_loop3A_61 : i32 to index
        %parallel_loop3A_93 = arith.constant 64 : index
        %parallel_loop3A_94 = tpu.vector_load %arg5[%parallel_loop3A_92, %parallel_loop3A_93] {strides = array<i32>} : memref<256x128xf32, #tpu.memory_space<vmem>>, vector<16xf32>,
        %parallel_loop3A_95 = arith.cmpf ogt, %parallel_loop3A_94, %parallel_loop3A_87 : vector<16xf32>
        %parallel_loop3A_96 = arith.select %parallel_loop3A_95, %parallel_loop3A_94, %parallel_loop3A_87 : vector<16xi1>, vector<16xf32>
        %parallel_loop3A_97 = arith.constant 64 : i32
        %parallel_loop3A_98 = vector.broadcast %parallel_loop3A_97 : i32 to vector<16xi32>
        %parallel_loop3A_99 = arith.addi %iota3A_46, %parallel_loop3A_98 : vector<16xi32>
        %parallel_loop3A_100 = arith.select %parallel_loop3A_95, %parallel_loop3A_99, %parallel_loop3A_91 : vector<16xi1>, vector<16xi32>
        %parallel_loop3A_101 = arith.index_cast %parallel_loop3A_61 : i32 to index
        %parallel_loop3A_102 = arith.constant 80 : index
        %parallel_loop3A_103 = tpu.vector_load %arg5[%parallel_loop3A_101, %parallel_loop3A_102] {strides = array<i32>} : memref<256x128xf32, #tpu.memory_space<vmem>>, vector<16xf32>,
        %parallel_loop3A_104 = arith.cmpf ogt, %parallel_loop3A_103, %parallel_loop3A_96 : vector<16xf32>
        %parallel_loop3A_105 = arith.select %parallel_loop3A_104, %parallel_loop3A_103, %parallel_loop3A_96 : vector<16xi1>, vector<16xf32>
        %parallel_loop3A_106 = arith.constant 80 : i32
        %parallel_loop3A_107 = vector.broadcast %parallel_loop3A_106 : i32 to vector<16xi32>
        %parallel_loop3A_108 = arith.addi %iota3A_46, %parallel_loop3A_107 : vector<16xi32>
        %parallel_loop3A_109 = arith.select %parallel_loop3A_104, %parallel_loop3A_108, %parallel_loop3A_100 : vector<16xi1>, vector<16xi32>
        %parallel_loop3A_110 = arith.index_cast %parallel_loop3A_61 : i32 to index
        %parallel_loop3A_111 = arith.constant 96 : index
        %parallel_loop3A_112 = tpu.vector_load %arg5[%parallel_loop3A_110, %parallel_loop3A_111] {strides = array<i32>} : memref<256x128xf32, #tpu.memory_space<vmem>>, vector<16xf32>,
        %parallel_loop3A_113 = arith.cmpf ogt, %parallel_loop3A_112, %parallel_loop3A_105 : vector<16xf32>
        %parallel_loop3A_114 = arith.select %parallel_loop3A_113, %parallel_loop3A_112, %parallel_loop3A_105 : vector<16xi1>, vector<16xf32>
        %parallel_loop3A_115 = arith.constant 96 : i32
        %parallel_loop3A_116 = vector.broadcast %parallel_loop3A_115 : i32 to vector<16xi32>
        %parallel_loop3A_117 = arith.addi %iota3A_46, %parallel_loop3A_116 : vector<16xi32>
        %parallel_loop3A_118 = arith.select %parallel_loop3A_113, %parallel_loop3A_117, %parallel_loop3A_109 : vector<16xi1>, vector<16xi32>
        %parallel_loop3A_119 = arith.index_cast %parallel_loop3A_61 : i32 to index
        %parallel_loop3A_120 = arith.constant 112 : index
        %parallel_loop3A_121 = tpu.vector_load %arg5[%parallel_loop3A_119, %parallel_loop3A_120] {strides = array<i32>} : memref<256x128xf32, #tpu.memory_space<vmem>>, vector<16xf32>,
        %parallel_loop3A_122 = arith.cmpf ogt, %parallel_loop3A_121, %parallel_loop3A_114 : vector<16xf32>
        %parallel_loop3A_123 = arith.select %parallel_loop3A_122, %parallel_loop3A_121, %parallel_loop3A_114 : vector<16xi1>, vector<16xf32>
        %parallel_loop3A_124 = arith.constant 112 : i32
        %parallel_loop3A_125 = vector.broadcast %parallel_loop3A_124 : i32 to vector<16xi32>
        %parallel_loop3A_126 = arith.addi %iota3A_46, %parallel_loop3A_125 : vector<16xi32>
        %parallel_loop3A_127 = arith.select %parallel_loop3A_122, %parallel_loop3A_126, %parallel_loop3A_118 : vector<16xi1>, vector<16xi32>
        %parallel_loop3A_128 = arith.constant 0 : i32
        %parallel_loop3A_129 = vector.broadcast %parallel_loop3A_128 : i32 to vector<16xi32>
        %parallel_loop3A_130 = arith.addi %iota3A_46, %parallel_loop3A_129 : vector<16xi32>
        %parallel_loop3A_131 = arith.constant 15 : i32
        %parallel_loop3A_132 = vector.broadcast %parallel_loop3A_131 : i32 to vector<16xi32>
        %parallel_loop3A_133 = arith.andi %parallel_loop3A_130, %parallel_loop3A_132 : vector<16xi32>
        %parallel_loop3A_134 = arith.constant 0 : i32
        %parallel_loop3A_135 = vector.broadcast %parallel_loop3A_134 : i32 to vector<16xi32>
        %parallel_loop3A_136 = arith.addi %parallel_loop3A_135, %parallel_loop3A_133 : vector<16xi32>
        tpu.vector_store_idx %arg7[%parallel_loop3A_57, %parallel_loop3A_136], %parallel_loop3A_123 : memref<16x256xf32, #tpu.memory_space<vmem>>[vector<16xi32>, vector<16xi32>], vector<16xf32>,
        tpu.vector_store_idx %arg8[%parallel_loop3A_57, %parallel_loop3A_136], %parallel_loop3A_127 : memref<16x256xi32, #tpu.memory_space<vmem>>[vector<16xi32>, vector<16xi32>], vector<16xi32>,
        %parallel_loop3A_137 = arith.constant 1 : i32
        %parallel_loop3A_138 = arith.addi %parallel_loop3A_59, %parallel_loop3A_137 : i32
        %parallel_loop3A_139 = arith.index_cast %parallel_loop3A_138 : i32 to index
        %parallel_loop3A_140 = arith.constant 0 : index
        %parallel_loop3A_141 = tpu.vector_load %arg5[%parallel_loop3A_139, %parallel_loop3A_140] {strides = array<i32>} : memref<256x128xf32, #tpu.memory_space<vmem>>, vector<16xf32>,
        %parallel_loop3A_142 = arith.index_cast %parallel_loop3A_138 : i32 to index
        %parallel_loop3A_143 = arith.constant 16 : index
        %parallel_loop3A_144 = tpu.vector_load %arg5[%parallel_loop3A_142, %parallel_loop3A_143] {strides = array<i32>} : memref<256x128xf32, #tpu.memory_space<vmem>>, vector<16xf32>,
        %parallel_loop3A_145 = arith.cmpf ogt, %parallel_loop3A_144, %parallel_loop3A_141 : vector<16xf32>
        %parallel_loop3A_146 = arith.select %parallel_loop3A_145, %parallel_loop3A_144, %parallel_loop3A_141 : vector<16xi1>, vector<16xf32>
        %parallel_loop3A_147 = arith.constant 16 : i32
        %parallel_loop3A_148 = vector.broadcast %parallel_loop3A_147 : i32 to vector<16xi32>
        %parallel_loop3A_149 = arith.addi %iota3A_46, %parallel_loop3A_148 : vector<16xi32>
        %parallel_loop3A_150 = arith.select %parallel_loop3A_145, %parallel_loop3A_149, %iota3A_46 : vector<16xi1>, vector<16xi32>
        %parallel_loop3A_151 = arith.index_cast %parallel_loop3A_138 : i32 to index
        %parallel_loop3A_152 = arith.constant 32 : index
        %parallel_loop3A_153 = tpu.vector_load %arg5[%parallel_loop3A_151, %parallel_loop3A_152] {strides = array<i32>} : memref<256x128xf32, #tpu.memory_space<vmem>>, vector<16xf32>,
        %parallel_loop3A_154 = arith.cmpf ogt, %parallel_loop3A_153, %parallel_loop3A_146 : vector<16xf32>
        %parallel_loop3A_155 = arith.select %parallel_loop3A_154, %parallel_loop3A_153, %parallel_loop3A_146 : vector<16xi1>, vector<16xf32>
        %parallel_loop3A_156 = arith.constant 32 : i32
        %parallel_loop3A_157 = vector.broadcast %parallel_loop3A_156 : i32 to vector<16xi32>
        %parallel_loop3A_158 = arith.addi %iota3A_46, %parallel_loop3A_157 : vector<16xi32>
        %parallel_loop3A_159 = arith.select %parallel_loop3A_154, %parallel_loop3A_158, %parallel_loop3A_150 : vector<16xi1>, vector<16xi32>
        %parallel_loop3A_160 = arith.index_cast %parallel_loop3A_138 : i32 to index
        %parallel_loop3A_161 = arith.constant 48 : index
        %parallel_loop3A_162 = tpu.vector_load %arg5[%parallel_loop3A_160, %parallel_loop3A_161] {strides = array<i32>} : memref<256x128xf32, #tpu.memory_space<vmem>>, vector<16xf32>,
        %parallel_loop3A_163 = arith.cmpf ogt, %parallel_loop3A_162, %parallel_loop3A_155 : vector<16xf32>
        %parallel_loop3A_164 = arith.select %parallel_loop3A_163, %parallel_loop3A_162, %parallel_loop3A_155 : vector<16xi1>, vector<16xf32>
        %parallel_loop3A_165 = arith.constant 48 : i32
        %parallel_loop3A_166 = vector.broadcast %parallel_loop3A_165 : i32 to vector<16xi32>
        %parallel_loop3A_167 = arith.addi %iota3A_46, %parallel_loop3A_166 : vector<16xi32>
        %parallel_loop3A_168 = arith.select %parallel_loop3A_163, %parallel_loop3A_167, %parallel_loop3A_159 : vector<16xi1>, vector<16xi32>
        %parallel_loop3A_169 = arith.index_cast %parallel_loop3A_138 : i32 to index
        %parallel_loop3A_170 = arith.constant 64 : index
        %parallel_loop3A_171 = tpu.vector_load %arg5[%parallel_loop3A_169, %parallel_loop3A_170] {strides = array<i32>} : memref<256x128xf32, #tpu.memory_space<vmem>>, vector<16xf32>,
        %parallel_loop3A_172 = arith.cmpf ogt, %parallel_loop3A_171, %parallel_loop3A_164 : vector<16xf32>
        %parallel_loop3A_173 = arith.select %parallel_loop3A_172, %parallel_loop3A_171, %parallel_loop3A_164 : vector<16xi1>, vector<16xf32>
        %parallel_loop3A_174 = arith.constant 64 : i32
        %parallel_loop3A_175 = vector.broadcast %parallel_loop3A_174 : i32 to vector<16xi32>
        %parallel_loop3A_176 = arith.addi %iota3A_46, %parallel_loop3A_175 : vector<16xi32>
        %parallel_loop3A_177 = arith.select %parallel_loop3A_172, %parallel_loop3A_176, %parallel_loop3A_168 : vector<16xi1>, vector<16xi32>
        %parallel_loop3A_178 = arith.index_cast %parallel_loop3A_138 : i32 to index
        %parallel_loop3A_179 = arith.constant 80 : index
        %parallel_loop3A_180 = tpu.vector_load %arg5[%parallel_loop3A_178, %parallel_loop3A_179] {strides = array<i32>} : memref<256x128xf32, #tpu.memory_space<vmem>>, vector<16xf32>,
        %parallel_loop3A_181 = arith.cmpf ogt, %parallel_loop3A_180, %parallel_loop3A_173 : vector<16xf32>
        %parallel_loop3A_182 = arith.select %parallel_loop3A_181, %parallel_loop3A_180, %parallel_loop3A_173 : vector<16xi1>, vector<16xf32>
        %parallel_loop3A_183 = arith.constant 80 : i32
        %parallel_loop3A_184 = vector.broadcast %parallel_loop3A_183 : i32 to vector<16xi32>
        %parallel_loop3A_185 = arith.addi %iota3A_46, %parallel_loop3A_184 : vector<16xi32>
        %parallel_loop3A_186 = arith.select %parallel_loop3A_181, %parallel_loop3A_185, %parallel_loop3A_177 : vector<16xi1>, vector<16xi32>
        %parallel_loop3A_187 = arith.index_cast %parallel_loop3A_138 : i32 to index
        %parallel_loop3A_188 = arith.constant 96 : index
        %parallel_loop3A_189 = tpu.vector_load %arg5[%parallel_loop3A_187, %parallel_loop3A_188] {strides = array<i32>} : memref<256x128xf32, #tpu.memory_space<vmem>>, vector<16xf32>,
        %parallel_loop3A_190 = arith.cmpf ogt, %parallel_loop3A_189, %parallel_loop3A_182 : vector<16xf32>
        %parallel_loop3A_191 = arith.select %parallel_loop3A_190, %parallel_loop3A_189, %parallel_loop3A_182 : vector<16xi1>, vector<16xf32>
        %parallel_loop3A_192 = arith.constant 96 : i32
        %parallel_loop3A_193 = vector.broadcast %parallel_loop3A_192 : i32 to vector<16xi32>
        %parallel_loop3A_194 = arith.addi %iota3A_46, %parallel_loop3A_193 : vector<16xi32>
        %parallel_loop3A_195 = arith.select %parallel_loop3A_190, %parallel_loop3A_194, %parallel_loop3A_186 : vector<16xi1>, vector<16xi32>
        %parallel_loop3A_196 = arith.index_cast %parallel_loop3A_138 : i32 to index
        %parallel_loop3A_197 = arith.constant 112 : index
        %parallel_loop3A_198 = tpu.vector_load %arg5[%parallel_loop3A_196, %parallel_loop3A_197] {strides = array<i32>} : memref<256x128xf32, #tpu.memory_space<vmem>>, vector<16xf32>,
        %parallel_loop3A_199 = arith.cmpf ogt, %parallel_loop3A_198, %parallel_loop3A_191 : vector<16xf32>
        %parallel_loop3A_200 = arith.select %parallel_loop3A_199, %parallel_loop3A_198, %parallel_loop3A_191 : vector<16xi1>, vector<16xf32>
        %parallel_loop3A_201 = arith.constant 112 : i32
        %parallel_loop3A_202 = vector.broadcast %parallel_loop3A_201 : i32 to vector<16xi32>
        %parallel_loop3A_203 = arith.addi %iota3A_46, %parallel_loop3A_202 : vector<16xi32>
        %parallel_loop3A_204 = arith.select %parallel_loop3A_199, %parallel_loop3A_203, %parallel_loop3A_195 : vector<16xi1>, vector<16xi32>
        %parallel_loop3A_205 = arith.constant 1 : i32
        %parallel_loop3A_206 = vector.broadcast %parallel_loop3A_205 : i32 to vector<16xi32>
        %parallel_loop3A_207 = arith.addi %iota3A_46, %parallel_loop3A_206 : vector<16xi32>
        %parallel_loop3A_208 = arith.constant 15 : i32
        %parallel_loop3A_209 = vector.broadcast %parallel_loop3A_208 : i32 to vector<16xi32>
        %parallel_loop3A_210 = arith.andi %parallel_loop3A_207, %parallel_loop3A_209 : vector<16xi32>
        %parallel_loop3A_211 = arith.constant 16 : i32
        %parallel_loop3A_212 = vector.broadcast %parallel_loop3A_211 : i32 to vector<16xi32>
        %parallel_loop3A_213 = arith.addi %parallel_loop3A_212, %parallel_loop3A_210 : vector<16xi32>
        tpu.vector_store_idx %arg7[%parallel_loop3A_57, %parallel_loop3A_213], %parallel_loop3A_200 : memref<16x256xf32, #tpu.memory_space<vmem>>[vector<16xi32>, vector<16xi32>], vector<16xf32>,
        tpu.vector_store_idx %arg8[%parallel_loop3A_57, %parallel_loop3A_213], %parallel_loop3A_204 : memref<16x256xi32, #tpu.memory_space<vmem>>[vector<16xi32>, vector<16xi32>], vector<16xi32>,
        %parallel_loop3A_214 = arith.constant 2 : i32
        %parallel_loop3A_215 = arith.addi %parallel_loop3A_59, %parallel_loop3A_214 : i32
        %parallel_loop3A_216 = arith.index_cast %parallel_loop3A_215 : i32 to index
        %parallel_loop3A_217 = arith.constant 0 : index
        %parallel_loop3A_218 = tpu.vector_load %arg5[%parallel_loop3A_216, %parallel_loop3A_217] {strides = array<i32>} : memref<256x128xf32, #tpu.memory_space<vmem>>, vector<16xf32>,
        %parallel_loop3A_219 = arith.index_cast %parallel_loop3A_215 : i32 to index
        %parallel_loop3A_220 = arith.constant 16 : index
        %parallel_loop3A_221 = tpu.vector_load %arg5[%parallel_loop3A_219, %parallel_loop3A_220] {strides = array<i32>} : memref<256x128xf32, #tpu.memory_space<vmem>>, vector<16xf32>,
        %parallel_loop3A_222 = arith.cmpf ogt, %parallel_loop3A_221, %parallel_loop3A_218 : vector<16xf32>
        %parallel_loop3A_223 = arith.select %parallel_loop3A_222, %parallel_loop3A_221, %parallel_loop3A_218 : vector<16xi1>, vector<16xf32>
        %parallel_loop3A_224 = arith.constant 16 : i32
        %parallel_loop3A_225 = vector.broadcast %parallel_loop3A_224 : i32 to vector<16xi32>
        %parallel_loop3A_226 = arith.addi %iota3A_46, %parallel_loop3A_225 : vector<16xi32>
        %parallel_loop3A_227 = arith.select %parallel_loop3A_222, %parallel_loop3A_226, %iota3A_46 : vector<16xi1>, vector<16xi32>
        %parallel_loop3A_228 = arith.index_cast %parallel_loop3A_215 : i32 to index
        %parallel_loop3A_229 = arith.constant 32 : index
        %parallel_loop3A_230 = tpu.vector_load %arg5[%parallel_loop3A_228, %parallel_loop3A_229] {strides = array<i32>} : memref<256x128xf32, #tpu.memory_space<vmem>>, vector<16xf32>,
        %parallel_loop3A_231 = arith.cmpf ogt, %parallel_loop3A_230, %parallel_loop3A_223 : vector<16xf32>
        %parallel_loop3A_232 = arith.select %parallel_loop3A_231, %parallel_loop3A_230, %parallel_loop3A_223 : vector<16xi1>, vector<16xf32>
        %parallel_loop3A_233 = arith.constant 32 : i32
        %parallel_loop3A_234 = vector.broadcast %parallel_loop3A_233 : i32 to vector<16xi32>
        %parallel_loop3A_235 = arith.addi %iota3A_46, %parallel_loop3A_234 : vector<16xi32>
        %parallel_loop3A_236 = arith.select %parallel_loop3A_231, %parallel_loop3A_235, %parallel_loop3A_227 : vector<16xi1>, vector<16xi32>
        %parallel_loop3A_237 = arith.index_cast %parallel_loop3A_215 : i32 to index
        %parallel_loop3A_238 = arith.constant 48 : index
        %parallel_loop3A_239 = tpu.vector_load %arg5[%parallel_loop3A_237, %parallel_loop3A_238] {strides = array<i32>} : memref<256x128xf32, #tpu.memory_space<vmem>>, vector<16xf32>,
        %parallel_loop3A_240 = arith.cmpf ogt, %parallel_loop3A_239, %parallel_loop3A_232 : vector<16xf32>
        %parallel_loop3A_241 = arith.select %parallel_loop3A_240, %parallel_loop3A_239, %parallel_loop3A_232 : vector<16xi1>, vector<16xf32>
        %parallel_loop3A_242 = arith.constant 48 : i32
        %parallel_loop3A_243 = vector.broadcast %parallel_loop3A_242 : i32 to vector<16xi32>
        %parallel_loop3A_244 = arith.addi %iota3A_46, %parallel_loop3A_243 : vector<16xi32>
        %parallel_loop3A_245 = arith.select %parallel_loop3A_240, %parallel_loop3A_244, %parallel_loop3A_236 : vector<16xi1>, vector<16xi32>
        %parallel_loop3A_246 = arith.index_cast %parallel_loop3A_215 : i32 to index
        %parallel_loop3A_247 = arith.constant 64 : index
        %parallel_loop3A_248 = tpu.vector_load %arg5[%parallel_loop3A_246, %parallel_loop3A_247] {strides = array<i32>} : memref<256x128xf32, #tpu.memory_space<vmem>>, vector<16xf32>,
        %parallel_loop3A_249 = arith.cmpf ogt, %parallel_loop3A_248, %parallel_loop3A_241 : vector<16xf32>
        %parallel_loop3A_250 = arith.select %parallel_loop3A_249, %parallel_loop3A_248, %parallel_loop3A_241 : vector<16xi1>, vector<16xf32>
        %parallel_loop3A_251 = arith.constant 64 : i32
        %parallel_loop3A_252 = vector.broadcast %parallel_loop3A_251 : i32 to vector<16xi32>
        %parallel_loop3A_253 = arith.addi %iota3A_46, %parallel_loop3A_252 : vector<16xi32>
        %parallel_loop3A_254 = arith.select %parallel_loop3A_249, %parallel_loop3A_253, %parallel_loop3A_245 : vector<16xi1>, vector<16xi32>
        %parallel_loop3A_255 = arith.index_cast %parallel_loop3A_215 : i32 to index
        %parallel_loop3A_256 = arith.constant 80 : index
        %parallel_loop3A_257 = tpu.vector_load %arg5[%parallel_loop3A_255, %parallel_loop3A_256] {strides = array<i32>} : memref<256x128xf32, #tpu.memory_space<vmem>>, vector<16xf32>,
        %parallel_loop3A_258 = arith.cmpf ogt, %parallel_loop3A_257, %parallel_loop3A_250 : vector<16xf32>
        %parallel_loop3A_259 = arith.select %parallel_loop3A_258, %parallel_loop3A_257, %parallel_loop3A_250 : vector<16xi1>, vector<16xf32>
        %parallel_loop3A_260 = arith.constant 80 : i32
        %parallel_loop3A_261 = vector.broadcast %parallel_loop3A_260 : i32 to vector<16xi32>
        %parallel_loop3A_262 = arith.addi %iota3A_46, %parallel_loop3A_261 : vector<16xi32>
        %parallel_loop3A_263 = arith.select %parallel_loop3A_258, %parallel_loop3A_262, %parallel_loop3A_254 : vector<16xi1>, vector<16xi32>
        %parallel_loop3A_264 = arith.index_cast %parallel_loop3A_215 : i32 to index
        %parallel_loop3A_265 = arith.constant 96 : index
        %parallel_loop3A_266 = tpu.vector_load %arg5[%parallel_loop3A_264, %parallel_loop3A_265] {strides = array<i32>} : memref<256x128xf32, #tpu.memory_space<vmem>>, vector<16xf32>,
        %parallel_loop3A_267 = arith.cmpf ogt, %parallel_loop3A_266, %parallel_loop3A_259 : vector<16xf32>
        %parallel_loop3A_268 = arith.select %parallel_loop3A_267, %parallel_loop3A_266, %parallel_loop3A_259 : vector<16xi1>, vector<16xf32>
        %parallel_loop3A_269 = arith.constant 96 : i32
        %parallel_loop3A_270 = vector.broadcast %parallel_loop3A_269 : i32 to vector<16xi32>
        %parallel_loop3A_271 = arith.addi %iota3A_46, %parallel_loop3A_270 : vector<16xi32>
        %parallel_loop3A_272 = arith.select %parallel_loop3A_267, %parallel_loop3A_271, %parallel_loop3A_263 : vector<16xi1>, vector<16xi32>
        %parallel_loop3A_273 = arith.index_cast %parallel_loop3A_215 : i32 to index
        %parallel_loop3A_274 = arith.constant 112 : index
        %parallel_loop3A_275 = tpu.vector_load %arg5[%parallel_loop3A_273, %parallel_loop3A_274] {strides = array<i32>} : memref<256x128xf32, #tpu.memory_space<vmem>>, vector<16xf32>,
        %parallel_loop3A_276 = arith.cmpf ogt, %parallel_loop3A_275, %parallel_loop3A_268 : vector<16xf32>
        %parallel_loop3A_277 = arith.select %parallel_loop3A_276, %parallel_loop3A_275, %parallel_loop3A_268 : vector<16xi1>, vector<16xf32>
        %parallel_loop3A_278 = arith.constant 112 : i32
        %parallel_loop3A_279 = vector.broadcast %parallel_loop3A_278 : i32 to vector<16xi32>
        %parallel_loop3A_280 = arith.addi %iota3A_46, %parallel_loop3A_279 : vector<16xi32>
        %parallel_loop3A_281 = arith.select %parallel_loop3A_276, %parallel_loop3A_280, %parallel_loop3A_272 : vector<16xi1>, vector<16xi32>
        %parallel_loop3A_282 = arith.constant 2 : i32
        %parallel_loop3A_283 = vector.broadcast %parallel_loop3A_282 : i32 to vector<16xi32>
        %parallel_loop3A_284 = arith.addi %iota3A_46, %parallel_loop3A_283 : vector<16xi32>
        %parallel_loop3A_285 = arith.constant 15 : i32
        %parallel_loop3A_286 = vector.broadcast %parallel_loop3A_285 : i32 to vector<16xi32>
        %parallel_loop3A_287 = arith.andi %parallel_loop3A_284, %parallel_loop3A_286 : vector<16xi32>
        %parallel_loop3A_288 = arith.constant 32 : i32
        %parallel_loop3A_289 = vector.broadcast %parallel_loop3A_288 : i32 to vector<16xi32>
        %parallel_loop3A_290 = arith.addi %parallel_loop3A_289, %parallel_loop3A_287 : vector<16xi32>
        tpu.vector_store_idx %arg7[%parallel_loop3A_57, %parallel_loop3A_290], %parallel_loop3A_277 : memref<16x256xf32, #tpu.memory_space<vmem>>[vector<16xi32>, vector<16xi32>], vector<16xf32>,
        tpu.vector_store_idx %arg8[%parallel_loop3A_57, %parallel_loop3A_290], %parallel_loop3A_281 : memref<16x256xi32, #tpu.memory_space<vmem>>[vector<16xi32>, vector<16xi32>], vector<16xi32>,
        %parallel_loop3A_291 = arith.constant 3 : i32
        %parallel_loop3A_292 = arith.addi %parallel_loop3A_59, %parallel_loop3A_291 : i32
        %parallel_loop3A_293 = arith.index_cast %parallel_loop3A_292 : i32 to index
        %parallel_loop3A_294 = arith.constant 0 : index
        %parallel_loop3A_295 = tpu.vector_load %arg5[%parallel_loop3A_293, %parallel_loop3A_294] {strides = array<i32>} : memref<256x128xf32, #tpu.memory_space<vmem>>, vector<16xf32>,
        %parallel_loop3A_296 = arith.index_cast %parallel_loop3A_292 : i32 to index
        %parallel_loop3A_297 = arith.constant 16 : index
        %parallel_loop3A_298 = tpu.vector_load %arg5[%parallel_loop3A_296, %parallel_loop3A_297] {strides = array<i32>} : memref<256x128xf32, #tpu.memory_space<vmem>>, vector<16xf32>,
        %parallel_loop3A_299 = arith.cmpf ogt, %parallel_loop3A_298, %parallel_loop3A_295 : vector<16xf32>
        %parallel_loop3A_300 = arith.select %parallel_loop3A_299, %parallel_loop3A_298, %parallel_loop3A_295 : vector<16xi1>, vector<16xf32>
        %parallel_loop3A_301 = arith.constant 16 : i32
        %parallel_loop3A_302 = vector.broadcast %parallel_loop3A_301 : i32 to vector<16xi32>
        %parallel_loop3A_303 = arith.addi %iota3A_46, %parallel_loop3A_302 : vector<16xi32>
        %parallel_loop3A_304 = arith.select %parallel_loop3A_299, %parallel_loop3A_303, %iota3A_46 : vector<16xi1>, vector<16xi32>
        %parallel_loop3A_305 = arith.index_cast %parallel_loop3A_292 : i32 to index
        %parallel_loop3A_306 = arith.constant 32 : index
        %parallel_loop3A_307 = tpu.vector_load %arg5[%parallel_loop3A_305, %parallel_loop3A_306] {strides = array<i32>} : memref<256x128xf32, #tpu.memory_space<vmem>>, vector<16xf32>,
        %parallel_loop3A_308 = arith.cmpf ogt, %parallel_loop3A_307, %parallel_loop3A_300 : vector<16xf32>
        %parallel_loop3A_309 = arith.select %parallel_loop3A_308, %parallel_loop3A_307, %parallel_loop3A_300 : vector<16xi1>, vector<16xf32>
        %parallel_loop3A_310 = arith.constant 32 : i32
        %parallel_loop3A_311 = vector.broadcast %parallel_loop3A_310 : i32 to vector<16xi32>
        %parallel_loop3A_312 = arith.addi %iota3A_46, %parallel_loop3A_311 : vector<16xi32>
        %parallel_loop3A_313 = arith.select %parallel_loop3A_308, %parallel_loop3A_312, %parallel_loop3A_304 : vector<16xi1>, vector<16xi32>
        %parallel_loop3A_314 = arith.index_cast %parallel_loop3A_292 : i32 to index
        %parallel_loop3A_315 = arith.constant 48 : index
        %parallel_loop3A_316 = tpu.vector_load %arg5[%parallel_loop3A_314, %parallel_loop3A_315] {strides = array<i32>} : memref<256x128xf32, #tpu.memory_space<vmem>>, vector<16xf32>,
        %parallel_loop3A_317 = arith.cmpf ogt, %parallel_loop3A_316, %parallel_loop3A_309 : vector<16xf32>
        %parallel_loop3A_318 = arith.select %parallel_loop3A_317, %parallel_loop3A_316, %parallel_loop3A_309 : vector<16xi1>, vector<16xf32>
        %parallel_loop3A_319 = arith.constant 48 : i32
        %parallel_loop3A_320 = vector.broadcast %parallel_loop3A_319 : i32 to vector<16xi32>
        %parallel_loop3A_321 = arith.addi %iota3A_46, %parallel_loop3A_320 : vector<16xi32>
        %parallel_loop3A_322 = arith.select %parallel_loop3A_317, %parallel_loop3A_321, %parallel_loop3A_313 : vector<16xi1>, vector<16xi32>
        %parallel_loop3A_323 = arith.index_cast %parallel_loop3A_292 : i32 to index
        %parallel_loop3A_324 = arith.constant 64 : index
        %parallel_loop3A_325 = tpu.vector_load %arg5[%parallel_loop3A_323, %parallel_loop3A_324] {strides = array<i32>} : memref<256x128xf32, #tpu.memory_space<vmem>>, vector<16xf32>,
        %parallel_loop3A_326 = arith.cmpf ogt, %parallel_loop3A_325, %parallel_loop3A_318 : vector<16xf32>
        %parallel_loop3A_327 = arith.select %parallel_loop3A_326, %parallel_loop3A_325, %parallel_loop3A_318 : vector<16xi1>, vector<16xf32>
        %parallel_loop3A_328 = arith.constant 64 : i32
        %parallel_loop3A_329 = vector.broadcast %parallel_loop3A_328 : i32 to vector<16xi32>
        %parallel_loop3A_330 = arith.addi %iota3A_46, %parallel_loop3A_329 : vector<16xi32>
        %parallel_loop3A_331 = arith.select %parallel_loop3A_326, %parallel_loop3A_330, %parallel_loop3A_322 : vector<16xi1>, vector<16xi32>
        %parallel_loop3A_332 = arith.index_cast %parallel_loop3A_292 : i32 to index
        %parallel_loop3A_333 = arith.constant 80 : index
        %parallel_loop3A_334 = tpu.vector_load %arg5[%parallel_loop3A_332, %parallel_loop3A_333] {strides = array<i32>} : memref<256x128xf32, #tpu.memory_space<vmem>>, vector<16xf32>,
        %parallel_loop3A_335 = arith.cmpf ogt, %parallel_loop3A_334, %parallel_loop3A_327 : vector<16xf32>
        %parallel_loop3A_336 = arith.select %parallel_loop3A_335, %parallel_loop3A_334, %parallel_loop3A_327 : vector<16xi1>, vector<16xf32>
        %parallel_loop3A_337 = arith.constant 80 : i32
        %parallel_loop3A_338 = vector.broadcast %parallel_loop3A_337 : i32 to vector<16xi32>
        %parallel_loop3A_339 = arith.addi %iota3A_46, %parallel_loop3A_338 : vector<16xi32>
        %parallel_loop3A_340 = arith.select %parallel_loop3A_335, %parallel_loop3A_339, %parallel_loop3A_331 : vector<16xi1>, vector<16xi32>
        %parallel_loop3A_341 = arith.index_cast %parallel_loop3A_292 : i32 to index
        %parallel_loop3A_342 = arith.constant 96 : index
        %parallel_loop3A_343 = tpu.vector_load %arg5[%parallel_loop3A_341, %parallel_loop3A_342] {strides = array<i32>} : memref<256x128xf32, #tpu.memory_space<vmem>>, vector<16xf32>,
        %parallel_loop3A_344 = arith.cmpf ogt, %parallel_loop3A_343, %parallel_loop3A_336 : vector<16xf32>
        %parallel_loop3A_345 = arith.select %parallel_loop3A_344, %parallel_loop3A_343, %parallel_loop3A_336 : vector<16xi1>, vector<16xf32>
        %parallel_loop3A_346 = arith.constant 96 : i32
        %parallel_loop3A_347 = vector.broadcast %parallel_loop3A_346 : i32 to vector<16xi32>
        %parallel_loop3A_348 = arith.addi %iota3A_46, %parallel_loop3A_347 : vector<16xi32>
        %parallel_loop3A_349 = arith.select %parallel_loop3A_344, %parallel_loop3A_348, %parallel_loop3A_340 : vector<16xi1>, vector<16xi32>
        %parallel_loop3A_350 = arith.index_cast %parallel_loop3A_292 : i32 to index
        %parallel_loop3A_351 = arith.constant 112 : index
        %parallel_loop3A_352 = tpu.vector_load %arg5[%parallel_loop3A_350, %parallel_loop3A_351] {strides = array<i32>} : memref<256x128xf32, #tpu.memory_space<vmem>>, vector<16xf32>,
        %parallel_loop3A_353 = arith.cmpf ogt, %parallel_loop3A_352, %parallel_loop3A_345 : vector<16xf32>
        %parallel_loop3A_354 = arith.select %parallel_loop3A_353, %parallel_loop3A_352, %parallel_loop3A_345 : vector<16xi1>, vector<16xf32>
        %parallel_loop3A_355 = arith.constant 112 : i32
        %parallel_loop3A_356 = vector.broadcast %parallel_loop3A_355 : i32 to vector<16xi32>
        %parallel_loop3A_357 = arith.addi %iota3A_46, %parallel_loop3A_356 : vector<16xi32>
        %parallel_loop3A_358 = arith.select %parallel_loop3A_353, %parallel_loop3A_357, %parallel_loop3A_349 : vector<16xi1>, vector<16xi32>
        %parallel_loop3A_359 = arith.constant 3 : i32
        %parallel_loop3A_360 = vector.broadcast %parallel_loop3A_359 : i32 to vector<16xi32>
        %parallel_loop3A_361 = arith.addi %iota3A_46, %parallel_loop3A_360 : vector<16xi32>
        %parallel_loop3A_362 = arith.constant 15 : i32
        %parallel_loop3A_363 = vector.broadcast %parallel_loop3A_362 : i32 to vector<16xi32>
        %parallel_loop3A_364 = arith.andi %parallel_loop3A_361, %parallel_loop3A_363 : vector<16xi32>
        %parallel_loop3A_365 = arith.constant 48 : i32
        %parallel_loop3A_366 = vector.broadcast %parallel_loop3A_365 : i32 to vector<16xi32>
        %parallel_loop3A_367 = arith.addi %parallel_loop3A_366, %parallel_loop3A_364 : vector<16xi32>
        tpu.vector_store_idx %arg7[%parallel_loop3A_57, %parallel_loop3A_367], %parallel_loop3A_354 : memref<16x256xf32, #tpu.memory_space<vmem>>[vector<16xi32>, vector<16xi32>], vector<16xf32>,
        tpu.vector_store_idx %arg8[%parallel_loop3A_57, %parallel_loop3A_367], %parallel_loop3A_358 : memref<16x256xi32, #tpu.memory_space<vmem>>[vector<16xi32>, vector<16xi32>], vector<16xi32>,
        %parallel_loop3A_368 = arith.constant 4 : i32
        %parallel_loop3A_369 = arith.addi %parallel_loop3A_59, %parallel_loop3A_368 : i32
        %parallel_loop3A_370 = arith.index_cast %parallel_loop3A_369 : i32 to index
        %parallel_loop3A_371 = arith.constant 0 : index
        %parallel_loop3A_372 = tpu.vector_load %arg5[%parallel_loop3A_370, %parallel_loop3A_371] {strides = array<i32>} : memref<256x128xf32, #tpu.memory_space<vmem>>, vector<16xf32>,
        %parallel_loop3A_373 = arith.index_cast %parallel_loop3A_369 : i32 to index
        %parallel_loop3A_374 = arith.constant 16 : index
        %parallel_loop3A_375 = tpu.vector_load %arg5[%parallel_loop3A_373, %parallel_loop3A_374] {strides = array<i32>} : memref<256x128xf32, #tpu.memory_space<vmem>>, vector<16xf32>,
        %parallel_loop3A_376 = arith.cmpf ogt, %parallel_loop3A_375, %parallel_loop3A_372 : vector<16xf32>
        %parallel_loop3A_377 = arith.select %parallel_loop3A_376, %parallel_loop3A_375, %parallel_loop3A_372 : vector<16xi1>, vector<16xf32>
        %parallel_loop3A_378 = arith.constant 16 : i32
        %parallel_loop3A_379 = vector.broadcast %parallel_loop3A_378 : i32 to vector<16xi32>
        %parallel_loop3A_380 = arith.addi %iota3A_46, %parallel_loop3A_379 : vector<16xi32>
        %parallel_loop3A_381 = arith.select %parallel_loop3A_376, %parallel_loop3A_380, %iota3A_46 : vector<16xi1>, vector<16xi32>
        %parallel_loop3A_382 = arith.index_cast %parallel_loop3A_369 : i32 to index
        %parallel_loop3A_383 = arith.constant 32 : index
        %parallel_loop3A_384 = tpu.vector_load %arg5[%parallel_loop3A_382, %parallel_loop3A_383] {strides = array<i32>} : memref<256x128xf32, #tpu.memory_space<vmem>>, vector<16xf32>,
        %parallel_loop3A_385 = arith.cmpf ogt, %parallel_loop3A_384, %parallel_loop3A_377 : vector<16xf32>
        %parallel_loop3A_386 = arith.select %parallel_loop3A_385, %parallel_loop3A_384, %parallel_loop3A_377 : vector<16xi1>, vector<16xf32>
        %parallel_loop3A_387 = arith.constant 32 : i32
        %parallel_loop3A_388 = vector.broadcast %parallel_loop3A_387 : i32 to vector<16xi32>
        %parallel_loop3A_389 = arith.addi %iota3A_46, %parallel_loop3A_388 : vector<16xi32>
        %parallel_loop3A_390 = arith.select %parallel_loop3A_385, %parallel_loop3A_389, %parallel_loop3A_381 : vector<16xi1>, vector<16xi32>
        %parallel_loop3A_391 = arith.index_cast %parallel_loop3A_369 : i32 to index
        %parallel_loop3A_392 = arith.constant 48 : index
        %parallel_loop3A_393 = tpu.vector_load %arg5[%parallel_loop3A_391, %parallel_loop3A_392] {strides = array<i32>} : memref<256x128xf32, #tpu.memory_space<vmem>>, vector<16xf32>,
        %parallel_loop3A_394 = arith.cmpf ogt, %parallel_loop3A_393, %parallel_loop3A_386 : vector<16xf32>
        %parallel_loop3A_395 = arith.select %parallel_loop3A_394, %parallel_loop3A_393, %parallel_loop3A_386 : vector<16xi1>, vector<16xf32>
        %parallel_loop3A_396 = arith.constant 48 : i32
        %parallel_loop3A_397 = vector.broadcast %parallel_loop3A_396 : i32 to vector<16xi32>
        %parallel_loop3A_398 = arith.addi %iota3A_46, %parallel_loop3A_397 : vector<16xi32>
        %parallel_loop3A_399 = arith.select %parallel_loop3A_394, %parallel_loop3A_398, %parallel_loop3A_390 : vector<16xi1>, vector<16xi32>
        %parallel_loop3A_400 = arith.index_cast %parallel_loop3A_369 : i32 to index
        %parallel_loop3A_401 = arith.constant 64 : index
        %parallel_loop3A_402 = tpu.vector_load %arg5[%parallel_loop3A_400, %parallel_loop3A_401] {strides = array<i32>} : memref<256x128xf32, #tpu.memory_space<vmem>>, vector<16xf32>,
        %parallel_loop3A_403 = arith.cmpf ogt, %parallel_loop3A_402, %parallel_loop3A_395 : vector<16xf32>
        %parallel_loop3A_404 = arith.select %parallel_loop3A_403, %parallel_loop3A_402, %parallel_loop3A_395 : vector<16xi1>, vector<16xf32>
        %parallel_loop3A_405 = arith.constant 64 : i32
        %parallel_loop3A_406 = vector.broadcast %parallel_loop3A_405 : i32 to vector<16xi32>
        %parallel_loop3A_407 = arith.addi %iota3A_46, %parallel_loop3A_406 : vector<16xi32>
        %parallel_loop3A_408 = arith.select %parallel_loop3A_403, %parallel_loop3A_407, %parallel_loop3A_399 : vector<16xi1>, vector<16xi32>
        %parallel_loop3A_409 = arith.index_cast %parallel_loop3A_369 : i32 to index
        %parallel_loop3A_410 = arith.constant 80 : index
        %parallel_loop3A_411 = tpu.vector_load %arg5[%parallel_loop3A_409, %parallel_loop3A_410] {strides = array<i32>} : memref<256x128xf32, #tpu.memory_space<vmem>>, vector<16xf32>,
        %parallel_loop3A_412 = arith.cmpf ogt, %parallel_loop3A_411, %parallel_loop3A_404 : vector<16xf32>
        %parallel_loop3A_413 = arith.select %parallel_loop3A_412, %parallel_loop3A_411, %parallel_loop3A_404 : vector<16xi1>, vector<16xf32>
        %parallel_loop3A_414 = arith.constant 80 : i32
        %parallel_loop3A_415 = vector.broadcast %parallel_loop3A_414 : i32 to vector<16xi32>
        %parallel_loop3A_416 = arith.addi %iota3A_46, %parallel_loop3A_415 : vector<16xi32>
        %parallel_loop3A_417 = arith.select %parallel_loop3A_412, %parallel_loop3A_416, %parallel_loop3A_408 : vector<16xi1>, vector<16xi32>
        %parallel_loop3A_418 = arith.index_cast %parallel_loop3A_369 : i32 to index
        %parallel_loop3A_419 = arith.constant 96 : index
        %parallel_loop3A_420 = tpu.vector_load %arg5[%parallel_loop3A_418, %parallel_loop3A_419] {strides = array<i32>} : memref<256x128xf32, #tpu.memory_space<vmem>>, vector<16xf32>,
        %parallel_loop3A_421 = arith.cmpf ogt, %parallel_loop3A_420, %parallel_loop3A_413 : vector<16xf32>
        %parallel_loop3A_422 = arith.select %parallel_loop3A_421, %parallel_loop3A_420, %parallel_loop3A_413 : vector<16xi1>, vector<16xf32>
        %parallel_loop3A_423 = arith.constant 96 : i32
        %parallel_loop3A_424 = vector.broadcast %parallel_loop3A_423 : i32 to vector<16xi32>
        %parallel_loop3A_425 = arith.addi %iota3A_46, %parallel_loop3A_424 : vector<16xi32>
        %parallel_loop3A_426 = arith.select %parallel_loop3A_421, %parallel_loop3A_425, %parallel_loop3A_417 : vector<16xi1>, vector<16xi32>
        %parallel_loop3A_427 = arith.index_cast %parallel_loop3A_369 : i32 to index
        %parallel_loop3A_428 = arith.constant 112 : index
        %parallel_loop3A_429 = tpu.vector_load %arg5[%parallel_loop3A_427, %parallel_loop3A_428] {strides = array<i32>} : memref<256x128xf32, #tpu.memory_space<vmem>>, vector<16xf32>,
        %parallel_loop3A_430 = arith.cmpf ogt, %parallel_loop3A_429, %parallel_loop3A_422 : vector<16xf32>
        %parallel_loop3A_431 = arith.select %parallel_loop3A_430, %parallel_loop3A_429, %parallel_loop3A_422 : vector<16xi1>, vector<16xf32>
        %parallel_loop3A_432 = arith.constant 112 : i32
        %parallel_loop3A_433 = vector.broadcast %parallel_loop3A_432 : i32 to vector<16xi32>
        %parallel_loop3A_434 = arith.addi %iota3A_46, %parallel_loop3A_433 : vector<16xi32>
        %parallel_loop3A_435 = arith.select %parallel_loop3A_430, %parallel_loop3A_434, %parallel_loop3A_426 : vector<16xi1>, vector<16xi32>
        %parallel_loop3A_436 = arith.constant 4 : i32
        %parallel_loop3A_437 = vector.broadcast %parallel_loop3A_436 : i32 to vector<16xi32>
        %parallel_loop3A_438 = arith.addi %iota3A_46, %parallel_loop3A_437 : vector<16xi32>
        %parallel_loop3A_439 = arith.constant 15 : i32
        %parallel_loop3A_440 = vector.broadcast %parallel_loop3A_439 : i32 to vector<16xi32>
        %parallel_loop3A_441 = arith.andi %parallel_loop3A_438, %parallel_loop3A_440 : vector<16xi32>
        %parallel_loop3A_442 = arith.constant 64 : i32
        %parallel_loop3A_443 = vector.broadcast %parallel_loop3A_442 : i32 to vector<16xi32>
        %parallel_loop3A_444 = arith.addi %parallel_loop3A_443, %parallel_loop3A_441 : vector<16xi32>
        tpu.vector_store_idx %arg7[%parallel_loop3A_57, %parallel_loop3A_444], %parallel_loop3A_431 : memref<16x256xf32, #tpu.memory_space<vmem>>[vector<16xi32>, vector<16xi32>], vector<16xf32>,
        tpu.vector_store_idx %arg8[%parallel_loop3A_57, %parallel_loop3A_444], %parallel_loop3A_435 : memref<16x256xi32, #tpu.memory_space<vmem>>[vector<16xi32>, vector<16xi32>], vector<16xi32>,
        %parallel_loop3A_445 = arith.constant 5 : i32
        %parallel_loop3A_446 = arith.addi %parallel_loop3A_59, %parallel_loop3A_445 : i32
        %parallel_loop3A_447 = arith.index_cast %parallel_loop3A_446 : i32 to index
        %parallel_loop3A_448 = arith.constant 0 : index
        %parallel_loop3A_449 = tpu.vector_load %arg5[%parallel_loop3A_447, %parallel_loop3A_448] {strides = array<i32>} : memref<256x128xf32, #tpu.memory_space<vmem>>, vector<16xf32>,
        %parallel_loop3A_450 = arith.index_cast %parallel_loop3A_446 : i32 to index
        %parallel_loop3A_451 = arith.constant 16 : index
        %parallel_loop3A_452 = tpu.vector_load %arg5[%parallel_loop3A_450, %parallel_loop3A_451] {strides = array<i32>} : memref<256x128xf32, #tpu.memory_space<vmem>>, vector<16xf32>,
        %parallel_loop3A_453 = arith.cmpf ogt, %parallel_loop3A_452, %parallel_loop3A_449 : vector<16xf32>
        %parallel_loop3A_454 = arith.select %parallel_loop3A_453, %parallel_loop3A_452, %parallel_loop3A_449 : vector<16xi1>, vector<16xf32>
        %parallel_loop3A_455 = arith.constant 16 : i32
        %parallel_loop3A_456 = vector.broadcast %parallel_loop3A_455 : i32 to vector<16xi32>
        %parallel_loop3A_457 = arith.addi %iota3A_46, %parallel_loop3A_456 : vector<16xi32>
        %parallel_loop3A_458 = arith.select %parallel_loop3A_453, %parallel_loop3A_457, %iota3A_46 : vector<16xi1>, vector<16xi32>
        %parallel_loop3A_459 = arith.index_cast %parallel_loop3A_446 : i32 to index
        %parallel_loop3A_460 = arith.constant 32 : index
        %parallel_loop3A_461 = tpu.vector_load %arg5[%parallel_loop3A_459, %parallel_loop3A_460] {strides = array<i32>} : memref<256x128xf32, #tpu.memory_space<vmem>>, vector<16xf32>,
        %parallel_loop3A_462 = arith.cmpf ogt, %parallel_loop3A_461, %parallel_loop3A_454 : vector<16xf32>
        %parallel_loop3A_463 = arith.select %parallel_loop3A_462, %parallel_loop3A_461, %parallel_loop3A_454 : vector<16xi1>, vector<16xf32>
        %parallel_loop3A_464 = arith.constant 32 : i32
        %parallel_loop3A_465 = vector.broadcast %parallel_loop3A_464 : i32 to vector<16xi32>
        %parallel_loop3A_466 = arith.addi %iota3A_46, %parallel_loop3A_465 : vector<16xi32>
        %parallel_loop3A_467 = arith.select %parallel_loop3A_462, %parallel_loop3A_466, %parallel_loop3A_458 : vector<16xi1>, vector<16xi32>
        %parallel_loop3A_468 = arith.index_cast %parallel_loop3A_446 : i32 to index
        %parallel_loop3A_469 = arith.constant 48 : index
        %parallel_loop3A_470 = tpu.vector_load %arg5[%parallel_loop3A_468, %parallel_loop3A_469] {strides = array<i32>} : memref<256x128xf32, #tpu.memory_space<vmem>>, vector<16xf32>,
        %parallel_loop3A_471 = arith.cmpf ogt, %parallel_loop3A_470, %parallel_loop3A_463 : vector<16xf32>
        %parallel_loop3A_472 = arith.select %parallel_loop3A_471, %parallel_loop3A_470, %parallel_loop3A_463 : vector<16xi1>, vector<16xf32>
        %parallel_loop3A_473 = arith.constant 48 : i32
        %parallel_loop3A_474 = vector.broadcast %parallel_loop3A_473 : i32 to vector<16xi32>
        %parallel_loop3A_475 = arith.addi %iota3A_46, %parallel_loop3A_474 : vector<16xi32>
        %parallel_loop3A_476 = arith.select %parallel_loop3A_471, %parallel_loop3A_475, %parallel_loop3A_467 : vector<16xi1>, vector<16xi32>
        %parallel_loop3A_477 = arith.index_cast %parallel_loop3A_446 : i32 to index
        %parallel_loop3A_478 = arith.constant 64 : index
        %parallel_loop3A_479 = tpu.vector_load %arg5[%parallel_loop3A_477, %parallel_loop3A_478] {strides = array<i32>} : memref<256x128xf32, #tpu.memory_space<vmem>>, vector<16xf32>,
        %parallel_loop3A_480 = arith.cmpf ogt, %parallel_loop3A_479, %parallel_loop3A_472 : vector<16xf32>
        %parallel_loop3A_481 = arith.select %parallel_loop3A_480, %parallel_loop3A_479, %parallel_loop3A_472 : vector<16xi1>, vector<16xf32>
        %parallel_loop3A_482 = arith.constant 64 : i32
        %parallel_loop3A_483 = vector.broadcast %parallel_loop3A_482 : i32 to vector<16xi32>
        %parallel_loop3A_484 = arith.addi %iota3A_46, %parallel_loop3A_483 : vector<16xi32>
        %parallel_loop3A_485 = arith.select %parallel_loop3A_480, %parallel_loop3A_484, %parallel_loop3A_476 : vector<16xi1>, vector<16xi32>
        %parallel_loop3A_486 = arith.index_cast %parallel_loop3A_446 : i32 to index
        %parallel_loop3A_487 = arith.constant 80 : index
        %parallel_loop3A_488 = tpu.vector_load %arg5[%parallel_loop3A_486, %parallel_loop3A_487] {strides = array<i32>} : memref<256x128xf32, #tpu.memory_space<vmem>>, vector<16xf32>,
        %parallel_loop3A_489 = arith.cmpf ogt, %parallel_loop3A_488, %parallel_loop3A_481 : vector<16xf32>
        %parallel_loop3A_490 = arith.select %parallel_loop3A_489, %parallel_loop3A_488, %parallel_loop3A_481 : vector<16xi1>, vector<16xf32>
        %parallel_loop3A_491 = arith.constant 80 : i32
        %parallel_loop3A_492 = vector.broadcast %parallel_loop3A_491 : i32 to vector<16xi32>
        %parallel_loop3A_493 = arith.addi %iota3A_46, %parallel_loop3A_492 : vector<16xi32>
        %parallel_loop3A_494 = arith.select %parallel_loop3A_489, %parallel_loop3A_493, %parallel_loop3A_485 : vector<16xi1>, vector<16xi32>
        %parallel_loop3A_495 = arith.index_cast %parallel_loop3A_446 : i32 to index
        %parallel_loop3A_496 = arith.constant 96 : index
        %parallel_loop3A_497 = tpu.vector_load %arg5[%parallel_loop3A_495, %parallel_loop3A_496] {strides = array<i32>} : memref<256x128xf32, #tpu.memory_space<vmem>>, vector<16xf32>,
        %parallel_loop3A_498 = arith.cmpf ogt, %parallel_loop3A_497, %parallel_loop3A_490 : vector<16xf32>
        %parallel_loop3A_499 = arith.select %parallel_loop3A_498, %parallel_loop3A_497, %parallel_loop3A_490 : vector<16xi1>, vector<16xf32>
        %parallel_loop3A_500 = arith.constant 96 : i32
        %parallel_loop3A_501 = vector.broadcast %parallel_loop3A_500 : i32 to vector<16xi32>
        %parallel_loop3A_502 = arith.addi %iota3A_46, %parallel_loop3A_501 : vector<16xi32>
        %parallel_loop3A_503 = arith.select %parallel_loop3A_498, %parallel_loop3A_502, %parallel_loop3A_494 : vector<16xi1>, vector<16xi32>
        %parallel_loop3A_504 = arith.index_cast %parallel_loop3A_446 : i32 to index
        %parallel_loop3A_505 = arith.constant 112 : index
        %parallel_loop3A_506 = tpu.vector_load %arg5[%parallel_loop3A_504, %parallel_loop3A_505] {strides = array<i32>} : memref<256x128xf32, #tpu.memory_space<vmem>>, vector<16xf32>,
        %parallel_loop3A_507 = arith.cmpf ogt, %parallel_loop3A_506, %parallel_loop3A_499 : vector<16xf32>
        %parallel_loop3A_508 = arith.select %parallel_loop3A_507, %parallel_loop3A_506, %parallel_loop3A_499 : vector<16xi1>, vector<16xf32>
        %parallel_loop3A_509 = arith.constant 112 : i32
        %parallel_loop3A_510 = vector.broadcast %parallel_loop3A_509 : i32 to vector<16xi32>
        %parallel_loop3A_511 = arith.addi %iota3A_46, %parallel_loop3A_510 : vector<16xi32>
        %parallel_loop3A_512 = arith.select %parallel_loop3A_507, %parallel_loop3A_511, %parallel_loop3A_503 : vector<16xi1>, vector<16xi32>
        %parallel_loop3A_513 = arith.constant 5 : i32
        %parallel_loop3A_514 = vector.broadcast %parallel_loop3A_513 : i32 to vector<16xi32>
        %parallel_loop3A_515 = arith.addi %iota3A_46, %parallel_loop3A_514 : vector<16xi32>
        %parallel_loop3A_516 = arith.constant 15 : i32
        %parallel_loop3A_517 = vector.broadcast %parallel_loop3A_516 : i32 to vector<16xi32>
        %parallel_loop3A_518 = arith.andi %parallel_loop3A_515, %parallel_loop3A_517 : vector<16xi32>
        %parallel_loop3A_519 = arith.constant 80 : i32
        %parallel_loop3A_520 = vector.broadcast %parallel_loop3A_519 : i32 to vector<16xi32>
        %parallel_loop3A_521 = arith.addi %parallel_loop3A_520, %parallel_loop3A_518 : vector<16xi32>
        tpu.vector_store_idx %arg7[%parallel_loop3A_57, %parallel_loop3A_521], %parallel_loop3A_508 : memref<16x256xf32, #tpu.memory_space<vmem>>[vector<16xi32>, vector<16xi32>], vector<16xf32>,
        tpu.vector_store_idx %arg8[%parallel_loop3A_57, %parallel_loop3A_521], %parallel_loop3A_512 : memref<16x256xi32, #tpu.memory_space<vmem>>[vector<16xi32>, vector<16xi32>], vector<16xi32>,
        %parallel_loop3A_522 = arith.constant 6 : i32
        %parallel_loop3A_523 = arith.addi %parallel_loop3A_59, %parallel_loop3A_522 : i32
        %parallel_loop3A_524 = arith.index_cast %parallel_loop3A_523 : i32 to index
        %parallel_loop3A_525 = arith.constant 0 : index
        %parallel_loop3A_526 = tpu.vector_load %arg5[%parallel_loop3A_524, %parallel_loop3A_525] {strides = array<i32>} : memref<256x128xf32, #tpu.memory_space<vmem>>, vector<16xf32>,
        %parallel_loop3A_527 = arith.index_cast %parallel_loop3A_523 : i32 to index
        %parallel_loop3A_528 = arith.constant 16 : index
        %parallel_loop3A_529 = tpu.vector_load %arg5[%parallel_loop3A_527, %parallel_loop3A_528] {strides = array<i32>} : memref<256x128xf32, #tpu.memory_space<vmem>>, vector<16xf32>,
        %parallel_loop3A_530 = arith.cmpf ogt, %parallel_loop3A_529, %parallel_loop3A_526 : vector<16xf32>
        %parallel_loop3A_531 = arith.select %parallel_loop3A_530, %parallel_loop3A_529, %parallel_loop3A_526 : vector<16xi1>, vector<16xf32>
        %parallel_loop3A_532 = arith.constant 16 : i32
        %parallel_loop3A_533 = vector.broadcast %parallel_loop3A_532 : i32 to vector<16xi32>
        %parallel_loop3A_534 = arith.addi %iota3A_46, %parallel_loop3A_533 : vector<16xi32>
        %parallel_loop3A_535 = arith.select %parallel_loop3A_530, %parallel_loop3A_534, %iota3A_46 : vector<16xi1>, vector<16xi32>
        %parallel_loop3A_536 = arith.index_cast %parallel_loop3A_523 : i32 to index
        %parallel_loop3A_537 = arith.constant 32 : index
        %parallel_loop3A_538 = tpu.vector_load %arg5[%parallel_loop3A_536, %parallel_loop3A_537] {strides = array<i32>} : memref<256x128xf32, #tpu.memory_space<vmem>>, vector<16xf32>,
        %parallel_loop3A_539 = arith.cmpf ogt, %parallel_loop3A_538, %parallel_loop3A_531 : vector<16xf32>
        %parallel_loop3A_540 = arith.select %parallel_loop3A_539, %parallel_loop3A_538, %parallel_loop3A_531 : vector<16xi1>, vector<16xf32>
        %parallel_loop3A_541 = arith.constant 32 : i32
        %parallel_loop3A_542 = vector.broadcast %parallel_loop3A_541 : i32 to vector<16xi32>
        %parallel_loop3A_543 = arith.addi %iota3A_46, %parallel_loop3A_542 : vector<16xi32>
        %parallel_loop3A_544 = arith.select %parallel_loop3A_539, %parallel_loop3A_543, %parallel_loop3A_535 : vector<16xi1>, vector<16xi32>
        %parallel_loop3A_545 = arith.index_cast %parallel_loop3A_523 : i32 to index
        %parallel_loop3A_546 = arith.constant 48 : index
        %parallel_loop3A_547 = tpu.vector_load %arg5[%parallel_loop3A_545, %parallel_loop3A_546] {strides = array<i32>} : memref<256x128xf32, #tpu.memory_space<vmem>>, vector<16xf32>,
        %parallel_loop3A_548 = arith.cmpf ogt, %parallel_loop3A_547, %parallel_loop3A_540 : vector<16xf32>
        %parallel_loop3A_549 = arith.select %parallel_loop3A_548, %parallel_loop3A_547, %parallel_loop3A_540 : vector<16xi1>, vector<16xf32>
        %parallel_loop3A_550 = arith.constant 48 : i32
        %parallel_loop3A_551 = vector.broadcast %parallel_loop3A_550 : i32 to vector<16xi32>
        %parallel_loop3A_552 = arith.addi %iota3A_46, %parallel_loop3A_551 : vector<16xi32>
        %parallel_loop3A_553 = arith.select %parallel_loop3A_548, %parallel_loop3A_552, %parallel_loop3A_544 : vector<16xi1>, vector<16xi32>
        %parallel_loop3A_554 = arith.index_cast %parallel_loop3A_523 : i32 to index
        %parallel_loop3A_555 = arith.constant 64 : index
        %parallel_loop3A_556 = tpu.vector_load %arg5[%parallel_loop3A_554, %parallel_loop3A_555] {strides = array<i32>} : memref<256x128xf32, #tpu.memory_space<vmem>>, vector<16xf32>,
        %parallel_loop3A_557 = arith.cmpf ogt, %parallel_loop3A_556, %parallel_loop3A_549 : vector<16xf32>
        %parallel_loop3A_558 = arith.select %parallel_loop3A_557, %parallel_loop3A_556, %parallel_loop3A_549 : vector<16xi1>, vector<16xf32>
        %parallel_loop3A_559 = arith.constant 64 : i32
        %parallel_loop3A_560 = vector.broadcast %parallel_loop3A_559 : i32 to vector<16xi32>
        %parallel_loop3A_561 = arith.addi %iota3A_46, %parallel_loop3A_560 : vector<16xi32>
        %parallel_loop3A_562 = arith.select %parallel_loop3A_557, %parallel_loop3A_561, %parallel_loop3A_553 : vector<16xi1>, vector<16xi32>
        %parallel_loop3A_563 = arith.index_cast %parallel_loop3A_523 : i32 to index
        %parallel_loop3A_564 = arith.constant 80 : index
        %parallel_loop3A_565 = tpu.vector_load %arg5[%parallel_loop3A_563, %parallel_loop3A_564] {strides = array<i32>} : memref<256x128xf32, #tpu.memory_space<vmem>>, vector<16xf32>,
        %parallel_loop3A_566 = arith.cmpf ogt, %parallel_loop3A_565, %parallel_loop3A_558 : vector<16xf32>
        %parallel_loop3A_567 = arith.select %parallel_loop3A_566, %parallel_loop3A_565, %parallel_loop3A_558 : vector<16xi1>, vector<16xf32>
        %parallel_loop3A_568 = arith.constant 80 : i32
        %parallel_loop3A_569 = vector.broadcast %parallel_loop3A_568 : i32 to vector<16xi32>
        %parallel_loop3A_570 = arith.addi %iota3A_46, %parallel_loop3A_569 : vector<16xi32>
        %parallel_loop3A_571 = arith.select %parallel_loop3A_566, %parallel_loop3A_570, %parallel_loop3A_562 : vector<16xi1>, vector<16xi32>
        %parallel_loop3A_572 = arith.index_cast %parallel_loop3A_523 : i32 to index
        %parallel_loop3A_573 = arith.constant 96 : index
        %parallel_loop3A_574 = tpu.vector_load %arg5[%parallel_loop3A_572, %parallel_loop3A_573] {strides = array<i32>} : memref<256x128xf32, #tpu.memory_space<vmem>>, vector<16xf32>,
        %parallel_loop3A_575 = arith.cmpf ogt, %parallel_loop3A_574, %parallel_loop3A_567 : vector<16xf32>
        %parallel_loop3A_576 = arith.select %parallel_loop3A_575, %parallel_loop3A_574, %parallel_loop3A_567 : vector<16xi1>, vector<16xf32>
        %parallel_loop3A_577 = arith.constant 96 : i32
        %parallel_loop3A_578 = vector.broadcast %parallel_loop3A_577 : i32 to vector<16xi32>
        %parallel_loop3A_579 = arith.addi %iota3A_46, %parallel_loop3A_578 : vector<16xi32>
        %parallel_loop3A_580 = arith.select %parallel_loop3A_575, %parallel_loop3A_579, %parallel_loop3A_571 : vector<16xi1>, vector<16xi32>
        %parallel_loop3A_581 = arith.index_cast %parallel_loop3A_523 : i32 to index
        %parallel_loop3A_582 = arith.constant 112 : index
        %parallel_loop3A_583 = tpu.vector_load %arg5[%parallel_loop3A_581, %parallel_loop3A_582] {strides = array<i32>} : memref<256x128xf32, #tpu.memory_space<vmem>>, vector<16xf32>,
        %parallel_loop3A_584 = arith.cmpf ogt, %parallel_loop3A_583, %parallel_loop3A_576 : vector<16xf32>
        %parallel_loop3A_585 = arith.select %parallel_loop3A_584, %parallel_loop3A_583, %parallel_loop3A_576 : vector<16xi1>, vector<16xf32>
        %parallel_loop3A_586 = arith.constant 112 : i32
        %parallel_loop3A_587 = vector.broadcast %parallel_loop3A_586 : i32 to vector<16xi32>
        %parallel_loop3A_588 = arith.addi %iota3A_46, %parallel_loop3A_587 : vector<16xi32>
        %parallel_loop3A_589 = arith.select %parallel_loop3A_584, %parallel_loop3A_588, %parallel_loop3A_580 : vector<16xi1>, vector<16xi32>
        %parallel_loop3A_590 = arith.constant 6 : i32
        %parallel_loop3A_591 = vector.broadcast %parallel_loop3A_590 : i32 to vector<16xi32>
        %parallel_loop3A_592 = arith.addi %iota3A_46, %parallel_loop3A_591 : vector<16xi32>
        %parallel_loop3A_593 = arith.constant 15 : i32
        %parallel_loop3A_594 = vector.broadcast %parallel_loop3A_593 : i32 to vector<16xi32>
        %parallel_loop3A_595 = arith.andi %parallel_loop3A_592, %parallel_loop3A_594 : vector<16xi32>
        %parallel_loop3A_596 = arith.constant 96 : i32
        %parallel_loop3A_597 = vector.broadcast %parallel_loop3A_596 : i32 to vector<16xi32>
        %parallel_loop3A_598 = arith.addi %parallel_loop3A_597, %parallel_loop3A_595 : vector<16xi32>
        tpu.vector_store_idx %arg7[%parallel_loop3A_57, %parallel_loop3A_598], %parallel_loop3A_585 : memref<16x256xf32, #tpu.memory_space<vmem>>[vector<16xi32>, vector<16xi32>], vector<16xf32>,
        tpu.vector_store_idx %arg8[%parallel_loop3A_57, %parallel_loop3A_598], %parallel_loop3A_589 : memref<16x256xi32, #tpu.memory_space<vmem>>[vector<16xi32>, vector<16xi32>], vector<16xi32>,
        %parallel_loop3A_599 = arith.constant 7 : i32
        %parallel_loop3A_600 = arith.addi %parallel_loop3A_59, %parallel_loop3A_599 : i32
        %parallel_loop3A_601 = arith.index_cast %parallel_loop3A_600 : i32 to index
        %parallel_loop3A_602 = arith.constant 0 : index
        %parallel_loop3A_603 = tpu.vector_load %arg5[%parallel_loop3A_601, %parallel_loop3A_602] {strides = array<i32>} : memref<256x128xf32, #tpu.memory_space<vmem>>, vector<16xf32>,
        %parallel_loop3A_604 = arith.index_cast %parallel_loop3A_600 : i32 to index
        %parallel_loop3A_605 = arith.constant 16 : index
        %parallel_loop3A_606 = tpu.vector_load %arg5[%parallel_loop3A_604, %parallel_loop3A_605] {strides = array<i32>} : memref<256x128xf32, #tpu.memory_space<vmem>>, vector<16xf32>,
        %parallel_loop3A_607 = arith.cmpf ogt, %parallel_loop3A_606, %parallel_loop3A_603 : vector<16xf32>
        %parallel_loop3A_608 = arith.select %parallel_loop3A_607, %parallel_loop3A_606, %parallel_loop3A_603 : vector<16xi1>, vector<16xf32>
        %parallel_loop3A_609 = arith.constant 16 : i32
        %parallel_loop3A_610 = vector.broadcast %parallel_loop3A_609 : i32 to vector<16xi32>
        %parallel_loop3A_611 = arith.addi %iota3A_46, %parallel_loop3A_610 : vector<16xi32>
        %parallel_loop3A_612 = arith.select %parallel_loop3A_607, %parallel_loop3A_611, %iota3A_46 : vector<16xi1>, vector<16xi32>
        %parallel_loop3A_613 = arith.index_cast %parallel_loop3A_600 : i32 to index
        %parallel_loop3A_614 = arith.constant 32 : index
        %parallel_loop3A_615 = tpu.vector_load %arg5[%parallel_loop3A_613, %parallel_loop3A_614] {strides = array<i32>} : memref<256x128xf32, #tpu.memory_space<vmem>>, vector<16xf32>,
        %parallel_loop3A_616 = arith.cmpf ogt, %parallel_loop3A_615, %parallel_loop3A_608 : vector<16xf32>
        %parallel_loop3A_617 = arith.select %parallel_loop3A_616, %parallel_loop3A_615, %parallel_loop3A_608 : vector<16xi1>, vector<16xf32>
        %parallel_loop3A_618 = arith.constant 32 : i32
        %parallel_loop3A_619 = vector.broadcast %parallel_loop3A_618 : i32 to vector<16xi32>
        %parallel_loop3A_620 = arith.addi %iota3A_46, %parallel_loop3A_619 : vector<16xi32>
        %parallel_loop3A_621 = arith.select %parallel_loop3A_616, %parallel_loop3A_620, %parallel_loop3A_612 : vector<16xi1>, vector<16xi32>
        %parallel_loop3A_622 = arith.index_cast %parallel_loop3A_600 : i32 to index
        %parallel_loop3A_623 = arith.constant 48 : index
        %parallel_loop3A_624 = tpu.vector_load %arg5[%parallel_loop3A_622, %parallel_loop3A_623] {strides = array<i32>} : memref<256x128xf32, #tpu.memory_space<vmem>>, vector<16xf32>,
        %parallel_loop3A_625 = arith.cmpf ogt, %parallel_loop3A_624, %parallel_loop3A_617 : vector<16xf32>
        %parallel_loop3A_626 = arith.select %parallel_loop3A_625, %parallel_loop3A_624, %parallel_loop3A_617 : vector<16xi1>, vector<16xf32>
        %parallel_loop3A_627 = arith.constant 48 : i32
        %parallel_loop3A_628 = vector.broadcast %parallel_loop3A_627 : i32 to vector<16xi32>
        %parallel_loop3A_629 = arith.addi %iota3A_46, %parallel_loop3A_628 : vector<16xi32>
        %parallel_loop3A_630 = arith.select %parallel_loop3A_625, %parallel_loop3A_629, %parallel_loop3A_621 : vector<16xi1>, vector<16xi32>
        %parallel_loop3A_631 = arith.index_cast %parallel_loop3A_600 : i32 to index
        %parallel_loop3A_632 = arith.constant 64 : index
        %parallel_loop3A_633 = tpu.vector_load %arg5[%parallel_loop3A_631, %parallel_loop3A_632] {strides = array<i32>} : memref<256x128xf32, #tpu.memory_space<vmem>>, vector<16xf32>,
        %parallel_loop3A_634 = arith.cmpf ogt, %parallel_loop3A_633, %parallel_loop3A_626 : vector<16xf32>
        %parallel_loop3A_635 = arith.select %parallel_loop3A_634, %parallel_loop3A_633, %parallel_loop3A_626 : vector<16xi1>, vector<16xf32>
        %parallel_loop3A_636 = arith.constant 64 : i32
        %parallel_loop3A_637 = vector.broadcast %parallel_loop3A_636 : i32 to vector<16xi32>
        %parallel_loop3A_638 = arith.addi %iota3A_46, %parallel_loop3A_637 : vector<16xi32>
        %parallel_loop3A_639 = arith.select %parallel_loop3A_634, %parallel_loop3A_638, %parallel_loop3A_630 : vector<16xi1>, vector<16xi32>
        %parallel_loop3A_640 = arith.index_cast %parallel_loop3A_600 : i32 to index
        %parallel_loop3A_641 = arith.constant 80 : index
        %parallel_loop3A_642 = tpu.vector_load %arg5[%parallel_loop3A_640, %parallel_loop3A_641] {strides = array<i32>} : memref<256x128xf32, #tpu.memory_space<vmem>>, vector<16xf32>,
        %parallel_loop3A_643 = arith.cmpf ogt, %parallel_loop3A_642, %parallel_loop3A_635 : vector<16xf32>
        %parallel_loop3A_644 = arith.select %parallel_loop3A_643, %parallel_loop3A_642, %parallel_loop3A_635 : vector<16xi1>, vector<16xf32>
        %parallel_loop3A_645 = arith.constant 80 : i32
        %parallel_loop3A_646 = vector.broadcast %parallel_loop3A_645 : i32 to vector<16xi32>
        %parallel_loop3A_647 = arith.addi %iota3A_46, %parallel_loop3A_646 : vector<16xi32>
        %parallel_loop3A_648 = arith.select %parallel_loop3A_643, %parallel_loop3A_647, %parallel_loop3A_639 : vector<16xi1>, vector<16xi32>
        %parallel_loop3A_649 = arith.index_cast %parallel_loop3A_600 : i32 to index
        %parallel_loop3A_650 = arith.constant 96 : index
        %parallel_loop3A_651 = tpu.vector_load %arg5[%parallel_loop3A_649, %parallel_loop3A_650] {strides = array<i32>} : memref<256x128xf32, #tpu.memory_space<vmem>>, vector<16xf32>,
        %parallel_loop3A_652 = arith.cmpf ogt, %parallel_loop3A_651, %parallel_loop3A_644 : vector<16xf32>
        %parallel_loop3A_653 = arith.select %parallel_loop3A_652, %parallel_loop3A_651, %parallel_loop3A_644 : vector<16xi1>, vector<16xf32>
        %parallel_loop3A_654 = arith.constant 96 : i32
        %parallel_loop3A_655 = vector.broadcast %parallel_loop3A_654 : i32 to vector<16xi32>
        %parallel_loop3A_656 = arith.addi %iota3A_46, %parallel_loop3A_655 : vector<16xi32>
        %parallel_loop3A_657 = arith.select %parallel_loop3A_652, %parallel_loop3A_656, %parallel_loop3A_648 : vector<16xi1>, vector<16xi32>
        %parallel_loop3A_658 = arith.index_cast %parallel_loop3A_600 : i32 to index
        %parallel_loop3A_659 = arith.constant 112 : index
        %parallel_loop3A_660 = tpu.vector_load %arg5[%parallel_loop3A_658, %parallel_loop3A_659] {strides = array<i32>} : memref<256x128xf32, #tpu.memory_space<vmem>>, vector<16xf32>,
        %parallel_loop3A_661 = arith.cmpf ogt, %parallel_loop3A_660, %parallel_loop3A_653 : vector<16xf32>
        %parallel_loop3A_662 = arith.select %parallel_loop3A_661, %parallel_loop3A_660, %parallel_loop3A_653 : vector<16xi1>, vector<16xf32>
        %parallel_loop3A_663 = arith.constant 112 : i32
        %parallel_loop3A_664 = vector.broadcast %parallel_loop3A_663 : i32 to vector<16xi32>
        %parallel_loop3A_665 = arith.addi %iota3A_46, %parallel_loop3A_664 : vector<16xi32>
        %parallel_loop3A_666 = arith.select %parallel_loop3A_661, %parallel_loop3A_665, %parallel_loop3A_657 : vector<16xi1>, vector<16xi32>
        %parallel_loop3A_667 = arith.constant 7 : i32
        %parallel_loop3A_668 = vector.broadcast %parallel_loop3A_667 : i32 to vector<16xi32>
        %parallel_loop3A_669 = arith.addi %iota3A_46, %parallel_loop3A_668 : vector<16xi32>
        %parallel_loop3A_670 = arith.constant 15 : i32
        %parallel_loop3A_671 = vector.broadcast %parallel_loop3A_670 : i32 to vector<16xi32>
        %parallel_loop3A_672 = arith.andi %parallel_loop3A_669, %parallel_loop3A_671 : vector<16xi32>
        %parallel_loop3A_673 = arith.constant 112 : i32
        %parallel_loop3A_674 = vector.broadcast %parallel_loop3A_673 : i32 to vector<16xi32>
        %parallel_loop3A_675 = arith.addi %parallel_loop3A_674, %parallel_loop3A_672 : vector<16xi32>
        tpu.vector_store_idx %arg7[%parallel_loop3A_57, %parallel_loop3A_675], %parallel_loop3A_662 : memref<16x256xf32, #tpu.memory_space<vmem>>[vector<16xi32>, vector<16xi32>], vector<16xf32>,
        tpu.vector_store_idx %arg8[%parallel_loop3A_57, %parallel_loop3A_675], %parallel_loop3A_666 : memref<16x256xi32, #tpu.memory_space<vmem>>[vector<16xi32>, vector<16xi32>], vector<16xi32>,
        %parallel_loop3A_676 = arith.constant 8 : i32
        %parallel_loop3A_677 = arith.addi %parallel_loop3A_59, %parallel_loop3A_676 : i32
        %parallel_loop3A_678 = arith.index_cast %parallel_loop3A_677 : i32 to index
        %parallel_loop3A_679 = arith.constant 0 : index
        %parallel_loop3A_680 = tpu.vector_load %arg5[%parallel_loop3A_678, %parallel_loop3A_679] {strides = array<i32>} : memref<256x128xf32, #tpu.memory_space<vmem>>, vector<16xf32>,
        %parallel_loop3A_681 = arith.index_cast %parallel_loop3A_677 : i32 to index
        %parallel_loop3A_682 = arith.constant 16 : index
        %parallel_loop3A_683 = tpu.vector_load %arg5[%parallel_loop3A_681, %parallel_loop3A_682] {strides = array<i32>} : memref<256x128xf32, #tpu.memory_space<vmem>>, vector<16xf32>,
        %parallel_loop3A_684 = arith.cmpf ogt, %parallel_loop3A_683, %parallel_loop3A_680 : vector<16xf32>
        %parallel_loop3A_685 = arith.select %parallel_loop3A_684, %parallel_loop3A_683, %parallel_loop3A_680 : vector<16xi1>, vector<16xf32>
        %parallel_loop3A_686 = arith.constant 16 : i32
        %parallel_loop3A_687 = vector.broadcast %parallel_loop3A_686 : i32 to vector<16xi32>
        %parallel_loop3A_688 = arith.addi %iota3A_46, %parallel_loop3A_687 : vector<16xi32>
        %parallel_loop3A_689 = arith.select %parallel_loop3A_684, %parallel_loop3A_688, %iota3A_46 : vector<16xi1>, vector<16xi32>
        %parallel_loop3A_690 = arith.index_cast %parallel_loop3A_677 : i32 to index
        %parallel_loop3A_691 = arith.constant 32 : index
        %parallel_loop3A_692 = tpu.vector_load %arg5[%parallel_loop3A_690, %parallel_loop3A_691] {strides = array<i32>} : memref<256x128xf32, #tpu.memory_space<vmem>>, vector<16xf32>,
        %parallel_loop3A_693 = arith.cmpf ogt, %parallel_loop3A_692, %parallel_loop3A_685 : vector<16xf32>
        %parallel_loop3A_694 = arith.select %parallel_loop3A_693, %parallel_loop3A_692, %parallel_loop3A_685 : vector<16xi1>, vector<16xf32>
        %parallel_loop3A_695 = arith.constant 32 : i32
        %parallel_loop3A_696 = vector.broadcast %parallel_loop3A_695 : i32 to vector<16xi32>
        %parallel_loop3A_697 = arith.addi %iota3A_46, %parallel_loop3A_696 : vector<16xi32>
        %parallel_loop3A_698 = arith.select %parallel_loop3A_693, %parallel_loop3A_697, %parallel_loop3A_689 : vector<16xi1>, vector<16xi32>
        %parallel_loop3A_699 = arith.index_cast %parallel_loop3A_677 : i32 to index
        %parallel_loop3A_700 = arith.constant 48 : index
        %parallel_loop3A_701 = tpu.vector_load %arg5[%parallel_loop3A_699, %parallel_loop3A_700] {strides = array<i32>} : memref<256x128xf32, #tpu.memory_space<vmem>>, vector<16xf32>,
        %parallel_loop3A_702 = arith.cmpf ogt, %parallel_loop3A_701, %parallel_loop3A_694 : vector<16xf32>
        %parallel_loop3A_703 = arith.select %parallel_loop3A_702, %parallel_loop3A_701, %parallel_loop3A_694 : vector<16xi1>, vector<16xf32>
        %parallel_loop3A_704 = arith.constant 48 : i32
        %parallel_loop3A_705 = vector.broadcast %parallel_loop3A_704 : i32 to vector<16xi32>
        %parallel_loop3A_706 = arith.addi %iota3A_46, %parallel_loop3A_705 : vector<16xi32>
        %parallel_loop3A_707 = arith.select %parallel_loop3A_702, %parallel_loop3A_706, %parallel_loop3A_698 : vector<16xi1>, vector<16xi32>
        %parallel_loop3A_708 = arith.index_cast %parallel_loop3A_677 : i32 to index
        %parallel_loop3A_709 = arith.constant 64 : index
        %parallel_loop3A_710 = tpu.vector_load %arg5[%parallel_loop3A_708, %parallel_loop3A_709] {strides = array<i32>} : memref<256x128xf32, #tpu.memory_space<vmem>>, vector<16xf32>,
        %parallel_loop3A_711 = arith.cmpf ogt, %parallel_loop3A_710, %parallel_loop3A_703 : vector<16xf32>
        %parallel_loop3A_712 = arith.select %parallel_loop3A_711, %parallel_loop3A_710, %parallel_loop3A_703 : vector<16xi1>, vector<16xf32>
        %parallel_loop3A_713 = arith.constant 64 : i32
        %parallel_loop3A_714 = vector.broadcast %parallel_loop3A_713 : i32 to vector<16xi32>
        %parallel_loop3A_715 = arith.addi %iota3A_46, %parallel_loop3A_714 : vector<16xi32>
        %parallel_loop3A_716 = arith.select %parallel_loop3A_711, %parallel_loop3A_715, %parallel_loop3A_707 : vector<16xi1>, vector<16xi32>
        %parallel_loop3A_717 = arith.index_cast %parallel_loop3A_677 : i32 to index
        %parallel_loop3A_718 = arith.constant 80 : index
        %parallel_loop3A_719 = tpu.vector_load %arg5[%parallel_loop3A_717, %parallel_loop3A_718] {strides = array<i32>} : memref<256x128xf32, #tpu.memory_space<vmem>>, vector<16xf32>,
        %parallel_loop3A_720 = arith.cmpf ogt, %parallel_loop3A_719, %parallel_loop3A_712 : vector<16xf32>
        %parallel_loop3A_721 = arith.select %parallel_loop3A_720, %parallel_loop3A_719, %parallel_loop3A_712 : vector<16xi1>, vector<16xf32>
        %parallel_loop3A_722 = arith.constant 80 : i32
        %parallel_loop3A_723 = vector.broadcast %parallel_loop3A_722 : i32 to vector<16xi32>
        %parallel_loop3A_724 = arith.addi %iota3A_46, %parallel_loop3A_723 : vector<16xi32>
        %parallel_loop3A_725 = arith.select %parallel_loop3A_720, %parallel_loop3A_724, %parallel_loop3A_716 : vector<16xi1>, vector<16xi32>
        %parallel_loop3A_726 = arith.index_cast %parallel_loop3A_677 : i32 to index
        %parallel_loop3A_727 = arith.constant 96 : index
        %parallel_loop3A_728 = tpu.vector_load %arg5[%parallel_loop3A_726, %parallel_loop3A_727] {strides = array<i32>} : memref<256x128xf32, #tpu.memory_space<vmem>>, vector<16xf32>,
        %parallel_loop3A_729 = arith.cmpf ogt, %parallel_loop3A_728, %parallel_loop3A_721 : vector<16xf32>
        %parallel_loop3A_730 = arith.select %parallel_loop3A_729, %parallel_loop3A_728, %parallel_loop3A_721 : vector<16xi1>, vector<16xf32>
        %parallel_loop3A_731 = arith.constant 96 : i32
        %parallel_loop3A_732 = vector.broadcast %parallel_loop3A_731 : i32 to vector<16xi32>
        %parallel_loop3A_733 = arith.addi %iota3A_46, %parallel_loop3A_732 : vector<16xi32>
        %parallel_loop3A_734 = arith.select %parallel_loop3A_729, %parallel_loop3A_733, %parallel_loop3A_725 : vector<16xi1>, vector<16xi32>
        %parallel_loop3A_735 = arith.index_cast %parallel_loop3A_677 : i32 to index
        %parallel_loop3A_736 = arith.constant 112 : index
        %parallel_loop3A_737 = tpu.vector_load %arg5[%parallel_loop3A_735, %parallel_loop3A_736] {strides = array<i32>} : memref<256x128xf32, #tpu.memory_space<vmem>>, vector<16xf32>,
        %parallel_loop3A_738 = arith.cmpf ogt, %parallel_loop3A_737, %parallel_loop3A_730 : vector<16xf32>
        %parallel_loop3A_739 = arith.select %parallel_loop3A_738, %parallel_loop3A_737, %parallel_loop3A_730 : vector<16xi1>, vector<16xf32>
        %parallel_loop3A_740 = arith.constant 112 : i32
        %parallel_loop3A_741 = vector.broadcast %parallel_loop3A_740 : i32 to vector<16xi32>
        %parallel_loop3A_742 = arith.addi %iota3A_46, %parallel_loop3A_741 : vector<16xi32>
        %parallel_loop3A_743 = arith.select %parallel_loop3A_738, %parallel_loop3A_742, %parallel_loop3A_734 : vector<16xi1>, vector<16xi32>
        %parallel_loop3A_744 = arith.constant 8 : i32
        %parallel_loop3A_745 = vector.broadcast %parallel_loop3A_744 : i32 to vector<16xi32>
        %parallel_loop3A_746 = arith.addi %iota3A_46, %parallel_loop3A_745 : vector<16xi32>
        %parallel_loop3A_747 = arith.constant 15 : i32
        %parallel_loop3A_748 = vector.broadcast %parallel_loop3A_747 : i32 to vector<16xi32>
        %parallel_loop3A_749 = arith.andi %parallel_loop3A_746, %parallel_loop3A_748 : vector<16xi32>
        %parallel_loop3A_750 = arith.constant 128 : i32
        %parallel_loop3A_751 = vector.broadcast %parallel_loop3A_750 : i32 to vector<16xi32>
        %parallel_loop3A_752 = arith.addi %parallel_loop3A_751, %parallel_loop3A_749 : vector<16xi32>
        tpu.vector_store_idx %arg7[%parallel_loop3A_57, %parallel_loop3A_752], %parallel_loop3A_739 : memref<16x256xf32, #tpu.memory_space<vmem>>[vector<16xi32>, vector<16xi32>], vector<16xf32>,
        tpu.vector_store_idx %arg8[%parallel_loop3A_57, %parallel_loop3A_752], %parallel_loop3A_743 : memref<16x256xi32, #tpu.memory_space<vmem>>[vector<16xi32>, vector<16xi32>], vector<16xi32>,
        %parallel_loop3A_753 = arith.constant 9 : i32
        %parallel_loop3A_754 = arith.addi %parallel_loop3A_59, %parallel_loop3A_753 : i32
        %parallel_loop3A_755 = arith.index_cast %parallel_loop3A_754 : i32 to index
        %parallel_loop3A_756 = arith.constant 0 : index
        %parallel_loop3A_757 = tpu.vector_load %arg5[%parallel_loop3A_755, %parallel_loop3A_756] {strides = array<i32>} : memref<256x128xf32, #tpu.memory_space<vmem>>, vector<16xf32>,
        %parallel_loop3A_758 = arith.index_cast %parallel_loop3A_754 : i32 to index
        %parallel_loop3A_759 = arith.constant 16 : index
        %parallel_loop3A_760 = tpu.vector_load %arg5[%parallel_loop3A_758, %parallel_loop3A_759] {strides = array<i32>} : memref<256x128xf32, #tpu.memory_space<vmem>>, vector<16xf32>,
        %parallel_loop3A_761 = arith.cmpf ogt, %parallel_loop3A_760, %parallel_loop3A_757 : vector<16xf32>
        %parallel_loop3A_762 = arith.select %parallel_loop3A_761, %parallel_loop3A_760, %parallel_loop3A_757 : vector<16xi1>, vector<16xf32>
        %parallel_loop3A_763 = arith.constant 16 : i32
        %parallel_loop3A_764 = vector.broadcast %parallel_loop3A_763 : i32 to vector<16xi32>
        %parallel_loop3A_765 = arith.addi %iota3A_46, %parallel_loop3A_764 : vector<16xi32>
        %parallel_loop3A_766 = arith.select %parallel_loop3A_761, %parallel_loop3A_765, %iota3A_46 : vector<16xi1>, vector<16xi32>
        %parallel_loop3A_767 = arith.index_cast %parallel_loop3A_754 : i32 to index
        %parallel_loop3A_768 = arith.constant 32 : index
        %parallel_loop3A_769 = tpu.vector_load %arg5[%parallel_loop3A_767, %parallel_loop3A_768] {strides = array<i32>} : memref<256x128xf32, #tpu.memory_space<vmem>>, vector<16xf32>,
        %parallel_loop3A_770 = arith.cmpf ogt, %parallel_loop3A_769, %parallel_loop3A_762 : vector<16xf32>
        %parallel_loop3A_771 = arith.select %parallel_loop3A_770, %parallel_loop3A_769, %parallel_loop3A_762 : vector<16xi1>, vector<16xf32>
        %parallel_loop3A_772 = arith.constant 32 : i32
        %parallel_loop3A_773 = vector.broadcast %parallel_loop3A_772 : i32 to vector<16xi32>
        %parallel_loop3A_774 = arith.addi %iota3A_46, %parallel_loop3A_773 : vector<16xi32>
        %parallel_loop3A_775 = arith.select %parallel_loop3A_770, %parallel_loop3A_774, %parallel_loop3A_766 : vector<16xi1>, vector<16xi32>
        %parallel_loop3A_776 = arith.index_cast %parallel_loop3A_754 : i32 to index
        %parallel_loop3A_777 = arith.constant 48 : index
        %parallel_loop3A_778 = tpu.vector_load %arg5[%parallel_loop3A_776, %parallel_loop3A_777] {strides = array<i32>} : memref<256x128xf32, #tpu.memory_space<vmem>>, vector<16xf32>,
        %parallel_loop3A_779 = arith.cmpf ogt, %parallel_loop3A_778, %parallel_loop3A_771 : vector<16xf32>
        %parallel_loop3A_780 = arith.select %parallel_loop3A_779, %parallel_loop3A_778, %parallel_loop3A_771 : vector<16xi1>, vector<16xf32>
        %parallel_loop3A_781 = arith.constant 48 : i32
        %parallel_loop3A_782 = vector.broadcast %parallel_loop3A_781 : i32 to vector<16xi32>
        %parallel_loop3A_783 = arith.addi %iota3A_46, %parallel_loop3A_782 : vector<16xi32>
        %parallel_loop3A_784 = arith.select %parallel_loop3A_779, %parallel_loop3A_783, %parallel_loop3A_775 : vector<16xi1>, vector<16xi32>
        %parallel_loop3A_785 = arith.index_cast %parallel_loop3A_754 : i32 to index
        %parallel_loop3A_786 = arith.constant 64 : index
        %parallel_loop3A_787 = tpu.vector_load %arg5[%parallel_loop3A_785, %parallel_loop3A_786] {strides = array<i32>} : memref<256x128xf32, #tpu.memory_space<vmem>>, vector<16xf32>,
        %parallel_loop3A_788 = arith.cmpf ogt, %parallel_loop3A_787, %parallel_loop3A_780 : vector<16xf32>
        %parallel_loop3A_789 = arith.select %parallel_loop3A_788, %parallel_loop3A_787, %parallel_loop3A_780 : vector<16xi1>, vector<16xf32>
        %parallel_loop3A_790 = arith.constant 64 : i32
        %parallel_loop3A_791 = vector.broadcast %parallel_loop3A_790 : i32 to vector<16xi32>
        %parallel_loop3A_792 = arith.addi %iota3A_46, %parallel_loop3A_791 : vector<16xi32>
        %parallel_loop3A_793 = arith.select %parallel_loop3A_788, %parallel_loop3A_792, %parallel_loop3A_784 : vector<16xi1>, vector<16xi32>
        %parallel_loop3A_794 = arith.index_cast %parallel_loop3A_754 : i32 to index
        %parallel_loop3A_795 = arith.constant 80 : index
        %parallel_loop3A_796 = tpu.vector_load %arg5[%parallel_loop3A_794, %parallel_loop3A_795] {strides = array<i32>} : memref<256x128xf32, #tpu.memory_space<vmem>>, vector<16xf32>,
        %parallel_loop3A_797 = arith.cmpf ogt, %parallel_loop3A_796, %parallel_loop3A_789 : vector<16xf32>
        %parallel_loop3A_798 = arith.select %parallel_loop3A_797, %parallel_loop3A_796, %parallel_loop3A_789 : vector<16xi1>, vector<16xf32>
        %parallel_loop3A_799 = arith.constant 80 : i32
        %parallel_loop3A_800 = vector.broadcast %parallel_loop3A_799 : i32 to vector<16xi32>
        %parallel_loop3A_801 = arith.addi %iota3A_46, %parallel_loop3A_800 : vector<16xi32>
        %parallel_loop3A_802 = arith.select %parallel_loop3A_797, %parallel_loop3A_801, %parallel_loop3A_793 : vector<16xi1>, vector<16xi32>
        %parallel_loop3A_803 = arith.index_cast %parallel_loop3A_754 : i32 to index
        %parallel_loop3A_804 = arith.constant 96 : index
        %parallel_loop3A_805 = tpu.vector_load %arg5[%parallel_loop3A_803, %parallel_loop3A_804] {strides = array<i32>} : memref<256x128xf32, #tpu.memory_space<vmem>>, vector<16xf32>,
        %parallel_loop3A_806 = arith.cmpf ogt, %parallel_loop3A_805, %parallel_loop3A_798 : vector<16xf32>
        %parallel_loop3A_807 = arith.select %parallel_loop3A_806, %parallel_loop3A_805, %parallel_loop3A_798 : vector<16xi1>, vector<16xf32>
        %parallel_loop3A_808 = arith.constant 96 : i32
        %parallel_loop3A_809 = vector.broadcast %parallel_loop3A_808 : i32 to vector<16xi32>
        %parallel_loop3A_810 = arith.addi %iota3A_46, %parallel_loop3A_809 : vector<16xi32>
        %parallel_loop3A_811 = arith.select %parallel_loop3A_806, %parallel_loop3A_810, %parallel_loop3A_802 : vector<16xi1>, vector<16xi32>
        %parallel_loop3A_812 = arith.index_cast %parallel_loop3A_754 : i32 to index
        %parallel_loop3A_813 = arith.constant 112 : index
        %parallel_loop3A_814 = tpu.vector_load %arg5[%parallel_loop3A_812, %parallel_loop3A_813] {strides = array<i32>} : memref<256x128xf32, #tpu.memory_space<vmem>>, vector<16xf32>,
        %parallel_loop3A_815 = arith.cmpf ogt, %parallel_loop3A_814, %parallel_loop3A_807 : vector<16xf32>
        %parallel_loop3A_816 = arith.select %parallel_loop3A_815, %parallel_loop3A_814, %parallel_loop3A_807 : vector<16xi1>, vector<16xf32>
        %parallel_loop3A_817 = arith.constant 112 : i32
        %parallel_loop3A_818 = vector.broadcast %parallel_loop3A_817 : i32 to vector<16xi32>
        %parallel_loop3A_819 = arith.addi %iota3A_46, %parallel_loop3A_818 : vector<16xi32>
        %parallel_loop3A_820 = arith.select %parallel_loop3A_815, %parallel_loop3A_819, %parallel_loop3A_811 : vector<16xi1>, vector<16xi32>
        %parallel_loop3A_821 = arith.constant 9 : i32
        %parallel_loop3A_822 = vector.broadcast %parallel_loop3A_821 : i32 to vector<16xi32>
        %parallel_loop3A_823 = arith.addi %iota3A_46, %parallel_loop3A_822 : vector<16xi32>
        %parallel_loop3A_824 = arith.constant 15 : i32
        %parallel_loop3A_825 = vector.broadcast %parallel_loop3A_824 : i32 to vector<16xi32>
        %parallel_loop3A_826 = arith.andi %parallel_loop3A_823, %parallel_loop3A_825 : vector<16xi32>
        %parallel_loop3A_827 = arith.constant 144 : i32
        %parallel_loop3A_828 = vector.broadcast %parallel_loop3A_827 : i32 to vector<16xi32>
        %parallel_loop3A_829 = arith.addi %parallel_loop3A_828, %parallel_loop3A_826 : vector<16xi32>
        tpu.vector_store_idx %arg7[%parallel_loop3A_57, %parallel_loop3A_829], %parallel_loop3A_816 : memref<16x256xf32, #tpu.memory_space<vmem>>[vector<16xi32>, vector<16xi32>], vector<16xf32>,
        tpu.vector_store_idx %arg8[%parallel_loop3A_57, %parallel_loop3A_829], %parallel_loop3A_820 : memref<16x256xi32, #tpu.memory_space<vmem>>[vector<16xi32>, vector<16xi32>], vector<16xi32>,
        %parallel_loop3A_830 = arith.constant 10 : i32
        %parallel_loop3A_831 = arith.addi %parallel_loop3A_59, %parallel_loop3A_830 : i32
        %parallel_loop3A_832 = arith.index_cast %parallel_loop3A_831 : i32 to index
        %parallel_loop3A_833 = arith.constant 0 : index
        %parallel_loop3A_834 = tpu.vector_load %arg5[%parallel_loop3A_832, %parallel_loop3A_833] {strides = array<i32>} : memref<256x128xf32, #tpu.memory_space<vmem>>, vector<16xf32>,
        %parallel_loop3A_835 = arith.index_cast %parallel_loop3A_831 : i32 to index
        %parallel_loop3A_836 = arith.constant 16 : index
        %parallel_loop3A_837 = tpu.vector_load %arg5[%parallel_loop3A_835, %parallel_loop3A_836] {strides = array<i32>} : memref<256x128xf32, #tpu.memory_space<vmem>>, vector<16xf32>,
        %parallel_loop3A_838 = arith.cmpf ogt, %parallel_loop3A_837, %parallel_loop3A_834 : vector<16xf32>
        %parallel_loop3A_839 = arith.select %parallel_loop3A_838, %parallel_loop3A_837, %parallel_loop3A_834 : vector<16xi1>, vector<16xf32>
        %parallel_loop3A_840 = arith.constant 16 : i32
        %parallel_loop3A_841 = vector.broadcast %parallel_loop3A_840 : i32 to vector<16xi32>
        %parallel_loop3A_842 = arith.addi %iota3A_46, %parallel_loop3A_841 : vector<16xi32>
        %parallel_loop3A_843 = arith.select %parallel_loop3A_838, %parallel_loop3A_842, %iota3A_46 : vector<16xi1>, vector<16xi32>
        %parallel_loop3A_844 = arith.index_cast %parallel_loop3A_831 : i32 to index
        %parallel_loop3A_845 = arith.constant 32 : index
        %parallel_loop3A_846 = tpu.vector_load %arg5[%parallel_loop3A_844, %parallel_loop3A_845] {strides = array<i32>} : memref<256x128xf32, #tpu.memory_space<vmem>>, vector<16xf32>,
        %parallel_loop3A_847 = arith.cmpf ogt, %parallel_loop3A_846, %parallel_loop3A_839 : vector<16xf32>
        %parallel_loop3A_848 = arith.select %parallel_loop3A_847, %parallel_loop3A_846, %parallel_loop3A_839 : vector<16xi1>, vector<16xf32>
        %parallel_loop3A_849 = arith.constant 32 : i32
        %parallel_loop3A_850 = vector.broadcast %parallel_loop3A_849 : i32 to vector<16xi32>
        %parallel_loop3A_851 = arith.addi %iota3A_46, %parallel_loop3A_850 : vector<16xi32>
        %parallel_loop3A_852 = arith.select %parallel_loop3A_847, %parallel_loop3A_851, %parallel_loop3A_843 : vector<16xi1>, vector<16xi32>
        %parallel_loop3A_853 = arith.index_cast %parallel_loop3A_831 : i32 to index
        %parallel_loop3A_854 = arith.constant 48 : index
        %parallel_loop3A_855 = tpu.vector_load %arg5[%parallel_loop3A_853, %parallel_loop3A_854] {strides = array<i32>} : memref<256x128xf32, #tpu.memory_space<vmem>>, vector<16xf32>,
        %parallel_loop3A_856 = arith.cmpf ogt, %parallel_loop3A_855, %parallel_loop3A_848 : vector<16xf32>
        %parallel_loop3A_857 = arith.select %parallel_loop3A_856, %parallel_loop3A_855, %parallel_loop3A_848 : vector<16xi1>, vector<16xf32>
        %parallel_loop3A_858 = arith.constant 48 : i32
        %parallel_loop3A_859 = vector.broadcast %parallel_loop3A_858 : i32 to vector<16xi32>
        %parallel_loop3A_860 = arith.addi %iota3A_46, %parallel_loop3A_859 : vector<16xi32>
        %parallel_loop3A_861 = arith.select %parallel_loop3A_856, %parallel_loop3A_860, %parallel_loop3A_852 : vector<16xi1>, vector<16xi32>
        %parallel_loop3A_862 = arith.index_cast %parallel_loop3A_831 : i32 to index
        %parallel_loop3A_863 = arith.constant 64 : index
        %parallel_loop3A_864 = tpu.vector_load %arg5[%parallel_loop3A_862, %parallel_loop3A_863] {strides = array<i32>} : memref<256x128xf32, #tpu.memory_space<vmem>>, vector<16xf32>,
        %parallel_loop3A_865 = arith.cmpf ogt, %parallel_loop3A_864, %parallel_loop3A_857 : vector<16xf32>
        %parallel_loop3A_866 = arith.select %parallel_loop3A_865, %parallel_loop3A_864, %parallel_loop3A_857 : vector<16xi1>, vector<16xf32>
        %parallel_loop3A_867 = arith.constant 64 : i32
        %parallel_loop3A_868 = vector.broadcast %parallel_loop3A_867 : i32 to vector<16xi32>
        %parallel_loop3A_869 = arith.addi %iota3A_46, %parallel_loop3A_868 : vector<16xi32>
        %parallel_loop3A_870 = arith.select %parallel_loop3A_865, %parallel_loop3A_869, %parallel_loop3A_861 : vector<16xi1>, vector<16xi32>
        %parallel_loop3A_871 = arith.index_cast %parallel_loop3A_831 : i32 to index
        %parallel_loop3A_872 = arith.constant 80 : index
        %parallel_loop3A_873 = tpu.vector_load %arg5[%parallel_loop3A_871, %parallel_loop3A_872] {strides = array<i32>} : memref<256x128xf32, #tpu.memory_space<vmem>>, vector<16xf32>,
        %parallel_loop3A_874 = arith.cmpf ogt, %parallel_loop3A_873, %parallel_loop3A_866 : vector<16xf32>
        %parallel_loop3A_875 = arith.select %parallel_loop3A_874, %parallel_loop3A_873, %parallel_loop3A_866 : vector<16xi1>, vector<16xf32>
        %parallel_loop3A_876 = arith.constant 80 : i32
        %parallel_loop3A_877 = vector.broadcast %parallel_loop3A_876 : i32 to vector<16xi32>
        %parallel_loop3A_878 = arith.addi %iota3A_46, %parallel_loop3A_877 : vector<16xi32>
        %parallel_loop3A_879 = arith.select %parallel_loop3A_874, %parallel_loop3A_878, %parallel_loop3A_870 : vector<16xi1>, vector<16xi32>
        %parallel_loop3A_880 = arith.index_cast %parallel_loop3A_831 : i32 to index
        %parallel_loop3A_881 = arith.constant 96 : index
        %parallel_loop3A_882 = tpu.vector_load %arg5[%parallel_loop3A_880, %parallel_loop3A_881] {strides = array<i32>} : memref<256x128xf32, #tpu.memory_space<vmem>>, vector<16xf32>,
        %parallel_loop3A_883 = arith.cmpf ogt, %parallel_loop3A_882, %parallel_loop3A_875 : vector<16xf32>
        %parallel_loop3A_884 = arith.select %parallel_loop3A_883, %parallel_loop3A_882, %parallel_loop3A_875 : vector<16xi1>, vector<16xf32>
        %parallel_loop3A_885 = arith.constant 96 : i32
        %parallel_loop3A_886 = vector.broadcast %parallel_loop3A_885 : i32 to vector<16xi32>
        %parallel_loop3A_887 = arith.addi %iota3A_46, %parallel_loop3A_886 : vector<16xi32>
        %parallel_loop3A_888 = arith.select %parallel_loop3A_883, %parallel_loop3A_887, %parallel_loop3A_879 : vector<16xi1>, vector<16xi32>
        %parallel_loop3A_889 = arith.index_cast %parallel_loop3A_831 : i32 to index
        %parallel_loop3A_890 = arith.constant 112 : index
        %parallel_loop3A_891 = tpu.vector_load %arg5[%parallel_loop3A_889, %parallel_loop3A_890] {strides = array<i32>} : memref<256x128xf32, #tpu.memory_space<vmem>>, vector<16xf32>,
        %parallel_loop3A_892 = arith.cmpf ogt, %parallel_loop3A_891, %parallel_loop3A_884 : vector<16xf32>
        %parallel_loop3A_893 = arith.select %parallel_loop3A_892, %parallel_loop3A_891, %parallel_loop3A_884 : vector<16xi1>, vector<16xf32>
        %parallel_loop3A_894 = arith.constant 112 : i32
        %parallel_loop3A_895 = vector.broadcast %parallel_loop3A_894 : i32 to vector<16xi32>
        %parallel_loop3A_896 = arith.addi %iota3A_46, %parallel_loop3A_895 : vector<16xi32>
        %parallel_loop3A_897 = arith.select %parallel_loop3A_892, %parallel_loop3A_896, %parallel_loop3A_888 : vector<16xi1>, vector<16xi32>
        %parallel_loop3A_898 = arith.constant 10 : i32
        %parallel_loop3A_899 = vector.broadcast %parallel_loop3A_898 : i32 to vector<16xi32>
        %parallel_loop3A_900 = arith.addi %iota3A_46, %parallel_loop3A_899 : vector<16xi32>
        %parallel_loop3A_901 = arith.constant 15 : i32
        %parallel_loop3A_902 = vector.broadcast %parallel_loop3A_901 : i32 to vector<16xi32>
        %parallel_loop3A_903 = arith.andi %parallel_loop3A_900, %parallel_loop3A_902 : vector<16xi32>
        %parallel_loop3A_904 = arith.constant 160 : i32
        %parallel_loop3A_905 = vector.broadcast %parallel_loop3A_904 : i32 to vector<16xi32>
        %parallel_loop3A_906 = arith.addi %parallel_loop3A_905, %parallel_loop3A_903 : vector<16xi32>
        tpu.vector_store_idx %arg7[%parallel_loop3A_57, %parallel_loop3A_906], %parallel_loop3A_893 : memref<16x256xf32, #tpu.memory_space<vmem>>[vector<16xi32>, vector<16xi32>], vector<16xf32>,
        tpu.vector_store_idx %arg8[%parallel_loop3A_57, %parallel_loop3A_906], %parallel_loop3A_897 : memref<16x256xi32, #tpu.memory_space<vmem>>[vector<16xi32>, vector<16xi32>], vector<16xi32>,
        %parallel_loop3A_907 = arith.constant 11 : i32
        %parallel_loop3A_908 = arith.addi %parallel_loop3A_59, %parallel_loop3A_907 : i32
        %parallel_loop3A_909 = arith.index_cast %parallel_loop3A_908 : i32 to index
        %parallel_loop3A_910 = arith.constant 0 : index
        %parallel_loop3A_911 = tpu.vector_load %arg5[%parallel_loop3A_909, %parallel_loop3A_910] {strides = array<i32>} : memref<256x128xf32, #tpu.memory_space<vmem>>, vector<16xf32>,
        %parallel_loop3A_912 = arith.index_cast %parallel_loop3A_908 : i32 to index
        %parallel_loop3A_913 = arith.constant 16 : index
        %parallel_loop3A_914 = tpu.vector_load %arg5[%parallel_loop3A_912, %parallel_loop3A_913] {strides = array<i32>} : memref<256x128xf32, #tpu.memory_space<vmem>>, vector<16xf32>,
        %parallel_loop3A_915 = arith.cmpf ogt, %parallel_loop3A_914, %parallel_loop3A_911 : vector<16xf32>
        %parallel_loop3A_916 = arith.select %parallel_loop3A_915, %parallel_loop3A_914, %parallel_loop3A_911 : vector<16xi1>, vector<16xf32>
        %parallel_loop3A_917 = arith.constant 16 : i32
        %parallel_loop3A_918 = vector.broadcast %parallel_loop3A_917 : i32 to vector<16xi32>
        %parallel_loop3A_919 = arith.addi %iota3A_46, %parallel_loop3A_918 : vector<16xi32>
        %parallel_loop3A_920 = arith.select %parallel_loop3A_915, %parallel_loop3A_919, %iota3A_46 : vector<16xi1>, vector<16xi32>
        %parallel_loop3A_921 = arith.index_cast %parallel_loop3A_908 : i32 to index
        %parallel_loop3A_922 = arith.constant 32 : index
        %parallel_loop3A_923 = tpu.vector_load %arg5[%parallel_loop3A_921, %parallel_loop3A_922] {strides = array<i32>} : memref<256x128xf32, #tpu.memory_space<vmem>>, vector<16xf32>,
        %parallel_loop3A_924 = arith.cmpf ogt, %parallel_loop3A_923, %parallel_loop3A_916 : vector<16xf32>
        %parallel_loop3A_925 = arith.select %parallel_loop3A_924, %parallel_loop3A_923, %parallel_loop3A_916 : vector<16xi1>, vector<16xf32>
        %parallel_loop3A_926 = arith.constant 32 : i32
        %parallel_loop3A_927 = vector.broadcast %parallel_loop3A_926 : i32 to vector<16xi32>
        %parallel_loop3A_928 = arith.addi %iota3A_46, %parallel_loop3A_927 : vector<16xi32>
        %parallel_loop3A_929 = arith.select %parallel_loop3A_924, %parallel_loop3A_928, %parallel_loop3A_920 : vector<16xi1>, vector<16xi32>
        %parallel_loop3A_930 = arith.index_cast %parallel_loop3A_908 : i32 to index
        %parallel_loop3A_931 = arith.constant 48 : index
        %parallel_loop3A_932 = tpu.vector_load %arg5[%parallel_loop3A_930, %parallel_loop3A_931] {strides = array<i32>} : memref<256x128xf32, #tpu.memory_space<vmem>>, vector<16xf32>,
        %parallel_loop3A_933 = arith.cmpf ogt, %parallel_loop3A_932, %parallel_loop3A_925 : vector<16xf32>
        %parallel_loop3A_934 = arith.select %parallel_loop3A_933, %parallel_loop3A_932, %parallel_loop3A_925 : vector<16xi1>, vector<16xf32>
        %parallel_loop3A_935 = arith.constant 48 : i32
        %parallel_loop3A_936 = vector.broadcast %parallel_loop3A_935 : i32 to vector<16xi32>
        %parallel_loop3A_937 = arith.addi %iota3A_46, %parallel_loop3A_936 : vector<16xi32>
        %parallel_loop3A_938 = arith.select %parallel_loop3A_933, %parallel_loop3A_937, %parallel_loop3A_929 : vector<16xi1>, vector<16xi32>
        %parallel_loop3A_939 = arith.index_cast %parallel_loop3A_908 : i32 to index
        %parallel_loop3A_940 = arith.constant 64 : index
        %parallel_loop3A_941 = tpu.vector_load %arg5[%parallel_loop3A_939, %parallel_loop3A_940] {strides = array<i32>} : memref<256x128xf32, #tpu.memory_space<vmem>>, vector<16xf32>,
        %parallel_loop3A_942 = arith.cmpf ogt, %parallel_loop3A_941, %parallel_loop3A_934 : vector<16xf32>
        %parallel_loop3A_943 = arith.select %parallel_loop3A_942, %parallel_loop3A_941, %parallel_loop3A_934 : vector<16xi1>, vector<16xf32>
        %parallel_loop3A_944 = arith.constant 64 : i32
        %parallel_loop3A_945 = vector.broadcast %parallel_loop3A_944 : i32 to vector<16xi32>
        %parallel_loop3A_946 = arith.addi %iota3A_46, %parallel_loop3A_945 : vector<16xi32>
        %parallel_loop3A_947 = arith.select %parallel_loop3A_942, %parallel_loop3A_946, %parallel_loop3A_938 : vector<16xi1>, vector<16xi32>
        %parallel_loop3A_948 = arith.index_cast %parallel_loop3A_908 : i32 to index
        %parallel_loop3A_949 = arith.constant 80 : index
        %parallel_loop3A_950 = tpu.vector_load %arg5[%parallel_loop3A_948, %parallel_loop3A_949] {strides = array<i32>} : memref<256x128xf32, #tpu.memory_space<vmem>>, vector<16xf32>,
        %parallel_loop3A_951 = arith.cmpf ogt, %parallel_loop3A_950, %parallel_loop3A_943 : vector<16xf32>
        %parallel_loop3A_952 = arith.select %parallel_loop3A_951, %parallel_loop3A_950, %parallel_loop3A_943 : vector<16xi1>, vector<16xf32>
        %parallel_loop3A_953 = arith.constant 80 : i32
        %parallel_loop3A_954 = vector.broadcast %parallel_loop3A_953 : i32 to vector<16xi32>
        %parallel_loop3A_955 = arith.addi %iota3A_46, %parallel_loop3A_954 : vector<16xi32>
        %parallel_loop3A_956 = arith.select %parallel_loop3A_951, %parallel_loop3A_955, %parallel_loop3A_947 : vector<16xi1>, vector<16xi32>
        %parallel_loop3A_957 = arith.index_cast %parallel_loop3A_908 : i32 to index
        %parallel_loop3A_958 = arith.constant 96 : index
        %parallel_loop3A_959 = tpu.vector_load %arg5[%parallel_loop3A_957, %parallel_loop3A_958] {strides = array<i32>} : memref<256x128xf32, #tpu.memory_space<vmem>>, vector<16xf32>,
        %parallel_loop3A_960 = arith.cmpf ogt, %parallel_loop3A_959, %parallel_loop3A_952 : vector<16xf32>
        %parallel_loop3A_961 = arith.select %parallel_loop3A_960, %parallel_loop3A_959, %parallel_loop3A_952 : vector<16xi1>, vector<16xf32>
        %parallel_loop3A_962 = arith.constant 96 : i32
        %parallel_loop3A_963 = vector.broadcast %parallel_loop3A_962 : i32 to vector<16xi32>
        %parallel_loop3A_964 = arith.addi %iota3A_46, %parallel_loop3A_963 : vector<16xi32>
        %parallel_loop3A_965 = arith.select %parallel_loop3A_960, %parallel_loop3A_964, %parallel_loop3A_956 : vector<16xi1>, vector<16xi32>
        %parallel_loop3A_966 = arith.index_cast %parallel_loop3A_908 : i32 to index
        %parallel_loop3A_967 = arith.constant 112 : index
        %parallel_loop3A_968 = tpu.vector_load %arg5[%parallel_loop3A_966, %parallel_loop3A_967] {strides = array<i32>} : memref<256x128xf32, #tpu.memory_space<vmem>>, vector<16xf32>,
        %parallel_loop3A_969 = arith.cmpf ogt, %parallel_loop3A_968, %parallel_loop3A_961 : vector<16xf32>
        %parallel_loop3A_970 = arith.select %parallel_loop3A_969, %parallel_loop3A_968, %parallel_loop3A_961 : vector<16xi1>, vector<16xf32>
        %parallel_loop3A_971 = arith.constant 112 : i32
        %parallel_loop3A_972 = vector.broadcast %parallel_loop3A_971 : i32 to vector<16xi32>
        %parallel_loop3A_973 = arith.addi %iota3A_46, %parallel_loop3A_972 : vector<16xi32>
        %parallel_loop3A_974 = arith.select %parallel_loop3A_969, %parallel_loop3A_973, %parallel_loop3A_965 : vector<16xi1>, vector<16xi32>
        %parallel_loop3A_975 = arith.constant 11 : i32
        %parallel_loop3A_976 = vector.broadcast %parallel_loop3A_975 : i32 to vector<16xi32>
        %parallel_loop3A_977 = arith.addi %iota3A_46, %parallel_loop3A_976 : vector<16xi32>
        %parallel_loop3A_978 = arith.constant 15 : i32
        %parallel_loop3A_979 = vector.broadcast %parallel_loop3A_978 : i32 to vector<16xi32>
        %parallel_loop3A_980 = arith.andi %parallel_loop3A_977, %parallel_loop3A_979 : vector<16xi32>
        %parallel_loop3A_981 = arith.constant 176 : i32
        %parallel_loop3A_982 = vector.broadcast %parallel_loop3A_981 : i32 to vector<16xi32>
        %parallel_loop3A_983 = arith.addi %parallel_loop3A_982, %parallel_loop3A_980 : vector<16xi32>
        tpu.vector_store_idx %arg7[%parallel_loop3A_57, %parallel_loop3A_983], %parallel_loop3A_970 : memref<16x256xf32, #tpu.memory_space<vmem>>[vector<16xi32>, vector<16xi32>], vector<16xf32>,
        tpu.vector_store_idx %arg8[%parallel_loop3A_57, %parallel_loop3A_983], %parallel_loop3A_974 : memref<16x256xi32, #tpu.memory_space<vmem>>[vector<16xi32>, vector<16xi32>], vector<16xi32>,
        %parallel_loop3A_984 = arith.constant 12 : i32
        %parallel_loop3A_985 = arith.addi %parallel_loop3A_59, %parallel_loop3A_984 : i32
        %parallel_loop3A_986 = arith.index_cast %parallel_loop3A_985 : i32 to index
        %parallel_loop3A_987 = arith.constant 0 : index
        %parallel_loop3A_988 = tpu.vector_load %arg5[%parallel_loop3A_986, %parallel_loop3A_987] {strides = array<i32>} : memref<256x128xf32, #tpu.memory_space<vmem>>, vector<16xf32>,
        %parallel_loop3A_989 = arith.index_cast %parallel_loop3A_985 : i32 to index
        %parallel_loop3A_990 = arith.constant 16 : index
        %parallel_loop3A_991 = tpu.vector_load %arg5[%parallel_loop3A_989, %parallel_loop3A_990] {strides = array<i32>} : memref<256x128xf32, #tpu.memory_space<vmem>>, vector<16xf32>,
        %parallel_loop3A_992 = arith.cmpf ogt, %parallel_loop3A_991, %parallel_loop3A_988 : vector<16xf32>
        %parallel_loop3A_993 = arith.select %parallel_loop3A_992, %parallel_loop3A_991, %parallel_loop3A_988 : vector<16xi1>, vector<16xf32>
        %parallel_loop3A_994 = arith.constant 16 : i32
        %parallel_loop3A_995 = vector.broadcast %parallel_loop3A_994 : i32 to vector<16xi32>
        %parallel_loop3A_996 = arith.addi %iota3A_46, %parallel_loop3A_995 : vector<16xi32>
        %parallel_loop3A_997 = arith.select %parallel_loop3A_992, %parallel_loop3A_996, %iota3A_46 : vector<16xi1>, vector<16xi32>
        %parallel_loop3A_998 = arith.index_cast %parallel_loop3A_985 : i32 to index
        %parallel_loop3A_999 = arith.constant 32 : index
        %parallel_loop3A_1000 = tpu.vector_load %arg5[%parallel_loop3A_998, %parallel_loop3A_999] {strides = array<i32>} : memref<256x128xf32, #tpu.memory_space<vmem>>, vector<16xf32>,
        %parallel_loop3A_1001 = arith.cmpf ogt, %parallel_loop3A_1000, %parallel_loop3A_993 : vector<16xf32>
        %parallel_loop3A_1002 = arith.select %parallel_loop3A_1001, %parallel_loop3A_1000, %parallel_loop3A_993 : vector<16xi1>, vector<16xf32>
        %parallel_loop3A_1003 = arith.constant 32 : i32
        %parallel_loop3A_1004 = vector.broadcast %parallel_loop3A_1003 : i32 to vector<16xi32>
        %parallel_loop3A_1005 = arith.addi %iota3A_46, %parallel_loop3A_1004 : vector<16xi32>
        %parallel_loop3A_1006 = arith.select %parallel_loop3A_1001, %parallel_loop3A_1005, %parallel_loop3A_997 : vector<16xi1>, vector<16xi32>
        %parallel_loop3A_1007 = arith.index_cast %parallel_loop3A_985 : i32 to index
        %parallel_loop3A_1008 = arith.constant 48 : index
        %parallel_loop3A_1009 = tpu.vector_load %arg5[%parallel_loop3A_1007, %parallel_loop3A_1008] {strides = array<i32>} : memref<256x128xf32, #tpu.memory_space<vmem>>, vector<16xf32>,
        %parallel_loop3A_1010 = arith.cmpf ogt, %parallel_loop3A_1009, %parallel_loop3A_1002 : vector<16xf32>
        %parallel_loop3A_1011 = arith.select %parallel_loop3A_1010, %parallel_loop3A_1009, %parallel_loop3A_1002 : vector<16xi1>, vector<16xf32>
        %parallel_loop3A_1012 = arith.constant 48 : i32
        %parallel_loop3A_1013 = vector.broadcast %parallel_loop3A_1012 : i32 to vector<16xi32>
        %parallel_loop3A_1014 = arith.addi %iota3A_46, %parallel_loop3A_1013 : vector<16xi32>
        %parallel_loop3A_1015 = arith.select %parallel_loop3A_1010, %parallel_loop3A_1014, %parallel_loop3A_1006 : vector<16xi1>, vector<16xi32>
        %parallel_loop3A_1016 = arith.index_cast %parallel_loop3A_985 : i32 to index
        %parallel_loop3A_1017 = arith.constant 64 : index
        %parallel_loop3A_1018 = tpu.vector_load %arg5[%parallel_loop3A_1016, %parallel_loop3A_1017] {strides = array<i32>} : memref<256x128xf32, #tpu.memory_space<vmem>>, vector<16xf32>,
        %parallel_loop3A_1019 = arith.cmpf ogt, %parallel_loop3A_1018, %parallel_loop3A_1011 : vector<16xf32>
        %parallel_loop3A_1020 = arith.select %parallel_loop3A_1019, %parallel_loop3A_1018, %parallel_loop3A_1011 : vector<16xi1>, vector<16xf32>
        %parallel_loop3A_1021 = arith.constant 64 : i32
        %parallel_loop3A_1022 = vector.broadcast %parallel_loop3A_1021 : i32 to vector<16xi32>
        %parallel_loop3A_1023 = arith.addi %iota3A_46, %parallel_loop3A_1022 : vector<16xi32>
        %parallel_loop3A_1024 = arith.select %parallel_loop3A_1019, %parallel_loop3A_1023, %parallel_loop3A_1015 : vector<16xi1>, vector<16xi32>
        %parallel_loop3A_1025 = arith.index_cast %parallel_loop3A_985 : i32 to index
        %parallel_loop3A_1026 = arith.constant 80 : index
        %parallel_loop3A_1027 = tpu.vector_load %arg5[%parallel_loop3A_1025, %parallel_loop3A_1026] {strides = array<i32>} : memref<256x128xf32, #tpu.memory_space<vmem>>, vector<16xf32>,
        %parallel_loop3A_1028 = arith.cmpf ogt, %parallel_loop3A_1027, %parallel_loop3A_1020 : vector<16xf32>
        %parallel_loop3A_1029 = arith.select %parallel_loop3A_1028, %parallel_loop3A_1027, %parallel_loop3A_1020 : vector<16xi1>, vector<16xf32>
        %parallel_loop3A_1030 = arith.constant 80 : i32
        %parallel_loop3A_1031 = vector.broadcast %parallel_loop3A_1030 : i32 to vector<16xi32>
        %parallel_loop3A_1032 = arith.addi %iota3A_46, %parallel_loop3A_1031 : vector<16xi32>
        %parallel_loop3A_1033 = arith.select %parallel_loop3A_1028, %parallel_loop3A_1032, %parallel_loop3A_1024 : vector<16xi1>, vector<16xi32>
        %parallel_loop3A_1034 = arith.index_cast %parallel_loop3A_985 : i32 to index
        %parallel_loop3A_1035 = arith.constant 96 : index
        %parallel_loop3A_1036 = tpu.vector_load %arg5[%parallel_loop3A_1034, %parallel_loop3A_1035] {strides = array<i32>} : memref<256x128xf32, #tpu.memory_space<vmem>>, vector<16xf32>,
        %parallel_loop3A_1037 = arith.cmpf ogt, %parallel_loop3A_1036, %parallel_loop3A_1029 : vector<16xf32>
        %parallel_loop3A_1038 = arith.select %parallel_loop3A_1037, %parallel_loop3A_1036, %parallel_loop3A_1029 : vector<16xi1>, vector<16xf32>
        %parallel_loop3A_1039 = arith.constant 96 : i32
        %parallel_loop3A_1040 = vector.broadcast %parallel_loop3A_1039 : i32 to vector<16xi32>
        %parallel_loop3A_1041 = arith.addi %iota3A_46, %parallel_loop3A_1040 : vector<16xi32>
        %parallel_loop3A_1042 = arith.select %parallel_loop3A_1037, %parallel_loop3A_1041, %parallel_loop3A_1033 : vector<16xi1>, vector<16xi32>
        %parallel_loop3A_1043 = arith.index_cast %parallel_loop3A_985 : i32 to index
        %parallel_loop3A_1044 = arith.constant 112 : index
        %parallel_loop3A_1045 = tpu.vector_load %arg5[%parallel_loop3A_1043, %parallel_loop3A_1044] {strides = array<i32>} : memref<256x128xf32, #tpu.memory_space<vmem>>, vector<16xf32>,
        %parallel_loop3A_1046 = arith.cmpf ogt, %parallel_loop3A_1045, %parallel_loop3A_1038 : vector<16xf32>
        %parallel_loop3A_1047 = arith.select %parallel_loop3A_1046, %parallel_loop3A_1045, %parallel_loop3A_1038 : vector<16xi1>, vector<16xf32>
        %parallel_loop3A_1048 = arith.constant 112 : i32
        %parallel_loop3A_1049 = vector.broadcast %parallel_loop3A_1048 : i32 to vector<16xi32>
        %parallel_loop3A_1050 = arith.addi %iota3A_46, %parallel_loop3A_1049 : vector<16xi32>
        %parallel_loop3A_1051 = arith.select %parallel_loop3A_1046, %parallel_loop3A_1050, %parallel_loop3A_1042 : vector<16xi1>, vector<16xi32>
        %parallel_loop3A_1052 = arith.constant 12 : i32
        %parallel_loop3A_1053 = vector.broadcast %parallel_loop3A_1052 : i32 to vector<16xi32>
        %parallel_loop3A_1054 = arith.addi %iota3A_46, %parallel_loop3A_1053 : vector<16xi32>
        %parallel_loop3A_1055 = arith.constant 15 : i32
        %parallel_loop3A_1056 = vector.broadcast %parallel_loop3A_1055 : i32 to vector<16xi32>
        %parallel_loop3A_1057 = arith.andi %parallel_loop3A_1054, %parallel_loop3A_1056 : vector<16xi32>
        %parallel_loop3A_1058 = arith.constant 192 : i32
        %parallel_loop3A_1059 = vector.broadcast %parallel_loop3A_1058 : i32 to vector<16xi32>
        %parallel_loop3A_1060 = arith.addi %parallel_loop3A_1059, %parallel_loop3A_1057 : vector<16xi32>
        tpu.vector_store_idx %arg7[%parallel_loop3A_57, %parallel_loop3A_1060], %parallel_loop3A_1047 : memref<16x256xf32, #tpu.memory_space<vmem>>[vector<16xi32>, vector<16xi32>], vector<16xf32>,
        tpu.vector_store_idx %arg8[%parallel_loop3A_57, %parallel_loop3A_1060], %parallel_loop3A_1051 : memref<16x256xi32, #tpu.memory_space<vmem>>[vector<16xi32>, vector<16xi32>], vector<16xi32>,
        %parallel_loop3A_1061 = arith.constant 13 : i32
        %parallel_loop3A_1062 = arith.addi %parallel_loop3A_59, %parallel_loop3A_1061 : i32
        %parallel_loop3A_1063 = arith.index_cast %parallel_loop3A_1062 : i32 to index
        %parallel_loop3A_1064 = arith.constant 0 : index
        %parallel_loop3A_1065 = tpu.vector_load %arg5[%parallel_loop3A_1063, %parallel_loop3A_1064] {strides = array<i32>} : memref<256x128xf32, #tpu.memory_space<vmem>>, vector<16xf32>,
        %parallel_loop3A_1066 = arith.index_cast %parallel_loop3A_1062 : i32 to index
        %parallel_loop3A_1067 = arith.constant 16 : index
        %parallel_loop3A_1068 = tpu.vector_load %arg5[%parallel_loop3A_1066, %parallel_loop3A_1067] {strides = array<i32>} : memref<256x128xf32, #tpu.memory_space<vmem>>, vector<16xf32>,
        %parallel_loop3A_1069 = arith.cmpf ogt, %parallel_loop3A_1068, %parallel_loop3A_1065 : vector<16xf32>
        %parallel_loop3A_1070 = arith.select %parallel_loop3A_1069, %parallel_loop3A_1068, %parallel_loop3A_1065 : vector<16xi1>, vector<16xf32>
        %parallel_loop3A_1071 = arith.constant 16 : i32
        %parallel_loop3A_1072 = vector.broadcast %parallel_loop3A_1071 : i32 to vector<16xi32>
        %parallel_loop3A_1073 = arith.addi %iota3A_46, %parallel_loop3A_1072 : vector<16xi32>
        %parallel_loop3A_1074 = arith.select %parallel_loop3A_1069, %parallel_loop3A_1073, %iota3A_46 : vector<16xi1>, vector<16xi32>
        %parallel_loop3A_1075 = arith.index_cast %parallel_loop3A_1062 : i32 to index
        %parallel_loop3A_1076 = arith.constant 32 : index
        %parallel_loop3A_1077 = tpu.vector_load %arg5[%parallel_loop3A_1075, %parallel_loop3A_1076] {strides = array<i32>} : memref<256x128xf32, #tpu.memory_space<vmem>>, vector<16xf32>,
        %parallel_loop3A_1078 = arith.cmpf ogt, %parallel_loop3A_1077, %parallel_loop3A_1070 : vector<16xf32>
        %parallel_loop3A_1079 = arith.select %parallel_loop3A_1078, %parallel_loop3A_1077, %parallel_loop3A_1070 : vector<16xi1>, vector<16xf32>
        %parallel_loop3A_1080 = arith.constant 32 : i32
        %parallel_loop3A_1081 = vector.broadcast %parallel_loop3A_1080 : i32 to vector<16xi32>
        %parallel_loop3A_1082 = arith.addi %iota3A_46, %parallel_loop3A_1081 : vector<16xi32>
        %parallel_loop3A_1083 = arith.select %parallel_loop3A_1078, %parallel_loop3A_1082, %parallel_loop3A_1074 : vector<16xi1>, vector<16xi32>
        %parallel_loop3A_1084 = arith.index_cast %parallel_loop3A_1062 : i32 to index
        %parallel_loop3A_1085 = arith.constant 48 : index
        %parallel_loop3A_1086 = tpu.vector_load %arg5[%parallel_loop3A_1084, %parallel_loop3A_1085] {strides = array<i32>} : memref<256x128xf32, #tpu.memory_space<vmem>>, vector<16xf32>,
        %parallel_loop3A_1087 = arith.cmpf ogt, %parallel_loop3A_1086, %parallel_loop3A_1079 : vector<16xf32>
        %parallel_loop3A_1088 = arith.select %parallel_loop3A_1087, %parallel_loop3A_1086, %parallel_loop3A_1079 : vector<16xi1>, vector<16xf32>
        %parallel_loop3A_1089 = arith.constant 48 : i32
        %parallel_loop3A_1090 = vector.broadcast %parallel_loop3A_1089 : i32 to vector<16xi32>
        %parallel_loop3A_1091 = arith.addi %iota3A_46, %parallel_loop3A_1090 : vector<16xi32>
        %parallel_loop3A_1092 = arith.select %parallel_loop3A_1087, %parallel_loop3A_1091, %parallel_loop3A_1083 : vector<16xi1>, vector<16xi32>
        %parallel_loop3A_1093 = arith.index_cast %parallel_loop3A_1062 : i32 to index
        %parallel_loop3A_1094 = arith.constant 64 : index
        %parallel_loop3A_1095 = tpu.vector_load %arg5[%parallel_loop3A_1093, %parallel_loop3A_1094] {strides = array<i32>} : memref<256x128xf32, #tpu.memory_space<vmem>>, vector<16xf32>,
        %parallel_loop3A_1096 = arith.cmpf ogt, %parallel_loop3A_1095, %parallel_loop3A_1088 : vector<16xf32>
        %parallel_loop3A_1097 = arith.select %parallel_loop3A_1096, %parallel_loop3A_1095, %parallel_loop3A_1088 : vector<16xi1>, vector<16xf32>
        %parallel_loop3A_1098 = arith.constant 64 : i32
        %parallel_loop3A_1099 = vector.broadcast %parallel_loop3A_1098 : i32 to vector<16xi32>
        %parallel_loop3A_1100 = arith.addi %iota3A_46, %parallel_loop3A_1099 : vector<16xi32>
        %parallel_loop3A_1101 = arith.select %parallel_loop3A_1096, %parallel_loop3A_1100, %parallel_loop3A_1092 : vector<16xi1>, vector<16xi32>
        %parallel_loop3A_1102 = arith.index_cast %parallel_loop3A_1062 : i32 to index
        %parallel_loop3A_1103 = arith.constant 80 : index
        %parallel_loop3A_1104 = tpu.vector_load %arg5[%parallel_loop3A_1102, %parallel_loop3A_1103] {strides = array<i32>} : memref<256x128xf32, #tpu.memory_space<vmem>>, vector<16xf32>,
        %parallel_loop3A_1105 = arith.cmpf ogt, %parallel_loop3A_1104, %parallel_loop3A_1097 : vector<16xf32>
        %parallel_loop3A_1106 = arith.select %parallel_loop3A_1105, %parallel_loop3A_1104, %parallel_loop3A_1097 : vector<16xi1>, vector<16xf32>
        %parallel_loop3A_1107 = arith.constant 80 : i32
        %parallel_loop3A_1108 = vector.broadcast %parallel_loop3A_1107 : i32 to vector<16xi32>
        %parallel_loop3A_1109 = arith.addi %iota3A_46, %parallel_loop3A_1108 : vector<16xi32>
        %parallel_loop3A_1110 = arith.select %parallel_loop3A_1105, %parallel_loop3A_1109, %parallel_loop3A_1101 : vector<16xi1>, vector<16xi32>
        %parallel_loop3A_1111 = arith.index_cast %parallel_loop3A_1062 : i32 to index
        %parallel_loop3A_1112 = arith.constant 96 : index
        %parallel_loop3A_1113 = tpu.vector_load %arg5[%parallel_loop3A_1111, %parallel_loop3A_1112] {strides = array<i32>} : memref<256x128xf32, #tpu.memory_space<vmem>>, vector<16xf32>,
        %parallel_loop3A_1114 = arith.cmpf ogt, %parallel_loop3A_1113, %parallel_loop3A_1106 : vector<16xf32>
        %parallel_loop3A_1115 = arith.select %parallel_loop3A_1114, %parallel_loop3A_1113, %parallel_loop3A_1106 : vector<16xi1>, vector<16xf32>
        %parallel_loop3A_1116 = arith.constant 96 : i32
        %parallel_loop3A_1117 = vector.broadcast %parallel_loop3A_1116 : i32 to vector<16xi32>
        %parallel_loop3A_1118 = arith.addi %iota3A_46, %parallel_loop3A_1117 : vector<16xi32>
        %parallel_loop3A_1119 = arith.select %parallel_loop3A_1114, %parallel_loop3A_1118, %parallel_loop3A_1110 : vector<16xi1>, vector<16xi32>
        %parallel_loop3A_1120 = arith.index_cast %parallel_loop3A_1062 : i32 to index
        %parallel_loop3A_1121 = arith.constant 112 : index
        %parallel_loop3A_1122 = tpu.vector_load %arg5[%parallel_loop3A_1120, %parallel_loop3A_1121] {strides = array<i32>} : memref<256x128xf32, #tpu.memory_space<vmem>>, vector<16xf32>,
        %parallel_loop3A_1123 = arith.cmpf ogt, %parallel_loop3A_1122, %parallel_loop3A_1115 : vector<16xf32>
        %parallel_loop3A_1124 = arith.select %parallel_loop3A_1123, %parallel_loop3A_1122, %parallel_loop3A_1115 : vector<16xi1>, vector<16xf32>
        %parallel_loop3A_1125 = arith.constant 112 : i32
        %parallel_loop3A_1126 = vector.broadcast %parallel_loop3A_1125 : i32 to vector<16xi32>
        %parallel_loop3A_1127 = arith.addi %iota3A_46, %parallel_loop3A_1126 : vector<16xi32>
        %parallel_loop3A_1128 = arith.select %parallel_loop3A_1123, %parallel_loop3A_1127, %parallel_loop3A_1119 : vector<16xi1>, vector<16xi32>
        %parallel_loop3A_1129 = arith.constant 13 : i32
        %parallel_loop3A_1130 = vector.broadcast %parallel_loop3A_1129 : i32 to vector<16xi32>
        %parallel_loop3A_1131 = arith.addi %iota3A_46, %parallel_loop3A_1130 : vector<16xi32>
        %parallel_loop3A_1132 = arith.constant 15 : i32
        %parallel_loop3A_1133 = vector.broadcast %parallel_loop3A_1132 : i32 to vector<16xi32>
        %parallel_loop3A_1134 = arith.andi %parallel_loop3A_1131, %parallel_loop3A_1133 : vector<16xi32>
        %parallel_loop3A_1135 = arith.constant 208 : i32
        %parallel_loop3A_1136 = vector.broadcast %parallel_loop3A_1135 : i32 to vector<16xi32>
        %parallel_loop3A_1137 = arith.addi %parallel_loop3A_1136, %parallel_loop3A_1134 : vector<16xi32>
        tpu.vector_store_idx %arg7[%parallel_loop3A_57, %parallel_loop3A_1137], %parallel_loop3A_1124 : memref<16x256xf32, #tpu.memory_space<vmem>>[vector<16xi32>, vector<16xi32>], vector<16xf32>,
        tpu.vector_store_idx %arg8[%parallel_loop3A_57, %parallel_loop3A_1137], %parallel_loop3A_1128 : memref<16x256xi32, #tpu.memory_space<vmem>>[vector<16xi32>, vector<16xi32>], vector<16xi32>,
        %parallel_loop3A_1138 = arith.constant 14 : i32
        %parallel_loop3A_1139 = arith.addi %parallel_loop3A_59, %parallel_loop3A_1138 : i32
        %parallel_loop3A_1140 = arith.index_cast %parallel_loop3A_1139 : i32 to index
        %parallel_loop3A_1141 = arith.constant 0 : index
        %parallel_loop3A_1142 = tpu.vector_load %arg5[%parallel_loop3A_1140, %parallel_loop3A_1141] {strides = array<i32>} : memref<256x128xf32, #tpu.memory_space<vmem>>, vector<16xf32>,
        %parallel_loop3A_1143 = arith.index_cast %parallel_loop3A_1139 : i32 to index
        %parallel_loop3A_1144 = arith.constant 16 : index
        %parallel_loop3A_1145 = tpu.vector_load %arg5[%parallel_loop3A_1143, %parallel_loop3A_1144] {strides = array<i32>} : memref<256x128xf32, #tpu.memory_space<vmem>>, vector<16xf32>,
        %parallel_loop3A_1146 = arith.cmpf ogt, %parallel_loop3A_1145, %parallel_loop3A_1142 : vector<16xf32>
        %parallel_loop3A_1147 = arith.select %parallel_loop3A_1146, %parallel_loop3A_1145, %parallel_loop3A_1142 : vector<16xi1>, vector<16xf32>
        %parallel_loop3A_1148 = arith.constant 16 : i32
        %parallel_loop3A_1149 = vector.broadcast %parallel_loop3A_1148 : i32 to vector<16xi32>
        %parallel_loop3A_1150 = arith.addi %iota3A_46, %parallel_loop3A_1149 : vector<16xi32>
        %parallel_loop3A_1151 = arith.select %parallel_loop3A_1146, %parallel_loop3A_1150, %iota3A_46 : vector<16xi1>, vector<16xi32>
        %parallel_loop3A_1152 = arith.index_cast %parallel_loop3A_1139 : i32 to index
        %parallel_loop3A_1153 = arith.constant 32 : index
        %parallel_loop3A_1154 = tpu.vector_load %arg5[%parallel_loop3A_1152, %parallel_loop3A_1153] {strides = array<i32>} : memref<256x128xf32, #tpu.memory_space<vmem>>, vector<16xf32>,
        %parallel_loop3A_1155 = arith.cmpf ogt, %parallel_loop3A_1154, %parallel_loop3A_1147 : vector<16xf32>
        %parallel_loop3A_1156 = arith.select %parallel_loop3A_1155, %parallel_loop3A_1154, %parallel_loop3A_1147 : vector<16xi1>, vector<16xf32>
        %parallel_loop3A_1157 = arith.constant 32 : i32
        %parallel_loop3A_1158 = vector.broadcast %parallel_loop3A_1157 : i32 to vector<16xi32>
        %parallel_loop3A_1159 = arith.addi %iota3A_46, %parallel_loop3A_1158 : vector<16xi32>
        %parallel_loop3A_1160 = arith.select %parallel_loop3A_1155, %parallel_loop3A_1159, %parallel_loop3A_1151 : vector<16xi1>, vector<16xi32>
        %parallel_loop3A_1161 = arith.index_cast %parallel_loop3A_1139 : i32 to index
        %parallel_loop3A_1162 = arith.constant 48 : index
        %parallel_loop3A_1163 = tpu.vector_load %arg5[%parallel_loop3A_1161, %parallel_loop3A_1162] {strides = array<i32>} : memref<256x128xf32, #tpu.memory_space<vmem>>, vector<16xf32>,
        %parallel_loop3A_1164 = arith.cmpf ogt, %parallel_loop3A_1163, %parallel_loop3A_1156 : vector<16xf32>
        %parallel_loop3A_1165 = arith.select %parallel_loop3A_1164, %parallel_loop3A_1163, %parallel_loop3A_1156 : vector<16xi1>, vector<16xf32>
        %parallel_loop3A_1166 = arith.constant 48 : i32
        %parallel_loop3A_1167 = vector.broadcast %parallel_loop3A_1166 : i32 to vector<16xi32>
        %parallel_loop3A_1168 = arith.addi %iota3A_46, %parallel_loop3A_1167 : vector<16xi32>
        %parallel_loop3A_1169 = arith.select %parallel_loop3A_1164, %parallel_loop3A_1168, %parallel_loop3A_1160 : vector<16xi1>, vector<16xi32>
        %parallel_loop3A_1170 = arith.index_cast %parallel_loop3A_1139 : i32 to index
        %parallel_loop3A_1171 = arith.constant 64 : index
        %parallel_loop3A_1172 = tpu.vector_load %arg5[%parallel_loop3A_1170, %parallel_loop3A_1171] {strides = array<i32>} : memref<256x128xf32, #tpu.memory_space<vmem>>, vector<16xf32>,
        %parallel_loop3A_1173 = arith.cmpf ogt, %parallel_loop3A_1172, %parallel_loop3A_1165 : vector<16xf32>
        %parallel_loop3A_1174 = arith.select %parallel_loop3A_1173, %parallel_loop3A_1172, %parallel_loop3A_1165 : vector<16xi1>, vector<16xf32>
        %parallel_loop3A_1175 = arith.constant 64 : i32
        %parallel_loop3A_1176 = vector.broadcast %parallel_loop3A_1175 : i32 to vector<16xi32>
        %parallel_loop3A_1177 = arith.addi %iota3A_46, %parallel_loop3A_1176 : vector<16xi32>
        %parallel_loop3A_1178 = arith.select %parallel_loop3A_1173, %parallel_loop3A_1177, %parallel_loop3A_1169 : vector<16xi1>, vector<16xi32>
        %parallel_loop3A_1179 = arith.index_cast %parallel_loop3A_1139 : i32 to index
        %parallel_loop3A_1180 = arith.constant 80 : index
        %parallel_loop3A_1181 = tpu.vector_load %arg5[%parallel_loop3A_1179, %parallel_loop3A_1180] {strides = array<i32>} : memref<256x128xf32, #tpu.memory_space<vmem>>, vector<16xf32>,
        %parallel_loop3A_1182 = arith.cmpf ogt, %parallel_loop3A_1181, %parallel_loop3A_1174 : vector<16xf32>
        %parallel_loop3A_1183 = arith.select %parallel_loop3A_1182, %parallel_loop3A_1181, %parallel_loop3A_1174 : vector<16xi1>, vector<16xf32>
        %parallel_loop3A_1184 = arith.constant 80 : i32
        %parallel_loop3A_1185 = vector.broadcast %parallel_loop3A_1184 : i32 to vector<16xi32>
        %parallel_loop3A_1186 = arith.addi %iota3A_46, %parallel_loop3A_1185 : vector<16xi32>
        %parallel_loop3A_1187 = arith.select %parallel_loop3A_1182, %parallel_loop3A_1186, %parallel_loop3A_1178 : vector<16xi1>, vector<16xi32>
        %parallel_loop3A_1188 = arith.index_cast %parallel_loop3A_1139 : i32 to index
        %parallel_loop3A_1189 = arith.constant 96 : index
        %parallel_loop3A_1190 = tpu.vector_load %arg5[%parallel_loop3A_1188, %parallel_loop3A_1189] {strides = array<i32>} : memref<256x128xf32, #tpu.memory_space<vmem>>, vector<16xf32>,
        %parallel_loop3A_1191 = arith.cmpf ogt, %parallel_loop3A_1190, %parallel_loop3A_1183 : vector<16xf32>
        %parallel_loop3A_1192 = arith.select %parallel_loop3A_1191, %parallel_loop3A_1190, %parallel_loop3A_1183 : vector<16xi1>, vector<16xf32>
        %parallel_loop3A_1193 = arith.constant 96 : i32
        %parallel_loop3A_1194 = vector.broadcast %parallel_loop3A_1193 : i32 to vector<16xi32>
        %parallel_loop3A_1195 = arith.addi %iota3A_46, %parallel_loop3A_1194 : vector<16xi32>
        %parallel_loop3A_1196 = arith.select %parallel_loop3A_1191, %parallel_loop3A_1195, %parallel_loop3A_1187 : vector<16xi1>, vector<16xi32>
        %parallel_loop3A_1197 = arith.index_cast %parallel_loop3A_1139 : i32 to index
        %parallel_loop3A_1198 = arith.constant 112 : index
        %parallel_loop3A_1199 = tpu.vector_load %arg5[%parallel_loop3A_1197, %parallel_loop3A_1198] {strides = array<i32>} : memref<256x128xf32, #tpu.memory_space<vmem>>, vector<16xf32>,
        %parallel_loop3A_1200 = arith.cmpf ogt, %parallel_loop3A_1199, %parallel_loop3A_1192 : vector<16xf32>
        %parallel_loop3A_1201 = arith.select %parallel_loop3A_1200, %parallel_loop3A_1199, %parallel_loop3A_1192 : vector<16xi1>, vector<16xf32>
        %parallel_loop3A_1202 = arith.constant 112 : i32
        %parallel_loop3A_1203 = vector.broadcast %parallel_loop3A_1202 : i32 to vector<16xi32>
        %parallel_loop3A_1204 = arith.addi %iota3A_46, %parallel_loop3A_1203 : vector<16xi32>
        %parallel_loop3A_1205 = arith.select %parallel_loop3A_1200, %parallel_loop3A_1204, %parallel_loop3A_1196 : vector<16xi1>, vector<16xi32>
        %parallel_loop3A_1206 = arith.constant 14 : i32
        %parallel_loop3A_1207 = vector.broadcast %parallel_loop3A_1206 : i32 to vector<16xi32>
        %parallel_loop3A_1208 = arith.addi %iota3A_46, %parallel_loop3A_1207 : vector<16xi32>
        %parallel_loop3A_1209 = arith.constant 15 : i32
        %parallel_loop3A_1210 = vector.broadcast %parallel_loop3A_1209 : i32 to vector<16xi32>
        %parallel_loop3A_1211 = arith.andi %parallel_loop3A_1208, %parallel_loop3A_1210 : vector<16xi32>
        %parallel_loop3A_1212 = arith.constant 224 : i32
        %parallel_loop3A_1213 = vector.broadcast %parallel_loop3A_1212 : i32 to vector<16xi32>
        %parallel_loop3A_1214 = arith.addi %parallel_loop3A_1213, %parallel_loop3A_1211 : vector<16xi32>
        tpu.vector_store_idx %arg7[%parallel_loop3A_57, %parallel_loop3A_1214], %parallel_loop3A_1201 : memref<16x256xf32, #tpu.memory_space<vmem>>[vector<16xi32>, vector<16xi32>], vector<16xf32>,
        tpu.vector_store_idx %arg8[%parallel_loop3A_57, %parallel_loop3A_1214], %parallel_loop3A_1205 : memref<16x256xi32, #tpu.memory_space<vmem>>[vector<16xi32>, vector<16xi32>], vector<16xi32>,
        %parallel_loop3A_1215 = arith.constant 15 : i32
        %parallel_loop3A_1216 = arith.addi %parallel_loop3A_59, %parallel_loop3A_1215 : i32
        %parallel_loop3A_1217 = arith.index_cast %parallel_loop3A_1216 : i32 to index
        %parallel_loop3A_1218 = arith.constant 0 : index
        %parallel_loop3A_1219 = tpu.vector_load %arg5[%parallel_loop3A_1217, %parallel_loop3A_1218] {strides = array<i32>} : memref<256x128xf32, #tpu.memory_space<vmem>>, vector<16xf32>,
        %parallel_loop3A_1220 = arith.index_cast %parallel_loop3A_1216 : i32 to index
        %parallel_loop3A_1221 = arith.constant 16 : index
        %parallel_loop3A_1222 = tpu.vector_load %arg5[%parallel_loop3A_1220, %parallel_loop3A_1221] {strides = array<i32>} : memref<256x128xf32, #tpu.memory_space<vmem>>, vector<16xf32>,
        %parallel_loop3A_1223 = arith.cmpf ogt, %parallel_loop3A_1222, %parallel_loop3A_1219 : vector<16xf32>
        %parallel_loop3A_1224 = arith.select %parallel_loop3A_1223, %parallel_loop3A_1222, %parallel_loop3A_1219 : vector<16xi1>, vector<16xf32>
        %parallel_loop3A_1225 = arith.constant 16 : i32
        %parallel_loop3A_1226 = vector.broadcast %parallel_loop3A_1225 : i32 to vector<16xi32>
        %parallel_loop3A_1227 = arith.addi %iota3A_46, %parallel_loop3A_1226 : vector<16xi32>
        %parallel_loop3A_1228 = arith.select %parallel_loop3A_1223, %parallel_loop3A_1227, %iota3A_46 : vector<16xi1>, vector<16xi32>
        %parallel_loop3A_1229 = arith.index_cast %parallel_loop3A_1216 : i32 to index
        %parallel_loop3A_1230 = arith.constant 32 : index
        %parallel_loop3A_1231 = tpu.vector_load %arg5[%parallel_loop3A_1229, %parallel_loop3A_1230] {strides = array<i32>} : memref<256x128xf32, #tpu.memory_space<vmem>>, vector<16xf32>,
        %parallel_loop3A_1232 = arith.cmpf ogt, %parallel_loop3A_1231, %parallel_loop3A_1224 : vector<16xf32>
        %parallel_loop3A_1233 = arith.select %parallel_loop3A_1232, %parallel_loop3A_1231, %parallel_loop3A_1224 : vector<16xi1>, vector<16xf32>
        %parallel_loop3A_1234 = arith.constant 32 : i32
        %parallel_loop3A_1235 = vector.broadcast %parallel_loop3A_1234 : i32 to vector<16xi32>
        %parallel_loop3A_1236 = arith.addi %iota3A_46, %parallel_loop3A_1235 : vector<16xi32>
        %parallel_loop3A_1237 = arith.select %parallel_loop3A_1232, %parallel_loop3A_1236, %parallel_loop3A_1228 : vector<16xi1>, vector<16xi32>
        %parallel_loop3A_1238 = arith.index_cast %parallel_loop3A_1216 : i32 to index
        %parallel_loop3A_1239 = arith.constant 48 : index
        %parallel_loop3A_1240 = tpu.vector_load %arg5[%parallel_loop3A_1238, %parallel_loop3A_1239] {strides = array<i32>} : memref<256x128xf32, #tpu.memory_space<vmem>>, vector<16xf32>,
        %parallel_loop3A_1241 = arith.cmpf ogt, %parallel_loop3A_1240, %parallel_loop3A_1233 : vector<16xf32>
        %parallel_loop3A_1242 = arith.select %parallel_loop3A_1241, %parallel_loop3A_1240, %parallel_loop3A_1233 : vector<16xi1>, vector<16xf32>
        %parallel_loop3A_1243 = arith.constant 48 : i32
        %parallel_loop3A_1244 = vector.broadcast %parallel_loop3A_1243 : i32 to vector<16xi32>
        %parallel_loop3A_1245 = arith.addi %iota3A_46, %parallel_loop3A_1244 : vector<16xi32>
        %parallel_loop3A_1246 = arith.select %parallel_loop3A_1241, %parallel_loop3A_1245, %parallel_loop3A_1237 : vector<16xi1>, vector<16xi32>
        %parallel_loop3A_1247 = arith.index_cast %parallel_loop3A_1216 : i32 to index
        %parallel_loop3A_1248 = arith.constant 64 : index
        %parallel_loop3A_1249 = tpu.vector_load %arg5[%parallel_loop3A_1247, %parallel_loop3A_1248] {strides = array<i32>} : memref<256x128xf32, #tpu.memory_space<vmem>>, vector<16xf32>,
        %parallel_loop3A_1250 = arith.cmpf ogt, %parallel_loop3A_1249, %parallel_loop3A_1242 : vector<16xf32>
        %parallel_loop3A_1251 = arith.select %parallel_loop3A_1250, %parallel_loop3A_1249, %parallel_loop3A_1242 : vector<16xi1>, vector<16xf32>
        %parallel_loop3A_1252 = arith.constant 64 : i32
        %parallel_loop3A_1253 = vector.broadcast %parallel_loop3A_1252 : i32 to vector<16xi32>
        %parallel_loop3A_1254 = arith.addi %iota3A_46, %parallel_loop3A_1253 : vector<16xi32>
        %parallel_loop3A_1255 = arith.select %parallel_loop3A_1250, %parallel_loop3A_1254, %parallel_loop3A_1246 : vector<16xi1>, vector<16xi32>
        %parallel_loop3A_1256 = arith.index_cast %parallel_loop3A_1216 : i32 to index
        %parallel_loop3A_1257 = arith.constant 80 : index
        %parallel_loop3A_1258 = tpu.vector_load %arg5[%parallel_loop3A_1256, %parallel_loop3A_1257] {strides = array<i32>} : memref<256x128xf32, #tpu.memory_space<vmem>>, vector<16xf32>,
        %parallel_loop3A_1259 = arith.cmpf ogt, %parallel_loop3A_1258, %parallel_loop3A_1251 : vector<16xf32>
        %parallel_loop3A_1260 = arith.select %parallel_loop3A_1259, %parallel_loop3A_1258, %parallel_loop3A_1251 : vector<16xi1>, vector<16xf32>
        %parallel_loop3A_1261 = arith.constant 80 : i32
        %parallel_loop3A_1262 = vector.broadcast %parallel_loop3A_1261 : i32 to vector<16xi32>
        %parallel_loop3A_1263 = arith.addi %iota3A_46, %parallel_loop3A_1262 : vector<16xi32>
        %parallel_loop3A_1264 = arith.select %parallel_loop3A_1259, %parallel_loop3A_1263, %parallel_loop3A_1255 : vector<16xi1>, vector<16xi32>
        %parallel_loop3A_1265 = arith.index_cast %parallel_loop3A_1216 : i32 to index
        %parallel_loop3A_1266 = arith.constant 96 : index
        %parallel_loop3A_1267 = tpu.vector_load %arg5[%parallel_loop3A_1265, %parallel_loop3A_1266] {strides = array<i32>} : memref<256x128xf32, #tpu.memory_space<vmem>>, vector<16xf32>,
        %parallel_loop3A_1268 = arith.cmpf ogt, %parallel_loop3A_1267, %parallel_loop3A_1260 : vector<16xf32>
        %parallel_loop3A_1269 = arith.select %parallel_loop3A_1268, %parallel_loop3A_1267, %parallel_loop3A_1260 : vector<16xi1>, vector<16xf32>
        %parallel_loop3A_1270 = arith.constant 96 : i32
        %parallel_loop3A_1271 = vector.broadcast %parallel_loop3A_1270 : i32 to vector<16xi32>
        %parallel_loop3A_1272 = arith.addi %iota3A_46, %parallel_loop3A_1271 : vector<16xi32>
        %parallel_loop3A_1273 = arith.select %parallel_loop3A_1268, %parallel_loop3A_1272, %parallel_loop3A_1264 : vector<16xi1>, vector<16xi32>
        %parallel_loop3A_1274 = arith.index_cast %parallel_loop3A_1216 : i32 to index
        %parallel_loop3A_1275 = arith.constant 112 : index
        %parallel_loop3A_1276 = tpu.vector_load %arg5[%parallel_loop3A_1274, %parallel_loop3A_1275] {strides = array<i32>} : memref<256x128xf32, #tpu.memory_space<vmem>>, vector<16xf32>,
        %parallel_loop3A_1277 = arith.cmpf ogt, %parallel_loop3A_1276, %parallel_loop3A_1269 : vector<16xf32>
        %parallel_loop3A_1278 = arith.select %parallel_loop3A_1277, %parallel_loop3A_1276, %parallel_loop3A_1269 : vector<16xi1>, vector<16xf32>
        %parallel_loop3A_1279 = arith.constant 112 : i32
        %parallel_loop3A_1280 = vector.broadcast %parallel_loop3A_1279 : i32 to vector<16xi32>
        %parallel_loop3A_1281 = arith.addi %iota3A_46, %parallel_loop3A_1280 : vector<16xi32>
        %parallel_loop3A_1282 = arith.select %parallel_loop3A_1277, %parallel_loop3A_1281, %parallel_loop3A_1273 : vector<16xi1>, vector<16xi32>
        %parallel_loop3A_1283 = arith.constant 15 : i32
        %parallel_loop3A_1284 = vector.broadcast %parallel_loop3A_1283 : i32 to vector<16xi32>
        %parallel_loop3A_1285 = arith.addi %iota3A_46, %parallel_loop3A_1284 : vector<16xi32>
        %parallel_loop3A_1286 = arith.constant 15 : i32
        %parallel_loop3A_1287 = vector.broadcast %parallel_loop3A_1286 : i32 to vector<16xi32>
        %parallel_loop3A_1288 = arith.andi %parallel_loop3A_1285, %parallel_loop3A_1287 : vector<16xi32>
        %parallel_loop3A_1289 = arith.constant 240 : i32
        %parallel_loop3A_1290 = vector.broadcast %parallel_loop3A_1289 : i32 to vector<16xi32>
        %parallel_loop3A_1291 = arith.addi %parallel_loop3A_1290, %parallel_loop3A_1288 : vector<16xi32>
        tpu.vector_store_idx %arg7[%parallel_loop3A_57, %parallel_loop3A_1291], %parallel_loop3A_1278 : memref<16x256xf32, #tpu.memory_space<vmem>>[vector<16xi32>, vector<16xi32>], vector<16xf32>,
        tpu.vector_store_idx %arg8[%parallel_loop3A_57, %parallel_loop3A_1291], %parallel_loop3A_1282 : memref<16x256xi32, #tpu.memory_space<vmem>>[vector<16xi32>, vector<16xi32>], vector<16xi32>,
        %parallel_loop3A_1292 = arith.constant 16 : i32
        %parallel_loop3A_1293 = vector.broadcast %parallel_loop3A_1292 : i32 to vector<16xi32>
        %parallel_loop3A_1294 = arith.muli %iota3A_46, %parallel_loop3A_1293 : vector<16xi32>
        %parallel_loop3A_1295 = arith.constant 0 : i32
        %parallel_loop3A_1296 = vector.broadcast %parallel_loop3A_1295 : i32 to vector<16xi32>
        %parallel_loop3A_1297 = arith.addi %iota3A_46, %parallel_loop3A_1296 : vector<16xi32>
        %parallel_loop3A_1298 = arith.constant 15 : i32
        %parallel_loop3A_1299 = vector.broadcast %parallel_loop3A_1298 : i32 to vector<16xi32>
        %parallel_loop3A_1300 = arith.andi %parallel_loop3A_1297, %parallel_loop3A_1299 : vector<16xi32>
        %parallel_loop3A_1301 = arith.addi %parallel_loop3A_1294, %parallel_loop3A_1300 : vector<16xi32>
        %parallel_loop3A_1302 = tpu.vector_load_idx %arg7[%parallel_loop3A_57, %parallel_loop3A_1301] : memref<16x256xf32, #tpu.memory_space<vmem>>[vector<16xi32>, vector<16xi32>], vector<16xf32>,
        %parallel_loop3A_1303 = tpu.vector_load_idx %arg8[%parallel_loop3A_57, %parallel_loop3A_1301] : memref<16x256xi32, #tpu.memory_space<vmem>>[vector<16xi32>, vector<16xi32>], vector<16xi32>,
        %parallel_loop3A_1304 = arith.constant 16 : i32
        %parallel_loop3A_1305 = vector.broadcast %parallel_loop3A_1304 : i32 to vector<16xi32>
        %parallel_loop3A_1306 = arith.muli %iota3A_46, %parallel_loop3A_1305 : vector<16xi32>
        %parallel_loop3A_1307 = arith.constant 1 : i32
        %parallel_loop3A_1308 = vector.broadcast %parallel_loop3A_1307 : i32 to vector<16xi32>
        %parallel_loop3A_1309 = arith.addi %iota3A_46, %parallel_loop3A_1308 : vector<16xi32>
        %parallel_loop3A_1310 = arith.constant 15 : i32
        %parallel_loop3A_1311 = vector.broadcast %parallel_loop3A_1310 : i32 to vector<16xi32>
        %parallel_loop3A_1312 = arith.andi %parallel_loop3A_1309, %parallel_loop3A_1311 : vector<16xi32>
        %parallel_loop3A_1313 = arith.addi %parallel_loop3A_1306, %parallel_loop3A_1312 : vector<16xi32>
        %parallel_loop3A_1314 = tpu.vector_load_idx %arg7[%parallel_loop3A_57, %parallel_loop3A_1313] : memref<16x256xf32, #tpu.memory_space<vmem>>[vector<16xi32>, vector<16xi32>], vector<16xf32>,
        %parallel_loop3A_1315 = tpu.vector_load_idx %arg8[%parallel_loop3A_57, %parallel_loop3A_1313] : memref<16x256xi32, #tpu.memory_space<vmem>>[vector<16xi32>, vector<16xi32>], vector<16xi32>,
        %parallel_loop3A_1316 = arith.cmpf ogt, %parallel_loop3A_1314, %parallel_loop3A_1302 : vector<16xf32>
        %parallel_loop3A_1317 = arith.cmpf oeq, %parallel_loop3A_1314, %parallel_loop3A_1302 : vector<16xf32>
        %parallel_loop3A_1318 = arith.cmpi slt, %parallel_loop3A_1315, %parallel_loop3A_1303 : vector<16xi32>
        %parallel_loop3A_1319 = arith.andi %parallel_loop3A_1317, %parallel_loop3A_1318 : vector<16xi1>
        %parallel_loop3A_1320 = arith.ori %parallel_loop3A_1316, %parallel_loop3A_1319 : vector<16xi1>
        %parallel_loop3A_1321 = arith.select %parallel_loop3A_1320, %parallel_loop3A_1314, %parallel_loop3A_1302 : vector<16xi1>, vector<16xf32>
        %parallel_loop3A_1322 = arith.select %parallel_loop3A_1320, %parallel_loop3A_1315, %parallel_loop3A_1303 : vector<16xi1>, vector<16xi32>
        %parallel_loop3A_1323 = arith.constant 16 : i32
        %parallel_loop3A_1324 = vector.broadcast %parallel_loop3A_1323 : i32 to vector<16xi32>
        %parallel_loop3A_1325 = arith.muli %iota3A_46, %parallel_loop3A_1324 : vector<16xi32>
        %parallel_loop3A_1326 = arith.constant 2 : i32
        %parallel_loop3A_1327 = vector.broadcast %parallel_loop3A_1326 : i32 to vector<16xi32>
        %parallel_loop3A_1328 = arith.addi %iota3A_46, %parallel_loop3A_1327 : vector<16xi32>
        %parallel_loop3A_1329 = arith.constant 15 : i32
        %parallel_loop3A_1330 = vector.broadcast %parallel_loop3A_1329 : i32 to vector<16xi32>
        %parallel_loop3A_1331 = arith.andi %parallel_loop3A_1328, %parallel_loop3A_1330 : vector<16xi32>
        %parallel_loop3A_1332 = arith.addi %parallel_loop3A_1325, %parallel_loop3A_1331 : vector<16xi32>
        %parallel_loop3A_1333 = tpu.vector_load_idx %arg7[%parallel_loop3A_57, %parallel_loop3A_1332] : memref<16x256xf32, #tpu.memory_space<vmem>>[vector<16xi32>, vector<16xi32>], vector<16xf32>,
        %parallel_loop3A_1334 = tpu.vector_load_idx %arg8[%parallel_loop3A_57, %parallel_loop3A_1332] : memref<16x256xi32, #tpu.memory_space<vmem>>[vector<16xi32>, vector<16xi32>], vector<16xi32>,
        %parallel_loop3A_1335 = arith.cmpf ogt, %parallel_loop3A_1333, %parallel_loop3A_1321 : vector<16xf32>
        %parallel_loop3A_1336 = arith.cmpf oeq, %parallel_loop3A_1333, %parallel_loop3A_1321 : vector<16xf32>
        %parallel_loop3A_1337 = arith.cmpi slt, %parallel_loop3A_1334, %parallel_loop3A_1322 : vector<16xi32>
        %parallel_loop3A_1338 = arith.andi %parallel_loop3A_1336, %parallel_loop3A_1337 : vector<16xi1>
        %parallel_loop3A_1339 = arith.ori %parallel_loop3A_1335, %parallel_loop3A_1338 : vector<16xi1>
        %parallel_loop3A_1340 = arith.select %parallel_loop3A_1339, %parallel_loop3A_1333, %parallel_loop3A_1321 : vector<16xi1>, vector<16xf32>
        %parallel_loop3A_1341 = arith.select %parallel_loop3A_1339, %parallel_loop3A_1334, %parallel_loop3A_1322 : vector<16xi1>, vector<16xi32>
        %parallel_loop3A_1342 = arith.constant 16 : i32
        %parallel_loop3A_1343 = vector.broadcast %parallel_loop3A_1342 : i32 to vector<16xi32>
        %parallel_loop3A_1344 = arith.muli %iota3A_46, %parallel_loop3A_1343 : vector<16xi32>
        %parallel_loop3A_1345 = arith.constant 3 : i32
        %parallel_loop3A_1346 = vector.broadcast %parallel_loop3A_1345 : i32 to vector<16xi32>
        %parallel_loop3A_1347 = arith.addi %iota3A_46, %parallel_loop3A_1346 : vector<16xi32>
        %parallel_loop3A_1348 = arith.constant 15 : i32
        %parallel_loop3A_1349 = vector.broadcast %parallel_loop3A_1348 : i32 to vector<16xi32>
        %parallel_loop3A_1350 = arith.andi %parallel_loop3A_1347, %parallel_loop3A_1349 : vector<16xi32>
        %parallel_loop3A_1351 = arith.addi %parallel_loop3A_1344, %parallel_loop3A_1350 : vector<16xi32>
        %parallel_loop3A_1352 = tpu.vector_load_idx %arg7[%parallel_loop3A_57, %parallel_loop3A_1351] : memref<16x256xf32, #tpu.memory_space<vmem>>[vector<16xi32>, vector<16xi32>], vector<16xf32>,
        %parallel_loop3A_1353 = tpu.vector_load_idx %arg8[%parallel_loop3A_57, %parallel_loop3A_1351] : memref<16x256xi32, #tpu.memory_space<vmem>>[vector<16xi32>, vector<16xi32>], vector<16xi32>,
        %parallel_loop3A_1354 = arith.cmpf ogt, %parallel_loop3A_1352, %parallel_loop3A_1340 : vector<16xf32>
        %parallel_loop3A_1355 = arith.cmpf oeq, %parallel_loop3A_1352, %parallel_loop3A_1340 : vector<16xf32>
        %parallel_loop3A_1356 = arith.cmpi slt, %parallel_loop3A_1353, %parallel_loop3A_1341 : vector<16xi32>
        %parallel_loop3A_1357 = arith.andi %parallel_loop3A_1355, %parallel_loop3A_1356 : vector<16xi1>
        %parallel_loop3A_1358 = arith.ori %parallel_loop3A_1354, %parallel_loop3A_1357 : vector<16xi1>
        %parallel_loop3A_1359 = arith.select %parallel_loop3A_1358, %parallel_loop3A_1352, %parallel_loop3A_1340 : vector<16xi1>, vector<16xf32>
        %parallel_loop3A_1360 = arith.select %parallel_loop3A_1358, %parallel_loop3A_1353, %parallel_loop3A_1341 : vector<16xi1>, vector<16xi32>
        %parallel_loop3A_1361 = arith.constant 16 : i32
        %parallel_loop3A_1362 = vector.broadcast %parallel_loop3A_1361 : i32 to vector<16xi32>
        %parallel_loop3A_1363 = arith.muli %iota3A_46, %parallel_loop3A_1362 : vector<16xi32>
        %parallel_loop3A_1364 = arith.constant 4 : i32
        %parallel_loop3A_1365 = vector.broadcast %parallel_loop3A_1364 : i32 to vector<16xi32>
        %parallel_loop3A_1366 = arith.addi %iota3A_46, %parallel_loop3A_1365 : vector<16xi32>
        %parallel_loop3A_1367 = arith.constant 15 : i32
        %parallel_loop3A_1368 = vector.broadcast %parallel_loop3A_1367 : i32 to vector<16xi32>
        %parallel_loop3A_1369 = arith.andi %parallel_loop3A_1366, %parallel_loop3A_1368 : vector<16xi32>
        %parallel_loop3A_1370 = arith.addi %parallel_loop3A_1363, %parallel_loop3A_1369 : vector<16xi32>
        %parallel_loop3A_1371 = tpu.vector_load_idx %arg7[%parallel_loop3A_57, %parallel_loop3A_1370] : memref<16x256xf32, #tpu.memory_space<vmem>>[vector<16xi32>, vector<16xi32>], vector<16xf32>,
        %parallel_loop3A_1372 = tpu.vector_load_idx %arg8[%parallel_loop3A_57, %parallel_loop3A_1370] : memref<16x256xi32, #tpu.memory_space<vmem>>[vector<16xi32>, vector<16xi32>], vector<16xi32>,
        %parallel_loop3A_1373 = arith.cmpf ogt, %parallel_loop3A_1371, %parallel_loop3A_1359 : vector<16xf32>
        %parallel_loop3A_1374 = arith.cmpf oeq, %parallel_loop3A_1371, %parallel_loop3A_1359 : vector<16xf32>
        %parallel_loop3A_1375 = arith.cmpi slt, %parallel_loop3A_1372, %parallel_loop3A_1360 : vector<16xi32>
        %parallel_loop3A_1376 = arith.andi %parallel_loop3A_1374, %parallel_loop3A_1375 : vector<16xi1>
        %parallel_loop3A_1377 = arith.ori %parallel_loop3A_1373, %parallel_loop3A_1376 : vector<16xi1>
        %parallel_loop3A_1378 = arith.select %parallel_loop3A_1377, %parallel_loop3A_1371, %parallel_loop3A_1359 : vector<16xi1>, vector<16xf32>
        %parallel_loop3A_1379 = arith.select %parallel_loop3A_1377, %parallel_loop3A_1372, %parallel_loop3A_1360 : vector<16xi1>, vector<16xi32>
        %parallel_loop3A_1380 = arith.constant 16 : i32
        %parallel_loop3A_1381 = vector.broadcast %parallel_loop3A_1380 : i32 to vector<16xi32>
        %parallel_loop3A_1382 = arith.muli %iota3A_46, %parallel_loop3A_1381 : vector<16xi32>
        %parallel_loop3A_1383 = arith.constant 5 : i32
        %parallel_loop3A_1384 = vector.broadcast %parallel_loop3A_1383 : i32 to vector<16xi32>
        %parallel_loop3A_1385 = arith.addi %iota3A_46, %parallel_loop3A_1384 : vector<16xi32>
        %parallel_loop3A_1386 = arith.constant 15 : i32
        %parallel_loop3A_1387 = vector.broadcast %parallel_loop3A_1386 : i32 to vector<16xi32>
        %parallel_loop3A_1388 = arith.andi %parallel_loop3A_1385, %parallel_loop3A_1387 : vector<16xi32>
        %parallel_loop3A_1389 = arith.addi %parallel_loop3A_1382, %parallel_loop3A_1388 : vector<16xi32>
        %parallel_loop3A_1390 = tpu.vector_load_idx %arg7[%parallel_loop3A_57, %parallel_loop3A_1389] : memref<16x256xf32, #tpu.memory_space<vmem>>[vector<16xi32>, vector<16xi32>], vector<16xf32>,
        %parallel_loop3A_1391 = tpu.vector_load_idx %arg8[%parallel_loop3A_57, %parallel_loop3A_1389] : memref<16x256xi32, #tpu.memory_space<vmem>>[vector<16xi32>, vector<16xi32>], vector<16xi32>,
        %parallel_loop3A_1392 = arith.cmpf ogt, %parallel_loop3A_1390, %parallel_loop3A_1378 : vector<16xf32>
        %parallel_loop3A_1393 = arith.cmpf oeq, %parallel_loop3A_1390, %parallel_loop3A_1378 : vector<16xf32>
        %parallel_loop3A_1394 = arith.cmpi slt, %parallel_loop3A_1391, %parallel_loop3A_1379 : vector<16xi32>
        %parallel_loop3A_1395 = arith.andi %parallel_loop3A_1393, %parallel_loop3A_1394 : vector<16xi1>
        %parallel_loop3A_1396 = arith.ori %parallel_loop3A_1392, %parallel_loop3A_1395 : vector<16xi1>
        %parallel_loop3A_1397 = arith.select %parallel_loop3A_1396, %parallel_loop3A_1390, %parallel_loop3A_1378 : vector<16xi1>, vector<16xf32>
        %parallel_loop3A_1398 = arith.select %parallel_loop3A_1396, %parallel_loop3A_1391, %parallel_loop3A_1379 : vector<16xi1>, vector<16xi32>
        %parallel_loop3A_1399 = arith.constant 16 : i32
        %parallel_loop3A_1400 = vector.broadcast %parallel_loop3A_1399 : i32 to vector<16xi32>
        %parallel_loop3A_1401 = arith.muli %iota3A_46, %parallel_loop3A_1400 : vector<16xi32>
        %parallel_loop3A_1402 = arith.constant 6 : i32
        %parallel_loop3A_1403 = vector.broadcast %parallel_loop3A_1402 : i32 to vector<16xi32>
        %parallel_loop3A_1404 = arith.addi %iota3A_46, %parallel_loop3A_1403 : vector<16xi32>
        %parallel_loop3A_1405 = arith.constant 15 : i32
        %parallel_loop3A_1406 = vector.broadcast %parallel_loop3A_1405 : i32 to vector<16xi32>
        %parallel_loop3A_1407 = arith.andi %parallel_loop3A_1404, %parallel_loop3A_1406 : vector<16xi32>
        %parallel_loop3A_1408 = arith.addi %parallel_loop3A_1401, %parallel_loop3A_1407 : vector<16xi32>
        %parallel_loop3A_1409 = tpu.vector_load_idx %arg7[%parallel_loop3A_57, %parallel_loop3A_1408] : memref<16x256xf32, #tpu.memory_space<vmem>>[vector<16xi32>, vector<16xi32>], vector<16xf32>,
        %parallel_loop3A_1410 = tpu.vector_load_idx %arg8[%parallel_loop3A_57, %parallel_loop3A_1408] : memref<16x256xi32, #tpu.memory_space<vmem>>[vector<16xi32>, vector<16xi32>], vector<16xi32>,
        %parallel_loop3A_1411 = arith.cmpf ogt, %parallel_loop3A_1409, %parallel_loop3A_1397 : vector<16xf32>
        %parallel_loop3A_1412 = arith.cmpf oeq, %parallel_loop3A_1409, %parallel_loop3A_1397 : vector<16xf32>
        %parallel_loop3A_1413 = arith.cmpi slt, %parallel_loop3A_1410, %parallel_loop3A_1398 : vector<16xi32>
        %parallel_loop3A_1414 = arith.andi %parallel_loop3A_1412, %parallel_loop3A_1413 : vector<16xi1>
        %parallel_loop3A_1415 = arith.ori %parallel_loop3A_1411, %parallel_loop3A_1414 : vector<16xi1>
        %parallel_loop3A_1416 = arith.select %parallel_loop3A_1415, %parallel_loop3A_1409, %parallel_loop3A_1397 : vector<16xi1>, vector<16xf32>
        %parallel_loop3A_1417 = arith.select %parallel_loop3A_1415, %parallel_loop3A_1410, %parallel_loop3A_1398 : vector<16xi1>, vector<16xi32>
        %parallel_loop3A_1418 = arith.constant 16 : i32
        %parallel_loop3A_1419 = vector.broadcast %parallel_loop3A_1418 : i32 to vector<16xi32>
        %parallel_loop3A_1420 = arith.muli %iota3A_46, %parallel_loop3A_1419 : vector<16xi32>
        %parallel_loop3A_1421 = arith.constant 7 : i32
        %parallel_loop3A_1422 = vector.broadcast %parallel_loop3A_1421 : i32 to vector<16xi32>
        %parallel_loop3A_1423 = arith.addi %iota3A_46, %parallel_loop3A_1422 : vector<16xi32>
        %parallel_loop3A_1424 = arith.constant 15 : i32
        %parallel_loop3A_1425 = vector.broadcast %parallel_loop3A_1424 : i32 to vector<16xi32>
        %parallel_loop3A_1426 = arith.andi %parallel_loop3A_1423, %parallel_loop3A_1425 : vector<16xi32>
        %parallel_loop3A_1427 = arith.addi %parallel_loop3A_1420, %parallel_loop3A_1426 : vector<16xi32>
        %parallel_loop3A_1428 = tpu.vector_load_idx %arg7[%parallel_loop3A_57, %parallel_loop3A_1427] : memref<16x256xf32, #tpu.memory_space<vmem>>[vector<16xi32>, vector<16xi32>], vector<16xf32>,
        %parallel_loop3A_1429 = tpu.vector_load_idx %arg8[%parallel_loop3A_57, %parallel_loop3A_1427] : memref<16x256xi32, #tpu.memory_space<vmem>>[vector<16xi32>, vector<16xi32>], vector<16xi32>,
        %parallel_loop3A_1430 = arith.cmpf ogt, %parallel_loop3A_1428, %parallel_loop3A_1416 : vector<16xf32>
        %parallel_loop3A_1431 = arith.cmpf oeq, %parallel_loop3A_1428, %parallel_loop3A_1416 : vector<16xf32>
        %parallel_loop3A_1432 = arith.cmpi slt, %parallel_loop3A_1429, %parallel_loop3A_1417 : vector<16xi32>
        %parallel_loop3A_1433 = arith.andi %parallel_loop3A_1431, %parallel_loop3A_1432 : vector<16xi1>
        %parallel_loop3A_1434 = arith.ori %parallel_loop3A_1430, %parallel_loop3A_1433 : vector<16xi1>
        %parallel_loop3A_1435 = arith.select %parallel_loop3A_1434, %parallel_loop3A_1428, %parallel_loop3A_1416 : vector<16xi1>, vector<16xf32>
        %parallel_loop3A_1436 = arith.select %parallel_loop3A_1434, %parallel_loop3A_1429, %parallel_loop3A_1417 : vector<16xi1>, vector<16xi32>
        %parallel_loop3A_1437 = arith.constant 16 : i32
        %parallel_loop3A_1438 = vector.broadcast %parallel_loop3A_1437 : i32 to vector<16xi32>
        %parallel_loop3A_1439 = arith.muli %iota3A_46, %parallel_loop3A_1438 : vector<16xi32>
        %parallel_loop3A_1440 = arith.constant 8 : i32
        %parallel_loop3A_1441 = vector.broadcast %parallel_loop3A_1440 : i32 to vector<16xi32>
        %parallel_loop3A_1442 = arith.addi %iota3A_46, %parallel_loop3A_1441 : vector<16xi32>
        %parallel_loop3A_1443 = arith.constant 15 : i32
        %parallel_loop3A_1444 = vector.broadcast %parallel_loop3A_1443 : i32 to vector<16xi32>
        %parallel_loop3A_1445 = arith.andi %parallel_loop3A_1442, %parallel_loop3A_1444 : vector<16xi32>
        %parallel_loop3A_1446 = arith.addi %parallel_loop3A_1439, %parallel_loop3A_1445 : vector<16xi32>
        %parallel_loop3A_1447 = tpu.vector_load_idx %arg7[%parallel_loop3A_57, %parallel_loop3A_1446] : memref<16x256xf32, #tpu.memory_space<vmem>>[vector<16xi32>, vector<16xi32>], vector<16xf32>,
        %parallel_loop3A_1448 = tpu.vector_load_idx %arg8[%parallel_loop3A_57, %parallel_loop3A_1446] : memref<16x256xi32, #tpu.memory_space<vmem>>[vector<16xi32>, vector<16xi32>], vector<16xi32>,
        %parallel_loop3A_1449 = arith.cmpf ogt, %parallel_loop3A_1447, %parallel_loop3A_1435 : vector<16xf32>
        %parallel_loop3A_1450 = arith.cmpf oeq, %parallel_loop3A_1447, %parallel_loop3A_1435 : vector<16xf32>
        %parallel_loop3A_1451 = arith.cmpi slt, %parallel_loop3A_1448, %parallel_loop3A_1436 : vector<16xi32>
        %parallel_loop3A_1452 = arith.andi %parallel_loop3A_1450, %parallel_loop3A_1451 : vector<16xi1>
        %parallel_loop3A_1453 = arith.ori %parallel_loop3A_1449, %parallel_loop3A_1452 : vector<16xi1>
        %parallel_loop3A_1454 = arith.select %parallel_loop3A_1453, %parallel_loop3A_1447, %parallel_loop3A_1435 : vector<16xi1>, vector<16xf32>
        %parallel_loop3A_1455 = arith.select %parallel_loop3A_1453, %parallel_loop3A_1448, %parallel_loop3A_1436 : vector<16xi1>, vector<16xi32>
        %parallel_loop3A_1456 = arith.constant 16 : i32
        %parallel_loop3A_1457 = vector.broadcast %parallel_loop3A_1456 : i32 to vector<16xi32>
        %parallel_loop3A_1458 = arith.muli %iota3A_46, %parallel_loop3A_1457 : vector<16xi32>
        %parallel_loop3A_1459 = arith.constant 9 : i32
        %parallel_loop3A_1460 = vector.broadcast %parallel_loop3A_1459 : i32 to vector<16xi32>
        %parallel_loop3A_1461 = arith.addi %iota3A_46, %parallel_loop3A_1460 : vector<16xi32>
        %parallel_loop3A_1462 = arith.constant 15 : i32
        %parallel_loop3A_1463 = vector.broadcast %parallel_loop3A_1462 : i32 to vector<16xi32>
        %parallel_loop3A_1464 = arith.andi %parallel_loop3A_1461, %parallel_loop3A_1463 : vector<16xi32>
        %parallel_loop3A_1465 = arith.addi %parallel_loop3A_1458, %parallel_loop3A_1464 : vector<16xi32>
        %parallel_loop3A_1466 = tpu.vector_load_idx %arg7[%parallel_loop3A_57, %parallel_loop3A_1465] : memref<16x256xf32, #tpu.memory_space<vmem>>[vector<16xi32>, vector<16xi32>], vector<16xf32>,
        %parallel_loop3A_1467 = tpu.vector_load_idx %arg8[%parallel_loop3A_57, %parallel_loop3A_1465] : memref<16x256xi32, #tpu.memory_space<vmem>>[vector<16xi32>, vector<16xi32>], vector<16xi32>,
        %parallel_loop3A_1468 = arith.cmpf ogt, %parallel_loop3A_1466, %parallel_loop3A_1454 : vector<16xf32>
        %parallel_loop3A_1469 = arith.cmpf oeq, %parallel_loop3A_1466, %parallel_loop3A_1454 : vector<16xf32>
        %parallel_loop3A_1470 = arith.cmpi slt, %parallel_loop3A_1467, %parallel_loop3A_1455 : vector<16xi32>
        %parallel_loop3A_1471 = arith.andi %parallel_loop3A_1469, %parallel_loop3A_1470 : vector<16xi1>
        %parallel_loop3A_1472 = arith.ori %parallel_loop3A_1468, %parallel_loop3A_1471 : vector<16xi1>
        %parallel_loop3A_1473 = arith.select %parallel_loop3A_1472, %parallel_loop3A_1466, %parallel_loop3A_1454 : vector<16xi1>, vector<16xf32>
        %parallel_loop3A_1474 = arith.select %parallel_loop3A_1472, %parallel_loop3A_1467, %parallel_loop3A_1455 : vector<16xi1>, vector<16xi32>
        %parallel_loop3A_1475 = arith.constant 16 : i32
        %parallel_loop3A_1476 = vector.broadcast %parallel_loop3A_1475 : i32 to vector<16xi32>
        %parallel_loop3A_1477 = arith.muli %iota3A_46, %parallel_loop3A_1476 : vector<16xi32>
        %parallel_loop3A_1478 = arith.constant 10 : i32
        %parallel_loop3A_1479 = vector.broadcast %parallel_loop3A_1478 : i32 to vector<16xi32>
        %parallel_loop3A_1480 = arith.addi %iota3A_46, %parallel_loop3A_1479 : vector<16xi32>
        %parallel_loop3A_1481 = arith.constant 15 : i32
        %parallel_loop3A_1482 = vector.broadcast %parallel_loop3A_1481 : i32 to vector<16xi32>
        %parallel_loop3A_1483 = arith.andi %parallel_loop3A_1480, %parallel_loop3A_1482 : vector<16xi32>
        %parallel_loop3A_1484 = arith.addi %parallel_loop3A_1477, %parallel_loop3A_1483 : vector<16xi32>
        %parallel_loop3A_1485 = tpu.vector_load_idx %arg7[%parallel_loop3A_57, %parallel_loop3A_1484] : memref<16x256xf32, #tpu.memory_space<vmem>>[vector<16xi32>, vector<16xi32>], vector<16xf32>,
        %parallel_loop3A_1486 = tpu.vector_load_idx %arg8[%parallel_loop3A_57, %parallel_loop3A_1484] : memref<16x256xi32, #tpu.memory_space<vmem>>[vector<16xi32>, vector<16xi32>], vector<16xi32>,
        %parallel_loop3A_1487 = arith.cmpf ogt, %parallel_loop3A_1485, %parallel_loop3A_1473 : vector<16xf32>
        %parallel_loop3A_1488 = arith.cmpf oeq, %parallel_loop3A_1485, %parallel_loop3A_1473 : vector<16xf32>
        %parallel_loop3A_1489 = arith.cmpi slt, %parallel_loop3A_1486, %parallel_loop3A_1474 : vector<16xi32>
        %parallel_loop3A_1490 = arith.andi %parallel_loop3A_1488, %parallel_loop3A_1489 : vector<16xi1>
        %parallel_loop3A_1491 = arith.ori %parallel_loop3A_1487, %parallel_loop3A_1490 : vector<16xi1>
        %parallel_loop3A_1492 = arith.select %parallel_loop3A_1491, %parallel_loop3A_1485, %parallel_loop3A_1473 : vector<16xi1>, vector<16xf32>
        %parallel_loop3A_1493 = arith.select %parallel_loop3A_1491, %parallel_loop3A_1486, %parallel_loop3A_1474 : vector<16xi1>, vector<16xi32>
        %parallel_loop3A_1494 = arith.constant 16 : i32
        %parallel_loop3A_1495 = vector.broadcast %parallel_loop3A_1494 : i32 to vector<16xi32>
        %parallel_loop3A_1496 = arith.muli %iota3A_46, %parallel_loop3A_1495 : vector<16xi32>
        %parallel_loop3A_1497 = arith.constant 11 : i32
        %parallel_loop3A_1498 = vector.broadcast %parallel_loop3A_1497 : i32 to vector<16xi32>
        %parallel_loop3A_1499 = arith.addi %iota3A_46, %parallel_loop3A_1498 : vector<16xi32>
        %parallel_loop3A_1500 = arith.constant 15 : i32
        %parallel_loop3A_1501 = vector.broadcast %parallel_loop3A_1500 : i32 to vector<16xi32>
        %parallel_loop3A_1502 = arith.andi %parallel_loop3A_1499, %parallel_loop3A_1501 : vector<16xi32>
        %parallel_loop3A_1503 = arith.addi %parallel_loop3A_1496, %parallel_loop3A_1502 : vector<16xi32>
        %parallel_loop3A_1504 = tpu.vector_load_idx %arg7[%parallel_loop3A_57, %parallel_loop3A_1503] : memref<16x256xf32, #tpu.memory_space<vmem>>[vector<16xi32>, vector<16xi32>], vector<16xf32>,
        %parallel_loop3A_1505 = tpu.vector_load_idx %arg8[%parallel_loop3A_57, %parallel_loop3A_1503] : memref<16x256xi32, #tpu.memory_space<vmem>>[vector<16xi32>, vector<16xi32>], vector<16xi32>,
        %parallel_loop3A_1506 = arith.cmpf ogt, %parallel_loop3A_1504, %parallel_loop3A_1492 : vector<16xf32>
        %parallel_loop3A_1507 = arith.cmpf oeq, %parallel_loop3A_1504, %parallel_loop3A_1492 : vector<16xf32>
        %parallel_loop3A_1508 = arith.cmpi slt, %parallel_loop3A_1505, %parallel_loop3A_1493 : vector<16xi32>
        %parallel_loop3A_1509 = arith.andi %parallel_loop3A_1507, %parallel_loop3A_1508 : vector<16xi1>
        %parallel_loop3A_1510 = arith.ori %parallel_loop3A_1506, %parallel_loop3A_1509 : vector<16xi1>
        %parallel_loop3A_1511 = arith.select %parallel_loop3A_1510, %parallel_loop3A_1504, %parallel_loop3A_1492 : vector<16xi1>, vector<16xf32>
        %parallel_loop3A_1512 = arith.select %parallel_loop3A_1510, %parallel_loop3A_1505, %parallel_loop3A_1493 : vector<16xi1>, vector<16xi32>
        %parallel_loop3A_1513 = arith.constant 16 : i32
        %parallel_loop3A_1514 = vector.broadcast %parallel_loop3A_1513 : i32 to vector<16xi32>
        %parallel_loop3A_1515 = arith.muli %iota3A_46, %parallel_loop3A_1514 : vector<16xi32>
        %parallel_loop3A_1516 = arith.constant 12 : i32
        %parallel_loop3A_1517 = vector.broadcast %parallel_loop3A_1516 : i32 to vector<16xi32>
        %parallel_loop3A_1518 = arith.addi %iota3A_46, %parallel_loop3A_1517 : vector<16xi32>
        %parallel_loop3A_1519 = arith.constant 15 : i32
        %parallel_loop3A_1520 = vector.broadcast %parallel_loop3A_1519 : i32 to vector<16xi32>
        %parallel_loop3A_1521 = arith.andi %parallel_loop3A_1518, %parallel_loop3A_1520 : vector<16xi32>
        %parallel_loop3A_1522 = arith.addi %parallel_loop3A_1515, %parallel_loop3A_1521 : vector<16xi32>
        %parallel_loop3A_1523 = tpu.vector_load_idx %arg7[%parallel_loop3A_57, %parallel_loop3A_1522] : memref<16x256xf32, #tpu.memory_space<vmem>>[vector<16xi32>, vector<16xi32>], vector<16xf32>,
        %parallel_loop3A_1524 = tpu.vector_load_idx %arg8[%parallel_loop3A_57, %parallel_loop3A_1522] : memref<16x256xi32, #tpu.memory_space<vmem>>[vector<16xi32>, vector<16xi32>], vector<16xi32>,
        %parallel_loop3A_1525 = arith.cmpf ogt, %parallel_loop3A_1523, %parallel_loop3A_1511 : vector<16xf32>
        %parallel_loop3A_1526 = arith.cmpf oeq, %parallel_loop3A_1523, %parallel_loop3A_1511 : vector<16xf32>
        %parallel_loop3A_1527 = arith.cmpi slt, %parallel_loop3A_1524, %parallel_loop3A_1512 : vector<16xi32>
        %parallel_loop3A_1528 = arith.andi %parallel_loop3A_1526, %parallel_loop3A_1527 : vector<16xi1>
        %parallel_loop3A_1529 = arith.ori %parallel_loop3A_1525, %parallel_loop3A_1528 : vector<16xi1>
        %parallel_loop3A_1530 = arith.select %parallel_loop3A_1529, %parallel_loop3A_1523, %parallel_loop3A_1511 : vector<16xi1>, vector<16xf32>
        %parallel_loop3A_1531 = arith.select %parallel_loop3A_1529, %parallel_loop3A_1524, %parallel_loop3A_1512 : vector<16xi1>, vector<16xi32>
        %parallel_loop3A_1532 = arith.constant 16 : i32
        %parallel_loop3A_1533 = vector.broadcast %parallel_loop3A_1532 : i32 to vector<16xi32>
        %parallel_loop3A_1534 = arith.muli %iota3A_46, %parallel_loop3A_1533 : vector<16xi32>
        %parallel_loop3A_1535 = arith.constant 13 : i32
        %parallel_loop3A_1536 = vector.broadcast %parallel_loop3A_1535 : i32 to vector<16xi32>
        %parallel_loop3A_1537 = arith.addi %iota3A_46, %parallel_loop3A_1536 : vector<16xi32>
        %parallel_loop3A_1538 = arith.constant 15 : i32
        %parallel_loop3A_1539 = vector.broadcast %parallel_loop3A_1538 : i32 to vector<16xi32>
        %parallel_loop3A_1540 = arith.andi %parallel_loop3A_1537, %parallel_loop3A_1539 : vector<16xi32>
        %parallel_loop3A_1541 = arith.addi %parallel_loop3A_1534, %parallel_loop3A_1540 : vector<16xi32>
        %parallel_loop3A_1542 = tpu.vector_load_idx %arg7[%parallel_loop3A_57, %parallel_loop3A_1541] : memref<16x256xf32, #tpu.memory_space<vmem>>[vector<16xi32>, vector<16xi32>], vector<16xf32>,
        %parallel_loop3A_1543 = tpu.vector_load_idx %arg8[%parallel_loop3A_57, %parallel_loop3A_1541] : memref<16x256xi32, #tpu.memory_space<vmem>>[vector<16xi32>, vector<16xi32>], vector<16xi32>,
        %parallel_loop3A_1544 = arith.cmpf ogt, %parallel_loop3A_1542, %parallel_loop3A_1530 : vector<16xf32>
        %parallel_loop3A_1545 = arith.cmpf oeq, %parallel_loop3A_1542, %parallel_loop3A_1530 : vector<16xf32>
        %parallel_loop3A_1546 = arith.cmpi slt, %parallel_loop3A_1543, %parallel_loop3A_1531 : vector<16xi32>
        %parallel_loop3A_1547 = arith.andi %parallel_loop3A_1545, %parallel_loop3A_1546 : vector<16xi1>
        %parallel_loop3A_1548 = arith.ori %parallel_loop3A_1544, %parallel_loop3A_1547 : vector<16xi1>
        %parallel_loop3A_1549 = arith.select %parallel_loop3A_1548, %parallel_loop3A_1542, %parallel_loop3A_1530 : vector<16xi1>, vector<16xf32>
        %parallel_loop3A_1550 = arith.select %parallel_loop3A_1548, %parallel_loop3A_1543, %parallel_loop3A_1531 : vector<16xi1>, vector<16xi32>
        %parallel_loop3A_1551 = arith.constant 16 : i32
        %parallel_loop3A_1552 = vector.broadcast %parallel_loop3A_1551 : i32 to vector<16xi32>
        %parallel_loop3A_1553 = arith.muli %iota3A_46, %parallel_loop3A_1552 : vector<16xi32>
        %parallel_loop3A_1554 = arith.constant 14 : i32
        %parallel_loop3A_1555 = vector.broadcast %parallel_loop3A_1554 : i32 to vector<16xi32>
        %parallel_loop3A_1556 = arith.addi %iota3A_46, %parallel_loop3A_1555 : vector<16xi32>
        %parallel_loop3A_1557 = arith.constant 15 : i32
        %parallel_loop3A_1558 = vector.broadcast %parallel_loop3A_1557 : i32 to vector<16xi32>
        %parallel_loop3A_1559 = arith.andi %parallel_loop3A_1556, %parallel_loop3A_1558 : vector<16xi32>
        %parallel_loop3A_1560 = arith.addi %parallel_loop3A_1553, %parallel_loop3A_1559 : vector<16xi32>
        %parallel_loop3A_1561 = tpu.vector_load_idx %arg7[%parallel_loop3A_57, %parallel_loop3A_1560] : memref<16x256xf32, #tpu.memory_space<vmem>>[vector<16xi32>, vector<16xi32>], vector<16xf32>,
        %parallel_loop3A_1562 = tpu.vector_load_idx %arg8[%parallel_loop3A_57, %parallel_loop3A_1560] : memref<16x256xi32, #tpu.memory_space<vmem>>[vector<16xi32>, vector<16xi32>], vector<16xi32>,
        %parallel_loop3A_1563 = arith.cmpf ogt, %parallel_loop3A_1561, %parallel_loop3A_1549 : vector<16xf32>
        %parallel_loop3A_1564 = arith.cmpf oeq, %parallel_loop3A_1561, %parallel_loop3A_1549 : vector<16xf32>
        %parallel_loop3A_1565 = arith.cmpi slt, %parallel_loop3A_1562, %parallel_loop3A_1550 : vector<16xi32>
        %parallel_loop3A_1566 = arith.andi %parallel_loop3A_1564, %parallel_loop3A_1565 : vector<16xi1>
        %parallel_loop3A_1567 = arith.ori %parallel_loop3A_1563, %parallel_loop3A_1566 : vector<16xi1>
        %parallel_loop3A_1568 = arith.select %parallel_loop3A_1567, %parallel_loop3A_1561, %parallel_loop3A_1549 : vector<16xi1>, vector<16xf32>
        %parallel_loop3A_1569 = arith.select %parallel_loop3A_1567, %parallel_loop3A_1562, %parallel_loop3A_1550 : vector<16xi1>, vector<16xi32>
        %parallel_loop3A_1570 = arith.constant 16 : i32
        %parallel_loop3A_1571 = vector.broadcast %parallel_loop3A_1570 : i32 to vector<16xi32>
        %parallel_loop3A_1572 = arith.muli %iota3A_46, %parallel_loop3A_1571 : vector<16xi32>
        %parallel_loop3A_1573 = arith.constant 15 : i32
        %parallel_loop3A_1574 = vector.broadcast %parallel_loop3A_1573 : i32 to vector<16xi32>
        %parallel_loop3A_1575 = arith.addi %iota3A_46, %parallel_loop3A_1574 : vector<16xi32>
        %parallel_loop3A_1576 = arith.constant 15 : i32
        %parallel_loop3A_1577 = vector.broadcast %parallel_loop3A_1576 : i32 to vector<16xi32>
        %parallel_loop3A_1578 = arith.andi %parallel_loop3A_1575, %parallel_loop3A_1577 : vector<16xi32>
        %parallel_loop3A_1579 = arith.addi %parallel_loop3A_1572, %parallel_loop3A_1578 : vector<16xi32>
        %parallel_loop3A_1580 = tpu.vector_load_idx %arg7[%parallel_loop3A_57, %parallel_loop3A_1579] : memref<16x256xf32, #tpu.memory_space<vmem>>[vector<16xi32>, vector<16xi32>], vector<16xf32>,
        %parallel_loop3A_1581 = tpu.vector_load_idx %arg8[%parallel_loop3A_57, %parallel_loop3A_1579] : memref<16x256xi32, #tpu.memory_space<vmem>>[vector<16xi32>, vector<16xi32>], vector<16xi32>,
        %parallel_loop3A_1582 = arith.cmpf ogt, %parallel_loop3A_1580, %parallel_loop3A_1568 : vector<16xf32>
        %parallel_loop3A_1583 = arith.cmpf oeq, %parallel_loop3A_1580, %parallel_loop3A_1568 : vector<16xf32>
        %parallel_loop3A_1584 = arith.cmpi slt, %parallel_loop3A_1581, %parallel_loop3A_1569 : vector<16xi32>
        %parallel_loop3A_1585 = arith.andi %parallel_loop3A_1583, %parallel_loop3A_1584 : vector<16xi1>
        %parallel_loop3A_1586 = arith.ori %parallel_loop3A_1582, %parallel_loop3A_1585 : vector<16xi1>
        %parallel_loop3A_1587 = arith.select %parallel_loop3A_1586, %parallel_loop3A_1580, %parallel_loop3A_1568 : vector<16xi1>, vector<16xf32>
        %parallel_loop3A_1588 = arith.select %parallel_loop3A_1586, %parallel_loop3A_1581, %parallel_loop3A_1569 : vector<16xi1>, vector<16xi32>
        %parallel_loop3A_1589 = arith.addi %mul3A_45, %parallel_loop3A_59 : i32
        %parallel_loop3A_1590 = arith.index_cast %parallel_loop3A_1589 : i32 to index
        %parallel_loop3A_1591 = tpu.vector_load %arg6[%parallel_loop3A_1590] {strides = array<i32>} : memref<9216xi32, #tpu.memory_space<vmem>>, vector<16xi32>,
        tpu.vector_store %arg6[%parallel_loop3A_1590], %parallel_loop3A_1588 {strides = array<i32>} : memref<9216xi32, #tpu.memory_space<vmem>>, vector<16xi32>,
        scf.yield %parallel_loop3A_53 : i32
      } {sc.loop_unroll_factor = 2 : i64, sc.parallel_access}
    }
    %scan3A_10 = arith.constant 18 : i32
    "tpu.region"() ({
      %run_scoped3A = tpu.sem_alloc : memref<!tpu.dma_semaphore, #tpu.memory_space<semaphore_mem>>
      %dma_start3A_11 = tpu.memref_slice %arg3[%mul3A_2] : memref<294912xi32, #tpu.memory_space<hbm>> -> memref<9216xi32, #tpu.memory_space<hbm>>
      %dma_start3A_12 = tpu.memref_slice %arg3[%mul3A_2] : memref<294912xi32, #tpu.memory_space<hbm>> -> memref<9216xi32, #tpu.memory_space<hbm>>
      tpu.enqueue_dma source(%arg6 : memref<9216xi32, #tpu.memory_space<vmem>>) target(%dma_start3A_12 : memref<9216xi32, #tpu.memory_space<hbm>>) target_semaphore(%run_scoped3A : memref<!tpu.dma_semaphore, #tpu.memory_space<semaphore_mem>>)
      %dma_wait3A = tpu.memref_slice %arg3[%mul3A_2] : memref<294912xi32, #tpu.memory_space<hbm>> -> memref<9216xi32, #tpu.memory_space<hbm>>
      %dma_wait3A_13 = tpu.memref_slice %arg3[%mul3A_2] : memref<294912xi32, #tpu.memory_space<hbm>> -> memref<9216xi32, #tpu.memory_space<hbm>>
      tpu.wait_dma2 semaphore(%run_scoped3A : memref<!tpu.dma_semaphore, #tpu.memory_space<semaphore_mem>>) src(%arg6 : memref<9216xi32, #tpu.memory_space<vmem>>) dst(%dma_wait3A_13 : memref<9216xi32, #tpu.memory_space<hbm>>)
      tpu.yield
    }) : () -> ()
    return
  }
}

module attributes {stable_mosaic.version = 14 : i64} {
  func.func @_tc_body(%arg0: i32, %arg1: memref<8192x128xf32, #tpu.memory_space<vmem>>, %arg2: memref<8192xi32, #tpu.memory_space<vmem>>) attributes {dimension_semantics = [#tpu.dimension_semantics<arbitrary>], iteration_bounds = array<i64: 28>, scalar_prefetch = 0 : i64, scratch_operands = 0 : i64, tpu.core_type = #tpu.core_type<tc>, window_params = [{transform_indices = @transform_0, window_bounds = array<i64: 8192, 128>}, {transform_indices = @transform_1, window_bounds = array<i64: 8192>}]} {
    %get3A = arith.constant 0 : index
    %get3A_0 = arith.constant 0 : index
    %get3A_1 = vector.load %arg1[%get3A, %get3A_0] : memref<8192x128xf32, #tpu.memory_space<vmem>>, vector<8192x128xf32>
    %argmax3A = tpu.reduce_index %get3A_1 {axis = 1 : i32, kind = #tpu.reduction_kind<arg_max>} : vector<8192x128xf32> -> vector<8192xi32>
    %swap3A = arith.constant 0 : index
    %swap3A_2 = vector.load %arg2[%swap3A] : memref<8192xi32, #tpu.memory_space<vmem>>, vector<8192xi32>
    tpu.vector_store %arg2[%swap3A], %argmax3A {strides = array<i32>} : memref<8192xi32, #tpu.memory_space<vmem>>, vector<8192xi32>,
    return
  }
  func.func @transform_0(%arg0: i32) -> (i32, i32) {
    %add3A = arith.constant 36 : i32
    %add3A_0 = arith.addi %arg0, %add3A : i32
    %c0_i32 = arith.constant 0 : i32
    %c0_i32_1 = arith.constant 0 : i32
    return %add3A_0, %c0_i32 : i32, i32
  }
  func.func @transform_1(%arg0: i32) -> i32 {
    %c0_i32 = arith.constant 0 : i32
    return %arg0 : i32
  }
}

</mosaic_0001>

<sc_bundles>
// kernel: kernel.4.cloned.1.call-start
scs
__scs_entry_jumppad:
0x0: {  	(pc) =	sbr.rel $0x88, $3  }
0x1: {  	(tag) =	ssettag $0x0;
	lr =	simm.s32 $0x1  }
0x2: {  	[smem:$0x3FA0] =	sst lr;
	_ =	strace $0xD0000000  }
0x3: {  	_ = 	snop  }
0x4: {  	_ = 	snop  }
0x5: {  	_ = 	snop  }
0x6: {  	_ = 	snop  }
0x7: {  	_ = 	snop  }
__scs_overlays_trampoline_lowered:
0x8: {  	[smem:$0x3FAF] =	sst s0  }
0x9: {  	[smem:$0x3FB0] =	sst s1  }
0xa: {  	[smem:$0x3FB1] =	sst s2  }
0xb: {  	[smem:$0x3FB2] =	sst s3  }
0xc: {  	[smem:$0x3FB3] =	sst s4  }
0xd: {  	[smem:$0x3FB4] =	sst s5  }
0xe: {  	[smem:$0x3FB5] =	sst s6  }
0xf: {  	[smem:$0x3FB6] =	sst s7  }
0x10: {  	[smem:$0x3FB7] =	sst s8  }
0x11: {  	[smem:$0x3FB8] =	sst s9;
	s0 =	simm.s32 @!p0 $0x0  }
0x12: {  	s1 =	sld [smem:$0x3F9E];
	s0 =	simm.s32 @p0 $0x1  }
0x13: {  	[smem:$0x3FB9] =	sst s0;
	s0 =	simm.s32 @!p1 $0x0  }
0x14: {  	s2 =	sld [smem:$0x3F9D];
	s0 =	simm.s32 @p1 $0x1  }
0x15: {  	[smem:$0x3FBA] =	sst s0;
	s0 =	simm.s32 @!p2 $0x0  }
0x16: {  	s3 =	sld [smem:$0x3FDB];
	s0 =	simm.s32 @p2 $0x1  }
0x17: {  	s4 =	simm.s32 $0x1BF5;
	[smem:$0x3FBC] =	sst s0  }
0x18: {  	s0 =	sld [smem:$0x3F9F];
	_ =	swait.ge [sflag:s4], $0x0  }
0x19: {  	s7 =	sld [smem:$0x3FA0]  }
0x1a: {  	s8 =	sadd.s32 $0xFFFFE003, lr  }
0x1b: {  	s9 =	sadd.s32 $0xFFFFFEF7, lr;
	s5 =	simm.s32 $0xFFFFFFFF;
	p2 =	slt.u32 s8, $0xFFFFF086  }
0x1c: {  	p1 =	slt.u32 s9, $0xF7A;
	s5 =	simm.s32 @!p2 $0x0  }
0x1d: {  	s5 =	simm.s32 @p1 $0x1;
	p0 =	seq.s32 s7, s2  }
0x1e: {  	s7 =	smul.u32 @!p0 $0xF7A, s2;
	p2 =	seq.s32 @!p0 s5, $0x0  }
0x1f: {  	s9 =	smul.u32 $0xF7A, s1;
	s8 =	simm.s32 @!p0 $0x1BF5;
	p2 =	por !p2, p0  }
0x20: {  	[sflag:s8] =	ssyncset.s32 @!p0 $0xFFFFF086;
	s6 =	sadd.s32 @!p0 s3, s7;
	s7 =	simm.s32 @!p0 $0x108  }
0x21: {  	s3 =	sadd.s32 s3, s9;
	s6 =	sadd.s32 @!p0 $0x88, s6;
	s7 =	simm.s32 @p2 $0x1082  }
0x22: {  	[simem:s7], [sflag:s8] =	dma.local @!p0 [hbm:s6], $0xF7A  }
0x23: {  	s9 =	sor.u32 $0xD0000000, s2;
	s6 =	simm.s32 $0x108;
	_ =	swait.ge @!p0 [sflag:s8], $0x0  }
0x24: {  	s3 =	sadd.s32 $0x88, s3;
	s6 =	simm.s32 @!p1 $0x1082;
	[sflag:s4] =	ssyncset.s32 $0xFFFFF086  }
0x25: {  	[simem:s6], [sflag:s4] =	dma.local [hbm:s3], $0xF7A  }
0x26: {  	[smem:$0x3FA0] =	sst s1;
	(tag) =	ssettag s2;
	_ =	strace s9  }
0x27: {  	s1 =	sld [smem:$0x3FB0]  }
0x28: {  	s2 =	sld [smem:$0x3FB1]  }
0x29: {  	s4 =	sld [smem:$0x3FB3]  }
0x2a: {  	p0 =	seq.s32 s5, $0x0;
	s5 =	sld [smem:$0x3FB4]  }
0x2b: {  	s6 =	sld [smem:$0x3FB5]  }
0x2c: {  	s7 =	sld [smem:$0x3FB6]  }
0x2d: {  	s3 =	simm.s32 $0x108;
	s8 =	sld [smem:$0x3FB7]  }
0x2e: {  	s3 =	simm.s32 @!p0 $0x1082;
	s9 =	sld [smem:$0x3FB8]  }
0x2f: {  	lr =	sadd.s32 s0, s3;
	s0 =	sld [smem:$0x3FAF]  }
0x30: {  	s3 =	sld [smem:$0x3FB2]  }
0x31: {  	[smem:$0x3FBB] =	sst s10  }
0x32: {  	s10 =	sld [smem:$0x3FB9];
	_ =	sdelay $0x3  }
0x33: {  	p0 =	seq.s32 s10, $0x1;
	s10 =	sld [smem:$0x3FBB];
	_ =	sdelay $0x3  }
0x34: {  	[smem:$0x3FBB] =	sst s10  }
0x35: {  	s10 =	sld [smem:$0x3FBA];
	_ =	sdelay $0x3  }
0x36: {  	p1 =	seq.s32 s10, $0x1;
	s10 =	sld [smem:$0x3FBB];
	_ =	sdelay $0x3  }
0x37: {  	[smem:$0x3FBB] =	sst s10  }
0x38: {  	s10 =	sld [smem:$0x3FBC]  }
0x39: {  	_ = 	snop;
	(pc) =	sbr.ind lr, $3  }
0x3a: {  	_ = 	snop  }
0x3b: {  	_ = 	snop  }
0x3c: {  	p2 =	seq.s32 s10, $0x1;
	s10 =	sld [smem:$0x3FBB]  }
0x3d: {  	_ =	shalt  }
0x3e: {  	_ =	shalt  }
0x3f: {  	_ =	shalt  }
0x40: {  	_ =	shalt  }
0x41: {  	_ =	shalt  }
0x42: {  	_ =	shalt  }
0x43: {  	_ =	shalt  }
0x44: {  	_ =	shalt  }
0x45: {  	_ =	shalt  }
0x46: {  	_ =	shalt  }
0x47: {  	_ =	shalt  }
0x48: {  	_ =	shalt  }
0x49: {  	_ =	shalt  }
0x4a: {  	_ =	shalt  }
0x4b: {  	_ =	shalt  }
0x4c: {  	_ =	shalt  }
0x4d: {  	_ =	shalt  }
0x4e: {  	_ =	shalt  }
0x4f: {  	_ =	shalt  }
0x50: {  	_ =	shalt  }
0x51: {  	_ =	shalt  }
0x52: {  	_ =	shalt  }
0x53: {  	_ =	shalt  }
0x54: {  	_ =	shalt  }
0x55: {  	_ =	shalt  }
0x56: {  	_ =	shalt  }
0x57: {  	_ =	shalt  }
0x58: {  	_ =	shalt  }
0x59: {  	_ =	shalt  }
0x5a: {  	_ =	shalt  }
0x5b: {  	_ =	shalt  }
0x5c: {  	_ =	shalt  }
0x5d: {  	_ =	shalt  }
0x5e: {  	_ =	shalt  }
0x5f: {  	_ =	shalt  }
0x60: {  	_ =	shalt  }
0x61: {  	_ =	shalt  }
0x62: {  	_ =	shalt  }
0x63: {  	_ =	shalt  }
0x64: {  	_ =	shalt  }
0x65: {  	_ =	shalt  }
0x66: {  	_ =	shalt  }
0x67: {  	_ =	shalt  }
0x68: {  	_ =	shalt  }
0x69: {  	_ =	shalt  }
0x6a: {  	_ =	shalt  }
0x6b: {  	_ =	shalt  }
0x6c: {  	_ =	shalt  }
0x6d: {  	_ =	shalt  }
0x6e: {  	_ =	shalt  }
0x6f: {  	_ =	shalt  }
0x70: {  	_ =	shalt  }
0x71: {  	_ =	shalt  }
0x72: {  	_ =	shalt  }
0x73: {  	_ =	shalt  }
0x74: {  	_ =	shalt  }
0x75: {  	_ =	shalt  }
0x76: {  	_ =	shalt  }
0x77: {  	_ =	shalt  }
0x78: {  	_ =	shalt  }
0x79: {  	_ =	shalt  }
0x7a: {  	_ =	shalt  }
0x7b: {  	_ =	shalt  }
0x7c: {  	_ =	shalt  }
0x7d: {  	_ =	shalt  }
0x7e: {  	_ =	shalt  }
0x7f: {  	_ =	shalt  }
0x80: {  	_ =	shalt  }
0x81: {  	_ =	shalt  }
0x82: {  	_ =	shalt  }
0x83: {  	_ =	shalt  }
0x84: {  	_ =	shalt  }
0x85: {  	_ =	shalt  }
0x86: {  	_ =	shalt  }
0x87: {  	_ =	shalt  }
.Lfunc_end0:
.L_simem_size_0:
called_computation_lowered:
.L_overlay_start_0:
0x88: {  	s2 =	sld [smem:$0x3FD9]  }
0x89: {  	s3 =	sld [smem:$0x3FFE];
	_ =	sdelay $0x1  }
0x8a: {  	s1 =	srdreg.scid  }
0x8b: {  	s0 =	sand.u32 $0x1, s1  }
0x8c: {  	s17 =	sshll.u32 s0, $0xA;
	s2 =	sadd.s32 s3, s2  }
0x8d: {  	s2 =	sadd.s32 s2, s17  }
0x8e: {  	[smem:$0x3FC7] =	sst s2  }
0x8f: {  	_ = 	snop  }
0x90: {  	s2 =	sld [smem:$0x3FC9];
	(tm) =	ssettm $0x1  }
0x91: {  	s18 =	sld [smem:$0x3FFB];
	_ =	sdelay $0x3  }
0x92: {  	_ =	strace s18  }
0x93: {  	s3 =	sld [smem:$0x3FFC];
	_ =	sdelay $0x3  }
0x94: {  	_ =	strace s3  }
0x95: {  	s3 =	sld [smem:$0x3FFD];
	_ =	sdelay $0x3  }
0x96: {  	_ =	strace s3  }
0x97: {  	_ =	strace $0x8FFFFFFF  }
0x98: {  	s19 =	sld [smem:$0x3FDB];
	_ =	sdelay $0x1  }
0x99: {  	s4 =	simm.s32 $_scs_section_size  }
0x9a: {  	s5 =	simm.s32 $_size__tile_overlayer_lowered;
	s6 =	simm.s32 $_tile_overlayer_lowered  }
0x9b: {  	s22 =	simm.s32 $0x1BFF;
	s21 =	sshll.u32 s6, $0x1;
	s3 =	sadd.s32 s4, s19  }
0x9c: {  	s7 =	simm.s32 $0x0;
	s20 =	sshll.u32 s5, $0x1;
	s5 =	sadd.s32 s21, s3  }
0x9d: {  	[timem:s7], [sflag:s22] =	dma.local [hbm:s5], s20  }
0x9e: {  	_ =	swait.ge [sflag:s22], s20  }
0x9f: {  	s4 =	ssub.s32 $0x0, s20;
	[sflag:s22] =	ssyncset.done $0x0  }
0xa0: {  	[sflag:s22] =	ssyncadd.s32 s4;
	_ =	sdelay $0x1  }
0xa1: {  	s23 =	simm.s32 $0x1B8B  }
0xa2: {  	_ =	swait.ge [sflag:s23], $0x1  }
0xa3: {  	[sflag:s23] =	ssyncset.done $0x0  }
0xa4: {  	s25 =	simm.s32 $0x1B8E;
	s24 =	sld [smem:$0x3FFE];
	[sflag:s23] =	ssyncadd.s32 $0xFFFFFFFF  }
0xa5: {  	s26 =	simm.s32 $execute0_lowered;
	[smem:$0x3FD2] =	sst s25  }
0xa6: {  	s5 =	sshll.u32 s26, $0x1;
	_ =	strace $0x80000046;
	[dreg:$0x1] =	wrdreg $0xFFFFFFFF  }
0xa7: {  	s28 =	simm.s32 $_size_execute0_lowered;
	s3 =	sadd.s32 s3, s5;
	[dreg:$0x0] =	wrdreg $0x0  }
0xa8: {  	s5 =	sshll.u32 s28, $0x1;
	[dreg:$0x2] =	wrdreg s3  }
0xa9: {  	[dreg:$0x3] =	wrdreg s5  }
0xaa: {  	[dreg:$0x4] =	wrdreg $0xC0  }
0xab: {  	_ =	task [dreg:s7], $0x5FFFF  }
0xac: {  	[dreg:$0x1] =	wrdreg $0xFFFFFFFF  }
0xad: {  	[dreg:$0x0] =	wrdreg $0x60  }
0xae: {  	[dreg:$0x2] =	wrdreg s2  }
0xaf: {  	[dreg:$0x3] =	wrdreg s24  }
0xb0: {  	[dreg:$0x4] =	wrdreg $0x9  }
0xb1: {  	_ =	task.clear_ibuf [dreg:s7], $0x5FFFF;
	_ =	strace $0x90000046  }
0xb2: {  	s29 =	simm.s32 $0x9;
	_ =	strace $0x80000048  }
0xb3: {  	_ =	swait.ge [sflag:s29], $0x1  }
0xb4: {  	[sflag:s29] =	ssyncadd.s32 $0xFFFFFFFF  }
0xb5: {  	_ =	strace $0x90000048  }
0xb6: {  	_ =	sfence  }
0xb7: {  	s30 =	sld [smem:$0x0];
	_ =	sdelay $0x2  }
0xb8: {  	s31 =	sshll.u32 s1, $0xD;
	s1 =	sshrl.u32 s1, $0x2  }
0xb9: {  	s3 =	sand.u32 $0x4000, s31;
	s1 =	sadd.s32 s1, s30  }
0xba: {  	s0 =	sor.u32 s3, s0;
	s1 =	sshll.u32 s1, $0x11  }
0xbb: {  	s0 =	sor.u32 s1, s0  }
0xbc: {  	s0 =	sadd.s32 $0x8F2B, s0  }
0xbd: {  	[sflag:s0] =	ssyncadd.remote.s32 $0x1  }
0xbe: {  	_ =	sfence.sel $0xFFFF  }
0xbf: {  	[dreg:$0x0] =	wrdreg $0xFFFFFFFF;
	(pc) =	sbr.abs _section_cstart, $3  }
0xc0: {  	[dreg:$0x1] =	wrdreg $0xFFFFFFFF  }
0xc1: {  	_ =	task.clear_ibuf [dreg:s7], $0x2FFFF;
	_ =	strace $0x9FFFFFFF  }
0xc2: {  	(tm) =	ssettm $0x7FFFFFFF  }
0xc3: {  	_ =	shalt  }
tec
execute0_lowered:
.L_overlay_start_1:
0x0: {  	(tag) =	ssettag $0x1  }
0x1: {  	v0 =	vlaneseq.u32;
	v5 =	vimm.s32 $0x1C1B1A19;
	v6 =	vimm.s32 $0x101F1E1D  }
0x2: {  	vm0 =	vcmask $0x1F10;
	v9 =	vimm.s32 $0x18171615;
	v10 =	vimm.s32 $0x2D2C2B2A  }
0x3: {  	v11 =	vimm.s32 $0x21202F2E;
	v12 =	vimm.s32 $0x25242322;
	v13 =	vimm.s32 $0x29282726  }
0x4: {  	v14 =	vimm.s32 $0x3E3D3C3B;
	v15 =	vimm.s32 $0x3231303F;
	v16 =	vimm.s32 $0x5C5B5A59  }
0x5: {  	v17 =	vimm.s32 $0x61606F6E;
	v18 =	vimm.s32 $0x65646362;
	v19 =	vimm.s32 $0x69686766  }
0x6: {  	v20 =	vimm.s32 $0x6D6C6B6A;
	vm8 =	vcmask $0x300;
	vm11 =	vcmask $0x704  }
0x7: {  	vm12 =	vcmask $0xB08;
	vm13 =	vcmask $0xF0C;
	vm14 =	vcmask $0x1310  }
0x8: {  	vm9 =	vcmask $0x1714;
	vm10 =	vcmask $0x1B18;
	vm15 =	vcmask $0x1F1C  }
0x9: {  	vm7 =	vcmask $0x2320;
	vm6 =	vcmask $0x2724;
	vm5 =	vcmask $0x2B28  }
0xa: {  	vm4 =	vcmask $0x2F2C;
	vm1 =	vcmask $0x3330;
	vm2 =	vcmask $0x3734  }
0xb: {  	vm3 =	vcmask $0x3B38;
	v21 =	vimm.s32 $0x46D;
	v22 =	vimm.s32 $0x47E  }
0xc: {  	v23 =	vimm.s32 $0x33221100;
	v24 =	vimm.s32 $0x77665544;
	v25 =	vimm.s32 $0x78675645  }
0xd: {  	v26 =	vimm.s32 $0x35241302;
	v27 =	vimm.s32 $0x79685746;
	v28 =	vimm.s32 $0x7B6A5948  }
0xe: {  	v29 =	vimm.s32 $0x38271605;
	v30 =	vimm.s32 $0x7C6B5A49;
	v31 =	vimm.s32 $0x7E6D5C4B  }
0xf: {  	v32 =	vimm.s32 $0x3B2A1908;
	v33 =	vimm.s32 $0x7F6E5D4C;
	v54 =	vimm.s32 $0x3C2B1A09  }
0x10: {  	v55 =	vimm.s32 $0x706F5E4D;
	v56 =	vimm.s32 $0x3D2C1B0A;
	v34 =	vimm.s32 $0x71605F4E  }
0x11: {  	v35 =	vimm.s32 $0x3E2D1C0B;
	v36 =	vimm.s32 $0x7261504F;
	v58 =	vimm.s32 $0x3F2E1D0C  }
0x12: {  	v59 =	vimm.s32 $0x73625140;
	v37 =	vimm.s32 $0x302F1E0D;
	v38 =	vimm.s32 $0x74635241  }
0x13: {  	v61 =	vimm.s32 $0x31201F0E;
	v62 =	vimm.s32 $0x75645342;
	v63 =	vimm.s32 $0x3221100F  }
0x14: {  	v39 =	vimm.s32 $0x76655443;
	v1 =	vor.u32 $0x10, v0;
	v2 =	vor.u32 $0x20, v0  }
0x15: {  	v3 =	vor.u32 $0x30, v0;
	v4 =	vor.u32 $0x40, v0;
	v7 =	vunpack.c.0.s8.s32 v5  }
0x16: {  	v8 =	vunpack.c.0.s8.s32 v6;
	v5 =	vor.u32 $0x50, v0;
	v6 =	vor.u32 $0x60, v0  }
0x17: {  	v9 =	vunpack.c.0.s8.s32 v9;
	v10 =	vunpack.c.0.s8.s32 v10;
	v11 =	vunpack.c.0.s8.s32 v11  }
0x18: {  	v12 =	vunpack.c.0.s8.s32 v12;
	v13 =	vunpack.c.0.s8.s32 v13;
	v16 =	vunpack.c.0.s8.s32 v16  }
0x19: {  	v17 =	vunpack.c.0.s8.s32 v17;
	v18 =	vunpack.c.0.s8.s32 v18;
	v19 =	vunpack.c.0.s8.s32 v19  }
0x1a: {  	v20 =	vunpack.c.0.s8.s32 v20;
	v21 =	vsel vm8, $0x46E, v21;
	v22 =	vsel vm8, $0x47F, v22  }
0x1b: {  	v23 =	vunpack.c.0.s8.s32 v23;
	v24 =	vunpack.c.0.s8.s32 v24;
	v25 =	vunpack.c.0.s8.s32 v25  }
0x1c: {  	v26 =	vunpack.c.0.s8.s32 v26;
	v28 =	vunpack.c.0.s8.s32 v28;
	v29 =	vunpack.c.0.s8.s32 v29  }
0x1d: {  	v31 =	vunpack.c.0.s8.s32 v31;
	v32 =	vunpack.c.0.s8.s32 v32;
	v34 =	vunpack.c.0.s8.s32 v34  }
0x1e: {  	v35 =	vunpack.c.0.s8.s32 v35;
	v57 =	vunpack.c.0.s8.s32 v36;
	v36 =	vunpack.c.0.s8.s32 v59  }
0x1f: {  	v37 =	vunpack.c.0.s8.s32 v37;
	v38 =	vunpack.c.0.s8.s32 v38;
	v21 =	vsel vm11, $0x46F, v21  }
0x20: {  	v22 =	vsel vm11, $0x470, v22;
	v7 =	vsel vm0, v8, v7;
	v8 =	vimm.s32 $0x14131211  }
0x21: {  	v21 =	vsel vm12, $0x460, v21;
	v22 =	vsel vm12, $0x471, v22;
	v8 =	vunpack.c.0.s8.s32 v8  }
0x22: {  	v39 =	vunpack.c.0.s8.s32 v39;
	v21 =	vsel vm13, $0x461, v21;
	v22 =	vsel vm13, $0x472, v22  }
0x23: {  	v21 =	vsel vm14, $0x462, v21;
	v22 =	vsel vm14, $0x473, v22;
	v8 =	vsel vm0, v9, v8  }
0x24: {  	v9 =	vunpack.c.0.s8.s32 v14;
	v14 =	vunpack.c.0.s8.s32 v15;
	v15 =	vimm.s32 $0x4B4A4948  }
0x25: {  	v21 =	vsel vm9, $0x463, v21;
	v22 =	vsel vm9, $0x474, v22;
	v7 =	vcombine.low v8, v7  }
0x26: {  	v8 =	vsel vm0, v11, v10;
	v10 =	vsel vm0, v13, v12;
	v11 =	vimm.s32 $0x3A393837  }
0x27: {  	v12 =	vimm.s32 $0x4F4E4D4C;
	v13 =	vimm.s32 $0x43424140;
	v21 =	vsel vm10, $0x464, v21  }
0x28: {  	v22 =	vsel vm10, $0x475, v22;
	v8 =	vcombine.low v10, v8;
	v9 =	vsel vm0, v14, v9  }
0x29: {  	v10 =	vimm.s32 $0x36353433;
	v11 =	vunpack.c.0.s8.s32 v11;
	v12 =	vunpack.c.0.s8.s32 v12  }
0x2a: {  	v13 =	vunpack.c.0.s8.s32 v13;
	v14 =	vimm.s32 $0x47464544;
	v21 =	vsel vm15, $0x465, v21  }
0x2b: {  	v22 =	vsel vm15, $0x476, v22;
	v10 =	vunpack.c.0.s8.s32 v10;
	v21 =	vsel vm7, $0x466, v21  }
0x2c: {  	v22 =	vsel vm7, $0x477, v22;
	v12 =	vsel vm0, v13, v12;
	v13 =	vimm.s32 $0x505F5E5D  }
0x2d: {  	v21 =	vsel vm6, $0x467, v21;
	v22 =	vsel vm6, $0x478, v22;
	v10 =	vsel vm0, v11, v10  }
0x2e: {  	v11 =	vunpack.c.0.s8.s32 v14;
	v14 =	vunpack.c.0.s8.s32 v15;
	v15 =	vimm.s32 $0x54535251  }
0x2f: {  	v13 =	vunpack.c.0.s8.s32 v13;
	v21 =	vsel vm5, $0x468, v21;
	v22 =	vsel vm5, $0x479, v22  }
0x30: {  	v9 =	vcombine.low v10, v9;
	v21 =	vsel vm4, $0x469, v21;
	v22 =	vsel vm4, $0x47A, v22  }
0x31: {  	v11 =	vsel vm0, v14, v11;
	v14 =	vunpack.c.0.s8.s32 v15;
	v15 =	vimm.s32 $0x58575655  }
0x32: {  	v21 =	vsel vm1, $0x46A, v21;
	v22 =	vsel vm1, $0x47B, v22;
	v15 =	vunpack.c.0.s8.s32 v15  }
0x33: {  	v10 =	vcombine.low v11, v12;
	v11 =	vor.u32 $0x70, v0;
	v21 =	vsel vm2, $0x46B, v21  }
0x34: {  	v22 =	vsel vm2, $0x47C, v22;
	v12 =	vsel vm0, v14, v13;
	v14 =	vsel vm0, v18, v17  }
0x35: {  	v17 =	vimm.s32 $0x7E7D7C7B;
	v18 =	vimm.s32 $0x407;
	v21 =	vsel vm3, $0x46C, v21  }
0x36: {  	v22 =	vsel vm3, $0x47D, v22;
	v13 =	vsel vm0, v16, v15;
	v15 =	vsel vm0, v20, v19  }
0x37: {  	v16 =	vimm.s32 $0x7A797877;
	v17 =	vunpack.c.0.s8.s32 v17;
	v18 =	vsel vm8, $0x408, v18  }
0x38: {  	v19 =	vimm.s32 $0x44B;
	v20 =	vimm.s32 $0x45C;
	v12 =	vcombine.low v13, v12  }
0x39: {  	v13 =	vcombine.low v15, v14;
	v14 =	vimm.s32 $0x7271707F;
	v15 =	vimm.s32 $0x76757473  }
0x3a: {  	v16 =	vunpack.c.0.s8.s32 v16;
	v19 =	vsel vm8, $0x44C, v19;
	v20 =	vsel vm8, $0x45D, v20  }
0x3b: {  	v14 =	vunpack.c.0.s8.s32 v14;
	v15 =	vunpack.c.0.s8.s32 v15;
	v19 =	vsel vm11, $0x44D, v19  }
0x3c: {  	v20 =	vsel vm11, $0x45E, v20;
	v16 =	vsel vm0, v17, v16;
	v17 =	vimm.s32 $0x429  }
0x3d: {  	v19 =	vsel vm12, $0x44E, v19;
	v20 =	vsel vm12, $0x45F, v20;
	v14 =	vsel vm0, v15, v14  }
0x3e: {  	v15 =	vsel vm11, $0x409, v18;
	v17 =	vsel vm8, $0x42A, v17;
	v18 =	vimm.s32 $0x43A  }
0x3f: {  	v19 =	vsel vm13, $0x44F, v19;
	v20 =	vsel vm13, $0x450, v20;
	v15 =	vsel vm12, $0x40A, v15  }
0x40: {  	v14 =	vcombine.low v16, v14;
	v16 =	vimm.s32 $0x418;
	v17 =	vsel vm11, $0x42B, v17  }
0x41: {  	v18 =	vsel vm8, $0x43B, v18;
	v19 =	vsel vm14, $0x440, v19;
	v20 =	vsel vm14, $0x451, v20  }
0x42: {  	v15 =	vsel vm13, $0x40B, v15;
	v16 =	vsel vm8, $0x419, v16;
	v17 =	vsel vm12, $0x42C, v17  }
0x43: {  	v18 =	vsel vm11, $0x43C, v18;
	v19 =	vsel vm9, $0x441, v19;
	v20 =	vsel vm9, $0x452, v20  }
0x44: {  	v15 =	vsel vm14, $0x40C, v15;
	v16 =	vsel vm11, $0x41A, v16;
	v17 =	vsel vm13, $0x42D, v17  }
0x45: {  	v18 =	vsel vm12, $0x43D, v18;
	v19 =	vsel vm10, $0x442, v19;
	v20 =	vsel vm10, $0x453, v20  }
0x46: {  	v15 =	vsel vm9, $0x40D, v15;
	v16 =	vsel vm12, $0x41B, v16;
	v17 =	vsel vm14, $0x42E, v17  }
0x47: {  	v18 =	vsel vm13, $0x43E, v18;
	v19 =	vsel vm15, $0x443, v19;
	v20 =	vsel vm15, $0x454, v20  }
0x48: {  	v15 =	vsel vm10, $0x40E, v15;
	v16 =	vsel vm13, $0x41C, v16;
	v17 =	vsel vm9, $0x42F, v17  }
0x49: {  	v18 =	vsel vm14, $0x43F, v18;
	v19 =	vsel vm7, $0x444, v19;
	v20 =	vsel vm7, $0x455, v20  }
0x4a: {  	v15 =	vsel vm15, $0x40F, v15;
	v16 =	vsel vm14, $0x41D, v16;
	v17 =	vsel vm10, $0x420, v17  }
0x4b: {  	v18 =	vsel vm9, $0x430, v18;
	v19 =	vsel vm6, $0x445, v19;
	v20 =	vsel vm6, $0x456, v20  }
0x4c: {  	v15 =	vsel vm7, $0x400, v15;
	v16 =	vsel vm9, $0x41E, v16;
	v17 =	vsel vm15, $0x421, v17  }
0x4d: {  	v18 =	vsel vm10, $0x431, v18;
	v19 =	vsel vm5, $0x446, v19;
	v20 =	vsel vm5, $0x457, v20  }
0x4e: {  	v15 =	vsel vm6, $0x401, v15;
	v16 =	vsel vm10, $0x41F, v16;
	v17 =	vsel vm7, $0x422, v17  }
0x4f: {  	v18 =	vsel vm15, $0x432, v18;
	v19 =	vsel vm4, $0x447, v19;
	v20 =	vsel vm4, $0x458, v20  }
0x50: {  	v15 =	vsel vm5, $0x402, v15;
	v16 =	vsel vm15, $0x410, v16;
	v17 =	vsel vm6, $0x423, v17  }
0x51: {  	v18 =	vsel vm7, $0x433, v18;
	v19 =	vsel vm1, $0x448, v19;
	v20 =	vsel vm1, $0x459, v20  }
0x52: {  	vm15 =	vcmask $0xF00;
	v15 =	vsel vm4, $0x403, v15;
	v16 =	vsel vm7, $0x411, v16  }
0x53: {  	v17 =	vsel vm5, $0x424, v17;
	v18 =	vsel vm6, $0x434, v18;
	v19 =	vsel vm2, $0x449, v19  }
0x54: {  	v20 =	vsel vm2, $0x45A, v20;
	v23 =	vnsel vm15, $0x47F, v23;
	v26 =	vnsel vm15, $0x471, v26  }
0x55: {  	v29 =	vnsel vm15, $0x474, v29;
	v32 =	vnsel vm15, $0x477, v32;
	v35 =	vnsel vm15, $0x47A, v35  }
0x56: {  	v60 =	vnsel vm15, $0x47C, v37;
	v37 =	vunpack.c.0.s8.s32 v61;
	v15 =	vsel vm1, $0x404, v15  }
0x57: {  	v16 =	vsel vm6, $0x412, v16;
	v17 =	vsel vm4, $0x425, v17;
	v18 =	vsel vm5, $0x435, v18  }
0x58: {  	v19 =	vsel vm3, $0x44A, v19;
	v20 =	vsel vm3, $0x45B, v20;
	v23 =	vsel vm0, v24, v23  }
0x59: {  	v24 =	vimm.s32 $0x34231201;
	v15 =	vsel vm2, $0x405, v15;
	v16 =	vsel vm5, $0x413, v16  }
0x5a: {  	v17 =	vsel vm1, $0x426, v17;
	v18 =	vsel vm4, $0x436, v18;
	v23 =	vsel vm7, $0x408, v23  }
0x5b: {  	v24 =	vunpack.c.0.s8.s32 v24;
	v37 =	vnsel vm15, $0x47D, v37;
	v15 =	vsel vm3, $0x406, v15  }
0x5c: {  	v16 =	vsel vm4, $0x414, v16;
	v17 =	vsel vm2, $0x427, v17;
	v18 =	vsel vm1, $0x437, v18  }
0x5d: {  	v23 =	vsel vm6, $0x419, v23;
	v16 =	vsel vm1, $0x415, v16;
	v17 =	vsel vm3, $0x428, v17  }
0x5e: {  	v18 =	vsel vm2, $0x438, v18;
	v23 =	vsel vm5, $0x42A, v23;
	v24 =	vnsel vm15, $0x470, v24  }
0x5f: {  	v16 =	vsel vm2, $0x416, v16;
	v18 =	vsel vm3, $0x439, v18;
	v23 =	vsel vm4, $0x43B, v23  }
0x60: {  	v24 =	vsel vm0, v25, v24;
	v25 =	vunpack.c.0.s8.s32 v27;
	v27 =	vimm.s32 $0x7A695847  }
0x61: {  	v16 =	vsel vm3, $0x417, v16;
	v23 =	vsel vm1, $0x44C, v23;
	v24 =	vsel vm7, $0x409, v24  }
0x62: {  	v27 =	vunpack.c.0.s8.s32 v27;
	v23 =	vsel vm2, $0x45D, v23;
	v25 =	vsel vm0, v25, v26  }
0x63: {  	v24 =	vsel vm6, $0x41A, v24;
	v26 =	vimm.s32 $0x36251403;
	v25 =	vsel vm7, $0x40A, v25  }
0x64: {  	v26 =	vunpack.c.0.s8.s32 v26;
	v24 =	vsel vm5, $0x42B, v24;
	v25 =	vsel vm6, $0x41B, v25  }
0x65: {  	v23 =	vsel vm3, $0x46E, v23;
	v24 =	vsel vm4, $0x43C, v24;
	v25 =	vsel vm5, $0x42C, v25  }
0x66: {  	v26 =	vnsel vm15, $0x472, v26;
	v24 =	vsel vm1, $0x44D, v24;
	v25 =	vsel vm4, $0x43D, v25  }
0x67: {  	v26 =	vsel vm0, v27, v26;
	v24 =	vsel vm2, $0x45E, v24;
	v27 =	vimm.s32 $0x37261504  }
0x68: {  	v25 =	vsel vm1, $0x44E, v25;
	v26 =	vsel vm7, $0x40B, v26;
	v27 =	vunpack.c.0.s8.s32 v27  }
0x69: {  	v24 =	vsel vm3, $0x46F, v24;
	v25 =	vsel vm2, $0x45F, v25;
	v26 =	vsel vm6, $0x41C, v26  }
0x6a: {  	v25 =	vsel vm3, $0x460, v25;
	v26 =	vsel vm5, $0x42D, v26;
	v27 =	vnsel vm15, $0x473, v27  }
0x6b: {  	v26 =	vsel vm4, $0x43E, v26;
	v27 =	vsel vm0, v28, v27;
	v28 =	vunpack.c.0.s8.s32 v30  }
0x6c: {  	v30 =	vimm.s32 $0x7D6C5B4A;
	v26 =	vsel vm1, $0x44F, v26;
	v27 =	vsel vm7, $0x40C, v27  }
0x6d: {  	v30 =	vunpack.c.0.s8.s32 v30;
	v26 =	vsel vm2, $0x450, v26;
	v28 =	vsel vm0, v28, v29  }
0x6e: {  	v27 =	vsel vm6, $0x41D, v27;
	v29 =	vimm.s32 $0x39281706;
	v28 =	vsel vm7, $0x40D, v28  }
0x6f: {  	v29 =	vunpack.c.0.s8.s32 v29;
	v27 =	vsel vm5, $0x42E, v27;
	v28 =	vsel vm6, $0x41E, v28  }
0x70: {  	v26 =	vsel vm3, $0x461, v26;
	v27 =	vsel vm4, $0x43F, v27;
	v28 =	vsel vm5, $0x42F, v28  }
0x71: {  	v29 =	vnsel vm15, $0x475, v29;
	v27 =	vsel vm1, $0x440, v27;
	v28 =	vsel vm4, $0x430, v28  }
0x72: {  	v29 =	vsel vm0, v30, v29;
	v27 =	vsel vm2, $0x451, v27;
	v30 =	vimm.s32 $0x3A291807  }
0x73: {  	v28 =	vsel vm1, $0x441, v28;
	v29 =	vsel vm7, $0x40E, v29;
	v30 =	vunpack.c.0.s8.s32 v30  }
0x74: {  	v27 =	vsel vm3, $0x462, v27;
	v28 =	vsel vm2, $0x452, v28;
	v29 =	vsel vm6, $0x41F, v29  }
0x75: {  	v28 =	vsel vm3, $0x463, v28;
	v29 =	vsel vm5, $0x420, v29;
	v30 =	vnsel vm15, $0x476, v30  }
0x76: {  	v29 =	vsel vm4, $0x431, v29;
	v30 =	vsel vm0, v31, v30;
	v31 =	vunpack.c.0.s8.s32 v33  }
0x77: {  	v33 =	vunpack.c.0.s8.s32 v55;
	v29 =	vsel vm1, $0x442, v29;
	v30 =	vsel vm7, $0x40F, v30  }
0x78: {  	v29 =	vsel vm2, $0x453, v29;
	v30 =	vsel vm6, $0x410, v30;
	v31 =	vsel vm0, v31, v32  }
0x79: {  	v32 =	vunpack.c.0.s8.s32 v54;
	v31 =	vsel vm7, $0x400, v31;
	v30 =	vsel vm5, $0x421, v30  }
0x7a: {  	v29 =	vsel vm3, $0x464, v29;
	v31 =	vsel vm6, $0x411, v31;
	v30 =	vsel vm4, $0x432, v30  }
0x7b: {  	v32 =	vnsel vm15, $0x478, v32;
	v31 =	vsel vm5, $0x422, v31;
	v30 =	vsel vm1, $0x443, v30  }
0x7c: {  	v32 =	vsel vm0, v33, v32;
	v33 =	vunpack.c.0.s8.s32 v56;
	v31 =	vsel vm4, $0x433, v31  }
0x7d: {  	v30 =	vsel vm2, $0x454, v30;
	v32 =	vsel vm7, $0x401, v32;
	v31 =	vsel vm1, $0x444, v31  }
0x7e: {  	v30 =	vsel vm3, $0x465, v30;
	v32 =	vsel vm6, $0x412, v32;
	v33 =	vnsel vm15, $0x479, v33  }
0x7f: {  	v31 =	vsel vm2, $0x455, v31;
	v32 =	vsel vm5, $0x423, v32;
	v33 =	vsel vm0, v34, v33  }
0x80: {  	v34 =	vsel vm0, v57, v35;
	v35 =	vunpack.c.0.s8.s32 v58;
	v31 =	vsel vm3, $0x466, v31  }
0x81: {  	v32 =	vsel vm4, $0x434, v32;
	v33 =	vsel vm7, $0x402, v33;
	v34 =	vsel vm7, $0x403, v34  }
0x82: {  	v32 =	vsel vm1, $0x445, v32;
	v33 =	vsel vm6, $0x413, v33;
	v35 =	vnsel vm15, $0x47B, v35  }
0x83: {  	v34 =	vsel vm6, $0x414, v34;
	v32 =	vsel vm2, $0x456, v32;
	v33 =	vsel vm5, $0x424, v33  }
0x84: {  	v35 =	vsel vm0, v36, v35;
	v36 =	vsel vm0, v38, v60;
	v38 =	vunpack.c.0.s8.s32 v62  }
0x85: {  	v34 =	vsel vm5, $0x425, v34;
	v32 =	vsel vm3, $0x467, v32;
	v33 =	vsel vm4, $0x435, v33  }
0x86: {  	v35 =	vsel vm7, $0x404, v35;
	v34 =	vsel vm4, $0x436, v34;
	v36 =	vsel vm7, $0x405, v36  }
0x87: {  	v33 =	vsel vm1, $0x446, v33;
	v37 =	vsel vm0, v38, v37;
	v35 =	vsel vm6, $0x415, v35  }
0x88: {  	s1 =	srdreg.scid;
	s6 =	rddreg [dreg:$0x0];
	v38 =	vunpack.c.0.s8.s32 v63;
	v34 =	vsel vm1, $0x447, v34;
	v36 =	vsel vm6, $0x416, v36  }
0x89: {  	s0 =	stileid.u32;
	s5 =	rddreg [dreg:$0x1];
	v33 =	vsel vm2, $0x457, v33;
	v35 =	vsel vm5, $0x426, v35;
	v34 =	vsel vm2, $0x458, v34  }
0x8a: {  	s2 =	simm.s32 $0x0;
	s10 =	simm.s32 $0x1;
	s11 =	simm.s32 $0x12400;
	v37 =	vsel vm7, $0x406, v37;
	v36 =	vsel vm5, $0x427, v36;
	v38 =	vnsel vm15, $0x47E, v38  }
0x8b: {  	s12 =	simm.s32 $0x13400;
	s4 =	sand.u32 $0x1, s1;
	s31 =	sshll.u32 s0, $0x1;
	v35 =	vsel vm4, $0x437, v35;
	v33 =	vsel vm3, $0x468, v33;
	v38 =	vsel vm0, v39, v38  }
0x8c: {  	s13 =	simm.s32 $0x2;
	s14 =	simm.s32 $0x10000;
	s7 =	sor.u32 s4, s31;
	v34 =	vsel vm3, $0x469, v34;
	v37 =	vsel vm6, $0x417, v37;
	v38 =	vsel vm7, $0x407, v38  }
0x8d: {  	s15 =	simm.s32 $0x3;
	s16 =	simm.s32 $0x0;
	s3 =	smul.u32 $0x2400, s7;
	v36 =	vsel vm4, $0x438, v36;
	v35 =	vsel vm1, $0x448, v35;
	v38 =	vsel vm6, $0x418, v38  }
0x8e: {  	[smem:$0x7FF] =	sst s2;
	s4 =	ssub.s32 $0x2, s4;
	s7 =	smul.u32 $0x24000, s7;
	v37 =	vsel vm5, $0x428, v37;
	v36 =	vsel vm1, $0x449, v36;
	v38 =	vsel vm5, $0x429, v38  }
0x8f: {  	s1 =	rddreg [dreg:$0x2];
	_ =	strace $0x80000047;
	s9 =	sshrl.u32 s4, $0x1;
	v35 =	vsel vm2, $0x459, v35;
	v37 =	vsel vm4, $0x439, v37;
	v38 =	vsel vm4, $0x43A, v38  }
0x90: {  	s9 =	ssub.s32 s4, s9;
	s8 =	sshrl.u32 s3, $0x3;
	s4 =	sadd.s32 s6, s7;
	v36 =	vsel vm2, $0x45A, v36;
	v37 =	vsel vm1, $0x44A, v37;
	v38 =	vsel vm1, $0x44B, v38  }
0x91: {  	s8 =	sadd.s32 s8, s5;
	s5 =	sadd.s32 $0x1000, s6;
	s6 =	sadd.s32 $0x2000, s6;
	v35 =	vsel vm3, $0x46A, v35;
	v37 =	vsel vm2, $0x45B, v37;
	v38 =	vsel vm2, $0x45C, v38  }
0x92: {  	s7 =	sadd.s32 $0x400, s8;
	s8 =	smax.u32 s9, $0x1;
	s9 =	simm.s32 $0x8000;
	v36 =	vsel vm3, $0x46B, v36;
	v37 =	vsel vm3, $0x46C, v37;
	v38 =	vsel vm3, $0x46D, v38  }
.LBB2_1:
0x93: {  	[tilespmem:s2], [sflag:$0x1] =	stream.linear.gather [hbm4b:s4+s2], $0x8000, $0x38;
	[tilespmem:$0x14400] =	vst v63  }
0x94: {  	s17 =	simm.s32 $0x0  }
.LBB2_2:
0x95: {  	s18 =	sshll.u32 s17, $0x9  }
0x96: {  	s19 =	sadd.s32 s3, s18  }
0x97: {  	s19 =	sshll.u32 s19, $0x4  }
0x98: {  	s20 =	simm.s32 $0x0;
	s21 =	sadd.s32 s19, s5  }
0x99: {  	[tilespmem:s9], [sflag:$0x2] =	stream.linear.gather [hbm4b:s21+s20], $0x8000, $0x38;
	[tilespmem:$0x14400] =	vst v63  }
0x9a: {  	_ =	swait.ge [sflag:s10], $0x8000  }
0x9b: {  	[sflag:s10] =	ssyncset.done $0x0  }
0x9c: {  	s21 =	sadd.s32 $0x10000, s18;
	[sflag:s10] =	ssyncadd.s32 $0xFFFF8000  }
.LBB2_3:
0x9d: {  	s22 =	sshll.u32 s20, $0xB  }
0x9e: {  	s24 =	sand.u32 $0x3FFFF800, s22  }
0x9f: {  	v39 =	vld [tilespmem:s24+$0x0]  }
0xa0: {  	v40 =	vld [tilespmem:s24+$0x10];
	_ =	sdelay $0x1  }
0xa1: {  	v41 =	vld [tilespmem:s24+$0x20];
	_ =	sdelay $0x1  }
0xa2: {  	v42 =	vld [tilespmem:s24+$0x30]  }
0xa3: {  	vm0 =	vgt.f32 v40, v39  }
0xa4: {  	v48 =	vld [tilespmem:s24+$0x40];
	v39 =	vsel vm0, v40, v39  }
0xa5: {  	vm1 =	vgt.f32 v41, v39  }
0xa6: {  	v49 =	vld [tilespmem:s24+$0x50];
	v39 =	vsel vm1, v41, v39  }
0xa7: {  	vm2 =	vgt.f32 v42, v39  }
0xa8: {  	v43 =	vmov s20;
	v50 =	vld [tilespmem:s24+$0x60];
	v39 =	vsel vm2, v42, v39  }
0xa9: {  	v44 =	vshll.u32 v43, $0x8;
	v43 =	vshll.u32 v43, $0x7;
	vm3 =	vgt.f32 v48, v39  }
0xaa: {  	v45 =	vld [tilespmem:s24+$0x70];
	v51 =	vand.u32 $0x800, v44;
	v43 =	vand.u32 $0x300, v43;
	v40 =	vsel vm3, v48, v39  }
0xab: {  	v52 =	vsel vm0, v1, v0;
	v39 =	vor.u32 v43, v51;
	vm5 =	vgt.f32 v49, v40  }
0xac: {  	v53 =	vsel vm1, v2, v52;
	v54 =	vor.u32 v0, v39;
	v40 =	vsel vm5, v49, v40  }
0xad: {  	v43 =	vsel vm2, v3, v53;
	vm6 =	vgt.f32 v50, v40  }
0xae: {  	v43 =	vsel vm3, v4, v43;
	v40 =	vsel vm6, v50, v40  }
0xaf: {  	v55 =	vsel vm5, v5, v43;
	vm7 =	vgt.f32 v45, v40  }
0xb0: {  	v42 =	vsel vm6, v6, v55;
	v40 =	vsel vm7, v45, v40  }
0xb1: {  	v42 =	vsel vm7, v11, v42;
	[tilespmem:v54+s11+$0x0] =	vst.idx.msk $0xffff, v40  }
0xb2: {  	s26 =	sor.u32 $0x1, s20;
	[tilespmem:v54+s12+$0x0] =	vst.idx.msk $0xffff, v42  }
0xb3: {  	s23 =	sshll.u32 s26, $0xB;
	v40 =	vld [tilespmem:s24+$0x80]  }
0xb4: {  	s23 =	sand.u32 $0x3FFFF800, s23;
	v41 =	vld [tilespmem:s24+$0x90]  }
0xb5: {  	v59 =	vld [tilespmem:s23+$0x0]  }
0xb6: {  	v42 =	vld [tilespmem:s24+$0xA0]  }
0xb7: {  	v60 =	vld [tilespmem:s23+$0x10]  }
0xb8: {  	v56 =	vld [tilespmem:s24+$0xB0]  }
0xb9: {  	vm8 =	vgt.f32 v41, v40  }
0xba: {  	v57 =	vld [tilespmem:s24+$0xC0];
	v40 =	vsel vm8, v41, v40  }
0xbb: {  	v46 =	vld [tilespmem:s23+$0x20];
	vm9 =	vgt.f32 v42, v40  }
0xbc: {  	v58 =	vld [tilespmem:s24+$0xD0];
	v40 =	vsel vm9, v42, v40  }
0xbd: {  	vm13 =	vgt.f32 v60, v59;
	v48 =	vld [tilespmem:s23+$0x30];
	vm10 =	vgt.f32 v56, v40  }
0xbe: {  	v53 =	vmov s26;
	v63 =	vor.u32 v7, v39;
	v61 =	vld [tilespmem:s24+$0xE0];
	v40 =	vsel vm10, v56, v40  }
0xbf: {  	v49 =	vld [tilespmem:s23+$0x40];
	v55 =	vshll.u32 v53, $0x8;
	v42 =	vsel vm13, v60, v59;
	vm11 =	vgt.f32 v57, v40  }
0xc0: {  	v62 =	vld [tilespmem:s24+$0xF0];
	v47 =	vsel vm8, v1, v0;
	vm15 =	vgt.f32 v46, v42;
	v40 =	vsel vm11, v57, v40  }
0xc1: {  	v47 =	vsel vm9, v2, v47;
	v42 =	vsel vm15, v46, v42;
	vm12 =	vgt.f32 v58, v40  }
0xc2: {  	v47 =	vsel vm10, v3, v47;
	vm5 =	vgt.f32 v48, v42;
	v40 =	vsel vm12, v58, v40  }
0xc3: {  	v51 =	vld [tilespmem:s23+$0x50];
	v47 =	vsel vm11, v4, v47;
	v42 =	vsel vm5, v48, v42;
	vm14 =	vgt.f32 v61, v40  }
0xc4: {  	vm6 =	vgt.f32 v49, v42;
	v50 =	vsel vm12, v5, v47;
	v40 =	vsel vm14, v61, v40  }
0xc5: {  	v54 =	vld [tilespmem:s23+$0x60];
	v56 =	vsel vm6, v49, v42;
	v43 =	vsel vm14, v6, v50;
	vm4 =	vgt.f32 v62, v40  }
0xc6: {  	v40 =	vsel vm4, v62, v40;
	v52 =	vsel vm4, v11, v43;
	v43 =	vshll.u32 v53, $0x7  }
0xc7: {  	v57 =	vld [tilespmem:s23+$0x70];
	v58 =	vsel vm13, v1, v0;
	[tilespmem:v63+s11+$0x0] =	vst.idx.msk $0xffff, v40;
	v40 =	vand.u32 $0x800, v55;
	v43 =	vand.u32 $0x380, v43  }
0xc8: {  	vm7 =	vgt.f32 v51, v56;
	v45 =	vsel vm15, v2, v58;
	v40 =	vor.u32 v43, v40  }
0xc9: {  	v41 =	vsel vm7, v51, v56;
	[tilespmem:v63+s12+$0x0] =	vst.idx.msk $0xffff, v52;
	v60 =	vor.u32 v0, v40  }
0xca: {  	v45 =	vsel vm5, v3, v45;
	vm8 =	vgt.f32 v54, v41;
	v44 =	vld [tilespmem:s24+$0x100]  }
0xcb: {  	v45 =	vsel vm6, v4, v45;
	v41 =	vsel vm8, v54, v41;
	v59 =	vld [tilespmem:s24+$0x110]  }
0xcc: {  	v45 =	vsel vm7, v5, v45;
	vm9 =	vgt.f32 v57, v41  }
0xcd: {  	v45 =	vsel vm8, v6, v45;
	v41 =	vsel vm9, v57, v41;
	v61 =	vld [tilespmem:s24+$0x120]  }
0xce: {  	v45 =	vsel vm9, v11, v45;
	v62 =	vld [tilespmem:s24+$0x130];
	[tilespmem:v60+s11+$0x0] =	vst.idx.msk $0xffff, v41  }
0xcf: {  	v63 =	vld [tilespmem:s24+$0x140];
	[tilespmem:v60+s12+$0x0] =	vst.idx.msk $0xffff, v45  }
0xd0: {  	vm10 =	vgt.f32 v59, v44;
	v54 =	vld [tilespmem:s23+$0x80]  }
0xd1: {  	v52 =	vsel vm10, v59, v44;
	v45 =	vld [tilespmem:s23+$0x90]  }
0xd2: {  	v53 =	vld [tilespmem:s24+$0x150];
	vm11 =	vgt.f32 v61, v52  }
0xd3: {  	v56 =	vld [tilespmem:s23+$0xA0];
	v41 =	vsel vm11, v61, v52  }
0xd4: {  	v55 =	vld [tilespmem:s24+$0x160];
	vm12 =	vgt.f32 v62, v41  }
0xd5: {  	v49 =	vsel vm10, v1, v0;
	v58 =	vld [tilespmem:s23+$0xB0];
	v41 =	vsel vm12, v62, v41  }
0xd6: {  	v57 =	vld [tilespmem:s24+$0x170];
	v59 =	vor.u32 v8, v39;
	vm13 =	vgt.f32 v63, v41;
	vm15 =	vgt.f32 v45, v54  }
0xd7: {  	v60 =	vld [tilespmem:s23+$0xC0];
	v49 =	vsel vm11, v2, v49;
	v41 =	vsel vm13, v63, v41;
	v44 =	vsel vm15, v45, v54  }
0xd8: {  	v49 =	vsel vm12, v3, v49;
	vm14 =	vgt.f32 v53, v41;
	vm4 =	vgt.f32 v56, v44  }
0xd9: {  	v61 =	vld [tilespmem:s23+$0xD0];
	v49 =	vsel vm13, v4, v49;
	v41 =	vsel vm14, v53, v41;
	v44 =	vsel vm4, v56, v44  }
0xda: {  	v54 =	vsel vm15, v1, v0;
	vm8 =	vgt.f32 v55, v41;
	vm10 =	vgt.f32 v58, v44  }
0xdb: {  	v63 =	vld [tilespmem:s23+$0xE0];
	v62 =	vsel vm14, v5, v49;
	v41 =	vsel vm8, v55, v41;
	v42 =	vsel vm10, v58, v44  }
0xdc: {  	v45 =	vsel vm4, v2, v54;
	vm9 =	vgt.f32 v57, v41;
	vm11 =	vgt.f32 v60, v42  }
0xdd: {  	v53 =	vld [tilespmem:s23+$0xF0];
	v47 =	vsel vm8, v6, v62;
	v41 =	vsel vm9, v57, v41;
	v52 =	vsel vm11, v60, v42  }
0xde: {  	v47 =	vsel vm9, v11, v47;
	[tilespmem:v59+s11+$0x0] =	vst.idx.msk $0xffff, v41;
	vm12 =	vgt.f32 v61, v52  }
0xdf: {  	v55 =	vor.u32 v7, v40;
	[tilespmem:v59+s12+$0x0] =	vst.idx.msk $0xffff, v47;
	v41 =	vsel vm12, v61, v52  }
0xe0: {  	v45 =	vsel vm10, v3, v45;
	v43 =	vld [tilespmem:s24+$0x180];
	vm13 =	vgt.f32 v63, v41  }
0xe1: {  	v45 =	vsel vm11, v4, v45;
	v47 =	vld [tilespmem:s24+$0x190];
	v41 =	vsel vm13, v63, v41  }
0xe2: {  	v57 =	vsel vm12, v5, v45;
	vm14 =	vgt.f32 v53, v41  }
0xe3: {  	v56 =	vld [tilespmem:s24+$0x1A0];
	v44 =	vsel vm13, v6, v57;
	v41 =	vsel vm14, v53, v41  }
0xe4: {  	v58 =	vld [tilespmem:s24+$0x1B0];
	v44 =	vsel vm14, v11, v44;
	[tilespmem:v55+s11+$0x0] =	vst.idx.msk $0xffff, v41  }
0xe5: {  	v59 =	vld [tilespmem:s24+$0x1C0];
	[tilespmem:v55+s12+$0x0] =	vst.idx.msk $0xffff, v44  }
0xe6: {  	vm15 =	vgt.f32 v47, v43;
	v44 =	vld [tilespmem:s23+$0x100]  }
0xe7: {  	v60 =	vsel vm15, v47, v43;
	v46 =	vld [tilespmem:s23+$0x110]  }
0xe8: {  	v61 =	vld [tilespmem:s24+$0x1D0];
	vm6 =	vgt.f32 v56, v60  }
0xe9: {  	v63 =	vld [tilespmem:s23+$0x120];
	v41 =	vsel vm6, v56, v60  }
0xea: {  	v62 =	vld [tilespmem:s24+$0x1E0];
	vm7 =	vgt.f32 v58, v41  }
0xeb: {  	v53 =	vsel vm15, v1, v0;
	v54 =	vld [tilespmem:s23+$0x130];
	v41 =	vsel vm7, v58, v41  }
0xec: {  	v52 =	vld [tilespmem:s24+$0x1F0];
	v55 =	vor.u32 v9, v39;
	vm8 =	vgt.f32 v59, v41;
	vm10 =	vgt.f32 v46, v44  }
0xed: {  	v49 =	vsel vm6, v2, v53;
	v56 =	vld [tilespmem:s23+$0x140];
	v41 =	vsel vm8, v59, v41;
	v44 =	vsel vm10, v46, v44  }
0xee: {  	v49 =	vsel vm7, v3, v49;
	vm9 =	vgt.f32 v61, v41;
	vm12 =	vgt.f32 v63, v44  }
0xef: {  	v57 =	vld [tilespmem:s23+$0x150];
	v49 =	vsel vm8, v4, v49;
	v41 =	vsel vm9, v61, v41;
	v44 =	vsel vm12, v63, v44  }
0xf0: {  	v58 =	vsel vm9, v5, v49;
	vm11 =	vgt.f32 v62, v41;
	vm14 =	vgt.f32 v54, v44  }
0xf1: {  	v59 =	vld [tilespmem:s23+$0x160];
	v63 =	vor.u32 v8, v40;
	v41 =	vsel vm11, v62, v41;
	v42 =	vsel vm14, v54, v44  }
0xf2: {  	v47 =	vsel vm11, v6, v58;
	vm13 =	vgt.f32 v52, v41;
	vm15 =	vgt.f32 v56, v42  }
0xf3: {  	v61 =	vld [tilespmem:s23+$0x170];
	v62 =	vsel vm10, v1, v0;
	v41 =	vsel vm13, v52, v41;
	v60 =	vsel vm15, v56, v42  }
0xf4: {  	v47 =	vsel vm13, v11, v47;
	[tilespmem:v55+s11+$0x0] =	vst.idx.msk $0xffff, v41;
	vm5 =	vgt.f32 v57, v60  }
0xf5: {  	v46 =	vsel vm12, v2, v62;
	[tilespmem:v55+s12+$0x0] =	vst.idx.msk $0xffff, v47;
	v41 =	vsel vm5, v57, v60  }
0xf6: {  	v46 =	vsel vm14, v3, v46;
	v43 =	vld [tilespmem:s24+$0x200];
	vm6 =	vgt.f32 v59, v41  }
0xf7: {  	v46 =	vsel vm15, v4, v46;
	v47 =	vld [tilespmem:s24+$0x210];
	v41 =	vsel vm6, v59, v41  }
0xf8: {  	v53 =	vsel vm5, v5, v46;
	vm7 =	vgt.f32 v61, v41  }
0xf9: {  	v52 =	vld [tilespmem:s24+$0x220];
	v44 =	vsel vm6, v6, v53;
	v41 =	vsel vm7, v61, v41  }
0xfa: {  	v54 =	vld [tilespmem:s24+$0x230];
	v44 =	vsel vm7, v11, v44;
	[tilespmem:v63+s11+$0x0] =	vst.idx.msk $0xffff, v41  }
0xfb: {  	v55 =	vld [tilespmem:s24+$0x240];
	[tilespmem:v63+s12+$0x0] =	vst.idx.msk $0xffff, v44  }
0xfc: {  	vm8 =	vgt.f32 v47, v43;
	v44 =	vld [tilespmem:s23+$0x180]  }
0xfd: {  	v56 =	vsel vm8, v47, v43;
	v45 =	vld [tilespmem:s23+$0x190]  }
0xfe: {  	v57 =	vld [tilespmem:s24+$0x250];
	vm9 =	vgt.f32 v52, v56  }
0xff: {  	v59 =	vld [tilespmem:s23+$0x1A0];
	v41 =	vsel vm9, v52, v56  }
0x100: {  	v58 =	vld [tilespmem:s24+$0x260];
	vm10 =	vgt.f32 v54, v41  }
0x101: {  	v61 =	vsel vm8, v1, v0;
	v62 =	vld [tilespmem:s23+$0x1B0];
	v41 =	vsel vm10, v54, v41  }
0x102: {  	v60 =	vld [tilespmem:s24+$0x270];
	v63 =	vor.u32 v10, v39;
	vm11 =	vgt.f32 v55, v41;
	vm13 =	vgt.f32 v45, v44  }
0x103: {  	v49 =	vsel vm9, v2, v61;
	v52 =	vld [tilespmem:s23+$0x1C0];
	v41 =	vsel vm11, v55, v41;
	v44 =	vsel vm13, v45, v44  }
0x104: {  	v49 =	vsel vm10, v3, v49;
	vm12 =	vgt.f32 v57, v41;
	vm15 =	vgt.f32 v59, v44  }
0x105: {  	v53 =	vld [tilespmem:s23+$0x1D0];
	v49 =	vsel vm11, v4, v49;
	v41 =	vsel vm12, v57, v41;
	v44 =	vsel vm15, v59, v44  }
0x106: {  	v54 =	vsel vm12, v5, v49;
	vm14 =	vgt.f32 v58, v41;
	vm7 =	vgt.f32 v62, v44  }
0x107: {  	v55 =	vld [tilespmem:s23+$0x1E0];
	v59 =	vor.u32 v9, v40;
	v41 =	vsel vm14, v58, v41;
	v42 =	vsel vm7, v62, v44  }
0x108: {  	v47 =	vsel vm14, v6, v54;
	vm6 =	vgt.f32 v60, v41;
	vm8 =	vgt.f32 v52, v42  }
0x109: {  	v57 =	vld [tilespmem:s23+$0x1F0];
	v58 =	vsel vm13, v1, v0;
	v41 =	vsel vm6, v60, v41;
	v56 =	vsel vm8, v52, v42  }
0x10a: {  	v47 =	vsel vm6, v11, v47;
	[tilespmem:v63+s11+$0x0] =	vst.idx.msk $0xffff, v41;
	vm9 =	vgt.f32 v53, v56  }
0x10b: {  	v45 =	vsel vm15, v2, v58;
	[tilespmem:v63+s12+$0x0] =	vst.idx.msk $0xffff, v47;
	v41 =	vsel vm9, v53, v56  }
0x10c: {  	v45 =	vsel vm7, v3, v45;
	v43 =	vld [tilespmem:s24+$0x280];
	vm10 =	vgt.f32 v55, v41  }
0x10d: {  	v45 =	vsel vm8, v4, v45;
	v47 =	vld [tilespmem:s24+$0x290];
	v41 =	vsel vm10, v55, v41  }
0x10e: {  	v61 =	vsel vm9, v5, v45;
	vm11 =	vgt.f32 v57, v41  }
0x10f: {  	v60 =	vld [tilespmem:s24+$0x2A0];
	v44 =	vsel vm10, v6, v61;
	v41 =	vsel vm11, v57, v41  }
0x110: {  	v62 =	vld [tilespmem:s24+$0x2B0];
	v44 =	vsel vm11, v11, v44;
	[tilespmem:v59+s11+$0x0] =	vst.idx.msk $0xffff, v41  }
0x111: {  	v63 =	vld [tilespmem:s24+$0x2C0];
	[tilespmem:v59+s12+$0x0] =	vst.idx.msk $0xffff, v44  }
0x112: {  	vm12 =	vgt.f32 v47, v43;
	v44 =	vld [tilespmem:s23+$0x200]  }
0x113: {  	v52 =	vsel vm12, v47, v43;
	v46 =	vld [tilespmem:s23+$0x210]  }
0x114: {  	v53 =	vld [tilespmem:s24+$0x2D0];
	vm13 =	vgt.f32 v60, v52  }
0x115: {  	v55 =	vld [tilespmem:s23+$0x220];
	v41 =	vsel vm13, v60, v52  }
0x116: {  	v54 =	vld [tilespmem:s24+$0x2E0];
	vm14 =	vgt.f32 v62, v41  }
0x117: {  	v57 =	vsel vm12, v1, v0;
	v58 =	vld [tilespmem:s23+$0x230];
	v41 =	vsel vm14, v62, v41  }
0x118: {  	v56 =	vld [tilespmem:s24+$0x2F0];
	v59 =	vor.u32 v12, v39;
	vm15 =	vgt.f32 v63, v41;
	vm9 =	vgt.f32 v46, v44  }
0x119: {  	v49 =	vsel vm13, v2, v57;
	v60 =	vld [tilespmem:s23+$0x240];
	v41 =	vsel vm15, v63, v41;
	v44 =	vsel vm9, v46, v44  }
0x11a: {  	v49 =	vsel vm14, v3, v49;
	vm8 =	vgt.f32 v53, v41;
	vm11 =	vgt.f32 v55, v44  }
0x11b: {  	v61 =	vld [tilespmem:s23+$0x250];
	v49 =	vsel vm15, v4, v49;
	v41 =	vsel vm8, v53, v41;
	v44 =	vsel vm11, v55, v44  }
0x11c: {  	v62 =	vsel vm8, v5, v49;
	vm10 =	vgt.f32 v54, v41;
	vm13 =	vgt.f32 v58, v44  }
0x11d: {  	v63 =	vld [tilespmem:s23+$0x260];
	v55 =	vor.u32 v10, v40;
	v41 =	vsel vm10, v54, v41;
	v42 =	vsel vm13, v58, v44  }
0x11e: {  	v47 =	vsel vm10, v6, v62;
	vm12 =	vgt.f32 v56, v41;
	vm14 =	vgt.f32 v60, v42  }
0x11f: {  	v53 =	vld [tilespmem:s23+$0x270];
	v54 =	vsel vm9, v1, v0;
	v41 =	vsel vm12, v56, v41;
	v52 =	vsel vm14, v60, v42  }
0x120: {  	v47 =	vsel vm12, v11, v47;
	[tilespmem:v59+s11+$0x0] =	vst.idx.msk $0xffff, v41;
	vm15 =	vgt.f32 v61, v52  }
0x121: {  	v46 =	vsel vm11, v2, v54;
	[tilespmem:v59+s12+$0x0] =	vst.idx.msk $0xffff, v47;
	v41 =	vsel vm15, v61, v52  }
0x122: {  	v46 =	vsel vm13, v3, v46;
	v43 =	vld [tilespmem:s24+$0x300];
	vm4 =	vgt.f32 v63, v41  }
0x123: {  	v46 =	vsel vm14, v4, v46;
	v47 =	vld [tilespmem:s24+$0x310];
	v41 =	vsel vm4, v63, v41  }
0x124: {  	v57 =	vsel vm15, v5, v46;
	vm5 =	vgt.f32 v53, v41  }
0x125: {  	v56 =	vld [tilespmem:s24+$0x320];
	v44 =	vsel vm4, v6, v57;
	v41 =	vsel vm5, v53, v41  }
0x126: {  	v58 =	vld [tilespmem:s24+$0x330];
	v44 =	vsel vm5, v11, v44;
	[tilespmem:v55+s11+$0x0] =	vst.idx.msk $0xffff, v41  }
0x127: {  	v59 =	vld [tilespmem:s24+$0x340];
	[tilespmem:v55+s12+$0x0] =	vst.idx.msk $0xffff, v44  }
0x128: {  	vm6 =	vgt.f32 v47, v43;
	v44 =	vld [tilespmem:s23+$0x280]  }
0x129: {  	v60 =	vsel vm6, v47, v43;
	v45 =	vld [tilespmem:s23+$0x290]  }
0x12a: {  	v61 =	vld [tilespmem:s24+$0x350];
	vm7 =	vgt.f32 v56, v60  }
0x12b: {  	v63 =	vld [tilespmem:s23+$0x2A0];
	v41 =	vsel vm7, v56, v60  }
0x12c: {  	v62 =	vld [tilespmem:s24+$0x360];
	vm8 =	vgt.f32 v58, v41  }
0x12d: {  	v53 =	vsel vm6, v1, v0;
	v54 =	vld [tilespmem:s23+$0x2B0];
	v41 =	vsel vm8, v58, v41  }
0x12e: {  	v52 =	vld [tilespmem:s24+$0x370];
	v55 =	vor.u32 v13, v39;
	vm9 =	vgt.f32 v59, v41;
	vm11 =	vgt.f32 v45, v44  }
0x12f: {  	v49 =	vsel vm7, v2, v53;
	v56 =	vld [tilespmem:s23+$0x2C0];
	v41 =	vsel vm9, v59, v41;
	v44 =	vsel vm11, v45, v44  }
0x130: {  	v49 =	vsel vm8, v3, v49;
	vm10 =	vgt.f32 v61, v41;
	vm13 =	vgt.f32 v63, v44  }
0x131: {  	v57 =	vld [tilespmem:s23+$0x2D0];
	v49 =	vsel vm9, v4, v49;
	v41 =	vsel vm10, v61, v41;
	v44 =	vsel vm13, v63, v44  }
0x132: {  	v58 =	vsel vm10, v5, v49;
	vm12 =	vgt.f32 v62, v41;
	vm15 =	vgt.f32 v54, v44  }
0x133: {  	v59 =	vld [tilespmem:s23+$0x2E0];
	v63 =	vor.u32 v12, v40;
	v41 =	vsel vm12, v62, v41;
	v42 =	vsel vm15, v54, v44  }
0x134: {  	v47 =	vsel vm12, v6, v58;
	vm14 =	vgt.f32 v52, v41;
	vm5 =	vgt.f32 v56, v42  }
0x135: {  	v61 =	vld [tilespmem:s23+$0x2F0];
	v62 =	vsel vm11, v1, v0;
	v41 =	vsel vm14, v52, v41;
	v60 =	vsel vm5, v56, v42  }
0x136: {  	v47 =	vsel vm14, v11, v47;
	[tilespmem:v55+s11+$0x0] =	vst.idx.msk $0xffff, v41;
	vm6 =	vgt.f32 v57, v60  }
0x137: {  	v45 =	vsel vm13, v2, v62;
	[tilespmem:v55+s12+$0x0] =	vst.idx.msk $0xffff, v47;
	v41 =	vsel vm6, v57, v60  }
0x138: {  	v45 =	vsel vm15, v3, v45;
	v43 =	vld [tilespmem:s24+$0x380];
	vm7 =	vgt.f32 v59, v41  }
0x139: {  	v45 =	vsel vm5, v4, v45;
	v47 =	vld [tilespmem:s24+$0x390];
	v41 =	vsel vm7, v59, v41  }
0x13a: {  	v53 =	vsel vm6, v5, v45;
	vm8 =	vgt.f32 v61, v41  }
0x13b: {  	v52 =	vld [tilespmem:s24+$0x3A0];
	v44 =	vsel vm7, v6, v53;
	v41 =	vsel vm8, v61, v41  }
0x13c: {  	v54 =	vld [tilespmem:s24+$0x3B0];
	v44 =	vsel vm8, v11, v44;
	[tilespmem:v63+s11+$0x0] =	vst.idx.msk $0xffff, v41  }
0x13d: {  	v55 =	vld [tilespmem:s24+$0x3C0];
	[tilespmem:v63+s12+$0x0] =	vst.idx.msk $0xffff, v44  }
0x13e: {  	vm9 =	vgt.f32 v47, v43;
	v44 =	vld [tilespmem:s23+$0x300]  }
0x13f: {  	v56 =	vsel vm9, v47, v43;
	v46 =	vld [tilespmem:s23+$0x310]  }
0x140: {  	v57 =	vld [tilespmem:s24+$0x3D0];
	vm10 =	vgt.f32 v52, v56  }
0x141: {  	v59 =	vld [tilespmem:s23+$0x320];
	v41 =	vsel vm10, v52, v56  }
0x142: {  	v58 =	vld [tilespmem:s24+$0x3E0];
	vm11 =	vgt.f32 v54, v41  }
0x143: {  	v61 =	vsel vm9, v1, v0;
	v62 =	vld [tilespmem:s23+$0x330];
	v41 =	vsel vm11, v54, v41  }
0x144: {  	v60 =	vld [tilespmem:s24+$0x3F0];
	v63 =	vor.u32 v14, v39;
	vm12 =	vgt.f32 v55, v41;
	vm14 =	vgt.f32 v46, v44  }
0x145: {  	v49 =	vsel vm10, v2, v61;
	v52 =	vld [tilespmem:s23+$0x340];
	v41 =	vsel vm12, v55, v41;
	v44 =	vsel vm14, v46, v44  }
0x146: {  	v49 =	vsel vm11, v3, v49;
	vm13 =	vgt.f32 v57, v41;
	vm8 =	vgt.f32 v59, v44  }
0x147: {  	v53 =	vld [tilespmem:s23+$0x350];
	v49 =	vsel vm12, v4, v49;
	v41 =	vsel vm13, v57, v41;
	v44 =	vsel vm8, v59, v44  }
0x148: {  	v54 =	vsel vm13, v5, v49;
	vm15 =	vgt.f32 v58, v41;
	vm10 =	vgt.f32 v62, v44  }
0x149: {  	v55 =	vld [tilespmem:s23+$0x360];
	v59 =	vor.u32 v13, v40;
	v41 =	vsel vm15, v58, v41;
	v42 =	vsel vm10, v62, v44  }
0x14a: {  	v47 =	vsel vm15, v6, v54;
	vm9 =	vgt.f32 v60, v41;
	vm11 =	vgt.f32 v52, v42  }
0x14b: {  	v57 =	vld [tilespmem:s23+$0x370];
	v58 =	vsel vm14, v1, v0;
	v41 =	vsel vm9, v60, v41;
	v56 =	vsel vm11, v52, v42  }
0x14c: {  	v47 =	vsel vm9, v11, v47;
	[tilespmem:v63+s11+$0x0] =	vst.idx.msk $0xffff, v41;
	vm12 =	vgt.f32 v53, v56  }
0x14d: {  	v46 =	vsel vm8, v2, v58;
	[tilespmem:v63+s12+$0x0] =	vst.idx.msk $0xffff, v47;
	v41 =	vsel vm12, v53, v56  }
0x14e: {  	v46 =	vsel vm10, v3, v46;
	v43 =	vld [tilespmem:s24+$0x400];
	vm13 =	vgt.f32 v55, v41  }
0x14f: {  	v46 =	vsel vm11, v4, v46;
	v47 =	vld [tilespmem:s24+$0x410];
	v41 =	vsel vm13, v55, v41  }
0x150: {  	v61 =	vsel vm12, v5, v46;
	vm14 =	vgt.f32 v57, v41  }
0x151: {  	v60 =	vld [tilespmem:s24+$0x420];
	v44 =	vsel vm13, v6, v61;
	v41 =	vsel vm14, v57, v41  }
0x152: {  	v62 =	vld [tilespmem:s24+$0x430];
	v44 =	vsel vm14, v11, v44;
	[tilespmem:v59+s11+$0x0] =	vst.idx.msk $0xffff, v41  }
0x153: {  	v63 =	vld [tilespmem:s24+$0x440];
	[tilespmem:v59+s12+$0x0] =	vst.idx.msk $0xffff, v44  }
0x154: {  	vm15 =	vgt.f32 v47, v43;
	v44 =	vld [tilespmem:s23+$0x380]  }
0x155: {  	v52 =	vsel vm15, v47, v43;
	v45 =	vld [tilespmem:s23+$0x390]  }
0x156: {  	v53 =	vld [tilespmem:s24+$0x450];
	vm6 =	vgt.f32 v60, v52  }
0x157: {  	v55 =	vld [tilespmem:s23+$0x3A0];
	v41 =	vsel vm6, v60, v52  }
0x158: {  	v54 =	vld [tilespmem:s24+$0x460];
	vm7 =	vgt.f32 v62, v41  }
0x159: {  	v57 =	vsel vm15, v1, v0;
	v58 =	vld [tilespmem:s23+$0x3B0];
	v41 =	vsel vm7, v62, v41  }
0x15a: {  	v56 =	vld [tilespmem:s24+$0x470];
	v59 =	vor.u32 v15, v39;
	vm8 =	vgt.f32 v63, v41;
	vm10 =	vgt.f32 v45, v44  }
0x15b: {  	v49 =	vsel vm6, v2, v57;
	v60 =	vld [tilespmem:s23+$0x3C0];
	v41 =	vsel vm8, v63, v41;
	v44 =	vsel vm10, v45, v44  }
0x15c: {  	v49 =	vsel vm7, v3, v49;
	vm9 =	vgt.f32 v53, v41;
	vm12 =	vgt.f32 v55, v44  }
0x15d: {  	v61 =	vld [tilespmem:s23+$0x3D0];
	v49 =	vsel vm8, v4, v49;
	v41 =	vsel vm9, v53, v41;
	v44 =	vsel vm12, v55, v44  }
0x15e: {  	v62 =	vsel vm9, v5, v49;
	vm11 =	vgt.f32 v54, v41;
	vm14 =	vgt.f32 v58, v44  }
0x15f: {  	v63 =	vld [tilespmem:s23+$0x3E0];
	v55 =	vor.u32 v14, v40;
	v41 =	vsel vm11, v54, v41;
	v42 =	vsel vm14, v58, v44  }
0x160: {  	v47 =	vsel vm11, v6, v62;
	vm13 =	vgt.f32 v56, v41;
	vm15 =	vgt.f32 v60, v42  }
0x161: {  	v53 =	vld [tilespmem:s23+$0x3F0];
	v54 =	vsel vm10, v1, v0;
	v41 =	vsel vm13, v56, v41;
	v52 =	vsel vm15, v60, v42  }
0x162: {  	v47 =	vsel vm13, v11, v47;
	[tilespmem:v59+s11+$0x0] =	vst.idx.msk $0xffff, v41;
	vm5 =	vgt.f32 v61, v52  }
0x163: {  	v45 =	vsel vm12, v2, v54;
	[tilespmem:v59+s12+$0x0] =	vst.idx.msk $0xffff, v47;
	v41 =	vsel vm5, v61, v52  }
0x164: {  	v45 =	vsel vm14, v3, v45;
	v43 =	vld [tilespmem:s24+$0x480];
	vm6 =	vgt.f32 v63, v41  }
0x165: {  	v45 =	vsel vm15, v4, v45;
	v47 =	vld [tilespmem:s24+$0x490];
	v41 =	vsel vm6, v63, v41  }
0x166: {  	v57 =	vsel vm5, v5, v45;
	vm7 =	vgt.f32 v53, v41  }
0x167: {  	v56 =	vld [tilespmem:s24+$0x4A0];
	v44 =	vsel vm6, v6, v57;
	v41 =	vsel vm7, v53, v41  }
0x168: {  	v58 =	vld [tilespmem:s24+$0x4B0];
	v44 =	vsel vm7, v11, v44;
	[tilespmem:v55+s11+$0x0] =	vst.idx.msk $0xffff, v41  }
0x169: {  	v59 =	vld [tilespmem:s24+$0x4C0];
	[tilespmem:v55+s12+$0x0] =	vst.idx.msk $0xffff, v44  }
0x16a: {  	vm8 =	vgt.f32 v47, v43;
	v44 =	vld [tilespmem:s23+$0x400]  }
0x16b: {  	v60 =	vsel vm8, v47, v43;
	v46 =	vld [tilespmem:s23+$0x410]  }
0x16c: {  	v61 =	vld [tilespmem:s24+$0x4D0];
	vm9 =	vgt.f32 v56, v60  }
0x16d: {  	v63 =	vld [tilespmem:s23+$0x420];
	v41 =	vsel vm9, v56, v60  }
0x16e: {  	v62 =	vld [tilespmem:s24+$0x4E0];
	vm10 =	vgt.f32 v58, v41  }
0x16f: {  	v53 =	vsel vm8, v1, v0;
	v54 =	vld [tilespmem:s23+$0x430];
	v41 =	vsel vm10, v58, v41  }
0x170: {  	v52 =	vld [tilespmem:s24+$0x4F0];
	v55 =	vor.u32 v16, v39;
	vm11 =	vgt.f32 v59, v41;
	vm13 =	vgt.f32 v46, v44  }
0x171: {  	v49 =	vsel vm9, v2, v53;
	v56 =	vld [tilespmem:s23+$0x440];
	v41 =	vsel vm11, v59, v41;
	v44 =	vsel vm13, v46, v44  }
0x172: {  	v49 =	vsel vm10, v3, v49;
	vm12 =	vgt.f32 v61, v41;
	vm15 =	vgt.f32 v63, v44  }
0x173: {  	v57 =	vld [tilespmem:s23+$0x450];
	v49 =	vsel vm11, v4, v49;
	v41 =	vsel vm12, v61, v41;
	v44 =	vsel vm15, v63, v44  }
0x174: {  	v58 =	vsel vm12, v5, v49;
	vm14 =	vgt.f32 v62, v41;
	vm7 =	vgt.f32 v54, v44  }
0x175: {  	v59 =	vld [tilespmem:s23+$0x460];
	v63 =	vor.u32 v15, v40;
	v41 =	vsel vm14, v62, v41;
	v42 =	vsel vm7, v54, v44  }
0x176: {  	v47 =	vsel vm14, v6, v58;
	vm6 =	vgt.f32 v52, v41;
	vm8 =	vgt.f32 v56, v42  }
0x177: {  	v61 =	vld [tilespmem:s23+$0x470];
	v62 =	vsel vm13, v1, v0;
	v41 =	vsel vm6, v52, v41;
	v60 =	vsel vm8, v56, v42  }
0x178: {  	v47 =	vsel vm6, v11, v47;
	[tilespmem:v55+s11+$0x0] =	vst.idx.msk $0xffff, v41;
	vm9 =	vgt.f32 v57, v60  }
0x179: {  	v46 =	vsel vm15, v2, v62;
	[tilespmem:v55+s12+$0x0] =	vst.idx.msk $0xffff, v47;
	v41 =	vsel vm9, v57, v60  }
0x17a: {  	v46 =	vsel vm7, v3, v46;
	v43 =	vld [tilespmem:s24+$0x500];
	vm10 =	vgt.f32 v59, v41  }
0x17b: {  	v46 =	vsel vm8, v4, v46;
	v47 =	vld [tilespmem:s24+$0x510];
	v41 =	vsel vm10, v59, v41  }
0x17c: {  	v53 =	vsel vm9, v5, v46;
	vm11 =	vgt.f32 v61, v41  }
0x17d: {  	v52 =	vld [tilespmem:s24+$0x520];
	v44 =	vsel vm10, v6, v53;
	v41 =	vsel vm11, v61, v41  }
0x17e: {  	v54 =	vld [tilespmem:s24+$0x530];
	v44 =	vsel vm11, v11, v44;
	[tilespmem:v63+s11+$0x0] =	vst.idx.msk $0xffff, v41  }
0x17f: {  	v55 =	vld [tilespmem:s24+$0x540];
	[tilespmem:v63+s12+$0x0] =	vst.idx.msk $0xffff, v44  }
0x180: {  	vm12 =	vgt.f32 v47, v43;
	v44 =	vld [tilespmem:s23+$0x480]  }
0x181: {  	v56 =	vsel vm12, v47, v43;
	v45 =	vld [tilespmem:s23+$0x490]  }
0x182: {  	v57 =	vld [tilespmem:s24+$0x550];
	vm13 =	vgt.f32 v52, v56  }
0x183: {  	v59 =	vld [tilespmem:s23+$0x4A0];
	v41 =	vsel vm13, v52, v56  }
0x184: {  	v58 =	vld [tilespmem:s24+$0x560];
	vm14 =	vgt.f32 v54, v41  }
0x185: {  	v61 =	vsel vm12, v1, v0;
	v62 =	vld [tilespmem:s23+$0x4B0];
	v41 =	vsel vm14, v54, v41  }
0x186: {  	v60 =	vld [tilespmem:s24+$0x570];
	v63 =	vor.u32 v17, v39;
	vm15 =	vgt.f32 v55, v41;
	vm9 =	vgt.f32 v45, v44  }
0x187: {  	v49 =	vsel vm13, v2, v61;
	v52 =	vld [tilespmem:s23+$0x4C0];
	v41 =	vsel vm15, v55, v41;
	v44 =	vsel vm9, v45, v44  }
0x188: {  	v49 =	vsel vm14, v3, v49;
	vm8 =	vgt.f32 v57, v41;
	vm11 =	vgt.f32 v59, v44  }
0x189: {  	v53 =	vld [tilespmem:s23+$0x4D0];
	v49 =	vsel vm15, v4, v49;
	v41 =	vsel vm8, v57, v41;
	v44 =	vsel vm11, v59, v44  }
0x18a: {  	v54 =	vsel vm8, v5, v49;
	vm10 =	vgt.f32 v58, v41;
	vm13 =	vgt.f32 v62, v44  }
0x18b: {  	v55 =	vld [tilespmem:s23+$0x4E0];
	v59 =	vor.u32 v16, v40;
	v41 =	vsel vm10, v58, v41;
	v42 =	vsel vm13, v62, v44  }
0x18c: {  	v47 =	vsel vm10, v6, v54;
	vm12 =	vgt.f32 v60, v41;
	vm14 =	vgt.f32 v52, v42  }
0x18d: {  	v57 =	vld [tilespmem:s23+$0x4F0];
	v58 =	vsel vm9, v1, v0;
	v41 =	vsel vm12, v60, v41;
	v56 =	vsel vm14, v52, v42  }
0x18e: {  	v47 =	vsel vm12, v11, v47;
	[tilespmem:v63+s11+$0x0] =	vst.idx.msk $0xffff, v41;
	vm15 =	vgt.f32 v53, v56  }
0x18f: {  	v45 =	vsel vm11, v2, v58;
	[tilespmem:v63+s12+$0x0] =	vst.idx.msk $0xffff, v47;
	v41 =	vsel vm15, v53, v56  }
0x190: {  	v45 =	vsel vm13, v3, v45;
	v43 =	vld [tilespmem:s24+$0x580];
	vm4 =	vgt.f32 v55, v41  }
0x191: {  	v45 =	vsel vm14, v4, v45;
	v47 =	vld [tilespmem:s24+$0x590];
	v41 =	vsel vm4, v55, v41  }
0x192: {  	v61 =	vsel vm15, v5, v45;
	vm5 =	vgt.f32 v57, v41  }
0x193: {  	v60 =	vld [tilespmem:s24+$0x5A0];
	v44 =	vsel vm4, v6, v61;
	v41 =	vsel vm5, v57, v41  }
0x194: {  	v62 =	vld [tilespmem:s24+$0x5B0];
	v44 =	vsel vm5, v11, v44;
	[tilespmem:v59+s11+$0x0] =	vst.idx.msk $0xffff, v41  }
0x195: {  	v63 =	vld [tilespmem:s24+$0x5C0];
	[tilespmem:v59+s12+$0x0] =	vst.idx.msk $0xffff, v44  }
0x196: {  	vm6 =	vgt.f32 v47, v43;
	v44 =	vld [tilespmem:s23+$0x500]  }
0x197: {  	v52 =	vsel vm6, v47, v43;
	v46 =	vld [tilespmem:s23+$0x510]  }
0x198: {  	v53 =	vld [tilespmem:s24+$0x5D0];
	vm7 =	vgt.f32 v60, v52  }
0x199: {  	v55 =	vld [tilespmem:s23+$0x520];
	v41 =	vsel vm7, v60, v52  }
0x19a: {  	v54 =	vld [tilespmem:s24+$0x5E0];
	vm8 =	vgt.f32 v62, v41  }
0x19b: {  	v57 =	vsel vm6, v1, v0;
	v58 =	vld [tilespmem:s23+$0x530];
	v41 =	vsel vm8, v62, v41  }
0x19c: {  	v56 =	vld [tilespmem:s24+$0x5F0];
	v59 =	vor.u32 v18, v39;
	vm9 =	vgt.f32 v63, v41;
	vm11 =	vgt.f32 v46, v44  }
0x19d: {  	v49 =	vsel vm7, v2, v57;
	v60 =	vld [tilespmem:s23+$0x540];
	v41 =	vsel vm9, v63, v41;
	v44 =	vsel vm11, v46, v44  }
0x19e: {  	v49 =	vsel vm8, v3, v49;
	vm10 =	vgt.f32 v53, v41;
	vm13 =	vgt.f32 v55, v44  }
0x19f: {  	v61 =	vld [tilespmem:s23+$0x550];
	v49 =	vsel vm9, v4, v49;
	v41 =	vsel vm10, v53, v41;
	v44 =	vsel vm13, v55, v44  }
0x1a0: {  	v62 =	vsel vm10, v5, v49;
	vm12 =	vgt.f32 v54, v41;
	vm15 =	vgt.f32 v58, v44  }
0x1a1: {  	v63 =	vld [tilespmem:s23+$0x560];
	v53 =	vsel vm11, v1, v0;
	v41 =	vsel vm12, v54, v41;
	v42 =	vsel vm15, v58, v44  }
0x1a2: {  	v46 =	vsel vm13, v2, v53;
	vm14 =	vgt.f32 v56, v41;
	vm5 =	vgt.f32 v60, v42  }
0x1a3: {  	v52 =	vld [tilespmem:s23+$0x570];
	v47 =	vsel vm12, v6, v62;
	v41 =	vsel vm14, v56, v41;
	v51 =	vsel vm5, v60, v42  }
0x1a4: {  	v47 =	vsel vm14, v11, v47;
	[tilespmem:v59+s11+$0x0] =	vst.idx.msk $0xffff, v41;
	vm6 =	vgt.f32 v61, v51  }
0x1a5: {  	v54 =	vor.u32 v17, v40;
	[tilespmem:v59+s12+$0x0] =	vst.idx.msk $0xffff, v47;
	v41 =	vsel vm6, v61, v51  }
0x1a6: {  	v46 =	vsel vm15, v3, v46;
	v43 =	vld [tilespmem:s24+$0x600];
	vm7 =	vgt.f32 v63, v41  }
0x1a7: {  	v46 =	vsel vm5, v4, v46;
	v47 =	vld [tilespmem:s24+$0x610];
	v41 =	vsel vm7, v63, v41  }
0x1a8: {  	v56 =	vsel vm6, v5, v46;
	vm8 =	vgt.f32 v52, v41  }
0x1a9: {  	v55 =	vld [tilespmem:s24+$0x620];
	v44 =	vsel vm7, v6, v56;
	v41 =	vsel vm8, v52, v41  }
0x1aa: {  	v57 =	vld [tilespmem:s24+$0x630];
	v44 =	vsel vm8, v11, v44;
	[tilespmem:v54+s11+$0x0] =	vst.idx.msk $0xffff, v41  }
0x1ab: {  	v58 =	vld [tilespmem:s24+$0x640];
	[tilespmem:v54+s12+$0x0] =	vst.idx.msk $0xffff, v44  }
0x1ac: {  	vm9 =	vgt.f32 v47, v43;
	v44 =	vld [tilespmem:s23+$0x580]  }
0x1ad: {  	v59 =	vsel vm9, v47, v43;
	v45 =	vld [tilespmem:s23+$0x590]  }
0x1ae: {  	v60 =	vld [tilespmem:s24+$0x650];
	vm10 =	vgt.f32 v55, v59  }
0x1af: {  	v62 =	vld [tilespmem:s23+$0x5A0];
	v41 =	vsel vm10, v55, v59  }
0x1b0: {  	v61 =	vld [tilespmem:s24+$0x660];
	vm11 =	vgt.f32 v57, v41  }
0x1b1: {  	v52 =	vsel vm9, v1, v0;
	v53 =	vld [tilespmem:s23+$0x5B0];
	v41 =	vsel vm11, v57, v41  }
0x1b2: {  	v63 =	vld [tilespmem:s24+$0x670];
	v54 =	vor.u32 v19, v39;
	vm12 =	vgt.f32 v58, v41;
	vm14 =	vgt.f32 v45, v44  }
0x1b3: {  	v49 =	vsel vm10, v2, v52;
	v55 =	vld [tilespmem:s23+$0x5C0];
	v41 =	vsel vm12, v58, v41;
	v44 =	vsel vm14, v45, v44  }
0x1b4: {  	v49 =	vsel vm11, v3, v49;
	vm13 =	vgt.f32 v60, v41;
	vm8 =	vgt.f32 v62, v44  }
0x1b5: {  	v56 =	vld [tilespmem:s23+$0x5D0];
	v49 =	vsel vm12, v4, v49;
	v41 =	vsel vm13, v60, v41;
	v44 =	vsel vm8, v62, v44  }
0x1b6: {  	v57 =	vsel vm13, v5, v49;
	vm15 =	vgt.f32 v61, v41;
	vm10 =	vgt.f32 v53, v44  }
0x1b7: {  	v58 =	vld [tilespmem:s23+$0x5E0];
	v62 =	vor.u32 v18, v40;
	v41 =	vsel vm15, v61, v41;
	v42 =	vsel vm10, v53, v44  }
0x1b8: {  	v47 =	vsel vm15, v6, v57;
	vm9 =	vgt.f32 v63, v41;
	vm11 =	vgt.f32 v55, v42  }
0x1b9: {  	v60 =	vld [tilespmem:s23+$0x5F0];
	v61 =	vsel vm14, v1, v0;
	v41 =	vsel vm9, v63, v41;
	v59 =	vsel vm11, v55, v42  }
0x1ba: {  	v47 =	vsel vm9, v11, v47;
	[tilespmem:v54+s11+$0x0] =	vst.idx.msk $0xffff, v41;
	vm12 =	vgt.f32 v56, v59  }
0x1bb: {  	v45 =	vsel vm8, v2, v61;
	[tilespmem:v54+s12+$0x0] =	vst.idx.msk $0xffff, v47;
	v41 =	vsel vm12, v56, v59  }
0x1bc: {  	v45 =	vsel vm10, v3, v45;
	v43 =	vld [tilespmem:s24+$0x680];
	vm13 =	vgt.f32 v58, v41  }
0x1bd: {  	v45 =	vsel vm11, v4, v45;
	v47 =	vld [tilespmem:s24+$0x690];
	v41 =	vsel vm13, v58, v41  }
0x1be: {  	v52 =	vsel vm12, v5, v45;
	vm14 =	vgt.f32 v60, v41  }
0x1bf: {  	v63 =	vld [tilespmem:s24+$0x6A0];
	v44 =	vsel vm13, v6, v52;
	v41 =	vsel vm14, v60, v41  }
0x1c0: {  	v53 =	vld [tilespmem:s24+$0x6B0];
	v44 =	vsel vm14, v11, v44;
	[tilespmem:v62+s11+$0x0] =	vst.idx.msk $0xffff, v41  }
0x1c1: {  	v54 =	vld [tilespmem:s24+$0x6C0];
	[tilespmem:v62+s12+$0x0] =	vst.idx.msk $0xffff, v44  }
0x1c2: {  	vm15 =	vgt.f32 v47, v43;
	v44 =	vld [tilespmem:s23+$0x600]  }
0x1c3: {  	v55 =	vsel vm15, v47, v43;
	v46 =	vld [tilespmem:s23+$0x610]  }
0x1c4: {  	v56 =	vld [tilespmem:s24+$0x6D0];
	vm6 =	vgt.f32 v63, v55  }
0x1c5: {  	v58 =	vld [tilespmem:s23+$0x620];
	v41 =	vsel vm6, v63, v55  }
0x1c6: {  	v57 =	vld [tilespmem:s24+$0x6E0];
	vm7 =	vgt.f32 v53, v41  }
0x1c7: {  	v60 =	vsel vm15, v1, v0;
	v61 =	vld [tilespmem:s23+$0x630];
	v41 =	vsel vm7, v53, v41  }
0x1c8: {  	v59 =	vld [tilespmem:s24+$0x6F0];
	v62 =	vor.u32 v20, v39;
	vm8 =	vgt.f32 v54, v41;
	vm10 =	vgt.f32 v46, v44  }
0x1c9: {  	v49 =	vsel vm6, v2, v60;
	v63 =	vld [tilespmem:s23+$0x640];
	v41 =	vsel vm8, v54, v41;
	v44 =	vsel vm10, v46, v44  }
0x1ca: {  	v49 =	vsel vm7, v3, v49;
	vm9 =	vgt.f32 v56, v41;
	vm12 =	vgt.f32 v58, v44  }
0x1cb: {  	v51 =	vld [tilespmem:s23+$0x650];
	v49 =	vsel vm8, v4, v49;
	v41 =	vsel vm9, v56, v41;
	v44 =	vsel vm12, v58, v44  }
0x1cc: {  	v52 =	vsel vm9, v5, v49;
	vm11 =	vgt.f32 v57, v41;
	vm14 =	vgt.f32 v61, v44  }
0x1cd: {  	v53 =	vld [tilespmem:s23+$0x660];
	v56 =	vsel vm10, v1, v0;
	v41 =	vsel vm11, v57, v41;
	v42 =	vsel vm14, v61, v44  }
0x1ce: {  	v46 =	vsel vm12, v2, v56;
	vm13 =	vgt.f32 v59, v41;
	vm15 =	vgt.f32 v63, v42  }
0x1cf: {  	v55 =	vld [tilespmem:s23+$0x670];
	v47 =	vsel vm11, v6, v52;
	v41 =	vsel vm13, v59, v41;
	v54 =	vsel vm15, v63, v42  }
0x1d0: {  	v47 =	vsel vm13, v11, v47;
	[tilespmem:v62+s11+$0x0] =	vst.idx.msk $0xffff, v41;
	vm5 =	vgt.f32 v51, v54  }
0x1d1: {  	v57 =	vor.u32 v19, v40;
	[tilespmem:v62+s12+$0x0] =	vst.idx.msk $0xffff, v47;
	v41 =	vsel vm5, v51, v54  }
0x1d2: {  	v46 =	vsel vm14, v3, v46;
	v43 =	vld [tilespmem:s24+$0x700];
	vm6 =	vgt.f32 v53, v41  }
0x1d3: {  	v46 =	vsel vm15, v4, v46;
	v47 =	vld [tilespmem:s24+$0x710];
	v41 =	vsel vm6, v53, v41  }
0x1d4: {  	v59 =	vsel vm5, v5, v46;
	vm7 =	vgt.f32 v55, v41  }
0x1d5: {  	v58 =	vld [tilespmem:s24+$0x720];
	v44 =	vsel vm6, v6, v59;
	v41 =	vsel vm7, v55, v41  }
0x1d6: {  	v60 =	vld [tilespmem:s24+$0x730];
	v44 =	vsel vm7, v11, v44;
	[tilespmem:v57+s11+$0x0] =	vst.idx.msk $0xffff, v41  }
0x1d7: {  	v61 =	vld [tilespmem:s24+$0x740];
	[tilespmem:v57+s12+$0x0] =	vst.idx.msk $0xffff, v44  }
0x1d8: {  	vm8 =	vgt.f32 v47, v43;
	v44 =	vld [tilespmem:s23+$0x680]  }
0x1d9: {  	v62 =	vsel vm8, v47, v43;
	v45 =	vld [tilespmem:s23+$0x690]  }
0x1da: {  	v63 =	vld [tilespmem:s24+$0x750];
	vm9 =	vgt.f32 v58, v62  }
0x1db: {  	v53 =	vld [tilespmem:s23+$0x6A0];
	v41 =	vsel vm9, v58, v62  }
0x1dc: {  	v52 =	vld [tilespmem:s24+$0x760];
	vm10 =	vgt.f32 v60, v41  }
0x1dd: {  	v55 =	vsel vm8, v1, v0;
	v56 =	vld [tilespmem:s23+$0x6B0];
	v41 =	vsel vm10, v60, v41  }
0x1de: {  	v54 =	vld [tilespmem:s24+$0x770];
	v57 =	vor.u32 v21, v39;
	vm11 =	vgt.f32 v61, v41;
	vm13 =	vgt.f32 v45, v44  }
0x1df: {  	v49 =	vsel vm9, v2, v55;
	v58 =	vld [tilespmem:s23+$0x6C0];
	v41 =	vsel vm11, v61, v41;
	v44 =	vsel vm13, v45, v44  }
0x1e0: {  	v49 =	vsel vm10, v3, v49;
	vm12 =	vgt.f32 v63, v41;
	vm15 =	vgt.f32 v53, v44  }
0x1e1: {  	v59 =	vld [tilespmem:s23+$0x6D0];
	v49 =	vsel vm11, v4, v49;
	v41 =	vsel vm12, v63, v41;
	v44 =	vsel vm15, v53, v44  }
0x1e2: {  	v60 =	vsel vm12, v5, v49;
	vm14 =	vgt.f32 v52, v41;
	vm9 =	vgt.f32 v56, v44  }
0x1e3: {  	v61 =	vld [tilespmem:s23+$0x6E0];
	v53 =	vor.u32 v20, v40;
	v41 =	vsel vm14, v52, v41;
	v42 =	vsel vm9, v56, v44  }
0x1e4: {  	v47 =	vsel vm14, v6, v60;
	vm8 =	vgt.f32 v54, v41;
	vm10 =	vgt.f32 v58, v42  }
0x1e5: {  	v63 =	vld [tilespmem:s23+$0x6F0];
	v52 =	vsel vm13, v1, v0;
	v41 =	vsel vm8, v54, v41;
	v62 =	vsel vm10, v58, v42  }
0x1e6: {  	v47 =	vsel vm8, v11, v47;
	[tilespmem:v57+s11+$0x0] =	vst.idx.msk $0xffff, v41;
	vm11 =	vgt.f32 v59, v62  }
0x1e7: {  	v45 =	vsel vm15, v2, v52;
	[tilespmem:v57+s12+$0x0] =	vst.idx.msk $0xffff, v47;
	v41 =	vsel vm11, v59, v62  }
0x1e8: {  	v45 =	vsel vm9, v3, v45;
	v43 =	vld [tilespmem:s24+$0x780];
	vm12 =	vgt.f32 v61, v41  }
0x1e9: {  	v45 =	vsel vm10, v4, v45;
	v47 =	vld [tilespmem:s24+$0x790];
	v41 =	vsel vm12, v61, v41  }
0x1ea: {  	v55 =	vsel vm11, v5, v45;
	vm13 =	vgt.f32 v63, v41  }
0x1eb: {  	v54 =	vld [tilespmem:s24+$0x7A0];
	v44 =	vsel vm12, v6, v55;
	v41 =	vsel vm13, v63, v41  }
0x1ec: {  	v56 =	vld [tilespmem:s24+$0x7B0];
	v44 =	vsel vm13, v11, v44;
	[tilespmem:v53+s11+$0x0] =	vst.idx.msk $0xffff, v41  }
0x1ed: {  	v57 =	vld [tilespmem:s24+$0x7C0];
	[tilespmem:v53+s12+$0x0] =	vst.idx.msk $0xffff, v44  }
0x1ee: {  	vm14 =	vgt.f32 v47, v43;
	v44 =	vld [tilespmem:s23+$0x700]  }
0x1ef: {  	v58 =	vsel vm14, v47, v43;
	v46 =	vld [tilespmem:s23+$0x710]  }
0x1f0: {  	v59 =	vld [tilespmem:s24+$0x7D0];
	vm15 =	vgt.f32 v54, v58  }
0x1f1: {  	v62 =	vld [tilespmem:s23+$0x720];
	v41 =	vsel vm15, v54, v58  }
0x1f2: {  	v60 =	vld [tilespmem:s24+$0x7E0];
	v61 =	vsel vm14, v1, v0;
	v53 =	vor.u32 v22, v39;
	vm4 =	vgt.f32 v56, v41  }
0x1f3: {  	v52 =	vld [tilespmem:s23+$0x730];
	v48 =	vsel vm15, v2, v61;
	v61 =	vor.u32 v25, v39;
	v41 =	vsel vm4, v56, v41  }
0x1f4: {  	v63 =	vld [tilespmem:s24+$0x7F0];
	v48 =	vsel vm4, v3, v48;
	vm5 =	vgt.f32 v57, v41;
	vm7 =	vgt.f32 v46, v44  }
0x1f5: {  	v54 =	vld [tilespmem:s23+$0x740];
	v41 =	vsel vm5, v57, v41;
	v48 =	vsel vm5, v4, v48;
	v44 =	vsel vm7, v46, v44  }
0x1f6: {  	v57 =	vor.u32 v23, v39;
	vm6 =	vgt.f32 v59, v41;
	vm9 =	vgt.f32 v62, v44  }
0x1f7: {  	v56 =	vld [tilespmem:s23+$0x750];
	v41 =	vsel vm6, v59, v41;
	v48 =	vsel vm6, v5, v48;
	v44 =	vsel vm9, v62, v44  }
0x1f8: {  	v59 =	vor.u32 v24, v39;
	vm8 =	vgt.f32 v60, v41;
	vm11 =	vgt.f32 v52, v44  }
0x1f9: {  	v58 =	vld [tilespmem:s23+$0x760];
	v62 =	vsel vm7, v1, v0;
	v41 =	vsel vm8, v60, v41;
	v42 =	vsel vm11, v52, v44  }
0x1fa: {  	v55 =	vsel vm8, v6, v48;
	vm10 =	vgt.f32 v63, v41;
	vm12 =	vgt.f32 v54, v42  }
0x1fb: {  	v60 =	vld [tilespmem:s23+$0x770];
	v41 =	vsel vm10, v63, v41;
	v47 =	vsel vm10, v11, v55;
	v42 =	vsel vm12, v54, v42  }
0x1fc: {  	[tilespmem:v53+s11+$0x0] =	vst.idx.msk $0xffff, v41;
	v54 =	vor.u32 v21, v40;
	vm13 =	vgt.f32 v56, v42  }
0x1fd: {  	[tilespmem:v53+s12+$0x0] =	vst.idx.msk $0xffff, v47;
	v47 =	vsel vm9, v2, v62;
	v42 =	vsel vm13, v56, v42  }
0x1fe: {  	v63 =	vld.idx.msk [tilespmem:v57+s11+$0x0], $0xffff;
	v47 =	vsel vm11, v3, v47;
	vm14 =	vgt.f32 v58, v42  }
0x1ff: {  	v48 =	vld.idx.msk [tilespmem:v57+s12+$0x0], $0xffff;
	v47 =	vsel vm12, v4, v47;
	v42 =	vsel vm14, v58, v42  }
0x200: {  	v50 =	vld.idx.msk [tilespmem:v59+s11+$0x0], $0xffff;
	v55 =	vsel vm13, v5, v47;
	vm15 =	vgt.f32 v60, v42  }
0x201: {  	v41 =	vld.idx.msk [tilespmem:v59+s12+$0x0], $0xffff;
	v44 =	vsel vm14, v6, v55;
	v42 =	vsel vm15, v60, v42  }
0x202: {  	v57 =	vld.idx.msk [tilespmem:v61+s11+$0x0], $0xffff;
	v44 =	vsel vm15, v11, v44;
	[tilespmem:v54+s11+$0x0] =	vst.idx.msk $0xffff, v42  }
0x203: {  	v56 =	vor.u32 v26, v39;
	v58 =	vld.idx.msk [tilespmem:v61+s12+$0x0], $0xffff;
	[tilespmem:v54+s12+$0x0] =	vst.idx.msk $0xffff, v44  }
0x204: {  	v44 =	vld [tilespmem:s23+$0x780]  }
0x205: {  	v45 =	vld [tilespmem:s23+$0x790]  }
0x206: {  	vm4 =	veq.f32 v50, v63;
	vm5 =	vlt.s32 v41, v48  }
0x207: {  	vm6 =	vgt.f32 v50, v63;
	vm0 =	vmand vm4, vm5;
	v51 =	vld [tilespmem:s23+$0x7A0]  }
0x208: {  	v60 =	vor.u32 v27, v39;
	v46 =	vld.idx.msk [tilespmem:v56+s11+$0x0], $0xffff;
	vm0 =	vmor vm6, vm0  }
0x209: {  	v59 =	vld [tilespmem:s23+$0x7B0];
	v49 =	vsel vm0, v50, v63;
	v41 =	vsel vm0, v41, v48  }
0x20a: {  	v47 =	vld.idx.msk [tilespmem:v56+s12+$0x0], $0xffff;
	vm8 =	veq.f32 v57, v49;
	vm9 =	vlt.s32 v58, v41;
	vm10 =	vgt.f32 v45, v44  }
0x20b: {  	v61 =	vld [tilespmem:s23+$0x7C0];
	vm7 =	vgt.f32 v57, v49;
	vm1 =	vmand vm8, vm9;
	v44 =	vsel vm10, v45, v44  }
0x20c: {  	v63 =	vld [tilespmem:s23+$0x7D0];
	vm0 =	vmor vm7, vm1;
	vm11 =	vgt.f32 v51, v44  }
0x20d: {  	v52 =	vor.u32 v28, v39;
	v50 =	vld.idx.msk [tilespmem:v60+s12+$0x0], $0xffff;
	v43 =	vsel vm0, v57, v49;
	v62 =	vsel vm11, v51, v44  }
0x20e: {  	v41 =	vsel vm0, v58, v41;
	v49 =	vld.idx.msk [tilespmem:v60+s11+$0x0], $0xffff;
	v60 =	vor.u32 v29, v39;
	vm14 =	vgt.f32 v59, v62  }
0x20f: {  	v56 =	vld [tilespmem:s23+$0x7E0];
	vm12 =	veq.f32 v46, v43;
	vm13 =	vlt.s32 v47, v41;
	v42 =	vsel vm14, v59, v62  }
0x210: {  	vm15 =	vgt.f32 v46, v43;
	vm0 =	vmand vm12, vm13;
	vm5 =	vgt.f32 v61, v42  }
0x211: {  	v58 =	vld [tilespmem:s23+$0x7F0];
	v57 =	vsel vm10, v1, v0;
	vm0 =	vmor vm15, vm0;
	v42 =	vsel vm5, v61, v42  }
0x212: {  	v43 =	vsel vm0, v46, v43;
	v41 =	vsel vm0, v47, v41;
	vm6 =	vgt.f32 v63, v42  }
0x213: {  	v59 =	vsel vm11, v2, v57;
	v61 =	vor.u32 v22, v40;
	v42 =	vsel vm6, v63, v42  }
0x214: {  	v62 =	vor.u32 v23, v40;
	v46 =	vsel vm14, v3, v59;
	vm7 =	vgt.f32 v56, v42  }
0x215: {  	vm8 =	veq.f32 v49, v43;
	v46 =	vsel vm5, v4, v46;
	v63 =	vld.idx.msk [tilespmem:v52+s11+$0x0], $0xffff;
	v42 =	vsel vm7, v56, v42  }
0x216: {  	vm10 =	vlt.s32 v50, v41;
	v46 =	vsel vm6, v5, v46;
	v52 =	vld.idx.msk [tilespmem:v52+s12+$0x0], $0xffff;
	vm9 =	vgt.f32 v58, v42  }
0x217: {  	v53 =	vld.idx.msk [tilespmem:v60+s11+$0x0], $0xffff;
	v46 =	vsel vm7, v6, v46;
	v56 =	vor.u32 v24, v40;
	v42 =	vsel vm9, v58, v42  }
0x218: {  	vm11 =	vgt.f32 v49, v43;
	vm0 =	vmand vm8, vm10;
	v46 =	vsel vm9, v11, v46;
	[tilespmem:v61+s11+$0x0] =	vst.idx.msk $0xffff, v42  }
0x219: {  	v57 =	vld.idx.msk [tilespmem:v60+s12+$0x0], $0xffff;
	vm0 =	vmor vm11, vm0;
	v58 =	vor.u32 v30, v39;
	[tilespmem:v61+s12+$0x0] =	vst.idx.msk $0xffff, v46  }
0x21a: {  	v43 =	vsel vm0, v49, v43;
	v41 =	vsel vm0, v50, v41;
	v46 =	vld.idx.msk [tilespmem:v62+s11+$0x0], $0xffff  }
0x21b: {  	v60 =	vor.u32 v25, v40;
	vm12 =	veq.f32 v63, v43;
	vm13 =	vlt.s32 v52, v41;
	v47 =	vld.idx.msk [tilespmem:v62+s12+$0x0], $0xffff  }
0x21c: {  	vm14 =	vgt.f32 v63, v43;
	vm0 =	vmand vm12, vm13;
	v59 =	vld.idx.msk [tilespmem:v56+s11+$0x0], $0xffff  }
0x21d: {  	v45 =	vld.idx.msk [tilespmem:v56+s12+$0x0], $0xffff;
	vm0 =	vmor vm14, vm0  }
0x21e: {  	v43 =	vsel vm0, v63, v43;
	v41 =	vsel vm0, v52, v41;
	v61 =	vld.idx.msk [tilespmem:v58+s11+$0x0], $0xffff  }
0x21f: {  	v63 =	vor.u32 v26, v40;
	vm15 =	veq.f32 v53, v43;
	vm4 =	vlt.s32 v57, v41;
	v44 =	vld.idx.msk [tilespmem:v58+s12+$0x0], $0xffff  }
0x220: {  	v62 =	vor.u32 v31, v39;
	v54 =	vld.idx.msk [tilespmem:v60+s11+$0x0], $0xffff;
	vm5 =	vgt.f32 v53, v43;
	vm0 =	vmand vm15, vm4  }
0x221: {  	v50 =	vld.idx.msk [tilespmem:v60+s12+$0x0], $0xffff;
	v60 =	vor.u32 v28, v40;
	vm0 =	vmor vm5, vm0;
	vm6 =	veq.f32 v59, v46  }
0x222: {  	vm7 =	vlt.s32 v45, v47;
	v43 =	vsel vm0, v53, v43;
	vm8 =	vgt.f32 v59, v46  }
0x223: {  	v41 =	vsel vm0, v57, v41;
	v57 =	vor.u32 v27, v40;
	vm1 =	vmand vm6, vm7  }
0x224: {  	v58 =	vld.idx.msk [tilespmem:v63+s11+$0x0], $0xffff;
	vm9 =	vmor vm8, vm1;
	vm10 =	veq.f32 v61, v43;
	vm11 =	vlt.s32 v44, v41  }
0x225: {  	vm12 =	vgt.f32 v61, v43;
	v46 =	vsel vm9, v59, v46;
	v45 =	vsel vm9, v45, v47;
	v59 =	vld.idx.msk [tilespmem:v63+s12+$0x0], $0xffff  }
0x226: {  	v42 =	vld.idx.msk [tilespmem:v62+s11+$0x0], $0xffff;
	vm1 =	vmand vm10, vm11;
	vm14 =	veq.f32 v54, v46;
	vm15 =	vlt.s32 v50, v45  }
0x227: {  	v51 =	vld.idx.msk [tilespmem:v62+s12+$0x0], $0xffff;
	vm13 =	vmor vm12, vm1;
	vm6 =	vgt.f32 v54, v46;
	vm1 =	vmand vm14, vm15  }
0x228: {  	v43 =	vsel vm13, v61, v43;
	v41 =	vsel vm13, v44, v41;
	v44 =	vld.idx.msk [tilespmem:v57+s11+$0x0], $0xffff;
	vm7 =	vmor vm6, vm1  }
0x229: {  	v61 =	vor.u32 v32, v39;
	v62 =	vld.idx.msk [tilespmem:v57+s12+$0x0], $0xffff;
	v46 =	vsel vm7, v54, v46;
	v45 =	vsel vm7, v50, v45  }
0x22a: {  	vm9 =	veq.f32 v58, v46;
	vm10 =	vlt.s32 v59, v45  }
0x22b: {  	v63 =	vor.u32 v29, v40;
	vm11 =	vgt.f32 v58, v46;
	vm1 =	vmand vm9, vm10  }
0x22c: {  	v57 =	vld.idx.msk [tilespmem:v60+s11+$0x0], $0xffff;
	vm8 =	vgt.f32 v42, v43;
	vm1 =	vmor vm11, vm1  }
0x22d: {  	vm12 =	veq.f32 v42, v43;
	v46 =	vsel vm1, v58, v46;
	v45 =	vsel vm1, v59, v45;
	v58 =	vld.idx.msk [tilespmem:v60+s12+$0x0], $0xffff  }
0x22e: {  	vm13 =	vlt.s32 v51, v41;
	v49 =	vld.idx.msk [tilespmem:v61+s11+$0x0], $0xffff;
	vm14 =	veq.f32 v44, v46;
	vm15 =	vlt.s32 v62, v45  }
0x22f: {  	vm2 =	vmand vm12, vm13;
	v48 =	vld.idx.msk [tilespmem:v61+s12+$0x0], $0xffff;
	vm6 =	vgt.f32 v44, v46;
	vm1 =	vmand vm14, vm15  }
0x230: {  	vm0 =	vmor vm8, vm2;
	v61 =	vld.idx.msk [tilespmem:v63+s12+$0x0], $0xffff;
	v59 =	vor.u32 v30, v40;
	vm1 =	vmor vm6, vm1  }
0x231: {  	v42 =	vsel vm0, v42, v43;
	v60 =	vld.idx.msk [tilespmem:v63+s11+$0x0], $0xffff;
	v44 =	vsel vm1, v44, v46;
	v45 =	vsel vm1, v62, v45  }
0x232: {  	v62 =	vor.u32 v33, v39;
	vm7 =	veq.f32 v57, v44;
	vm1 =	vlt.s32 v58, v45  }
0x233: {  	v41 =	vsel vm0, v51, v41;
	vm9 =	vgt.f32 v57, v44;
	vm0 =	vmand vm7, vm1  }
0x234: {  	v56 =	vor.u32 v33, v40;
	v63 =	vor.u32 v31, v40;
	vm0 =	vmor vm9, vm0  }
0x235: {  	vm10 =	veq.f32 v49, v42;
	v51 =	vld.idx.msk [tilespmem:v59+s11+$0x0], $0xffff;
	v44 =	vsel vm0, v57, v44;
	v45 =	vsel vm0, v58, v45  }
0x236: {  	vm11 =	vlt.s32 v48, v41;
	v47 =	vld.idx.msk [tilespmem:v59+s12+$0x0], $0xffff;
	vm13 =	veq.f32 v60, v44;
	vm14 =	vlt.s32 v61, v45  }
0x237: {  	v57 =	vor.u32 v34, v39;
	v52 =	vld.idx.msk [tilespmem:v62+s11+$0x0], $0xffff;
	vm15 =	vgt.f32 v60, v44;
	vm1 =	vmand vm13, vm14  }
0x238: {  	vm8 =	vgt.f32 v49, v42;
	vm12 =	vmand vm10, vm11;
	v50 =	vld.idx.msk [tilespmem:v62+s12+$0x0], $0xffff;
	vm1 =	vmor vm15, vm1  }
0x239: {  	vm0 =	vmor vm8, vm12;
	v43 =	vsel vm1, v60, v44;
	v60 =	vor.u32 v32, v40  }
0x23a: {  	v59 =	vld.idx.msk [tilespmem:v63+s11+$0x0], $0xffff;
	v42 =	vsel vm0, v49, v42;
	v41 =	vsel vm0, v48, v41;
	v58 =	vsel vm1, v61, v45  }
0x23b: {  	v61 =	vld.idx.msk [tilespmem:v63+s12+$0x0], $0xffff;
	v63 =	vor.u32 v35, v39;
	vm6 =	veq.f32 v51, v43;
	vm7 =	vlt.s32 v47, v58  }
0x23c: {  	vm8 =	vgt.f32 v51, v43;
	v62 =	vld.idx.msk [tilespmem:v57+s11+$0x0], $0xffff;
	vm1 =	vmand vm6, vm7;
	vm9 =	veq.f32 v52, v42  }
0x23d: {  	v54 =	vld.idx.msk [tilespmem:v57+s12+$0x0], $0xffff;
	vm10 =	vlt.s32 v50, v41;
	vm11 =	vgt.f32 v52, v42;
	vm0 =	vmor vm8, vm1  }
0x23e: {  	vm1 =	vmand vm9, vm10;
	v43 =	vsel vm0, v51, v43;
	v44 =	vsel vm0, v47, v58;
	v57 =	vld.idx.msk [tilespmem:v60+s11+$0x0], $0xffff  }
0x23f: {  	vm12 =	vmor vm11, vm1;
	v58 =	vor.u32 v34, v40;
	vm13 =	veq.f32 v59, v43;
	v46 =	vld.idx.msk [tilespmem:v60+s12+$0x0], $0xffff  }
0x240: {  	vm14 =	vlt.s32 v61, v44;
	v42 =	vsel vm12, v52, v42;
	vm15 =	vgt.f32 v59, v43  }
0x241: {  	v41 =	vsel vm12, v50, v41;
	v50 =	vld.idx.msk [tilespmem:v63+s11+$0x0], $0xffff;
	vm1 =	vmand vm13, vm14;
	vm7 =	veq.f32 v62, v42  }
0x242: {  	v60 =	vld.idx.msk [tilespmem:v56+s12+$0x0], $0xffff;
	vm8 =	vlt.s32 v54, v41;
	vm9 =	vgt.f32 v62, v42;
	vm6 =	vmor vm15, vm1  }
0x243: {  	vm1 =	vmand vm7, vm8;
	v43 =	vsel vm6, v59, v43;
	v59 =	vld.idx.msk [tilespmem:v56+s11+$0x0], $0xffff;
	v44 =	vsel vm6, v61, v44  }
0x244: {  	vm10 =	vmor vm9, vm1;
	vm11 =	veq.f32 v57, v43;
	vm12 =	vlt.s32 v46, v44  }
0x245: {  	v51 =	vld.idx.msk [tilespmem:v63+s12+$0x0], $0xffff;
	v61 =	vor.u32 v36, v39;
	vm13 =	vgt.f32 v57, v43;
	vm1 =	vmand vm11, vm12  }
0x246: {  	v63 =	vor.u32 v35, v40;
	v42 =	vsel vm10, v62, v42;
	v62 =	vld.idx.msk [tilespmem:v58+s11+$0x0], $0xffff;
	vm14 =	vmor vm13, vm1  }
0x247: {  	v41 =	vsel vm10, v54, v41;
	v43 =	vsel vm14, v57, v43;
	v44 =	vsel vm14, v46, v44;
	v46 =	vld.idx.msk [tilespmem:v58+s12+$0x0], $0xffff  }
0x248: {  	vm15 =	vgt.f32 v50, v42;
	vm6 =	veq.f32 v59, v43;
	vm7 =	vlt.s32 v60, v44  }
0x249: {  	vm8 =	veq.f32 v50, v42;
	vm9 =	vgt.f32 v59, v43;
	vm1 =	vmand vm6, vm7  }
0x24a: {  	vm10 =	vlt.s32 v51, v41;
	v57 =	vld.idx.msk [tilespmem:v61+s11+$0x0], $0xffff;
	v58 =	vor.u32 v37, v39;
	vm1 =	vmor vm9, vm1  }
0x24b: {  	v53 =	vld.idx.msk [tilespmem:v61+s12+$0x0], $0xffff;
	v43 =	vsel vm1, v59, v43;
	v44 =	vsel vm1, v60, v44;
	v59 =	vor.u32 v36, v40  }
0x24c: {  	v47 =	vld.idx.msk [tilespmem:v63+s12+$0x0], $0xffff;
	vm11 =	vmand vm8, vm10;
	vm12 =	veq.f32 v62, v43;
	vm13 =	vlt.s32 v46, v44  }
0x24d: {  	vm0 =	vmor vm15, vm11;
	v60 =	vld.idx.msk [tilespmem:v63+s11+$0x0], $0xffff;
	vm15 =	vgt.f32 v62, v43;
	vm14 =	vmand vm12, vm13  }
0x24e: {  	v42 =	vsel vm0, v50, v42;
	vm1 =	vmor vm15, vm14  }
0x24f: {  	v41 =	vsel vm0, v51, v41;
	v61 =	vld.idx.msk [tilespmem:v58+s11+$0x0], $0xffff;
	v43 =	vsel vm1, v62, v43;
	v62 =	vor.u32 v37, v40  }
0x250: {  	v39 =	vor.u32 v38, v39;
	vm4 =	veq.f32 v57, v42;
	vm5 =	vlt.s32 v53, v41;
	v63 =	vld.idx.msk [tilespmem:v59+s11+$0x0], $0xffff  }
0x251: {  	vm6 =	vgt.f32 v57, v42;
	vm0 =	vmand vm4, vm5;
	v44 =	vsel vm1, v46, v44;
	v45 =	vld.idx.msk [tilespmem:v59+s12+$0x0], $0xffff  }
0x252: {  	v56 =	vld.idx.msk [tilespmem:v58+s12+$0x0], $0xffff;
	vm0 =	vmor vm6, vm0;
	vm7 =	veq.f32 v60, v43;
	vm8 =	vlt.s32 v47, v44  }
0x253: {  	v40 =	vor.u32 v38, v40;
	vm9 =	vgt.f32 v60, v43;
	vm1 =	vmand vm7, vm8  }
0x254: {  	v42 =	vsel vm0, v57, v42;
	vm1 =	vmor vm9, vm1;
	v57 =	vld.idx.msk [tilespmem:v62+s11+$0x0], $0xffff  }
0x255: {  	v41 =	vsel vm0, v53, v41;
	v43 =	vsel vm1, v60, v43;
	v44 =	vsel vm1, v47, v44;
	v58 =	vld.idx.msk [tilespmem:v62+s12+$0x0], $0xffff  }
0x256: {  	v59 =	vld.idx.msk [tilespmem:v39+s11+$0x0], $0xffff;
	vm10 =	veq.f32 v61, v42;
	vm11 =	veq.f32 v63, v43;
	vm12 =	vlt.s32 v45, v44  }
0x257: {  	v39 =	vld.idx.msk [tilespmem:v39+s12+$0x0], $0xffff;
	vm13 =	vlt.s32 v56, v41;
	vm14 =	vgt.f32 v63, v43;
	vm1 =	vmand vm11, vm12  }
0x258: {  	vm15 =	vgt.f32 v61, v42;
	vm0 =	vmand vm10, vm13;
	v60 =	vld.idx.msk [tilespmem:v40+s11+$0x0], $0xffff;
	vm1 =	vmor vm14, vm1  }
0x259: {  	vm0 =	vmor vm15, vm0;
	v40 =	vld.idx.msk [tilespmem:v40+s12+$0x0], $0xffff;
	v43 =	vsel vm1, v63, v43;
	v44 =	vsel vm1, v45, v44  }
0x25a: {  	v42 =	vsel vm0, v61, v42;
	vm6 =	veq.f32 v57, v43;
	vm7 =	vlt.s32 v58, v44  }
0x25b: {  	v41 =	vsel vm0, v56, v41;
	vm8 =	vgt.f32 v57, v43;
	vm1 =	vmand vm6, vm7  }
0x25c: {  	vm9 =	vgt.f32 v59, v42;
	vm10 =	veq.f32 v59, v42;
	vm0 =	vmor vm8, vm1  }
0x25d: {  	s28 =	sshll.u32 s20, $0x4;
	p0 =	slt.u32 s20, $0xE;
	vm11 =	vlt.s32 v39, v41;
	v61 =	vsel vm0, v57, v43;
	v62 =	vsel vm0, v58, v44  }
.Ltmp0:
0x25e: {  	s29 =	sand.u32 $0x80, s28;
	s22 =	sshll.u32 s26, $0x4;
	vm0 =	vmand vm10, vm11;
	vm12 =	veq.f32 v60, v61;
	vm13 =	vlt.s32 v40, v62;
	(pc) =	sbr.rel @p0 .LBB2_3-.Ltmp0, $4  }
0x25f: {  	s25 =	sand.u32 $0x80, s22;
	s24 =	sadd.s32 s29, s21;
	s23 =	sand.u32 $0x60, s28;
	vm0 =	vmor vm9, vm0;
	vm14 =	vgt.f32 v60, v61;
	vm1 =	vmand vm12, vm13  }
0x260: {  	s22 =	sand.u32 $0x70, s22;
	s30 =	sadd.s32 s25, s21;
	s23 =	sadd.s32 s23, s24;
	v39 =	vsel vm0, v39, v41;
	vm15 =	vmor vm14, vm1  }
0x261: {  	s31 =	sadd.s32 $0x2, s20;
	s22 =	sadd.s32 s22, s30;
	[tilespmem:s23+$0x0] =	vst v39;
	v63 =	vsel vm15, v40, v62  }
0x262: {  	s20 =	smov.u32 s31;
	[tilespmem:s22+$0x0] =	vst v63  }
0x263: {  	p0 =	seq.s32 s17, $0x11  }
0x264: {  	s19 =	sadd.s32 @!p0 s19, s6;
	s20 =	simm.s32 @!p0 $0x0  }
0x265: {  	[tilespmem:s20], [sflag:$0x1] =	stream.linear.gather @!p0 [hbm4b:s19+s20], $0x8000, $0x38;
	[tilespmem:$0x14400] =	vst v63  }
0x266: {  	_ =	swait.ge [sflag:s13], $0x8000  }
0x267: {  	[sflag:s13] =	ssyncset.done $0x0  }
0x268: {  	s18 =	sadd.s32 $0x10100, s18;
	s19 =	simm.s32 $0x0;
	[sflag:s13] =	ssyncadd.s32 $0xFFFF8000  }
.LBB2_5:
0x269: {  	s20 =	sshll.u32 s19, $0xB  }
0x26a: {  	s22 =	sand.u32 $0x3FFFF800, s20  }
0x26b: {  	v39 =	vld [tilespmem:s22+$0x8000]  }
0x26c: {  	v40 =	vld [tilespmem:s22+$0x8010];
	_ =	sdelay $0x1  }
0x26d: {  	v41 =	vld [tilespmem:s22+$0x8020];
	_ =	sdelay $0x1  }
0x26e: {  	v42 =	vld [tilespmem:s22+$0x8030]  }
0x26f: {  	vm0 =	vgt.f32 v40, v39  }
0x270: {  	v48 =	vld [tilespmem:s22+$0x8040];
	v39 =	vsel vm0, v40, v39  }
0x271: {  	vm1 =	vgt.f32 v41, v39  }
0x272: {  	v49 =	vld [tilespmem:s22+$0x8050];
	v39 =	vsel vm1, v41, v39  }
0x273: {  	vm2 =	vgt.f32 v42, v39  }
0x274: {  	v43 =	vmov s19;
	v50 =	vld [tilespmem:s22+$0x8060];
	v39 =	vsel vm2, v42, v39  }
0x275: {  	v44 =	vshll.u32 v43, $0x8;
	v43 =	vshll.u32 v43, $0x7;
	vm3 =	vgt.f32 v48, v39  }
0x276: {  	v45 =	vld [tilespmem:s22+$0x8070];
	v51 =	vand.u32 $0x800, v44;
	v43 =	vand.u32 $0x300, v43;
	v40 =	vsel vm3, v48, v39  }
0x277: {  	v52 =	vsel vm0, v1, v0;
	v39 =	vor.u32 v43, v51;
	vm5 =	vgt.f32 v49, v40  }
0x278: {  	v53 =	vsel vm1, v2, v52;
	v54 =	vor.u32 v0, v39;
	v40 =	vsel vm5, v49, v40  }
0x279: {  	v43 =	vsel vm2, v3, v53;
	vm6 =	vgt.f32 v50, v40  }
0x27a: {  	v43 =	vsel vm3, v4, v43;
	v40 =	vsel vm6, v50, v40  }
0x27b: {  	v55 =	vsel vm5, v5, v43;
	vm7 =	vgt.f32 v45, v40  }
0x27c: {  	v42 =	vsel vm6, v6, v55;
	v40 =	vsel vm7, v45, v40  }
0x27d: {  	v42 =	vsel vm7, v11, v42;
	[tilespmem:v54+s11+$0x0] =	vst.idx.msk $0xffff, v40  }
0x27e: {  	s26 =	sor.u32 $0x1, s19;
	[tilespmem:v54+s12+$0x0] =	vst.idx.msk $0xffff, v42  }
0x27f: {  	s21 =	sshll.u32 s26, $0xB;
	v40 =	vld [tilespmem:s22+$0x8080]  }
0x280: {  	s21 =	sand.u32 $0x3FFFF800, s21;
	v41 =	vld [tilespmem:s22+$0x8090]  }
0x281: {  	v59 =	vld [tilespmem:s21+$0x8000]  }
0x282: {  	v42 =	vld [tilespmem:s22+$0x80A0]  }
0x283: {  	v60 =	vld [tilespmem:s21+$0x8010]  }
0x284: {  	v56 =	vld [tilespmem:s22+$0x80B0]  }
0x285: {  	vm8 =	vgt.f32 v41, v40  }
0x286: {  	v57 =	vld [tilespmem:s22+$0x80C0];
	v40 =	vsel vm8, v41, v40  }
0x287: {  	v46 =	vld [tilespmem:s21+$0x8020];
	vm9 =	vgt.f32 v42, v40  }
0x288: {  	v58 =	vld [tilespmem:s22+$0x80D0];
	v40 =	vsel vm9, v42, v40  }
0x289: {  	vm13 =	vgt.f32 v60, v59;
	v48 =	vld [tilespmem:s21+$0x8030];
	vm10 =	vgt.f32 v56, v40  }
0x28a: {  	v53 =	vmov s26;
	v63 =	vor.u32 v7, v39;
	v61 =	vld [tilespmem:s22+$0x80E0];
	v40 =	vsel vm10, v56, v40  }
0x28b: {  	v49 =	vld [tilespmem:s21+$0x8040];
	v55 =	vshll.u32 v53, $0x8;
	v42 =	vsel vm13, v60, v59;
	vm11 =	vgt.f32 v57, v40  }
0x28c: {  	v62 =	vld [tilespmem:s22+$0x80F0];
	v47 =	vsel vm8, v1, v0;
	vm15 =	vgt.f32 v46, v42;
	v40 =	vsel vm11, v57, v40  }
0x28d: {  	v47 =	vsel vm9, v2, v47;
	v42 =	vsel vm15, v46, v42;
	vm12 =	vgt.f32 v58, v40  }
0x28e: {  	v47 =	vsel vm10, v3, v47;
	vm5 =	vgt.f32 v48, v42;
	v40 =	vsel vm12, v58, v40  }
0x28f: {  	v51 =	vld [tilespmem:s21+$0x8050];
	v47 =	vsel vm11, v4, v47;
	v42 =	vsel vm5, v48, v42;
	vm14 =	vgt.f32 v61, v40  }
0x290: {  	vm6 =	vgt.f32 v49, v42;
	v50 =	vsel vm12, v5, v47;
	v40 =	vsel vm14, v61, v40  }
0x291: {  	v54 =	vld [tilespmem:s21+$0x8060];
	v56 =	vsel vm6, v49, v42;
	v43 =	vsel vm14, v6, v50;
	vm4 =	vgt.f32 v62, v40  }
0x292: {  	v40 =	vsel vm4, v62, v40;
	v52 =	vsel vm4, v11, v43;
	v43 =	vshll.u32 v53, $0x7  }
0x293: {  	v57 =	vld [tilespmem:s21+$0x8070];
	v58 =	vsel vm13, v1, v0;
	[tilespmem:v63+s11+$0x0] =	vst.idx.msk $0xffff, v40;
	v40 =	vand.u32 $0x800, v55;
	v43 =	vand.u32 $0x380, v43  }
0x294: {  	vm7 =	vgt.f32 v51, v56;
	v45 =	vsel vm15, v2, v58;
	v40 =	vor.u32 v43, v40  }
0x295: {  	v41 =	vsel vm7, v51, v56;
	[tilespmem:v63+s12+$0x0] =	vst.idx.msk $0xffff, v52;
	v60 =	vor.u32 v0, v40  }
0x296: {  	v45 =	vsel vm5, v3, v45;
	vm8 =	vgt.f32 v54, v41;
	v44 =	vld [tilespmem:s22+$0x8100]  }
0x297: {  	v45 =	vsel vm6, v4, v45;
	v41 =	vsel vm8, v54, v41;
	v59 =	vld [tilespmem:s22+$0x8110]  }
0x298: {  	v45 =	vsel vm7, v5, v45;
	vm9 =	vgt.f32 v57, v41  }
0x299: {  	v45 =	vsel vm8, v6, v45;
	v41 =	vsel vm9, v57, v41;
	v61 =	vld [tilespmem:s22+$0x8120]  }
0x29a: {  	v45 =	vsel vm9, v11, v45;
	v62 =	vld [tilespmem:s22+$0x8130];
	[tilespmem:v60+s11+$0x0] =	vst.idx.msk $0xffff, v41  }
0x29b: {  	v63 =	vld [tilespmem:s22+$0x8140];
	[tilespmem:v60+s12+$0x0] =	vst.idx.msk $0xffff, v45  }
0x29c: {  	vm10 =	vgt.f32 v59, v44;
	v54 =	vld [tilespmem:s21+$0x8080]  }
0x29d: {  	v52 =	vsel vm10, v59, v44;
	v45 =	vld [tilespmem:s21+$0x8090]  }
0x29e: {  	v53 =	vld [tilespmem:s22+$0x8150];
	vm11 =	vgt.f32 v61, v52  }
0x29f: {  	v56 =	vld [tilespmem:s21+$0x80A0];
	v41 =	vsel vm11, v61, v52  }
0x2a0: {  	v55 =	vld [tilespmem:s22+$0x8160];
	vm12 =	vgt.f32 v62, v41  }
0x2a1: {  	v49 =	vsel vm10, v1, v0;
	v58 =	vld [tilespmem:s21+$0x80B0];
	v41 =	vsel vm12, v62, v41  }
0x2a2: {  	v57 =	vld [tilespmem:s22+$0x8170];
	v59 =	vor.u32 v8, v39;
	vm13 =	vgt.f32 v63, v41;
	vm15 =	vgt.f32 v45, v54  }
0x2a3: {  	v60 =	vld [tilespmem:s21+$0x80C0];
	v49 =	vsel vm11, v2, v49;
	v41 =	vsel vm13, v63, v41;
	v44 =	vsel vm15, v45, v54  }
0x2a4: {  	v49 =	vsel vm12, v3, v49;
	vm14 =	vgt.f32 v53, v41;
	vm4 =	vgt.f32 v56, v44  }
0x2a5: {  	v61 =	vld [tilespmem:s21+$0x80D0];
	v49 =	vsel vm13, v4, v49;
	v41 =	vsel vm14, v53, v41;
	v44 =	vsel vm4, v56, v44  }
0x2a6: {  	v54 =	vsel vm15, v1, v0;
	vm8 =	vgt.f32 v55, v41;
	vm10 =	vgt.f32 v58, v44  }
0x2a7: {  	v63 =	vld [tilespmem:s21+$0x80E0];
	v62 =	vsel vm14, v5, v49;
	v41 =	vsel vm8, v55, v41;
	v42 =	vsel vm10, v58, v44  }
0x2a8: {  	v45 =	vsel vm4, v2, v54;
	vm9 =	vgt.f32 v57, v41;
	vm11 =	vgt.f32 v60, v42  }
0x2a9: {  	v53 =	vld [tilespmem:s21+$0x80F0];
	v47 =	vsel vm8, v6, v62;
	v41 =	vsel vm9, v57, v41;
	v52 =	vsel vm11, v60, v42  }
0x2aa: {  	v47 =	vsel vm9, v11, v47;
	[tilespmem:v59+s11+$0x0] =	vst.idx.msk $0xffff, v41;
	vm12 =	vgt.f32 v61, v52  }
0x2ab: {  	v55 =	vor.u32 v7, v40;
	[tilespmem:v59+s12+$0x0] =	vst.idx.msk $0xffff, v47;
	v41 =	vsel vm12, v61, v52  }
0x2ac: {  	v45 =	vsel vm10, v3, v45;
	v43 =	vld [tilespmem:s22+$0x8180];
	vm13 =	vgt.f32 v63, v41  }
0x2ad: {  	v45 =	vsel vm11, v4, v45;
	v47 =	vld [tilespmem:s22+$0x8190];
	v41 =	vsel vm13, v63, v41  }
0x2ae: {  	v57 =	vsel vm12, v5, v45;
	vm14 =	vgt.f32 v53, v41  }
0x2af: {  	v56 =	vld [tilespmem:s22+$0x81A0];
	v44 =	vsel vm13, v6, v57;
	v41 =	vsel vm14, v53, v41  }
0x2b0: {  	v58 =	vld [tilespmem:s22+$0x81B0];
	v44 =	vsel vm14, v11, v44;
	[tilespmem:v55+s11+$0x0] =	vst.idx.msk $0xffff, v41  }
0x2b1: {  	v59 =	vld [tilespmem:s22+$0x81C0];
	[tilespmem:v55+s12+$0x0] =	vst.idx.msk $0xffff, v44  }
0x2b2: {  	vm15 =	vgt.f32 v47, v43;
	v44 =	vld [tilespmem:s21+$0x8100]  }
0x2b3: {  	v60 =	vsel vm15, v47, v43;
	v46 =	vld [tilespmem:s21+$0x8110]  }
0x2b4: {  	v61 =	vld [tilespmem:s22+$0x81D0];
	vm6 =	vgt.f32 v56, v60  }
0x2b5: {  	v63 =	vld [tilespmem:s21+$0x8120];
	v41 =	vsel vm6, v56, v60  }
0x2b6: {  	v62 =	vld [tilespmem:s22+$0x81E0];
	vm7 =	vgt.f32 v58, v41  }
0x2b7: {  	v53 =	vsel vm15, v1, v0;
	v54 =	vld [tilespmem:s21+$0x8130];
	v41 =	vsel vm7, v58, v41  }
0x2b8: {  	v52 =	vld [tilespmem:s22+$0x81F0];
	v55 =	vor.u32 v9, v39;
	vm8 =	vgt.f32 v59, v41;
	vm10 =	vgt.f32 v46, v44  }
0x2b9: {  	v49 =	vsel vm6, v2, v53;
	v56 =	vld [tilespmem:s21+$0x8140];
	v41 =	vsel vm8, v59, v41;
	v44 =	vsel vm10, v46, v44  }
0x2ba: {  	v49 =	vsel vm7, v3, v49;
	vm9 =	vgt.f32 v61, v41;
	vm12 =	vgt.f32 v63, v44  }
0x2bb: {  	v57 =	vld [tilespmem:s21+$0x8150];
	v49 =	vsel vm8, v4, v49;
	v41 =	vsel vm9, v61, v41;
	v44 =	vsel vm12, v63, v44  }
0x2bc: {  	v58 =	vsel vm9, v5, v49;
	vm11 =	vgt.f32 v62, v41;
	vm14 =	vgt.f32 v54, v44  }
0x2bd: {  	v59 =	vld [tilespmem:s21+$0x8160];
	v63 =	vor.u32 v8, v40;
	v41 =	vsel vm11, v62, v41;
	v42 =	vsel vm14, v54, v44  }
0x2be: {  	v47 =	vsel vm11, v6, v58;
	vm13 =	vgt.f32 v52, v41;
	vm15 =	vgt.f32 v56, v42  }
0x2bf: {  	v61 =	vld [tilespmem:s21+$0x8170];
	v62 =	vsel vm10, v1, v0;
	v41 =	vsel vm13, v52, v41;
	v60 =	vsel vm15, v56, v42  }
0x2c0: {  	v47 =	vsel vm13, v11, v47;
	[tilespmem:v55+s11+$0x0] =	vst.idx.msk $0xffff, v41;
	vm5 =	vgt.f32 v57, v60  }
0x2c1: {  	v46 =	vsel vm12, v2, v62;
	[tilespmem:v55+s12+$0x0] =	vst.idx.msk $0xffff, v47;
	v41 =	vsel vm5, v57, v60  }
0x2c2: {  	v46 =	vsel vm14, v3, v46;
	v43 =	vld [tilespmem:s22+$0x8200];
	vm6 =	vgt.f32 v59, v41  }
0x2c3: {  	v46 =	vsel vm15, v4, v46;
	v47 =	vld [tilespmem:s22+$0x8210];
	v41 =	vsel vm6, v59, v41  }
0x2c4: {  	v53 =	vsel vm5, v5, v46;
	vm7 =	vgt.f32 v61, v41  }
0x2c5: {  	v52 =	vld [tilespmem:s22+$0x8220];
	v44 =	vsel vm6, v6, v53;
	v41 =	vsel vm7, v61, v41  }
0x2c6: {  	v54 =	vld [tilespmem:s22+$0x8230];
	v44 =	vsel vm7, v11, v44;
	[tilespmem:v63+s11+$0x0] =	vst.idx.msk $0xffff, v41  }
0x2c7: {  	v55 =	vld [tilespmem:s22+$0x8240];
	[tilespmem:v63+s12+$0x0] =	vst.idx.msk $0xffff, v44  }
0x2c8: {  	vm8 =	vgt.f32 v47, v43;
	v44 =	vld [tilespmem:s21+$0x8180]  }
0x2c9: {  	v56 =	vsel vm8, v47, v43;
	v45 =	vld [tilespmem:s21+$0x8190]  }
0x2ca: {  	v57 =	vld [tilespmem:s22+$0x8250];
	vm9 =	vgt.f32 v52, v56  }
0x2cb: {  	v59 =	vld [tilespmem:s21+$0x81A0];
	v41 =	vsel vm9, v52, v56  }
0x2cc: {  	v58 =	vld [tilespmem:s22+$0x8260];
	vm10 =	vgt.f32 v54, v41  }
0x2cd: {  	v61 =	vsel vm8, v1, v0;
	v62 =	vld [tilespmem:s21+$0x81B0];
	v41 =	vsel vm10, v54, v41  }
0x2ce: {  	v60 =	vld [tilespmem:s22+$0x8270];
	v63 =	vor.u32 v10, v39;
	vm11 =	vgt.f32 v55, v41;
	vm13 =	vgt.f32 v45, v44  }
0x2cf: {  	v49 =	vsel vm9, v2, v61;
	v52 =	vld [tilespmem:s21+$0x81C0];
	v41 =	vsel vm11, v55, v41;
	v44 =	vsel vm13, v45, v44  }
0x2d0: {  	v49 =	vsel vm10, v3, v49;
	vm12 =	vgt.f32 v57, v41;
	vm15 =	vgt.f32 v59, v44  }
0x2d1: {  	v53 =	vld [tilespmem:s21+$0x81D0];
	v49 =	vsel vm11, v4, v49;
	v41 =	vsel vm12, v57, v41;
	v44 =	vsel vm15, v59, v44  }
0x2d2: {  	v54 =	vsel vm12, v5, v49;
	vm14 =	vgt.f32 v58, v41;
	vm7 =	vgt.f32 v62, v44  }
0x2d3: {  	v55 =	vld [tilespmem:s21+$0x81E0];
	v59 =	vor.u32 v9, v40;
	v41 =	vsel vm14, v58, v41;
	v42 =	vsel vm7, v62, v44  }
0x2d4: {  	v47 =	vsel vm14, v6, v54;
	vm6 =	vgt.f32 v60, v41;
	vm8 =	vgt.f32 v52, v42  }
0x2d5: {  	v57 =	vld [tilespmem:s21+$0x81F0];
	v58 =	vsel vm13, v1, v0;
	v41 =	vsel vm6, v60, v41;
	v56 =	vsel vm8, v52, v42  }
0x2d6: {  	v47 =	vsel vm6, v11, v47;
	[tilespmem:v63+s11+$0x0] =	vst.idx.msk $0xffff, v41;
	vm9 =	vgt.f32 v53, v56  }
0x2d7: {  	v45 =	vsel vm15, v2, v58;
	[tilespmem:v63+s12+$0x0] =	vst.idx.msk $0xffff, v47;
	v41 =	vsel vm9, v53, v56  }
0x2d8: {  	v45 =	vsel vm7, v3, v45;
	v43 =	vld [tilespmem:s22+$0x8280];
	vm10 =	vgt.f32 v55, v41  }
0x2d9: {  	v45 =	vsel vm8, v4, v45;
	v47 =	vld [tilespmem:s22+$0x8290];
	v41 =	vsel vm10, v55, v41  }
0x2da: {  	v61 =	vsel vm9, v5, v45;
	vm11 =	vgt.f32 v57, v41  }
0x2db: {  	v60 =	vld [tilespmem:s22+$0x82A0];
	v44 =	vsel vm10, v6, v61;
	v41 =	vsel vm11, v57, v41  }
0x2dc: {  	v62 =	vld [tilespmem:s22+$0x82B0];
	v44 =	vsel vm11, v11, v44;
	[tilespmem:v59+s11+$0x0] =	vst.idx.msk $0xffff, v41  }
0x2dd: {  	v63 =	vld [tilespmem:s22+$0x82C0];
	[tilespmem:v59+s12+$0x0] =	vst.idx.msk $0xffff, v44  }
0x2de: {  	vm12 =	vgt.f32 v47, v43;
	v44 =	vld [tilespmem:s21+$0x8200]  }
0x2df: {  	v52 =	vsel vm12, v47, v43;
	v46 =	vld [tilespmem:s21+$0x8210]  }
0x2e0: {  	v53 =	vld [tilespmem:s22+$0x82D0];
	vm13 =	vgt.f32 v60, v52  }
0x2e1: {  	v55 =	vld [tilespmem:s21+$0x8220];
	v41 =	vsel vm13, v60, v52  }
0x2e2: {  	v54 =	vld [tilespmem:s22+$0x82E0];
	vm14 =	vgt.f32 v62, v41  }
0x2e3: {  	v57 =	vsel vm12, v1, v0;
	v58 =	vld [tilespmem:s21+$0x8230];
	v41 =	vsel vm14, v62, v41  }
0x2e4: {  	v56 =	vld [tilespmem:s22+$0x82F0];
	v59 =	vor.u32 v12, v39;
	vm15 =	vgt.f32 v63, v41;
	vm9 =	vgt.f32 v46, v44  }
0x2e5: {  	v49 =	vsel vm13, v2, v57;
	v60 =	vld [tilespmem:s21+$0x8240];
	v41 =	vsel vm15, v63, v41;
	v44 =	vsel vm9, v46, v44  }
0x2e6: {  	v49 =	vsel vm14, v3, v49;
	vm8 =	vgt.f32 v53, v41;
	vm11 =	vgt.f32 v55, v44  }
0x2e7: {  	v61 =	vld [tilespmem:s21+$0x8250];
	v49 =	vsel vm15, v4, v49;
	v41 =	vsel vm8, v53, v41;
	v44 =	vsel vm11, v55, v44  }
0x2e8: {  	v62 =	vsel vm8, v5, v49;
	vm10 =	vgt.f32 v54, v41;
	vm13 =	vgt.f32 v58, v44  }
0x2e9: {  	v63 =	vld [tilespmem:s21+$0x8260];
	v55 =	vor.u32 v10, v40;
	v41 =	vsel vm10, v54, v41;
	v42 =	vsel vm13, v58, v44  }
0x2ea: {  	v47 =	vsel vm10, v6, v62;
	vm12 =	vgt.f32 v56, v41;
	vm14 =	vgt.f32 v60, v42  }
0x2eb: {  	v53 =	vld [tilespmem:s21+$0x8270];
	v54 =	vsel vm9, v1, v0;
	v41 =	vsel vm12, v56, v41;
	v52 =	vsel vm14, v60, v42  }
0x2ec: {  	v47 =	vsel vm12, v11, v47;
	[tilespmem:v59+s11+$0x0] =	vst.idx.msk $0xffff, v41;
	vm15 =	vgt.f32 v61, v52  }
0x2ed: {  	v46 =	vsel vm11, v2, v54;
	[tilespmem:v59+s12+$0x0] =	vst.idx.msk $0xffff, v47;
	v41 =	vsel vm15, v61, v52  }
0x2ee: {  	v46 =	vsel vm13, v3, v46;
	v43 =	vld [tilespmem:s22+$0x8300];
	vm4 =	vgt.f32 v63, v41  }
0x2ef: {  	v46 =	vsel vm14, v4, v46;
	v47 =	vld [tilespmem:s22+$0x8310];
	v41 =	vsel vm4, v63, v41  }
0x2f0: {  	v57 =	vsel vm15, v5, v46;
	vm5 =	vgt.f32 v53, v41  }
0x2f1: {  	v56 =	vld [tilespmem:s22+$0x8320];
	v44 =	vsel vm4, v6, v57;
	v41 =	vsel vm5, v53, v41  }
0x2f2: {  	v58 =	vld [tilespmem:s22+$0x8330];
	v44 =	vsel vm5, v11, v44;
	[tilespmem:v55+s11+$0x0] =	vst.idx.msk $0xffff, v41  }
0x2f3: {  	v59 =	vld [tilespmem:s22+$0x8340];
	[tilespmem:v55+s12+$0x0] =	vst.idx.msk $0xffff, v44  }
0x2f4: {  	vm6 =	vgt.f32 v47, v43;
	v44 =	vld [tilespmem:s21+$0x8280]  }
0x2f5: {  	v60 =	vsel vm6, v47, v43;
	v45 =	vld [tilespmem:s21+$0x8290]  }
0x2f6: {  	v61 =	vld [tilespmem:s22+$0x8350];
	vm7 =	vgt.f32 v56, v60  }
0x2f7: {  	v63 =	vld [tilespmem:s21+$0x82A0];
	v41 =	vsel vm7, v56, v60  }
0x2f8: {  	v62 =	vld [tilespmem:s22+$0x8360];
	vm8 =	vgt.f32 v58, v41  }
0x2f9: {  	v53 =	vsel vm6, v1, v0;
	v54 =	vld [tilespmem:s21+$0x82B0];
	v41 =	vsel vm8, v58, v41  }
0x2fa: {  	v52 =	vld [tilespmem:s22+$0x8370];
	v55 =	vor.u32 v13, v39;
	vm9 =	vgt.f32 v59, v41;
	vm11 =	vgt.f32 v45, v44  }
0x2fb: {  	v49 =	vsel vm7, v2, v53;
	v56 =	vld [tilespmem:s21+$0x82C0];
	v41 =	vsel vm9, v59, v41;
	v44 =	vsel vm11, v45, v44  }
0x2fc: {  	v49 =	vsel vm8, v3, v49;
	vm10 =	vgt.f32 v61, v41;
	vm13 =	vgt.f32 v63, v44  }
0x2fd: {  	v57 =	vld [tilespmem:s21+$0x82D0];
	v49 =	vsel vm9, v4, v49;
	v41 =	vsel vm10, v61, v41;
	v44 =	vsel vm13, v63, v44  }
0x2fe: {  	v58 =	vsel vm10, v5, v49;
	vm12 =	vgt.f32 v62, v41;
	vm15 =	vgt.f32 v54, v44  }
0x2ff: {  	v59 =	vld [tilespmem:s21+$0x82E0];
	v63 =	vor.u32 v12, v40;
	v41 =	vsel vm12, v62, v41;
	v42 =	vsel vm15, v54, v44  }
0x300: {  	v47 =	vsel vm12, v6, v58;
	vm14 =	vgt.f32 v52, v41;
	vm5 =	vgt.f32 v56, v42  }
0x301: {  	v61 =	vld [tilespmem:s21+$0x82F0];
	v62 =	vsel vm11, v1, v0;
	v41 =	vsel vm14, v52, v41;
	v60 =	vsel vm5, v56, v42  }
0x302: {  	v47 =	vsel vm14, v11, v47;
	[tilespmem:v55+s11+$0x0] =	vst.idx.msk $0xffff, v41;
	vm6 =	vgt.f32 v57, v60  }
0x303: {  	v45 =	vsel vm13, v2, v62;
	[tilespmem:v55+s12+$0x0] =	vst.idx.msk $0xffff, v47;
	v41 =	vsel vm6, v57, v60  }
0x304: {  	v45 =	vsel vm15, v3, v45;
	v43 =	vld [tilespmem:s22+$0x8380];
	vm7 =	vgt.f32 v59, v41  }
0x305: {  	v45 =	vsel vm5, v4, v45;
	v47 =	vld [tilespmem:s22+$0x8390];
	v41 =	vsel vm7, v59, v41  }
0x306: {  	v53 =	vsel vm6, v5, v45;
	vm8 =	vgt.f32 v61, v41  }
0x307: {  	v52 =	vld [tilespmem:s22+$0x83A0];
	v44 =	vsel vm7, v6, v53;
	v41 =	vsel vm8, v61, v41  }
0x308: {  	v54 =	vld [tilespmem:s22+$0x83B0];
	v44 =	vsel vm8, v11, v44;
	[tilespmem:v63+s11+$0x0] =	vst.idx.msk $0xffff, v41  }
0x309: {  	v55 =	vld [tilespmem:s22+$0x83C0];
	[tilespmem:v63+s12+$0x0] =	vst.idx.msk $0xffff, v44  }
0x30a: {  	vm9 =	vgt.f32 v47, v43;
	v44 =	vld [tilespmem:s21+$0x8300]  }
0x30b: {  	v56 =	vsel vm9, v47, v43;
	v46 =	vld [tilespmem:s21+$0x8310]  }
0x30c: {  	v57 =	vld [tilespmem:s22+$0x83D0];
	vm10 =	vgt.f32 v52, v56  }
0x30d: {  	v59 =	vld [tilespmem:s21+$0x8320];
	v41 =	vsel vm10, v52, v56  }
0x30e: {  	v58 =	vld [tilespmem:s22+$0x83E0];
	vm11 =	vgt.f32 v54, v41  }
0x30f: {  	v61 =	vsel vm9, v1, v0;
	v62 =	vld [tilespmem:s21+$0x8330];
	v41 =	vsel vm11, v54, v41  }
0x310: {  	v60 =	vld [tilespmem:s22+$0x83F0];
	v63 =	vor.u32 v14, v39;
	vm12 =	vgt.f32 v55, v41;
	vm14 =	vgt.f32 v46, v44  }
0x311: {  	v49 =	vsel vm10, v2, v61;
	v52 =	vld [tilespmem:s21+$0x8340];
	v41 =	vsel vm12, v55, v41;
	v44 =	vsel vm14, v46, v44  }
0x312: {  	v49 =	vsel vm11, v3, v49;
	vm13 =	vgt.f32 v57, v41;
	vm8 =	vgt.f32 v59, v44  }
0x313: {  	v53 =	vld [tilespmem:s21+$0x8350];
	v49 =	vsel vm12, v4, v49;
	v41 =	vsel vm13, v57, v41;
	v44 =	vsel vm8, v59, v44  }
0x314: {  	v54 =	vsel vm13, v5, v49;
	vm15 =	vgt.f32 v58, v41;
	vm10 =	vgt.f32 v62, v44  }
0x315: {  	v55 =	vld [tilespmem:s21+$0x8360];
	v59 =	vor.u32 v13, v40;
	v41 =	vsel vm15, v58, v41;
	v42 =	vsel vm10, v62, v44  }
0x316: {  	v47 =	vsel vm15, v6, v54;
	vm9 =	vgt.f32 v60, v41;
	vm11 =	vgt.f32 v52, v42  }
0x317: {  	v57 =	vld [tilespmem:s21+$0x8370];
	v58 =	vsel vm14, v1, v0;
	v41 =	vsel vm9, v60, v41;
	v56 =	vsel vm11, v52, v42  }
0x318: {  	v47 =	vsel vm9, v11, v47;
	[tilespmem:v63+s11+$0x0] =	vst.idx.msk $0xffff, v41;
	vm12 =	vgt.f32 v53, v56  }
0x319: {  	v46 =	vsel vm8, v2, v58;
	[tilespmem:v63+s12+$0x0] =	vst.idx.msk $0xffff, v47;
	v41 =	vsel vm12, v53, v56  }
0x31a: {  	v46 =	vsel vm10, v3, v46;
	v43 =	vld [tilespmem:s22+$0x8400];
	vm13 =	vgt.f32 v55, v41  }
0x31b: {  	v46 =	vsel vm11, v4, v46;
	v47 =	vld [tilespmem:s22+$0x8410];
	v41 =	vsel vm13, v55, v41  }
0x31c: {  	v61 =	vsel vm12, v5, v46;
	vm14 =	vgt.f32 v57, v41  }
0x31d: {  	v60 =	vld [tilespmem:s22+$0x8420];
	v44 =	vsel vm13, v6, v61;
	v41 =	vsel vm14, v57, v41  }
0x31e: {  	v62 =	vld [tilespmem:s22+$0x8430];
	v44 =	vsel vm14, v11, v44;
	[tilespmem:v59+s11+$0x0] =	vst.idx.msk $0xffff, v41  }
0x31f: {  	v63 =	vld [tilespmem:s22+$0x8440];
	[tilespmem:v59+s12+$0x0] =	vst.idx.msk $0xffff, v44  }
0x320: {  	vm15 =	vgt.f32 v47, v43;
	v44 =	vld [tilespmem:s21+$0x8380]  }
0x321: {  	v52 =	vsel vm15, v47, v43;
	v45 =	vld [tilespmem:s21+$0x8390]  }
0x322: {  	v53 =	vld [tilespmem:s22+$0x8450];
	vm6 =	vgt.f32 v60, v52  }
0x323: {  	v55 =	vld [tilespmem:s21+$0x83A0];
	v41 =	vsel vm6, v60, v52  }
0x324: {  	v54 =	vld [tilespmem:s22+$0x8460];
	vm7 =	vgt.f32 v62, v41  }
0x325: {  	v57 =	vsel vm15, v1, v0;
	v58 =	vld [tilespmem:s21+$0x83B0];
	v41 =	vsel vm7, v62, v41  }
0x326: {  	v56 =	vld [tilespmem:s22+$0x8470];
	v59 =	vor.u32 v15, v39;
	vm8 =	vgt.f32 v63, v41;
	vm10 =	vgt.f32 v45, v44  }
0x327: {  	v49 =	vsel vm6, v2, v57;
	v60 =	vld [tilespmem:s21+$0x83C0];
	v41 =	vsel vm8, v63, v41;
	v44 =	vsel vm10, v45, v44  }
0x328: {  	v49 =	vsel vm7, v3, v49;
	vm9 =	vgt.f32 v53, v41;
	vm12 =	vgt.f32 v55, v44  }
0x329: {  	v61 =	vld [tilespmem:s21+$0x83D0];
	v49 =	vsel vm8, v4, v49;
	v41 =	vsel vm9, v53, v41;
	v44 =	vsel vm12, v55, v44  }
0x32a: {  	v62 =	vsel vm9, v5, v49;
	vm11 =	vgt.f32 v54, v41;
	vm14 =	vgt.f32 v58, v44  }
0x32b: {  	v63 =	vld [tilespmem:s21+$0x83E0];
	v55 =	vor.u32 v14, v40;
	v41 =	vsel vm11, v54, v41;
	v42 =	vsel vm14, v58, v44  }
0x32c: {  	v47 =	vsel vm11, v6, v62;
	vm13 =	vgt.f32 v56, v41;
	vm15 =	vgt.f32 v60, v42  }
0x32d: {  	v53 =	vld [tilespmem:s21+$0x83F0];
	v54 =	vsel vm10, v1, v0;
	v41 =	vsel vm13, v56, v41;
	v52 =	vsel vm15, v60, v42  }
0x32e: {  	v47 =	vsel vm13, v11, v47;
	[tilespmem:v59+s11+$0x0] =	vst.idx.msk $0xffff, v41;
	vm5 =	vgt.f32 v61, v52  }
0x32f: {  	v45 =	vsel vm12, v2, v54;
	[tilespmem:v59+s12+$0x0] =	vst.idx.msk $0xffff, v47;
	v41 =	vsel vm5, v61, v52  }
0x330: {  	v45 =	vsel vm14, v3, v45;
	v43 =	vld [tilespmem:s22+$0x8480];
	vm6 =	vgt.f32 v63, v41  }
0x331: {  	v45 =	vsel vm15, v4, v45;
	v47 =	vld [tilespmem:s22+$0x8490];
	v41 =	vsel vm6, v63, v41  }
0x332: {  	v57 =	vsel vm5, v5, v45;
	vm7 =	vgt.f32 v53, v41  }
0x333: {  	v56 =	vld [tilespmem:s22+$0x84A0];
	v44 =	vsel vm6, v6, v57;
	v41 =	vsel vm7, v53, v41  }
0x334: {  	v58 =	vld [tilespmem:s22+$0x84B0];
	v44 =	vsel vm7, v11, v44;
	[tilespmem:v55+s11+$0x0] =	vst.idx.msk $0xffff, v41  }
0x335: {  	v59 =	vld [tilespmem:s22+$0x84C0];
	[tilespmem:v55+s12+$0x0] =	vst.idx.msk $0xffff, v44  }
0x336: {  	vm8 =	vgt.f32 v47, v43;
	v44 =	vld [tilespmem:s21+$0x8400]  }
0x337: {  	v60 =	vsel vm8, v47, v43;
	v46 =	vld [tilespmem:s21+$0x8410]  }
0x338: {  	v61 =	vld [tilespmem:s22+$0x84D0];
	vm9 =	vgt.f32 v56, v60  }
0x339: {  	v63 =	vld [tilespmem:s21+$0x8420];
	v41 =	vsel vm9, v56, v60  }
0x33a: {  	v62 =	vld [tilespmem:s22+$0x84E0];
	vm10 =	vgt.f32 v58, v41  }
0x33b: {  	v53 =	vsel vm8, v1, v0;
	v54 =	vld [tilespmem:s21+$0x8430];
	v41 =	vsel vm10, v58, v41  }
0x33c: {  	v52 =	vld [tilespmem:s22+$0x84F0];
	v55 =	vor.u32 v16, v39;
	vm11 =	vgt.f32 v59, v41;
	vm13 =	vgt.f32 v46, v44  }
0x33d: {  	v49 =	vsel vm9, v2, v53;
	v56 =	vld [tilespmem:s21+$0x8440];
	v41 =	vsel vm11, v59, v41;
	v44 =	vsel vm13, v46, v44  }
0x33e: {  	v49 =	vsel vm10, v3, v49;
	vm12 =	vgt.f32 v61, v41;
	vm15 =	vgt.f32 v63, v44  }
0x33f: {  	v57 =	vld [tilespmem:s21+$0x8450];
	v49 =	vsel vm11, v4, v49;
	v41 =	vsel vm12, v61, v41;
	v44 =	vsel vm15, v63, v44  }
0x340: {  	v58 =	vsel vm12, v5, v49;
	vm14 =	vgt.f32 v62, v41;
	vm7 =	vgt.f32 v54, v44  }
0x341: {  	v59 =	vld [tilespmem:s21+$0x8460];
	v63 =	vor.u32 v15, v40;
	v41 =	vsel vm14, v62, v41;
	v42 =	vsel vm7, v54, v44  }
0x342: {  	v47 =	vsel vm14, v6, v58;
	vm6 =	vgt.f32 v52, v41;
	vm8 =	vgt.f32 v56, v42  }
0x343: {  	v61 =	vld [tilespmem:s21+$0x8470];
	v62 =	vsel vm13, v1, v0;
	v41 =	vsel vm6, v52, v41;
	v60 =	vsel vm8, v56, v42  }
0x344: {  	v47 =	vsel vm6, v11, v47;
	[tilespmem:v55+s11+$0x0] =	vst.idx.msk $0xffff, v41;
	vm9 =	vgt.f32 v57, v60  }
0x345: {  	v46 =	vsel vm15, v2, v62;
	[tilespmem:v55+s12+$0x0] =	vst.idx.msk $0xffff, v47;
	v41 =	vsel vm9, v57, v60  }
0x346: {  	v46 =	vsel vm7, v3, v46;
	v43 =	vld [tilespmem:s22+$0x8500];
	vm10 =	vgt.f32 v59, v41  }
0x347: {  	v46 =	vsel vm8, v4, v46;
	v47 =	vld [tilespmem:s22+$0x8510];
	v41 =	vsel vm10, v59, v41  }
0x348: {  	v53 =	vsel vm9, v5, v46;
	vm11 =	vgt.f32 v61, v41  }
0x349: {  	v52 =	vld [tilespmem:s22+$0x8520];
	v44 =	vsel vm10, v6, v53;
	v41 =	vsel vm11, v61, v41  }
0x34a: {  	v54 =	vld [tilespmem:s22+$0x8530];
	v44 =	vsel vm11, v11, v44;
	[tilespmem:v63+s11+$0x0] =	vst.idx.msk $0xffff, v41  }
0x34b: {  	v55 =	vld [tilespmem:s22+$0x8540];
	[tilespmem:v63+s12+$0x0] =	vst.idx.msk $0xffff, v44  }
0x34c: {  	vm12 =	vgt.f32 v47, v43;
	v44 =	vld [tilespmem:s21+$0x8480]  }
0x34d: {  	v56 =	vsel vm12, v47, v43;
	v45 =	vld [tilespmem:s21+$0x8490]  }
0x34e: {  	v57 =	vld [tilespmem:s22+$0x8550];
	vm13 =	vgt.f32 v52, v56  }
0x34f: {  	v59 =	vld [tilespmem:s21+$0x84A0];
	v41 =	vsel vm13, v52, v56  }
0x350: {  	v58 =	vld [tilespmem:s22+$0x8560];
	vm14 =	vgt.f32 v54, v41  }
0x351: {  	v61 =	vsel vm12, v1, v0;
	v62 =	vld [tilespmem:s21+$0x84B0];
	v41 =	vsel vm14, v54, v41  }
0x352: {  	v60 =	vld [tilespmem:s22+$0x8570];
	v63 =	vor.u32 v17, v39;
	vm15 =	vgt.f32 v55, v41;
	vm9 =	vgt.f32 v45, v44  }
0x353: {  	v49 =	vsel vm13, v2, v61;
	v52 =	vld [tilespmem:s21+$0x84C0];
	v41 =	vsel vm15, v55, v41;
	v44 =	vsel vm9, v45, v44  }
0x354: {  	v49 =	vsel vm14, v3, v49;
	vm8 =	vgt.f32 v57, v41;
	vm11 =	vgt.f32 v59, v44  }
0x355: {  	v53 =	vld [tilespmem:s21+$0x84D0];
	v49 =	vsel vm15, v4, v49;
	v41 =	vsel vm8, v57, v41;
	v44 =	vsel vm11, v59, v44  }
0x356: {  	v54 =	vsel vm8, v5, v49;
	vm10 =	vgt.f32 v58, v41;
	vm13 =	vgt.f32 v62, v44  }
0x357: {  	v55 =	vld [tilespmem:s21+$0x84E0];
	v59 =	vor.u32 v16, v40;
	v41 =	vsel vm10, v58, v41;
	v42 =	vsel vm13, v62, v44  }
0x358: {  	v47 =	vsel vm10, v6, v54;
	vm12 =	vgt.f32 v60, v41;
	vm14 =	vgt.f32 v52, v42  }
0x359: {  	v57 =	vld [tilespmem:s21+$0x84F0];
	v58 =	vsel vm9, v1, v0;
	v41 =	vsel vm12, v60, v41;
	v56 =	vsel vm14, v52, v42  }
0x35a: {  	v47 =	vsel vm12, v11, v47;
	[tilespmem:v63+s11+$0x0] =	vst.idx.msk $0xffff, v41;
	vm15 =	vgt.f32 v53, v56  }
0x35b: {  	v45 =	vsel vm11, v2, v58;
	[tilespmem:v63+s12+$0x0] =	vst.idx.msk $0xffff, v47;
	v41 =	vsel vm15, v53, v56  }
0x35c: {  	v45 =	vsel vm13, v3, v45;
	v43 =	vld [tilespmem:s22+$0x8580];
	vm4 =	vgt.f32 v55, v41  }
0x35d: {  	v45 =	vsel vm14, v4, v45;
	v47 =	vld [tilespmem:s22+$0x8590];
	v41 =	vsel vm4, v55, v41  }
0x35e: {  	v61 =	vsel vm15, v5, v45;
	vm5 =	vgt.f32 v57, v41  }
0x35f: {  	v60 =	vld [tilespmem:s22+$0x85A0];
	v44 =	vsel vm4, v6, v61;
	v41 =	vsel vm5, v57, v41  }
0x360: {  	v62 =	vld [tilespmem:s22+$0x85B0];
	v44 =	vsel vm5, v11, v44;
	[tilespmem:v59+s11+$0x0] =	vst.idx.msk $0xffff, v41  }
0x361: {  	v63 =	vld [tilespmem:s22+$0x85C0];
	[tilespmem:v59+s12+$0x0] =	vst.idx.msk $0xffff, v44  }
0x362: {  	vm6 =	vgt.f32 v47, v43;
	v44 =	vld [tilespmem:s21+$0x8500]  }
0x363: {  	v52 =	vsel vm6, v47, v43;
	v46 =	vld [tilespmem:s21+$0x8510]  }
0x364: {  	v53 =	vld [tilespmem:s22+$0x85D0];
	vm7 =	vgt.f32 v60, v52  }
0x365: {  	v55 =	vld [tilespmem:s21+$0x8520];
	v41 =	vsel vm7, v60, v52  }
0x366: {  	v54 =	vld [tilespmem:s22+$0x85E0];
	vm8 =	vgt.f32 v62, v41  }
0x367: {  	v57 =	vsel vm6, v1, v0;
	v58 =	vld [tilespmem:s21+$0x8530];
	v41 =	vsel vm8, v62, v41  }
0x368: {  	v56 =	vld [tilespmem:s22+$0x85F0];
	v59 =	vor.u32 v18, v39;
	vm9 =	vgt.f32 v63, v41;
	vm11 =	vgt.f32 v46, v44  }
0x369: {  	v49 =	vsel vm7, v2, v57;
	v60 =	vld [tilespmem:s21+$0x8540];
	v41 =	vsel vm9, v63, v41;
	v44 =	vsel vm11, v46, v44  }
0x36a: {  	v49 =	vsel vm8, v3, v49;
	vm10 =	vgt.f32 v53, v41;
	vm13 =	vgt.f32 v55, v44  }
0x36b: {  	v61 =	vld [tilespmem:s21+$0x8550];
	v49 =	vsel vm9, v4, v49;
	v41 =	vsel vm10, v53, v41;
	v44 =	vsel vm13, v55, v44  }
0x36c: {  	v62 =	vsel vm10, v5, v49;
	vm12 =	vgt.f32 v54, v41;
	vm15 =	vgt.f32 v58, v44  }
0x36d: {  	v63 =	vld [tilespmem:s21+$0x8560];
	v53 =	vsel vm11, v1, v0;
	v41 =	vsel vm12, v54, v41;
	v42 =	vsel vm15, v58, v44  }
0x36e: {  	v46 =	vsel vm13, v2, v53;
	vm14 =	vgt.f32 v56, v41;
	vm5 =	vgt.f32 v60, v42  }
0x36f: {  	v52 =	vld [tilespmem:s21+$0x8570];
	v47 =	vsel vm12, v6, v62;
	v41 =	vsel vm14, v56, v41;
	v51 =	vsel vm5, v60, v42  }
0x370: {  	v47 =	vsel vm14, v11, v47;
	[tilespmem:v59+s11+$0x0] =	vst.idx.msk $0xffff, v41;
	vm6 =	vgt.f32 v61, v51  }
0x371: {  	v54 =	vor.u32 v17, v40;
	[tilespmem:v59+s12+$0x0] =	vst.idx.msk $0xffff, v47;
	v41 =	vsel vm6, v61, v51  }
0x372: {  	v46 =	vsel vm15, v3, v46;
	v43 =	vld [tilespmem:s22+$0x8600];
	vm7 =	vgt.f32 v63, v41  }
0x373: {  	v46 =	vsel vm5, v4, v46;
	v47 =	vld [tilespmem:s22+$0x8610];
	v41 =	vsel vm7, v63, v41  }
0x374: {  	v56 =	vsel vm6, v5, v46;
	vm8 =	vgt.f32 v52, v41  }
0x375: {  	v55 =	vld [tilespmem:s22+$0x8620];
	v44 =	vsel vm7, v6, v56;
	v41 =	vsel vm8, v52, v41  }
0x376: {  	v57 =	vld [tilespmem:s22+$0x8630];
	v44 =	vsel vm8, v11, v44;
	[tilespmem:v54+s11+$0x0] =	vst.idx.msk $0xffff, v41  }
0x377: {  	v58 =	vld [tilespmem:s22+$0x8640];
	[tilespmem:v54+s12+$0x0] =	vst.idx.msk $0xffff, v44  }
0x378: {  	vm9 =	vgt.f32 v47, v43;
	v44 =	vld [tilespmem:s21+$0x8580]  }
0x379: {  	v59 =	vsel vm9, v47, v43;
	v45 =	vld [tilespmem:s21+$0x8590]  }
0x37a: {  	v60 =	vld [tilespmem:s22+$0x8650];
	vm10 =	vgt.f32 v55, v59  }
0x37b: {  	v62 =	vld [tilespmem:s21+$0x85A0];
	v41 =	vsel vm10, v55, v59  }
0x37c: {  	v61 =	vld [tilespmem:s22+$0x8660];
	vm11 =	vgt.f32 v57, v41  }
0x37d: {  	v52 =	vsel vm9, v1, v0;
	v53 =	vld [tilespmem:s21+$0x85B0];
	v41 =	vsel vm11, v57, v41  }
0x37e: {  	v63 =	vld [tilespmem:s22+$0x8670];
	v54 =	vor.u32 v19, v39;
	vm12 =	vgt.f32 v58, v41;
	vm14 =	vgt.f32 v45, v44  }
0x37f: {  	v49 =	vsel vm10, v2, v52;
	v55 =	vld [tilespmem:s21+$0x85C0];
	v41 =	vsel vm12, v58, v41;
	v44 =	vsel vm14, v45, v44  }
0x380: {  	v49 =	vsel vm11, v3, v49;
	vm13 =	vgt.f32 v60, v41;
	vm8 =	vgt.f32 v62, v44  }
0x381: {  	v56 =	vld [tilespmem:s21+$0x85D0];
	v49 =	vsel vm12, v4, v49;
	v41 =	vsel vm13, v60, v41;
	v44 =	vsel vm8, v62, v44  }
0x382: {  	v57 =	vsel vm13, v5, v49;
	vm15 =	vgt.f32 v61, v41;
	vm10 =	vgt.f32 v53, v44  }
0x383: {  	v58 =	vld [tilespmem:s21+$0x85E0];
	v62 =	vor.u32 v18, v40;
	v41 =	vsel vm15, v61, v41;
	v42 =	vsel vm10, v53, v44  }
0x384: {  	v47 =	vsel vm15, v6, v57;
	vm9 =	vgt.f32 v63, v41;
	vm11 =	vgt.f32 v55, v42  }
0x385: {  	v60 =	vld [tilespmem:s21+$0x85F0];
	v61 =	vsel vm14, v1, v0;
	v41 =	vsel vm9, v63, v41;
	v59 =	vsel vm11, v55, v42  }
0x386: {  	v47 =	vsel vm9, v11, v47;
	[tilespmem:v54+s11+$0x0] =	vst.idx.msk $0xffff, v41;
	vm12 =	vgt.f32 v56, v59  }
0x387: {  	v45 =	vsel vm8, v2, v61;
	[tilespmem:v54+s12+$0x0] =	vst.idx.msk $0xffff, v47;
	v41 =	vsel vm12, v56, v59  }
0x388: {  	v45 =	vsel vm10, v3, v45;
	v43 =	vld [tilespmem:s22+$0x8680];
	vm13 =	vgt.f32 v58, v41  }
0x389: {  	v45 =	vsel vm11, v4, v45;
	v47 =	vld [tilespmem:s22+$0x8690];
	v41 =	vsel vm13, v58, v41  }
0x38a: {  	v52 =	vsel vm12, v5, v45;
	vm14 =	vgt.f32 v60, v41  }
0x38b: {  	v63 =	vld [tilespmem:s22+$0x86A0];
	v44 =	vsel vm13, v6, v52;
	v41 =	vsel vm14, v60, v41  }
0x38c: {  	v53 =	vld [tilespmem:s22+$0x86B0];
	v44 =	vsel vm14, v11, v44;
	[tilespmem:v62+s11+$0x0] =	vst.idx.msk $0xffff, v41  }
0x38d: {  	v54 =	vld [tilespmem:s22+$0x86C0];
	[tilespmem:v62+s12+$0x0] =	vst.idx.msk $0xffff, v44  }
0x38e: {  	vm15 =	vgt.f32 v47, v43;
	v44 =	vld [tilespmem:s21+$0x8600]  }
0x38f: {  	v55 =	vsel vm15, v47, v43;
	v46 =	vld [tilespmem:s21+$0x8610]  }
0x390: {  	v56 =	vld [tilespmem:s22+$0x86D0];
	vm6 =	vgt.f32 v63, v55  }
0x391: {  	v58 =	vld [tilespmem:s21+$0x8620];
	v41 =	vsel vm6, v63, v55  }
0x392: {  	v57 =	vld [tilespmem:s22+$0x86E0];
	vm7 =	vgt.f32 v53, v41  }
0x393: {  	v60 =	vsel vm15, v1, v0;
	v61 =	vld [tilespmem:s21+$0x8630];
	v41 =	vsel vm7, v53, v41  }
0x394: {  	v59 =	vld [tilespmem:s22+$0x86F0];
	v62 =	vor.u32 v20, v39;
	vm8 =	vgt.f32 v54, v41;
	vm10 =	vgt.f32 v46, v44  }
0x395: {  	v49 =	vsel vm6, v2, v60;
	v63 =	vld [tilespmem:s21+$0x8640];
	v41 =	vsel vm8, v54, v41;
	v44 =	vsel vm10, v46, v44  }
0x396: {  	v49 =	vsel vm7, v3, v49;
	vm9 =	vgt.f32 v56, v41;
	vm12 =	vgt.f32 v58, v44  }
0x397: {  	v51 =	vld [tilespmem:s21+$0x8650];
	v49 =	vsel vm8, v4, v49;
	v41 =	vsel vm9, v56, v41;
	v44 =	vsel vm12, v58, v44  }
0x398: {  	v52 =	vsel vm9, v5, v49;
	vm11 =	vgt.f32 v57, v41;
	vm14 =	vgt.f32 v61, v44  }
0x399: {  	v53 =	vld [tilespmem:s21+$0x8660];
	v56 =	vsel vm10, v1, v0;
	v41 =	vsel vm11, v57, v41;
	v42 =	vsel vm14, v61, v44  }
0x39a: {  	v46 =	vsel vm12, v2, v56;
	vm13 =	vgt.f32 v59, v41;
	vm15 =	vgt.f32 v63, v42  }
0x39b: {  	v55 =	vld [tilespmem:s21+$0x8670];
	v47 =	vsel vm11, v6, v52;
	v41 =	vsel vm13, v59, v41;
	v54 =	vsel vm15, v63, v42  }
0x39c: {  	v47 =	vsel vm13, v11, v47;
	[tilespmem:v62+s11+$0x0] =	vst.idx.msk $0xffff, v41;
	vm5 =	vgt.f32 v51, v54  }
0x39d: {  	v57 =	vor.u32 v19, v40;
	[tilespmem:v62+s12+$0x0] =	vst.idx.msk $0xffff, v47;
	v41 =	vsel vm5, v51, v54  }
0x39e: {  	v46 =	vsel vm14, v3, v46;
	v43 =	vld [tilespmem:s22+$0x8700];
	vm6 =	vgt.f32 v53, v41  }
0x39f: {  	v46 =	vsel vm15, v4, v46;
	v47 =	vld [tilespmem:s22+$0x8710];
	v41 =	vsel vm6, v53, v41  }
0x3a0: {  	v59 =	vsel vm5, v5, v46;
	vm7 =	vgt.f32 v55, v41  }
0x3a1: {  	v58 =	vld [tilespmem:s22+$0x8720];
	v44 =	vsel vm6, v6, v59;
	v41 =	vsel vm7, v55, v41  }
0x3a2: {  	v60 =	vld [tilespmem:s22+$0x8730];
	v44 =	vsel vm7, v11, v44;
	[tilespmem:v57+s11+$0x0] =	vst.idx.msk $0xffff, v41  }
0x3a3: {  	v61 =	vld [tilespmem:s22+$0x8740];
	[tilespmem:v57+s12+$0x0] =	vst.idx.msk $0xffff, v44  }
0x3a4: {  	vm8 =	vgt.f32 v47, v43;
	v44 =	vld [tilespmem:s21+$0x8680]  }
0x3a5: {  	v62 =	vsel vm8, v47, v43;
	v45 =	vld [tilespmem:s21+$0x8690]  }
0x3a6: {  	v63 =	vld [tilespmem:s22+$0x8750];
	vm9 =	vgt.f32 v58, v62  }
0x3a7: {  	v53 =	vld [tilespmem:s21+$0x86A0];
	v41 =	vsel vm9, v58, v62  }
0x3a8: {  	v52 =	vld [tilespmem:s22+$0x8760];
	vm10 =	vgt.f32 v60, v41  }
0x3a9: {  	v55 =	vsel vm8, v1, v0;
	v56 =	vld [tilespmem:s21+$0x86B0];
	v41 =	vsel vm10, v60, v41  }
0x3aa: {  	v54 =	vld [tilespmem:s22+$0x8770];
	v57 =	vor.u32 v21, v39;
	vm11 =	vgt.f32 v61, v41;
	vm13 =	vgt.f32 v45, v44  }
0x3ab: {  	v49 =	vsel vm9, v2, v55;
	v58 =	vld [tilespmem:s21+$0x86C0];
	v41 =	vsel vm11, v61, v41;
	v44 =	vsel vm13, v45, v44  }
0x3ac: {  	v49 =	vsel vm10, v3, v49;
	vm12 =	vgt.f32 v63, v41;
	vm15 =	vgt.f32 v53, v44  }
0x3ad: {  	v59 =	vld [tilespmem:s21+$0x86D0];
	v49 =	vsel vm11, v4, v49;
	v41 =	vsel vm12, v63, v41;
	v44 =	vsel vm15, v53, v44  }
0x3ae: {  	v60 =	vsel vm12, v5, v49;
	vm14 =	vgt.f32 v52, v41;
	vm9 =	vgt.f32 v56, v44  }
0x3af: {  	v61 =	vld [tilespmem:s21+$0x86E0];
	v53 =	vor.u32 v20, v40;
	v41 =	vsel vm14, v52, v41;
	v42 =	vsel vm9, v56, v44  }
0x3b0: {  	v47 =	vsel vm14, v6, v60;
	vm8 =	vgt.f32 v54, v41;
	vm10 =	vgt.f32 v58, v42  }
0x3b1: {  	v63 =	vld [tilespmem:s21+$0x86F0];
	v52 =	vsel vm13, v1, v0;
	v41 =	vsel vm8, v54, v41;
	v62 =	vsel vm10, v58, v42  }
0x3b2: {  	v47 =	vsel vm8, v11, v47;
	[tilespmem:v57+s11+$0x0] =	vst.idx.msk $0xffff, v41;
	vm11 =	vgt.f32 v59, v62  }
0x3b3: {  	v45 =	vsel vm15, v2, v52;
	[tilespmem:v57+s12+$0x0] =	vst.idx.msk $0xffff, v47;
	v41 =	vsel vm11, v59, v62  }
0x3b4: {  	v45 =	vsel vm9, v3, v45;
	v43 =	vld [tilespmem:s22+$0x8780];
	vm12 =	vgt.f32 v61, v41  }
0x3b5: {  	v45 =	vsel vm10, v4, v45;
	v47 =	vld [tilespmem:s22+$0x8790];
	v41 =	vsel vm12, v61, v41  }
0x3b6: {  	v55 =	vsel vm11, v5, v45;
	vm13 =	vgt.f32 v63, v41  }
0x3b7: {  	v54 =	vld [tilespmem:s22+$0x87A0];
	v44 =	vsel vm12, v6, v55;
	v41 =	vsel vm13, v63, v41  }
0x3b8: {  	v56 =	vld [tilespmem:s22+$0x87B0];
	v44 =	vsel vm13, v11, v44;
	[tilespmem:v53+s11+$0x0] =	vst.idx.msk $0xffff, v41  }
0x3b9: {  	v57 =	vld [tilespmem:s22+$0x87C0];
	[tilespmem:v53+s12+$0x0] =	vst.idx.msk $0xffff, v44  }
0x3ba: {  	vm14 =	vgt.f32 v47, v43;
	v44 =	vld [tilespmem:s21+$0x8700]  }
0x3bb: {  	v58 =	vsel vm14, v47, v43;
	v46 =	vld [tilespmem:s21+$0x8710]  }
0x3bc: {  	v59 =	vld [tilespmem:s22+$0x87D0];
	vm15 =	vgt.f32 v54, v58  }
0x3bd: {  	v62 =	vld [tilespmem:s21+$0x8720];
	v41 =	vsel vm15, v54, v58  }
0x3be: {  	v60 =	vld [tilespmem:s22+$0x87E0];
	v61 =	vsel vm14, v1, v0;
	v53 =	vor.u32 v22, v39;
	vm4 =	vgt.f32 v56, v41  }
0x3bf: {  	v52 =	vld [tilespmem:s21+$0x8730];
	v48 =	vsel vm15, v2, v61;
	v61 =	vor.u32 v25, v39;
	v41 =	vsel vm4, v56, v41  }
0x3c0: {  	v63 =	vld [tilespmem:s22+$0x87F0];
	v48 =	vsel vm4, v3, v48;
	vm5 =	vgt.f32 v57, v41;
	vm7 =	vgt.f32 v46, v44  }
0x3c1: {  	v54 =	vld [tilespmem:s21+$0x8740];
	v41 =	vsel vm5, v57, v41;
	v48 =	vsel vm5, v4, v48;
	v44 =	vsel vm7, v46, v44  }
0x3c2: {  	v57 =	vor.u32 v23, v39;
	vm6 =	vgt.f32 v59, v41;
	vm9 =	vgt.f32 v62, v44  }
0x3c3: {  	v56 =	vld [tilespmem:s21+$0x8750];
	v41 =	vsel vm6, v59, v41;
	v48 =	vsel vm6, v5, v48;
	v44 =	vsel vm9, v62, v44  }
0x3c4: {  	v59 =	vor.u32 v24, v39;
	vm8 =	vgt.f32 v60, v41;
	vm11 =	vgt.f32 v52, v44  }
0x3c5: {  	v58 =	vld [tilespmem:s21+$0x8760];
	v62 =	vsel vm7, v1, v0;
	v41 =	vsel vm8, v60, v41;
	v42 =	vsel vm11, v52, v44  }
0x3c6: {  	v55 =	vsel vm8, v6, v48;
	vm10 =	vgt.f32 v63, v41;
	vm12 =	vgt.f32 v54, v42  }
0x3c7: {  	v60 =	vld [tilespmem:s21+$0x8770];
	v41 =	vsel vm10, v63, v41;
	v47 =	vsel vm10, v11, v55;
	v42 =	vsel vm12, v54, v42  }
0x3c8: {  	[tilespmem:v53+s11+$0x0] =	vst.idx.msk $0xffff, v41;
	v54 =	vor.u32 v21, v40;
	vm13 =	vgt.f32 v56, v42  }
0x3c9: {  	[tilespmem:v53+s12+$0x0] =	vst.idx.msk $0xffff, v47;
	v47 =	vsel vm9, v2, v62;
	v42 =	vsel vm13, v56, v42  }
0x3ca: {  	v63 =	vld.idx.msk [tilespmem:v57+s11+$0x0], $0xffff;
	v47 =	vsel vm11, v3, v47;
	vm14 =	vgt.f32 v58, v42  }
0x3cb: {  	v48 =	vld.idx.msk [tilespmem:v57+s12+$0x0], $0xffff;
	v47 =	vsel vm12, v4, v47;
	v42 =	vsel vm14, v58, v42  }
0x3cc: {  	v50 =	vld.idx.msk [tilespmem:v59+s11+$0x0], $0xffff;
	v55 =	vsel vm13, v5, v47;
	vm15 =	vgt.f32 v60, v42  }
0x3cd: {  	v41 =	vld.idx.msk [tilespmem:v59+s12+$0x0], $0xffff;
	v44 =	vsel vm14, v6, v55;
	v42 =	vsel vm15, v60, v42  }
0x3ce: {  	v57 =	vld.idx.msk [tilespmem:v61+s11+$0x0], $0xffff;
	v44 =	vsel vm15, v11, v44;
	[tilespmem:v54+s11+$0x0] =	vst.idx.msk $0xffff, v42  }
0x3cf: {  	v56 =	vor.u32 v26, v39;
	v58 =	vld.idx.msk [tilespmem:v61+s12+$0x0], $0xffff;
	[tilespmem:v54+s12+$0x0] =	vst.idx.msk $0xffff, v44  }
0x3d0: {  	v44 =	vld [tilespmem:s21+$0x8780]  }
0x3d1: {  	v45 =	vld [tilespmem:s21+$0x8790]  }
0x3d2: {  	vm4 =	veq.f32 v50, v63;
	vm5 =	vlt.s32 v41, v48  }
0x3d3: {  	vm6 =	vgt.f32 v50, v63;
	vm0 =	vmand vm4, vm5;
	v51 =	vld [tilespmem:s21+$0x87A0]  }
0x3d4: {  	v60 =	vor.u32 v27, v39;
	v46 =	vld.idx.msk [tilespmem:v56+s11+$0x0], $0xffff;
	vm0 =	vmor vm6, vm0  }
0x3d5: {  	v59 =	vld [tilespmem:s21+$0x87B0];
	v49 =	vsel vm0, v50, v63;
	v41 =	vsel vm0, v41, v48  }
0x3d6: {  	v47 =	vld.idx.msk [tilespmem:v56+s12+$0x0], $0xffff;
	vm8 =	veq.f32 v57, v49;
	vm9 =	vlt.s32 v58, v41;
	vm10 =	vgt.f32 v45, v44  }
0x3d7: {  	v61 =	vld [tilespmem:s21+$0x87C0];
	vm7 =	vgt.f32 v57, v49;
	vm1 =	vmand vm8, vm9;
	v44 =	vsel vm10, v45, v44  }
0x3d8: {  	v63 =	vld [tilespmem:s21+$0x87D0];
	vm0 =	vmor vm7, vm1;
	vm11 =	vgt.f32 v51, v44  }
0x3d9: {  	v52 =	vor.u32 v28, v39;
	v50 =	vld.idx.msk [tilespmem:v60+s12+$0x0], $0xffff;
	v43 =	vsel vm0, v57, v49;
	v62 =	vsel vm11, v51, v44  }
0x3da: {  	v41 =	vsel vm0, v58, v41;
	v49 =	vld.idx.msk [tilespmem:v60+s11+$0x0], $0xffff;
	v60 =	vor.u32 v29, v39;
	vm14 =	vgt.f32 v59, v62  }
0x3db: {  	v56 =	vld [tilespmem:s21+$0x87E0];
	vm12 =	veq.f32 v46, v43;
	vm13 =	vlt.s32 v47, v41;
	v42 =	vsel vm14, v59, v62  }
0x3dc: {  	vm15 =	vgt.f32 v46, v43;
	vm0 =	vmand vm12, vm13;
	vm5 =	vgt.f32 v61, v42  }
0x3dd: {  	v58 =	vld [tilespmem:s21+$0x87F0];
	v57 =	vsel vm10, v1, v0;
	vm0 =	vmor vm15, vm0;
	v42 =	vsel vm5, v61, v42  }
0x3de: {  	v43 =	vsel vm0, v46, v43;
	v41 =	vsel vm0, v47, v41;
	vm6 =	vgt.f32 v63, v42  }
0x3df: {  	v59 =	vsel vm11, v2, v57;
	v61 =	vor.u32 v22, v40;
	v42 =	vsel vm6, v63, v42  }
0x3e0: {  	v62 =	vor.u32 v23, v40;
	v46 =	vsel vm14, v3, v59;
	vm7 =	vgt.f32 v56, v42  }
0x3e1: {  	vm8 =	veq.f32 v49, v43;
	v46 =	vsel vm5, v4, v46;
	v63 =	vld.idx.msk [tilespmem:v52+s11+$0x0], $0xffff;
	v42 =	vsel vm7, v56, v42  }
0x3e2: {  	vm10 =	vlt.s32 v50, v41;
	v46 =	vsel vm6, v5, v46;
	v52 =	vld.idx.msk [tilespmem:v52+s12+$0x0], $0xffff;
	vm9 =	vgt.f32 v58, v42  }
0x3e3: {  	v53 =	vld.idx.msk [tilespmem:v60+s11+$0x0], $0xffff;
	v46 =	vsel vm7, v6, v46;
	v56 =	vor.u32 v24, v40;
	v42 =	vsel vm9, v58, v42  }
0x3e4: {  	vm11 =	vgt.f32 v49, v43;
	vm0 =	vmand vm8, vm10;
	v46 =	vsel vm9, v11, v46;
	[tilespmem:v61+s11+$0x0] =	vst.idx.msk $0xffff, v42  }
0x3e5: {  	v57 =	vld.idx.msk [tilespmem:v60+s12+$0x0], $0xffff;
	vm0 =	vmor vm11, vm0;
	v58 =	vor.u32 v30, v39;
	[tilespmem:v61+s12+$0x0] =	vst.idx.msk $0xffff, v46  }
0x3e6: {  	v43 =	vsel vm0, v49, v43;
	v41 =	vsel vm0, v50, v41;
	v46 =	vld.idx.msk [tilespmem:v62+s11+$0x0], $0xffff  }
0x3e7: {  	v60 =	vor.u32 v25, v40;
	vm12 =	veq.f32 v63, v43;
	vm13 =	vlt.s32 v52, v41;
	v47 =	vld.idx.msk [tilespmem:v62+s12+$0x0], $0xffff  }
0x3e8: {  	vm14 =	vgt.f32 v63, v43;
	vm0 =	vmand vm12, vm13;
	v59 =	vld.idx.msk [tilespmem:v56+s11+$0x0], $0xffff  }
0x3e9: {  	v45 =	vld.idx.msk [tilespmem:v56+s12+$0x0], $0xffff;
	vm0 =	vmor vm14, vm0  }
0x3ea: {  	v43 =	vsel vm0, v63, v43;
	v41 =	vsel vm0, v52, v41;
	v61 =	vld.idx.msk [tilespmem:v58+s11+$0x0], $0xffff  }
0x3eb: {  	v63 =	vor.u32 v26, v40;
	vm15 =	veq.f32 v53, v43;
	vm4 =	vlt.s32 v57, v41;
	v44 =	vld.idx.msk [tilespmem:v58+s12+$0x0], $0xffff  }
0x3ec: {  	v62 =	vor.u32 v31, v39;
	v54 =	vld.idx.msk [tilespmem:v60+s11+$0x0], $0xffff;
	vm5 =	vgt.f32 v53, v43;
	vm0 =	vmand vm15, vm4  }
0x3ed: {  	v50 =	vld.idx.msk [tilespmem:v60+s12+$0x0], $0xffff;
	v60 =	vor.u32 v28, v40;
	vm0 =	vmor vm5, vm0;
	vm6 =	veq.f32 v59, v46  }
0x3ee: {  	vm7 =	vlt.s32 v45, v47;
	v43 =	vsel vm0, v53, v43;
	vm8 =	vgt.f32 v59, v46  }
0x3ef: {  	v41 =	vsel vm0, v57, v41;
	v57 =	vor.u32 v27, v40;
	vm1 =	vmand vm6, vm7  }
0x3f0: {  	v58 =	vld.idx.msk [tilespmem:v63+s11+$0x0], $0xffff;
	vm9 =	vmor vm8, vm1;
	vm10 =	veq.f32 v61, v43;
	vm11 =	vlt.s32 v44, v41  }
0x3f1: {  	vm12 =	vgt.f32 v61, v43;
	v46 =	vsel vm9, v59, v46;
	v45 =	vsel vm9, v45, v47;
	v59 =	vld.idx.msk [tilespmem:v63+s12+$0x0], $0xffff  }
0x3f2: {  	v42 =	vld.idx.msk [tilespmem:v62+s11+$0x0], $0xffff;
	vm1 =	vmand vm10, vm11;
	vm14 =	veq.f32 v54, v46;
	vm15 =	vlt.s32 v50, v45  }
0x3f3: {  	v51 =	vld.idx.msk [tilespmem:v62+s12+$0x0], $0xffff;
	vm13 =	vmor vm12, vm1;
	vm6 =	vgt.f32 v54, v46;
	vm1 =	vmand vm14, vm15  }
0x3f4: {  	v43 =	vsel vm13, v61, v43;
	v41 =	vsel vm13, v44, v41;
	v44 =	vld.idx.msk [tilespmem:v57+s11+$0x0], $0xffff;
	vm7 =	vmor vm6, vm1  }
0x3f5: {  	v61 =	vor.u32 v32, v39;
	v62 =	vld.idx.msk [tilespmem:v57+s12+$0x0], $0xffff;
	v46 =	vsel vm7, v54, v46;
	v45 =	vsel vm7, v50, v45  }
0x3f6: {  	vm9 =	veq.f32 v58, v46;
	vm10 =	vlt.s32 v59, v45  }
0x3f7: {  	v63 =	vor.u32 v29, v40;
	vm11 =	vgt.f32 v58, v46;
	vm1 =	vmand vm9, vm10  }
0x3f8: {  	v57 =	vld.idx.msk [tilespmem:v60+s11+$0x0], $0xffff;
	vm8 =	vgt.f32 v42, v43;
	vm1 =	vmor vm11, vm1  }
0x3f9: {  	vm12 =	veq.f32 v42, v43;
	v46 =	vsel vm1, v58, v46;
	v45 =	vsel vm1, v59, v45;
	v58 =	vld.idx.msk [tilespmem:v60+s12+$0x0], $0xffff  }
0x3fa: {  	vm13 =	vlt.s32 v51, v41;
	v49 =	vld.idx.msk [tilespmem:v61+s11+$0x0], $0xffff;
	vm14 =	veq.f32 v44, v46;
	vm15 =	vlt.s32 v62, v45  }
0x3fb: {  	vm2 =	vmand vm12, vm13;
	v48 =	vld.idx.msk [tilespmem:v61+s12+$0x0], $0xffff;
	vm6 =	vgt.f32 v44, v46;
	vm1 =	vmand vm14, vm15  }
0x3fc: {  	vm0 =	vmor vm8, vm2;
	v61 =	vld.idx.msk [tilespmem:v63+s12+$0x0], $0xffff;
	v59 =	vor.u32 v30, v40;
	vm1 =	vmor vm6, vm1  }
0x3fd: {  	v42 =	vsel vm0, v42, v43;
	v60 =	vld.idx.msk [tilespmem:v63+s11+$0x0], $0xffff;
	v44 =	vsel vm1, v44, v46;
	v45 =	vsel vm1, v62, v45  }
0x3fe: {  	v62 =	vor.u32 v33, v39;
	vm7 =	veq.f32 v57, v44;
	vm1 =	vlt.s32 v58, v45  }
0x3ff: {  	v41 =	vsel vm0, v51, v41;
	vm9 =	vgt.f32 v57, v44;
	vm0 =	vmand vm7, vm1  }
0x400: {  	v56 =	vor.u32 v33, v40;
	v63 =	vor.u32 v31, v40;
	vm0 =	vmor vm9, vm0  }
0x401: {  	vm10 =	veq.f32 v49, v42;
	v51 =	vld.idx.msk [tilespmem:v59+s11+$0x0], $0xffff;
	v44 =	vsel vm0, v57, v44;
	v45 =	vsel vm0, v58, v45  }
0x402: {  	vm11 =	vlt.s32 v48, v41;
	v47 =	vld.idx.msk [tilespmem:v59+s12+$0x0], $0xffff;
	vm13 =	veq.f32 v60, v44;
	vm14 =	vlt.s32 v61, v45  }
0x403: {  	v57 =	vor.u32 v34, v39;
	v52 =	vld.idx.msk [tilespmem:v62+s11+$0x0], $0xffff;
	vm15 =	vgt.f32 v60, v44;
	vm1 =	vmand vm13, vm14  }
0x404: {  	vm8 =	vgt.f32 v49, v42;
	vm12 =	vmand vm10, vm11;
	v50 =	vld.idx.msk [tilespmem:v62+s12+$0x0], $0xffff;
	vm1 =	vmor vm15, vm1  }
0x405: {  	vm0 =	vmor vm8, vm12;
	v43 =	vsel vm1, v60, v44;
	v60 =	vor.u32 v32, v40  }
0x406: {  	v59 =	vld.idx.msk [tilespmem:v63+s11+$0x0], $0xffff;
	v42 =	vsel vm0, v49, v42;
	v41 =	vsel vm0, v48, v41;
	v58 =	vsel vm1, v61, v45  }
0x407: {  	v61 =	vld.idx.msk [tilespmem:v63+s12+$0x0], $0xffff;
	v63 =	vor.u32 v35, v39;
	vm6 =	veq.f32 v51, v43;
	vm7 =	vlt.s32 v47, v58  }
0x408: {  	vm8 =	vgt.f32 v51, v43;
	v62 =	vld.idx.msk [tilespmem:v57+s11+$0x0], $0xffff;
	vm1 =	vmand vm6, vm7;
	vm9 =	veq.f32 v52, v42  }
0x409: {  	v54 =	vld.idx.msk [tilespmem:v57+s12+$0x0], $0xffff;
	vm10 =	vlt.s32 v50, v41;
	vm11 =	vgt.f32 v52, v42;
	vm0 =	vmor vm8, vm1  }
0x40a: {  	vm1 =	vmand vm9, vm10;
	v43 =	vsel vm0, v51, v43;
	v44 =	vsel vm0, v47, v58;
	v57 =	vld.idx.msk [tilespmem:v60+s11+$0x0], $0xffff  }
0x40b: {  	vm12 =	vmor vm11, vm1;
	v58 =	vor.u32 v34, v40;
	vm13 =	veq.f32 v59, v43;
	v46 =	vld.idx.msk [tilespmem:v60+s12+$0x0], $0xffff  }
0x40c: {  	vm14 =	vlt.s32 v61, v44;
	v42 =	vsel vm12, v52, v42;
	vm15 =	vgt.f32 v59, v43  }
0x40d: {  	v41 =	vsel vm12, v50, v41;
	v50 =	vld.idx.msk [tilespmem:v63+s11+$0x0], $0xffff;
	vm1 =	vmand vm13, vm14;
	vm7 =	veq.f32 v62, v42  }
0x40e: {  	v60 =	vld.idx.msk [tilespmem:v56+s12+$0x0], $0xffff;
	vm8 =	vlt.s32 v54, v41;
	vm9 =	vgt.f32 v62, v42;
	vm6 =	vmor vm15, vm1  }
0x40f: {  	vm1 =	vmand vm7, vm8;
	v43 =	vsel vm6, v59, v43;
	v59 =	vld.idx.msk [tilespmem:v56+s11+$0x0], $0xffff;
	v44 =	vsel vm6, v61, v44  }
0x410: {  	vm10 =	vmor vm9, vm1;
	vm11 =	veq.f32 v57, v43;
	vm12 =	vlt.s32 v46, v44  }
0x411: {  	v51 =	vld.idx.msk [tilespmem:v63+s12+$0x0], $0xffff;
	v61 =	vor.u32 v36, v39;
	vm13 =	vgt.f32 v57, v43;
	vm1 =	vmand vm11, vm12  }
0x412: {  	v63 =	vor.u32 v35, v40;
	v42 =	vsel vm10, v62, v42;
	v62 =	vld.idx.msk [tilespmem:v58+s11+$0x0], $0xffff;
	vm14 =	vmor vm13, vm1  }
0x413: {  	v41 =	vsel vm10, v54, v41;
	v43 =	vsel vm14, v57, v43;
	v44 =	vsel vm14, v46, v44;
	v46 =	vld.idx.msk [tilespmem:v58+s12+$0x0], $0xffff  }
0x414: {  	vm15 =	vgt.f32 v50, v42;
	vm6 =	veq.f32 v59, v43;
	vm7 =	vlt.s32 v60, v44  }
0x415: {  	vm8 =	veq.f32 v50, v42;
	vm9 =	vgt.f32 v59, v43;
	vm1 =	vmand vm6, vm7  }
0x416: {  	vm10 =	vlt.s32 v51, v41;
	v57 =	vld.idx.msk [tilespmem:v61+s11+$0x0], $0xffff;
	v58 =	vor.u32 v37, v39;
	vm1 =	vmor vm9, vm1  }
0x417: {  	v53 =	vld.idx.msk [tilespmem:v61+s12+$0x0], $0xffff;
	v43 =	vsel vm1, v59, v43;
	v44 =	vsel vm1, v60, v44;
	v59 =	vor.u32 v36, v40  }
0x418: {  	v47 =	vld.idx.msk [tilespmem:v63+s12+$0x0], $0xffff;
	vm11 =	vmand vm8, vm10;
	vm12 =	veq.f32 v62, v43;
	vm13 =	vlt.s32 v46, v44  }
0x419: {  	vm0 =	vmor vm15, vm11;
	v60 =	vld.idx.msk [tilespmem:v63+s11+$0x0], $0xffff;
	vm15 =	vgt.f32 v62, v43;
	vm14 =	vmand vm12, vm13  }
0x41a: {  	v42 =	vsel vm0, v50, v42;
	vm1 =	vmor vm15, vm14  }
0x41b: {  	v41 =	vsel vm0, v51, v41;
	v61 =	vld.idx.msk [tilespmem:v58+s11+$0x0], $0xffff;
	v43 =	vsel vm1, v62, v43;
	v62 =	vor.u32 v37, v40  }
0x41c: {  	v39 =	vor.u32 v38, v39;
	vm4 =	veq.f32 v57, v42;
	vm5 =	vlt.s32 v53, v41;
	v63 =	vld.idx.msk [tilespmem:v59+s11+$0x0], $0xffff  }
0x41d: {  	vm6 =	vgt.f32 v57, v42;
	vm0 =	vmand vm4, vm5;
	v44 =	vsel vm1, v46, v44;
	v45 =	vld.idx.msk [tilespmem:v59+s12+$0x0], $0xffff  }
0x41e: {  	v56 =	vld.idx.msk [tilespmem:v58+s12+$0x0], $0xffff;
	vm0 =	vmor vm6, vm0;
	vm7 =	veq.f32 v60, v43;
	vm8 =	vlt.s32 v47, v44  }
0x41f: {  	v40 =	vor.u32 v38, v40;
	vm9 =	vgt.f32 v60, v43;
	vm1 =	vmand vm7, vm8  }
0x420: {  	v42 =	vsel vm0, v57, v42;
	vm1 =	vmor vm9, vm1;
	v57 =	vld.idx.msk [tilespmem:v62+s11+$0x0], $0xffff  }
0x421: {  	v41 =	vsel vm0, v53, v41;
	v43 =	vsel vm1, v60, v43;
	v44 =	vsel vm1, v47, v44;
	v58 =	vld.idx.msk [tilespmem:v62+s12+$0x0], $0xffff  }
0x422: {  	v59 =	vld.idx.msk [tilespmem:v39+s11+$0x0], $0xffff;
	vm10 =	veq.f32 v61, v42;
	vm11 =	veq.f32 v63, v43;
	vm12 =	vlt.s32 v45, v44  }
0x423: {  	v39 =	vld.idx.msk [tilespmem:v39+s12+$0x0], $0xffff;
	vm13 =	vlt.s32 v56, v41;
	vm14 =	vgt.f32 v63, v43;
	vm1 =	vmand vm11, vm12  }
0x424: {  	vm15 =	vgt.f32 v61, v42;
	vm0 =	vmand vm10, vm13;
	v60 =	vld.idx.msk [tilespmem:v40+s11+$0x0], $0xffff;
	vm1 =	vmor vm14, vm1  }
0x425: {  	vm0 =	vmor vm15, vm0;
	v40 =	vld.idx.msk [tilespmem:v40+s12+$0x0], $0xffff;
	v43 =	vsel vm1, v63, v43;
	v44 =	vsel vm1, v45, v44  }
0x426: {  	v42 =	vsel vm0, v61, v42;
	vm6 =	veq.f32 v57, v43;
	vm7 =	vlt.s32 v58, v44  }
0x427: {  	v41 =	vsel vm0, v56, v41;
	vm8 =	vgt.f32 v57, v43;
	vm1 =	vmand vm6, vm7  }
0x428: {  	vm9 =	vgt.f32 v59, v42;
	vm10 =	veq.f32 v59, v42;
	vm0 =	vmor vm8, vm1  }
0x429: {  	s28 =	sshll.u32 s19, $0x4;
	p0 =	slt.u32 s19, $0xE;
	vm11 =	vlt.s32 v39, v41;
	v61 =	vsel vm0, v57, v43;
	v62 =	vsel vm0, v58, v44  }
.Ltmp1:
0x42a: {  	s29 =	sand.u32 $0x80, s28;
	s20 =	sshll.u32 s26, $0x4;
	vm0 =	vmand vm10, vm11;
	vm12 =	veq.f32 v60, v61;
	vm13 =	vlt.s32 v40, v62;
	(pc) =	sbr.rel @p0 .LBB2_5-.Ltmp1, $4  }
0x42b: {  	s23 =	sand.u32 $0x80, s20;
	s22 =	sadd.s32 s29, s18;
	s21 =	sand.u32 $0x60, s28;
	vm0 =	vmor vm9, vm0;
	vm14 =	vgt.f32 v60, v61;
	vm1 =	vmand vm12, vm13  }
0x42c: {  	s20 =	sand.u32 $0x70, s20;
	s30 =	sadd.s32 s23, s18;
	s21 =	sadd.s32 s21, s22;
	v39 =	vsel vm0, v39, v41;
	vm15 =	vmor vm14, vm1  }
0x42d: {  	s31 =	sadd.s32 $0x2, s19;
	s20 =	sadd.s32 s20, s30;
	[tilespmem:s21+$0x0] =	vst v39;
	v63 =	vsel vm15, v40, v62  }
0x42e: {  	s19 =	smov.u32 s31;
	[tilespmem:s20+$0x0] =	vst v63  }
0x42f: {  	s17 =	sadd.s32 $0x1, s17  }
0x430: {  	p0 =	sne.s32 s17, $0x12  }
.Ltmp2:
0x431: {  	_ = 	snop;
	(pc) =	sbr.rel @p0 .LBB2_2-.Ltmp2, $1  }
0x432: {  	_ =	sdelay $0x3  }
0x433: {  	s16 =	sadd.s32 $0x1, s16  }
0x434: {  	p0 =	sne.s32 s16, s8  }
.Ltmp3:
0x435: {  	_ = 	snop;
	(pc) =	sbr.rel @p0 .LBB2_1-.Ltmp3, $4  }
0x436: {  	[hbm4b:s7+s2] =	stream.linear.scatter [tilespmem:s14], [sflag:$0x3], $0x2400, $0x38;
	[tilespmem:$0x14400] =	vst v63  }
0x437: {  	_ =	swait.ge [sflag:s15], $0x2400  }
0x438: {  	[sflag:s15] =	ssyncset.done $0x0  }
0x439: {  	[sflag:s15] =	ssyncadd.s32 $0xFFFFDC00  }
0x43a: {  	_ =	sfence.sel $0x180000  }
0x43b: {  	[bflag:$0x0] =	sbarrier.arrive $0xFFFF  }
0x43c: {  	p0 =	sne.s32 s0, $0x0;
	_ =	strace $0x90000047  }
0x43d: {  	s0 =	sadd.s32 @!p0 $0x100000, s1;
	[bflag:$0x2] =	sbarrier.arrive $0xFFFF  }
0x43e: {  	[sflag:s0] =	ssyncadd.tile.s32 @!p0 $0x1;
	_ =	shalt  }
.Lfunc_end2:
_tile_overlayer_lowered:
.L_overlay_start_2:
0x43f: {  	(tag) =	ssettag $0x2  }
0x440: {  	s0 =	rddreg [dreg:$0x0];
	s2 =	stileid.u32  }
0x441: {  	s1 =	rddreg [dreg:$0x1];
	p0 =	sne.s32 s2, $0x0  }
0x442: {  	s3 =	rddreg [dreg:$0x2];
	[bflag:$0x3] =	sbarrier.arrive $0xFFFF;
	s2 =	simm.s32 @!p0 $0x1C03  }
0x443: {  	[timem:s3], [sflag:s2] =	dma.local @!p0 [hbm:s0], s1  }
0x444: {  	s0 =	simm.s32 @!p0 $0x3  }
0x445: {  	_ =	swait.ge @!p0 [sflag:s0], s1  }
0x446: {  	s1 =	ssub.s32 @!p0 $0x0, s1;
	[sflag:s0] =	ssyncset.done @!p0 $0x0  }
0x447: {  	[sflag:s0] =	ssyncadd.s32 @!p0 s1  }
0x448: {  	[bflag:$0x3] =	sbarrier.arrive $0xFFFF  }
0x449: {  	_ =	shalt  }

</sc_bundles>
